<compile_context>
chip_gen: v7x
topology: tpu7x:2x2x1
jax: 0.10.2.dev20260603
libtpu: 0.0.44.dev20260713+nightly
codegen_flags: <defaults>
</compile_context>

<pallas_src>
import functools

import jax
import jax.numpy as jnp
from jax import lax
from jax.experimental import pallas as pl
from jax.experimental.pallas import tpu as pltpu
from jax.experimental.pallas import tpu_sc as plsc

_NC = 2
_NS = 16
_NW = _NC * _NS
_CH = 128
_NB = 5
_L = 16


def _lookup_call(n_chunks, V, H, D):
    c_per_w = n_chunks // _NW
    n_groups = c_per_w // _NB
    bt_n = _CH // _L
    dt_n = D // 8
    mesh = plsc.VectorSubcoreMesh(core_axis_name="c", subcore_axis_name="s")

    @functools.partial(
        pl.kernel,
        mesh=mesh,
        compiler_params=pltpu.CompilerParams(use_tc_tiling_on_sc=False,
                                             needs_layout_passes=False),
        out_type=jax.ShapeDtypeStruct((H, dt_n, n_chunks // H, 8, _CH),
                                      jnp.float32),
        scratch_types=[
            pltpu.VMEM((c_per_w * _CH,), jnp.int32),
            pltpu.VMEM((_NB, _CH, D), jnp.float32),
            pltpu.VMEM((_NB, D, _CH + 1), jnp.float32),
            pltpu.SemaphoreType.DMA,
            pltpu.SemaphoreType.DMA,
        ],
    )
    def k(idx_hbm, tab_hbm, out_hbm, idx_v, rows_v, tile_v, gsem, ssem):
        wid = lax.axis_index("s") * _NC + lax.axis_index("c")
        base = wid * c_per_w
        n_bt = n_chunks // H
        pltpu.sync_copy(idx_hbm.at[pl.ds(base * _CH, c_per_w * _CH)], idx_v)

        def start_gather(j, b):
            idx_chunk = idx_v.at[pl.ds(j * _CH, _CH)]
            pltpu.make_async_copy(tab_hbm.at[idx_chunk], rows_v.at[b],
                                  gsem).start()

        def wait_gather(b):
            pltpu.make_async_copy(tab_hbm.at[idx_v.at[pl.ds(0, _CH)]],
                                  rows_v.at[b], gsem).wait()

        def start_store(j, b):
            c = base + j
            h = c // n_bt
            bt = lax.rem(c, n_bt)
            for dt in range(dt_n):
                pltpu.make_async_copy(
                    tile_v.at[b, pl.ds(dt * 8, 8), pl.ds(0, _CH)],
                    out_hbm.at[h, dt, bt], ssem).start()

        def wait_store(b):
            for dt in range(dt_n):
                pltpu.make_async_copy(
                    tile_v.at[b, pl.ds(dt * 8, 8), pl.ds(0, _CH)],
                    out_hbm.at[0, 0, 0], ssem).wait()

        iota = jnp.arange(_L, dtype=jnp.int32)
        dvecs = [iota + c * _L for c in range(D // _L)]

        def transpose(b):
            src = rows_v.at[b]
            dst = tile_v.at[b]

            @plsc.parallel_loop(0, _CH, 1, unroll=4)
            def blbody(bl):
                blv = jnp.full((_L,), bl, dtype=jnp.int32)
                for c in range(D // _L):
                    val = src[bl, pl.ds(c * _L, _L)]
                    plsc.store_scatter(dst, [dvecs[c], blv], val)

        for b in range(_NB):
            start_gather(b, b)

        def body(g, carry):
            for b in range(_NB):
                j = g * _NB + b
                wait_gather(b)

                @pl.when(g > 0)
                def _():
                    wait_store(b)

                transpose(b)
                start_store(j, b)

                @pl.when(g < n_groups - 1)
                def _():
                    start_gather(j + _NB, b)

            return carry

        lax.fori_loop(0, n_groups, body, 0)

        for b in range(_NB):
            wait_store(b)

    return k


def kernel(x, lookup_dict):
    B, H = x.shape
    V, D = lookup_dict.shape
    n = B * H
    n_chunks = n // _CH
    assert n % (_CH * _NW) == 0 and B % _CH == 0 and D % 8 == 0
    idx_flat = x.T.reshape(n).astype(jnp.int32)
    y = _lookup_call(n_chunks, V, H, D)(idx_flat, lookup_dict)
    return y.transpose(2, 4, 0, 1, 3).reshape(B, H, D)

# --- scband reference (transcript-rebuilt; emitter-appended) ---
"""Pipeline reference for scband-lookup-2353642078304 (READ-ONLY COPY).

The authoritative reference and input builder live on the scoring server;
editing this copy changes nothing except your own understanding.
"""

import jax, jax.numpy as jnp
import numpy as np

VOCAB = 100000
EMBED_DIM = 64
BATCH = 4096
HIST_LEN = 50


def setup_inputs(seed: int = 0) -> dict:
    key = jax.random.key(seed)
    k_idx, k_tab = jax.random.split(key)
    x = jax.random.randint(k_idx, (BATCH, HIST_LEN), 0, VOCAB, dtype=jnp.int64 if jax.config.jax_enable_x64 else jnp.int32)
    lookup_dict = jax.random.normal(k_tab, (VOCAB, EMBED_DIM), dtype=jnp.float32)
    return {"x": x, "lookup_dict": lookup_dict}


def reference(x, lookup_dict):
    # Faithful translation of Lookup.forward: self.lookup_dict[x]
    # Tensor-indexing a [VOCAB, D] table with int indices == embedding gather.
    return jnp.take(lookup_dict, x, axis=0)

if __name__ == "__main__":
    import jax
    _d = setup_inputs()
    print(jax.jit(kernel)(*tuple(_d.values())))

</pallas_src>

<mosaic_0001>
#map = affine_map<(d0, d1) -> (0)>
#map1 = affine_map<(d0, d1) -> (0, 0)>
#map2 = affine_map<(d0, d1) -> (0, 0, 0, 0, 0)>
module attributes {stable_mosaic.version = 14 : i64} {
  func.func @k(%arg0: i32, %arg1: i32, %arg2: memref<204800xi32, #tpu.memory_space<hbm>>, %arg3: memref<100000x64xf32, #tpu.memory_space<hbm>>, %arg4: memref<50x8x32x8x128xf32, #tpu.memory_space<hbm>>, %arg5: memref<6400xi32, #tpu.memory_space<vmem>>, %arg6: memref<5x128x64xf32, #tpu.memory_space<vmem>>, %arg7: memref<5x64x129xf32, #tpu.memory_space<vmem>>, %arg8: memref<!tpu.dma_semaphore, #tpu.memory_space<semaphore_mem>>, %arg9: memref<!tpu.dma_semaphore, #tpu.memory_space<semaphore_mem>>) attributes {dimension_semantics = [#tpu.dimension_semantics<core_parallel>, #tpu.dimension_semantics<subcore_parallel>], iteration_bounds = array<i64: 2, 16>, scalar_prefetch = 0 : i64, scratch_operands = 5 : i64, tpu.core_type = #tpu.core_type<sc_vector_subcore>, window_params = [{transform_indices = #map}, {transform_indices = #map1}, {transform_indices = #map2}]} {
    %mul3A = arith.constant 2 : i32
    %mul3A_0 = arith.muli %arg1, %mul3A : i32
    %add3A = arith.addi %mul3A_0, %arg0 : i32
    %mul3A_1 = arith.constant 50 : i32
    %mul3A_2 = arith.muli %add3A, %mul3A_1 : i32
    %mul3A_3 = arith.constant 128 : i32
    %mul3A_4 = arith.muli %mul3A_2, %mul3A_3 : i32
    "tpu.region"() ({
      %run_scoped3A = tpu.sem_alloc : memref<!tpu.dma_semaphore, #tpu.memory_space<semaphore_mem>>
      %dma_start3A_870 = tpu.memref_slice %arg2[%mul3A_4] : memref<204800xi32, #tpu.memory_space<hbm>> -> memref<6400xi32, #tpu.memory_space<hbm>>
      %dma_start3A_871 = tpu.memref_slice %arg2[%mul3A_4] : memref<204800xi32, #tpu.memory_space<hbm>> -> memref<6400xi32, #tpu.memory_space<hbm>>
      tpu.enqueue_dma source(%dma_start3A_871 : memref<6400xi32, #tpu.memory_space<hbm>>) target(%arg5 : memref<6400xi32, #tpu.memory_space<vmem>>) target_semaphore(%run_scoped3A : memref<!tpu.dma_semaphore, #tpu.memory_space<semaphore_mem>>)
      %dma_wait3A_872 = tpu.memref_slice %arg2[%mul3A_4] : memref<204800xi32, #tpu.memory_space<hbm>> -> memref<6400xi32, #tpu.memory_space<hbm>>
      %dma_wait3A_873 = tpu.memref_slice %arg2[%mul3A_4] : memref<204800xi32, #tpu.memory_space<hbm>> -> memref<6400xi32, #tpu.memory_space<hbm>>
      tpu.wait_dma2 semaphore(%run_scoped3A : memref<!tpu.dma_semaphore, #tpu.memory_space<semaphore_mem>>) src(%dma_wait3A_873 : memref<6400xi32, #tpu.memory_space<hbm>>) dst(%arg5 : memref<6400xi32, #tpu.memory_space<vmem>>)
      tpu.yield
    }) : () -> ()
    %iota3A = tpu.iota {dimensions = array<i32: 0>} : vector<16xi32>
    %add3A_5 = arith.constant 0 : i32
    %add3A_6 = vector.broadcast %add3A_5 : i32 to vector<16xi32>
    %add3A_7 = arith.addi %iota3A, %add3A_6 : vector<16xi32>
    %add3A_8 = arith.constant 16 : i32
    %add3A_9 = vector.broadcast %add3A_8 : i32 to vector<16xi32>
    %add3A_10 = arith.addi %iota3A, %add3A_9 : vector<16xi32>
    %add3A_11 = arith.constant 32 : i32
    %add3A_12 = vector.broadcast %add3A_11 : i32 to vector<16xi32>
    %add3A_13 = arith.addi %iota3A, %add3A_12 : vector<16xi32>
    %add3A_14 = arith.constant 48 : i32
    %add3A_15 = vector.broadcast %add3A_14 : i32 to vector<16xi32>
    %add3A_16 = arith.addi %iota3A, %add3A_15 : vector<16xi32>
    %dma_start3A = arith.constant 0 : i32
    %dma_start3A_17 = arith.constant 0 : i32
    %dma_start3A_18 = arith.constant 0 : i32
    %dma_start3A_19 = tpu.memref_slice %arg6[%dma_start3A, %dma_start3A_17, %dma_start3A_18] : memref<5x128x64xf32, #tpu.memory_space<vmem>> -> memref<1x128x64xf32, #tpu.memory_space<vmem>>
    %dma_start3A_20 = tpu.memref_squeeze %dma_start3A_19 : memref<1x128x64xf32, #tpu.memory_space<vmem>> -> memref<128x64xf32, #tpu.memory_space<vmem>>
    %dma_start3A_21 = arith.constant 0 : i32
    %dma_start3A_22 = tpu.memref_slice %arg5[%dma_start3A_21] : memref<6400xi32, #tpu.memory_space<vmem>> -> memref<128xi32, #tpu.memory_space<vmem>>
    %dma_start3A_23 = arith.constant 0 : i32
    %dma_start3A_24 = arith.constant 0 : i32
    %dma_start3A_25 = tpu.memref_slice %arg3[%dma_start3A_23, %dma_start3A_24] : memref<100000x64xf32, #tpu.memory_space<hbm>> -> memref<100000x64xf32, #tpu.memory_space<hbm>>
    tpu.enqueue_indirect_dma source(%dma_start3A_25 : memref<100000x64xf32, #tpu.memory_space<hbm>>) target(%dma_start3A_20 : memref<128x64xf32, #tpu.memory_space<vmem>>) offsets(%dma_start3A_22 : memref<128xi32, #tpu.memory_space<vmem>>) semaphore(%arg8 : memref<!tpu.dma_semaphore, #tpu.memory_space<semaphore_mem>>)
    %dma_start3A_26 = arith.constant 1 : i32
    %dma_start3A_27 = arith.constant 0 : i32
    %dma_start3A_28 = arith.constant 0 : i32
    %dma_start3A_29 = tpu.memref_slice %arg6[%dma_start3A_26, %dma_start3A_27, %dma_start3A_28] : memref<5x128x64xf32, #tpu.memory_space<vmem>> -> memref<1x128x64xf32, #tpu.memory_space<vmem>>
    %dma_start3A_30 = tpu.memref_squeeze %dma_start3A_29 : memref<1x128x64xf32, #tpu.memory_space<vmem>> -> memref<128x64xf32, #tpu.memory_space<vmem>>
    %dma_start3A_31 = arith.constant 128 : i32
    %dma_start3A_32 = tpu.memref_slice %arg5[%dma_start3A_31] : memref<6400xi32, #tpu.memory_space<vmem>> -> memref<128xi32, #tpu.memory_space<vmem>>
    %dma_start3A_33 = arith.constant 0 : i32
    %dma_start3A_34 = arith.constant 0 : i32
    %dma_start3A_35 = tpu.memref_slice %arg3[%dma_start3A_33, %dma_start3A_34] : memref<100000x64xf32, #tpu.memory_space<hbm>> -> memref<100000x64xf32, #tpu.memory_space<hbm>>
    tpu.enqueue_indirect_dma source(%dma_start3A_35 : memref<100000x64xf32, #tpu.memory_space<hbm>>) target(%dma_start3A_30 : memref<128x64xf32, #tpu.memory_space<vmem>>) offsets(%dma_start3A_32 : memref<128xi32, #tpu.memory_space<vmem>>) semaphore(%arg8 : memref<!tpu.dma_semaphore, #tpu.memory_space<semaphore_mem>>)
    %dma_start3A_36 = arith.constant 2 : i32
    %dma_start3A_37 = arith.constant 0 : i32
    %dma_start3A_38 = arith.constant 0 : i32
    %dma_start3A_39 = tpu.memref_slice %arg6[%dma_start3A_36, %dma_start3A_37, %dma_start3A_38] : memref<5x128x64xf32, #tpu.memory_space<vmem>> -> memref<1x128x64xf32, #tpu.memory_space<vmem>>
    %dma_start3A_40 = tpu.memref_squeeze %dma_start3A_39 : memref<1x128x64xf32, #tpu.memory_space<vmem>> -> memref<128x64xf32, #tpu.memory_space<vmem>>
    %dma_start3A_41 = arith.constant 256 : i32
    %dma_start3A_42 = tpu.memref_slice %arg5[%dma_start3A_41] : memref<6400xi32, #tpu.memory_space<vmem>> -> memref<128xi32, #tpu.memory_space<vmem>>
    %dma_start3A_43 = arith.constant 0 : i32
    %dma_start3A_44 = arith.constant 0 : i32
    %dma_start3A_45 = tpu.memref_slice %arg3[%dma_start3A_43, %dma_start3A_44] : memref<100000x64xf32, #tpu.memory_space<hbm>> -> memref<100000x64xf32, #tpu.memory_space<hbm>>
    tpu.enqueue_indirect_dma source(%dma_start3A_45 : memref<100000x64xf32, #tpu.memory_space<hbm>>) target(%dma_start3A_40 : memref<128x64xf32, #tpu.memory_space<vmem>>) offsets(%dma_start3A_42 : memref<128xi32, #tpu.memory_space<vmem>>) semaphore(%arg8 : memref<!tpu.dma_semaphore, #tpu.memory_space<semaphore_mem>>)
    %dma_start3A_46 = arith.constant 3 : i32
    %dma_start3A_47 = arith.constant 0 : i32
    %dma_start3A_48 = arith.constant 0 : i32
    %dma_start3A_49 = tpu.memref_slice %arg6[%dma_start3A_46, %dma_start3A_47, %dma_start3A_48] : memref<5x128x64xf32, #tpu.memory_space<vmem>> -> memref<1x128x64xf32, #tpu.memory_space<vmem>>
    %dma_start3A_50 = tpu.memref_squeeze %dma_start3A_49 : memref<1x128x64xf32, #tpu.memory_space<vmem>> -> memref<128x64xf32, #tpu.memory_space<vmem>>
    %dma_start3A_51 = arith.constant 384 : i32
    %dma_start3A_52 = tpu.memref_slice %arg5[%dma_start3A_51] : memref<6400xi32, #tpu.memory_space<vmem>> -> memref<128xi32, #tpu.memory_space<vmem>>
    %dma_start3A_53 = arith.constant 0 : i32
    %dma_start3A_54 = arith.constant 0 : i32
    %dma_start3A_55 = tpu.memref_slice %arg3[%dma_start3A_53, %dma_start3A_54] : memref<100000x64xf32, #tpu.memory_space<hbm>> -> memref<100000x64xf32, #tpu.memory_space<hbm>>
    tpu.enqueue_indirect_dma source(%dma_start3A_55 : memref<100000x64xf32, #tpu.memory_space<hbm>>) target(%dma_start3A_50 : memref<128x64xf32, #tpu.memory_space<vmem>>) offsets(%dma_start3A_52 : memref<128xi32, #tpu.memory_space<vmem>>) semaphore(%arg8 : memref<!tpu.dma_semaphore, #tpu.memory_space<semaphore_mem>>)
    %dma_start3A_56 = arith.constant 4 : i32
    %dma_start3A_57 = arith.constant 0 : i32
    %dma_start3A_58 = arith.constant 0 : i32
    %dma_start3A_59 = tpu.memref_slice %arg6[%dma_start3A_56, %dma_start3A_57, %dma_start3A_58] : memref<5x128x64xf32, #tpu.memory_space<vmem>> -> memref<1x128x64xf32, #tpu.memory_space<vmem>>
    %dma_start3A_60 = tpu.memref_squeeze %dma_start3A_59 : memref<1x128x64xf32, #tpu.memory_space<vmem>> -> memref<128x64xf32, #tpu.memory_space<vmem>>
    %dma_start3A_61 = arith.constant 512 : i32
    %dma_start3A_62 = tpu.memref_slice %arg5[%dma_start3A_61] : memref<6400xi32, #tpu.memory_space<vmem>> -> memref<128xi32, #tpu.memory_space<vmem>>
    %dma_start3A_63 = arith.constant 0 : i32
    %dma_start3A_64 = arith.constant 0 : i32
    %dma_start3A_65 = tpu.memref_slice %arg3[%dma_start3A_63, %dma_start3A_64] : memref<100000x64xf32, #tpu.memory_space<hbm>> -> memref<100000x64xf32, #tpu.memory_space<hbm>>
    tpu.enqueue_indirect_dma source(%dma_start3A_65 : memref<100000x64xf32, #tpu.memory_space<hbm>>) target(%dma_start3A_60 : memref<128x64xf32, #tpu.memory_space<vmem>>) offsets(%dma_start3A_62 : memref<128xi32, #tpu.memory_space<vmem>>) semaphore(%arg8 : memref<!tpu.dma_semaphore, #tpu.memory_space<semaphore_mem>>)
    %scan3A = arith.constant 0 : i32
    %scan3A_66 = arith.constant 0 : i32
    %scan3A_67 = arith.constant 10 : i32
    %scan3A_68 = arith.addi %scan3A_66, %scan3A_67 : i32
    %scan3A_69 = arith.constant 1 : i32
    scf.for %scan3A_870 = %scan3A_66 to %scan3A_68 step %scan3A_69  : i32 {
      %mul3A_871 = arith.constant 5 : i32
      %mul3A_872 = arith.muli %scan3A_870, %mul3A_871 : i32
      %add3A_873 = arith.constant 0 : i32
      %add3A_874 = arith.addi %mul3A_872, %add3A_873 : i32
      %dma_wait3A_875 = arith.constant 0 : i32
      %dma_wait3A_876 = arith.constant 0 : i32
      %dma_wait3A_877 = arith.constant 0 : i32
      %dma_wait3A_878 = tpu.memref_slice %arg6[%dma_wait3A_875, %dma_wait3A_876, %dma_wait3A_877] : memref<5x128x64xf32, #tpu.memory_space<vmem>> -> memref<1x128x64xf32, #tpu.memory_space<vmem>>
      %dma_wait3A_879 = tpu.memref_squeeze %dma_wait3A_878 : memref<1x128x64xf32, #tpu.memory_space<vmem>> -> memref<128x64xf32, #tpu.memory_space<vmem>>
      %dma_wait3A_880 = arith.constant 0 : i32
      %dma_wait3A_881 = tpu.memref_slice %arg5[%dma_wait3A_880] : memref<6400xi32, #tpu.memory_space<vmem>> -> memref<128xi32, #tpu.memory_space<vmem>>
      %dma_wait3A_882 = arith.constant 0 : i32
      %dma_wait3A_883 = arith.constant 0 : i32
      %dma_wait3A_884 = tpu.memref_slice %arg3[%dma_wait3A_882, %dma_wait3A_883] : memref<100000x64xf32, #tpu.memory_space<hbm>> -> memref<100000x64xf32, #tpu.memory_space<hbm>>
      tpu.wait_indirect_dma semaphore(%arg8 : memref<!tpu.dma_semaphore, #tpu.memory_space<semaphore_mem>>) src(%dma_wait3A_884 : memref<100000x64xf32, #tpu.memory_space<hbm>>) dst(%dma_wait3A_879 : memref<128x64xf32, #tpu.memory_space<vmem>>)
      %gt3A = arith.constant 0 : i32
      %gt3A_885 = arith.cmpi sgt, %scan3A_870, %gt3A : i32
      %convert_element_type3A = arith.extui %gt3A_885 : i1 to i32
      %cond3A = arith.constant 0 : i32
      %cond3A_886 = arith.cmpi ne, %convert_element_type3A, %cond3A : i32
      scf.if %cond3A_886 {
        %dma_wait3A_1858 = arith.constant 0 : i32
        %dma_wait3A_1859 = arith.constant 0 : i32
        %dma_wait3A_1860 = arith.constant 0 : i32
        %dma_wait3A_1861 = arith.constant 0 : i32
        %dma_wait3A_1862 = arith.constant 0 : i32
        %dma_wait3A_1863 = arith.constant 0 : i32
        %dma_wait3A_1864 = tpu.memref_slice %arg7[%dma_wait3A_1858, %dma_wait3A_1862, %dma_wait3A_1863] : memref<5x64x129xf32, #tpu.memory_space<vmem>> -> memref<1x8x128xf32, #tpu.memory_space<vmem>>
        %dma_wait3A_1865 = tpu.memref_squeeze %dma_wait3A_1864 : memref<1x8x128xf32, #tpu.memory_space<vmem>> -> memref<8x128xf32, #tpu.memory_space<vmem>>
        %dma_wait3A_1866 = arith.constant 0 : i32
        %dma_wait3A_1867 = arith.constant 0 : i32
        %dma_wait3A_1868 = tpu.memref_slice %arg4[%dma_wait3A_1859, %dma_wait3A_1860, %dma_wait3A_1861, %dma_wait3A_1866, %dma_wait3A_1867] : memref<50x8x32x8x128xf32, #tpu.memory_space<hbm>> -> memref<1x1x1x8x128xf32, #tpu.memory_space<hbm>>
        %dma_wait3A_1869 = tpu.memref_squeeze %dma_wait3A_1868 : memref<1x1x1x8x128xf32, #tpu.memory_space<hbm>> -> memref<8x128xf32, #tpu.memory_space<hbm>>
        %dma_wait3A_1870 = arith.constant 0 : i32
        %dma_wait3A_1871 = arith.constant 0 : i32
        %dma_wait3A_1872 = tpu.memref_slice %arg4[%dma_wait3A_1859, %dma_wait3A_1860, %dma_wait3A_1861, %dma_wait3A_1870, %dma_wait3A_1871] : memref<50x8x32x8x128xf32, #tpu.memory_space<hbm>> -> memref<1x1x1x8x128xf32, #tpu.memory_space<hbm>>
        %dma_wait3A_1873 = tpu.memref_squeeze %dma_wait3A_1872 : memref<1x1x1x8x128xf32, #tpu.memory_space<hbm>> -> memref<8x128xf32, #tpu.memory_space<hbm>>
        %dma_wait3A_1874 = arith.constant 0 : i32
        %dma_wait3A_1875 = arith.constant 0 : i32
        %dma_wait3A_1876 = tpu.memref_slice %arg7[%dma_wait3A_1858, %dma_wait3A_1874, %dma_wait3A_1875] : memref<5x64x129xf32, #tpu.memory_space<vmem>> -> memref<1x8x128xf32, #tpu.memory_space<vmem>>
        %dma_wait3A_1877 = tpu.memref_squeeze %dma_wait3A_1876 : memref<1x8x128xf32, #tpu.memory_space<vmem>> -> memref<8x128xf32, #tpu.memory_space<vmem>>
        tpu.wait_dma2 semaphore(%arg9 : memref<!tpu.dma_semaphore, #tpu.memory_space<semaphore_mem>>) src(%dma_wait3A_1877 : memref<8x128xf32, #tpu.memory_space<vmem>>) dst(%dma_wait3A_1873 : memref<8x128xf32, #tpu.memory_space<hbm>>)
        %dma_wait3A_1878 = arith.constant 0 : i32
        %dma_wait3A_1879 = arith.constant 0 : i32
        %dma_wait3A_1880 = arith.constant 0 : i32
        %dma_wait3A_1881 = arith.constant 0 : i32
        %dma_wait3A_1882 = arith.constant 8 : i32
        %dma_wait3A_1883 = arith.constant 0 : i32
        %dma_wait3A_1884 = tpu.memref_slice %arg7[%dma_wait3A_1878, %dma_wait3A_1882, %dma_wait3A_1883] : memref<5x64x129xf32, #tpu.memory_space<vmem>> -> memref<1x8x128xf32, #tpu.memory_space<vmem>>
        %dma_wait3A_1885 = tpu.memref_squeeze %dma_wait3A_1884 : memref<1x8x128xf32, #tpu.memory_space<vmem>> -> memref<8x128xf32, #tpu.memory_space<vmem>>
        %dma_wait3A_1886 = arith.constant 0 : i32
        %dma_wait3A_1887 = arith.constant 0 : i32
        %dma_wait3A_1888 = tpu.memref_slice %arg4[%dma_wait3A_1879, %dma_wait3A_1880, %dma_wait3A_1881, %dma_wait3A_1886, %dma_wait3A_1887] : memref<50x8x32x8x128xf32, #tpu.memory_space<hbm>> -> memref<1x1x1x8x128xf32, #tpu.memory_space<hbm>>
        %dma_wait3A_1889 = tpu.memref_squeeze %dma_wait3A_1888 : memref<1x1x1x8x128xf32, #tpu.memory_space<hbm>> -> memref<8x128xf32, #tpu.memory_space<hbm>>
        %dma_wait3A_1890 = arith.constant 0 : i32
        %dma_wait3A_1891 = arith.constant 0 : i32
        %dma_wait3A_1892 = tpu.memref_slice %arg4[%dma_wait3A_1879, %dma_wait3A_1880, %dma_wait3A_1881, %dma_wait3A_1890, %dma_wait3A_1891] : memref<50x8x32x8x128xf32, #tpu.memory_space<hbm>> -> memref<1x1x1x8x128xf32, #tpu.memory_space<hbm>>
        %dma_wait3A_1893 = tpu.memref_squeeze %dma_wait3A_1892 : memref<1x1x1x8x128xf32, #tpu.memory_space<hbm>> -> memref<8x128xf32, #tpu.memory_space<hbm>>
        %dma_wait3A_1894 = arith.constant 8 : i32
        %dma_wait3A_1895 = arith.constant 0 : i32
        %dma_wait3A_1896 = tpu.memref_slice %arg7[%dma_wait3A_1878, %dma_wait3A_1894, %dma_wait3A_1895] : memref<5x64x129xf32, #tpu.memory_space<vmem>> -> memref<1x8x128xf32, #tpu.memory_space<vmem>>
        %dma_wait3A_1897 = tpu.memref_squeeze %dma_wait3A_1896 : memref<1x8x128xf32, #tpu.memory_space<vmem>> -> memref<8x128xf32, #tpu.memory_space<vmem>>
        tpu.wait_dma2 semaphore(%arg9 : memref<!tpu.dma_semaphore, #tpu.memory_space<semaphore_mem>>) src(%dma_wait3A_1897 : memref<8x128xf32, #tpu.memory_space<vmem>>) dst(%dma_wait3A_1893 : memref<8x128xf32, #tpu.memory_space<hbm>>)
        %dma_wait3A_1898 = arith.constant 0 : i32
        %dma_wait3A_1899 = arith.constant 0 : i32
        %dma_wait3A_1900 = arith.constant 0 : i32
        %dma_wait3A_1901 = arith.constant 0 : i32
        %dma_wait3A_1902 = arith.constant 16 : i32
        %dma_wait3A_1903 = arith.constant 0 : i32
        %dma_wait3A_1904 = tpu.memref_slice %arg7[%dma_wait3A_1898, %dma_wait3A_1902, %dma_wait3A_1903] : memref<5x64x129xf32, #tpu.memory_space<vmem>> -> memref<1x8x128xf32, #tpu.memory_space<vmem>>
        %dma_wait3A_1905 = tpu.memref_squeeze %dma_wait3A_1904 : memref<1x8x128xf32, #tpu.memory_space<vmem>> -> memref<8x128xf32, #tpu.memory_space<vmem>>
        %dma_wait3A_1906 = arith.constant 0 : i32
        %dma_wait3A_1907 = arith.constant 0 : i32
        %dma_wait3A_1908 = tpu.memref_slice %arg4[%dma_wait3A_1899, %dma_wait3A_1900, %dma_wait3A_1901, %dma_wait3A_1906, %dma_wait3A_1907] : memref<50x8x32x8x128xf32, #tpu.memory_space<hbm>> -> memref<1x1x1x8x128xf32, #tpu.memory_space<hbm>>
        %dma_wait3A_1909 = tpu.memref_squeeze %dma_wait3A_1908 : memref<1x1x1x8x128xf32, #tpu.memory_space<hbm>> -> memref<8x128xf32, #tpu.memory_space<hbm>>
        %dma_wait3A_1910 = arith.constant 0 : i32
        %dma_wait3A_1911 = arith.constant 0 : i32
        %dma_wait3A_1912 = tpu.memref_slice %arg4[%dma_wait3A_1899, %dma_wait3A_1900, %dma_wait3A_1901, %dma_wait3A_1910, %dma_wait3A_1911] : memref<50x8x32x8x128xf32, #tpu.memory_space<hbm>> -> memref<1x1x1x8x128xf32, #tpu.memory_space<hbm>>
        %dma_wait3A_1913 = tpu.memref_squeeze %dma_wait3A_1912 : memref<1x1x1x8x128xf32, #tpu.memory_space<hbm>> -> memref<8x128xf32, #tpu.memory_space<hbm>>
        %dma_wait3A_1914 = arith.constant 16 : i32
        %dma_wait3A_1915 = arith.constant 0 : i32
        %dma_wait3A_1916 = tpu.memref_slice %arg7[%dma_wait3A_1898, %dma_wait3A_1914, %dma_wait3A_1915] : memref<5x64x129xf32, #tpu.memory_space<vmem>> -> memref<1x8x128xf32, #tpu.memory_space<vmem>>
        %dma_wait3A_1917 = tpu.memref_squeeze %dma_wait3A_1916 : memref<1x8x128xf32, #tpu.memory_space<vmem>> -> memref<8x128xf32, #tpu.memory_space<vmem>>
        tpu.wait_dma2 semaphore(%arg9 : memref<!tpu.dma_semaphore, #tpu.memory_space<semaphore_mem>>) src(%dma_wait3A_1917 : memref<8x128xf32, #tpu.memory_space<vmem>>) dst(%dma_wait3A_1913 : memref<8x128xf32, #tpu.memory_space<hbm>>)
        %dma_wait3A_1918 = arith.constant 0 : i32
        %dma_wait3A_1919 = arith.constant 0 : i32
        %dma_wait3A_1920 = arith.constant 0 : i32
        %dma_wait3A_1921 = arith.constant 0 : i32
        %dma_wait3A_1922 = arith.constant 24 : i32
        %dma_wait3A_1923 = arith.constant 0 : i32
        %dma_wait3A_1924 = tpu.memref_slice %arg7[%dma_wait3A_1918, %dma_wait3A_1922, %dma_wait3A_1923] : memref<5x64x129xf32, #tpu.memory_space<vmem>> -> memref<1x8x128xf32, #tpu.memory_space<vmem>>
        %dma_wait3A_1925 = tpu.memref_squeeze %dma_wait3A_1924 : memref<1x8x128xf32, #tpu.memory_space<vmem>> -> memref<8x128xf32, #tpu.memory_space<vmem>>
        %dma_wait3A_1926 = arith.constant 0 : i32
        %dma_wait3A_1927 = arith.constant 0 : i32
        %dma_wait3A_1928 = tpu.memref_slice %arg4[%dma_wait3A_1919, %dma_wait3A_1920, %dma_wait3A_1921, %dma_wait3A_1926, %dma_wait3A_1927] : memref<50x8x32x8x128xf32, #tpu.memory_space<hbm>> -> memref<1x1x1x8x128xf32, #tpu.memory_space<hbm>>
        %dma_wait3A_1929 = tpu.memref_squeeze %dma_wait3A_1928 : memref<1x1x1x8x128xf32, #tpu.memory_space<hbm>> -> memref<8x128xf32, #tpu.memory_space<hbm>>
        %dma_wait3A_1930 = arith.constant 0 : i32
        %dma_wait3A_1931 = arith.constant 0 : i32
        %dma_wait3A_1932 = tpu.memref_slice %arg4[%dma_wait3A_1919, %dma_wait3A_1920, %dma_wait3A_1921, %dma_wait3A_1930, %dma_wait3A_1931] : memref<50x8x32x8x128xf32, #tpu.memory_space<hbm>> -> memref<1x1x1x8x128xf32, #tpu.memory_space<hbm>>
        %dma_wait3A_1933 = tpu.memref_squeeze %dma_wait3A_1932 : memref<1x1x1x8x128xf32, #tpu.memory_space<hbm>> -> memref<8x128xf32, #tpu.memory_space<hbm>>
        %dma_wait3A_1934 = arith.constant 24 : i32
        %dma_wait3A_1935 = arith.constant 0 : i32
        %dma_wait3A_1936 = tpu.memref_slice %arg7[%dma_wait3A_1918, %dma_wait3A_1934, %dma_wait3A_1935] : memref<5x64x129xf32, #tpu.memory_space<vmem>> -> memref<1x8x128xf32, #tpu.memory_space<vmem>>
        %dma_wait3A_1937 = tpu.memref_squeeze %dma_wait3A_1936 : memref<1x8x128xf32, #tpu.memory_space<vmem>> -> memref<8x128xf32, #tpu.memory_space<vmem>>
        tpu.wait_dma2 semaphore(%arg9 : memref<!tpu.dma_semaphore, #tpu.memory_space<semaphore_mem>>) src(%dma_wait3A_1937 : memref<8x128xf32, #tpu.memory_space<vmem>>) dst(%dma_wait3A_1933 : memref<8x128xf32, #tpu.memory_space<hbm>>)
        %dma_wait3A_1938 = arith.constant 0 : i32
        %dma_wait3A_1939 = arith.constant 0 : i32
        %dma_wait3A_1940 = arith.constant 0 : i32
        %dma_wait3A_1941 = arith.constant 0 : i32
        %dma_wait3A_1942 = arith.constant 32 : i32
        %dma_wait3A_1943 = arith.constant 0 : i32
        %dma_wait3A_1944 = tpu.memref_slice %arg7[%dma_wait3A_1938, %dma_wait3A_1942, %dma_wait3A_1943] : memref<5x64x129xf32, #tpu.memory_space<vmem>> -> memref<1x8x128xf32, #tpu.memory_space<vmem>>
        %dma_wait3A_1945 = tpu.memref_squeeze %dma_wait3A_1944 : memref<1x8x128xf32, #tpu.memory_space<vmem>> -> memref<8x128xf32, #tpu.memory_space<vmem>>
        %dma_wait3A_1946 = arith.constant 0 : i32
        %dma_wait3A_1947 = arith.constant 0 : i32
        %dma_wait3A_1948 = tpu.memref_slice %arg4[%dma_wait3A_1939, %dma_wait3A_1940, %dma_wait3A_1941, %dma_wait3A_1946, %dma_wait3A_1947] : memref<50x8x32x8x128xf32, #tpu.memory_space<hbm>> -> memref<1x1x1x8x128xf32, #tpu.memory_space<hbm>>
        %dma_wait3A_1949 = tpu.memref_squeeze %dma_wait3A_1948 : memref<1x1x1x8x128xf32, #tpu.memory_space<hbm>> -> memref<8x128xf32, #tpu.memory_space<hbm>>
        %dma_wait3A_1950 = arith.constant 0 : i32
        %dma_wait3A_1951 = arith.constant 0 : i32
        %dma_wait3A_1952 = tpu.memref_slice %arg4[%dma_wait3A_1939, %dma_wait3A_1940, %dma_wait3A_1941, %dma_wait3A_1950, %dma_wait3A_1951] : memref<50x8x32x8x128xf32, #tpu.memory_space<hbm>> -> memref<1x1x1x8x128xf32, #tpu.memory_space<hbm>>
        %dma_wait3A_1953 = tpu.memref_squeeze %dma_wait3A_1952 : memref<1x1x1x8x128xf32, #tpu.memory_space<hbm>> -> memref<8x128xf32, #tpu.memory_space<hbm>>
        %dma_wait3A_1954 = arith.constant 32 : i32
        %dma_wait3A_1955 = arith.constant 0 : i32
        %dma_wait3A_1956 = tpu.memref_slice %arg7[%dma_wait3A_1938, %dma_wait3A_1954, %dma_wait3A_1955] : memref<5x64x129xf32, #tpu.memory_space<vmem>> -> memref<1x8x128xf32, #tpu.memory_space<vmem>>
        %dma_wait3A_1957 = tpu.memref_squeeze %dma_wait3A_1956 : memref<1x8x128xf32, #tpu.memory_space<vmem>> -> memref<8x128xf32, #tpu.memory_space<vmem>>
        tpu.wait_dma2 semaphore(%arg9 : memref<!tpu.dma_semaphore, #tpu.memory_space<semaphore_mem>>) src(%dma_wait3A_1957 : memref<8x128xf32, #tpu.memory_space<vmem>>) dst(%dma_wait3A_1953 : memref<8x128xf32, #tpu.memory_space<hbm>>)
        %dma_wait3A_1958 = arith.constant 0 : i32
        %dma_wait3A_1959 = arith.constant 0 : i32
        %dma_wait3A_1960 = arith.constant 0 : i32
        %dma_wait3A_1961 = arith.constant 0 : i32
        %dma_wait3A_1962 = arith.constant 40 : i32
        %dma_wait3A_1963 = arith.constant 0 : i32
        %dma_wait3A_1964 = tpu.memref_slice %arg7[%dma_wait3A_1958, %dma_wait3A_1962, %dma_wait3A_1963] : memref<5x64x129xf32, #tpu.memory_space<vmem>> -> memref<1x8x128xf32, #tpu.memory_space<vmem>>
        %dma_wait3A_1965 = tpu.memref_squeeze %dma_wait3A_1964 : memref<1x8x128xf32, #tpu.memory_space<vmem>> -> memref<8x128xf32, #tpu.memory_space<vmem>>
        %dma_wait3A_1966 = arith.constant 0 : i32
        %dma_wait3A_1967 = arith.constant 0 : i32
        %dma_wait3A_1968 = tpu.memref_slice %arg4[%dma_wait3A_1959, %dma_wait3A_1960, %dma_wait3A_1961, %dma_wait3A_1966, %dma_wait3A_1967] : memref<50x8x32x8x128xf32, #tpu.memory_space<hbm>> -> memref<1x1x1x8x128xf32, #tpu.memory_space<hbm>>
        %dma_wait3A_1969 = tpu.memref_squeeze %dma_wait3A_1968 : memref<1x1x1x8x128xf32, #tpu.memory_space<hbm>> -> memref<8x128xf32, #tpu.memory_space<hbm>>
        %dma_wait3A_1970 = arith.constant 0 : i32
        %dma_wait3A_1971 = arith.constant 0 : i32
        %dma_wait3A_1972 = tpu.memref_slice %arg4[%dma_wait3A_1959, %dma_wait3A_1960, %dma_wait3A_1961, %dma_wait3A_1970, %dma_wait3A_1971] : memref<50x8x32x8x128xf32, #tpu.memory_space<hbm>> -> memref<1x1x1x8x128xf32, #tpu.memory_space<hbm>>
        %dma_wait3A_1973 = tpu.memref_squeeze %dma_wait3A_1972 : memref<1x1x1x8x128xf32, #tpu.memory_space<hbm>> -> memref<8x128xf32, #tpu.memory_space<hbm>>
        %dma_wait3A_1974 = arith.constant 40 : i32
        %dma_wait3A_1975 = arith.constant 0 : i32
        %dma_wait3A_1976 = tpu.memref_slice %arg7[%dma_wait3A_1958, %dma_wait3A_1974, %dma_wait3A_1975] : memref<5x64x129xf32, #tpu.memory_space<vmem>> -> memref<1x8x128xf32, #tpu.memory_space<vmem>>
        %dma_wait3A_1977 = tpu.memref_squeeze %dma_wait3A_1976 : memref<1x8x128xf32, #tpu.memory_space<vmem>> -> memref<8x128xf32, #tpu.memory_space<vmem>>
        tpu.wait_dma2 semaphore(%arg9 : memref<!tpu.dma_semaphore, #tpu.memory_space<semaphore_mem>>) src(%dma_wait3A_1977 : memref<8x128xf32, #tpu.memory_space<vmem>>) dst(%dma_wait3A_1973 : memref<8x128xf32, #tpu.memory_space<hbm>>)
        %dma_wait3A_1978 = arith.constant 0 : i32
        %dma_wait3A_1979 = arith.constant 0 : i32
        %dma_wait3A_1980 = arith.constant 0 : i32
        %dma_wait3A_1981 = arith.constant 0 : i32
        %dma_wait3A_1982 = arith.constant 48 : i32
        %dma_wait3A_1983 = arith.constant 0 : i32
        %dma_wait3A_1984 = tpu.memref_slice %arg7[%dma_wait3A_1978, %dma_wait3A_1982, %dma_wait3A_1983] : memref<5x64x129xf32, #tpu.memory_space<vmem>> -> memref<1x8x128xf32, #tpu.memory_space<vmem>>
        %dma_wait3A_1985 = tpu.memref_squeeze %dma_wait3A_1984 : memref<1x8x128xf32, #tpu.memory_space<vmem>> -> memref<8x128xf32, #tpu.memory_space<vmem>>
        %dma_wait3A_1986 = arith.constant 0 : i32
        %dma_wait3A_1987 = arith.constant 0 : i32
        %dma_wait3A_1988 = tpu.memref_slice %arg4[%dma_wait3A_1979, %dma_wait3A_1980, %dma_wait3A_1981, %dma_wait3A_1986, %dma_wait3A_1987] : memref<50x8x32x8x128xf32, #tpu.memory_space<hbm>> -> memref<1x1x1x8x128xf32, #tpu.memory_space<hbm>>
        %dma_wait3A_1989 = tpu.memref_squeeze %dma_wait3A_1988 : memref<1x1x1x8x128xf32, #tpu.memory_space<hbm>> -> memref<8x128xf32, #tpu.memory_space<hbm>>
        %dma_wait3A_1990 = arith.constant 0 : i32
        %dma_wait3A_1991 = arith.constant 0 : i32
        %dma_wait3A_1992 = tpu.memref_slice %arg4[%dma_wait3A_1979, %dma_wait3A_1980, %dma_wait3A_1981, %dma_wait3A_1990, %dma_wait3A_1991] : memref<50x8x32x8x128xf32, #tpu.memory_space<hbm>> -> memref<1x1x1x8x128xf32, #tpu.memory_space<hbm>>
        %dma_wait3A_1993 = tpu.memref_squeeze %dma_wait3A_1992 : memref<1x1x1x8x128xf32, #tpu.memory_space<hbm>> -> memref<8x128xf32, #tpu.memory_space<hbm>>
        %dma_wait3A_1994 = arith.constant 48 : i32
        %dma_wait3A_1995 = arith.constant 0 : i32
        %dma_wait3A_1996 = tpu.memref_slice %arg7[%dma_wait3A_1978, %dma_wait3A_1994, %dma_wait3A_1995] : memref<5x64x129xf32, #tpu.memory_space<vmem>> -> memref<1x8x128xf32, #tpu.memory_space<vmem>>
        %dma_wait3A_1997 = tpu.memref_squeeze %dma_wait3A_1996 : memref<1x8x128xf32, #tpu.memory_space<vmem>> -> memref<8x128xf32, #tpu.memory_space<vmem>>
        tpu.wait_dma2 semaphore(%arg9 : memref<!tpu.dma_semaphore, #tpu.memory_space<semaphore_mem>>) src(%dma_wait3A_1997 : memref<8x128xf32, #tpu.memory_space<vmem>>) dst(%dma_wait3A_1993 : memref<8x128xf32, #tpu.memory_space<hbm>>)
        %dma_wait3A_1998 = arith.constant 0 : i32
        %dma_wait3A_1999 = arith.constant 0 : i32
        %dma_wait3A_2000 = arith.constant 0 : i32
        %dma_wait3A_2001 = arith.constant 0 : i32
        %dma_wait3A_2002 = arith.constant 56 : i32
        %dma_wait3A_2003 = arith.constant 0 : i32
        %dma_wait3A_2004 = tpu.memref_slice %arg7[%dma_wait3A_1998, %dma_wait3A_2002, %dma_wait3A_2003] : memref<5x64x129xf32, #tpu.memory_space<vmem>> -> memref<1x8x128xf32, #tpu.memory_space<vmem>>
        %dma_wait3A_2005 = tpu.memref_squeeze %dma_wait3A_2004 : memref<1x8x128xf32, #tpu.memory_space<vmem>> -> memref<8x128xf32, #tpu.memory_space<vmem>>
        %dma_wait3A_2006 = arith.constant 0 : i32
        %dma_wait3A_2007 = arith.constant 0 : i32
        %dma_wait3A_2008 = tpu.memref_slice %arg4[%dma_wait3A_1999, %dma_wait3A_2000, %dma_wait3A_2001, %dma_wait3A_2006, %dma_wait3A_2007] : memref<50x8x32x8x128xf32, #tpu.memory_space<hbm>> -> memref<1x1x1x8x128xf32, #tpu.memory_space<hbm>>
        %dma_wait3A_2009 = tpu.memref_squeeze %dma_wait3A_2008 : memref<1x1x1x8x128xf32, #tpu.memory_space<hbm>> -> memref<8x128xf32, #tpu.memory_space<hbm>>
        %dma_wait3A_2010 = arith.constant 0 : i32
        %dma_wait3A_2011 = arith.constant 0 : i32
        %dma_wait3A_2012 = tpu.memref_slice %arg4[%dma_wait3A_1999, %dma_wait3A_2000, %dma_wait3A_2001, %dma_wait3A_2010, %dma_wait3A_2011] : memref<50x8x32x8x128xf32, #tpu.memory_space<hbm>> -> memref<1x1x1x8x128xf32, #tpu.memory_space<hbm>>
        %dma_wait3A_2013 = tpu.memref_squeeze %dma_wait3A_2012 : memref<1x1x1x8x128xf32, #tpu.memory_space<hbm>> -> memref<8x128xf32, #tpu.memory_space<hbm>>
        %dma_wait3A_2014 = arith.constant 56 : i32
        %dma_wait3A_2015 = arith.constant 0 : i32
        %dma_wait3A_2016 = tpu.memref_slice %arg7[%dma_wait3A_1998, %dma_wait3A_2014, %dma_wait3A_2015] : memref<5x64x129xf32, #tpu.memory_space<vmem>> -> memref<1x8x128xf32, #tpu.memory_space<vmem>>
        %dma_wait3A_2017 = tpu.memref_squeeze %dma_wait3A_2016 : memref<1x8x128xf32, #tpu.memory_space<vmem>> -> memref<8x128xf32, #tpu.memory_space<vmem>>
        tpu.wait_dma2 semaphore(%arg9 : memref<!tpu.dma_semaphore, #tpu.memory_space<semaphore_mem>>) src(%dma_wait3A_2017 : memref<8x128xf32, #tpu.memory_space<vmem>>) dst(%dma_wait3A_2013 : memref<8x128xf32, #tpu.memory_space<hbm>>)
      } else {
      }
      %parallel_loop3A = arith.constant 0 : i32
      %parallel_loop3A_887 = arith.constant 128 : i32
      %parallel_loop3A_888 = arith.constant 1 : i32
      %parallel_loop3A_889 = arith.constant 0 : i32
      %parallel_loop3A_890 = arith.constant 0 : i32
      scf.for %parallel_loop3A_1858 = %parallel_loop3A to %parallel_loop3A_887 step %parallel_loop3A_888  : i32 {
        %parallel_loop3A_1859 = vector.broadcast %parallel_loop3A_1858 : i32 to vector<16xi32>
        %parallel_loop3A_1860 = arith.constant 0 : i32
        %parallel_loop3A_1861 = arith.constant 0 : i32
        %parallel_loop3A_1862 = tpu.memref_slice %arg6[%parallel_loop3A_889, %parallel_loop3A_1860, %parallel_loop3A_1861] : memref<5x128x64xf32, #tpu.memory_space<vmem>> -> memref<1x128x64xf32, #tpu.memory_space<vmem>>
        %parallel_loop3A_1863 = tpu.memref_squeeze %parallel_loop3A_1862 : memref<1x128x64xf32, #tpu.memory_space<vmem>> -> memref<128x64xf32, #tpu.memory_space<vmem>>
        %parallel_loop3A_1864 = arith.index_cast %parallel_loop3A_1858 : i32 to index
        %parallel_loop3A_1865 = arith.constant 0 : index
        %parallel_loop3A_1866 = tpu.vector_load %parallel_loop3A_1863[%parallel_loop3A_1864, %parallel_loop3A_1865] {strides = array<i32>} : memref<128x64xf32, #tpu.memory_space<vmem>>, vector<16xf32>,
        %parallel_loop3A_1867 = arith.constant 0 : i32
        %parallel_loop3A_1868 = arith.constant 0 : i32
        %parallel_loop3A_1869 = tpu.memref_slice %arg7[%parallel_loop3A_890, %parallel_loop3A_1867, %parallel_loop3A_1868] : memref<5x64x129xf32, #tpu.memory_space<vmem>> -> memref<1x64x129xf32, #tpu.memory_space<vmem>>
        %parallel_loop3A_1870 = tpu.memref_squeeze %parallel_loop3A_1869 : memref<1x64x129xf32, #tpu.memory_space<vmem>> -> memref<64x129xf32, #tpu.memory_space<vmem>>
        tpu.vector_store_idx %parallel_loop3A_1870[%add3A_7, %parallel_loop3A_1859], %parallel_loop3A_1866 : memref<64x129xf32, #tpu.memory_space<vmem>>[vector<16xi32>, vector<16xi32>], vector<16xf32>,
        %parallel_loop3A_1871 = arith.constant 0 : i32
        %parallel_loop3A_1872 = arith.constant 0 : i32
        %parallel_loop3A_1873 = tpu.memref_slice %arg6[%parallel_loop3A_889, %parallel_loop3A_1871, %parallel_loop3A_1872] : memref<5x128x64xf32, #tpu.memory_space<vmem>> -> memref<1x128x64xf32, #tpu.memory_space<vmem>>
        %parallel_loop3A_1874 = tpu.memref_squeeze %parallel_loop3A_1873 : memref<1x128x64xf32, #tpu.memory_space<vmem>> -> memref<128x64xf32, #tpu.memory_space<vmem>>
        %parallel_loop3A_1875 = arith.index_cast %parallel_loop3A_1858 : i32 to index
        %parallel_loop3A_1876 = arith.constant 16 : index
        %parallel_loop3A_1877 = tpu.vector_load %parallel_loop3A_1874[%parallel_loop3A_1875, %parallel_loop3A_1876] {strides = array<i32>} : memref<128x64xf32, #tpu.memory_space<vmem>>, vector<16xf32>,
        %parallel_loop3A_1878 = arith.constant 0 : i32
        %parallel_loop3A_1879 = arith.constant 0 : i32
        %parallel_loop3A_1880 = tpu.memref_slice %arg7[%parallel_loop3A_890, %parallel_loop3A_1878, %parallel_loop3A_1879] : memref<5x64x129xf32, #tpu.memory_space<vmem>> -> memref<1x64x129xf32, #tpu.memory_space<vmem>>
        %parallel_loop3A_1881 = tpu.memref_squeeze %parallel_loop3A_1880 : memref<1x64x129xf32, #tpu.memory_space<vmem>> -> memref<64x129xf32, #tpu.memory_space<vmem>>
        tpu.vector_store_idx %parallel_loop3A_1881[%add3A_10, %parallel_loop3A_1859], %parallel_loop3A_1877 : memref<64x129xf32, #tpu.memory_space<vmem>>[vector<16xi32>, vector<16xi32>], vector<16xf32>,
        %parallel_loop3A_1882 = arith.constant 0 : i32
        %parallel_loop3A_1883 = arith.constant 0 : i32
        %parallel_loop3A_1884 = tpu.memref_slice %arg6[%parallel_loop3A_889, %parallel_loop3A_1882, %parallel_loop3A_1883] : memref<5x128x64xf32, #tpu.memory_space<vmem>> -> memref<1x128x64xf32, #tpu.memory_space<vmem>>
        %parallel_loop3A_1885 = tpu.memref_squeeze %parallel_loop3A_1884 : memref<1x128x64xf32, #tpu.memory_space<vmem>> -> memref<128x64xf32, #tpu.memory_space<vmem>>
        %parallel_loop3A_1886 = arith.index_cast %parallel_loop3A_1858 : i32 to index
        %parallel_loop3A_1887 = arith.constant 32 : index
        %parallel_loop3A_1888 = tpu.vector_load %parallel_loop3A_1885[%parallel_loop3A_1886, %parallel_loop3A_1887] {strides = array<i32>} : memref<128x64xf32, #tpu.memory_space<vmem>>, vector<16xf32>,
        %parallel_loop3A_1889 = arith.constant 0 : i32
        %parallel_loop3A_1890 = arith.constant 0 : i32
        %parallel_loop3A_1891 = tpu.memref_slice %arg7[%parallel_loop3A_890, %parallel_loop3A_1889, %parallel_loop3A_1890] : memref<5x64x129xf32, #tpu.memory_space<vmem>> -> memref<1x64x129xf32, #tpu.memory_space<vmem>>
        %parallel_loop3A_1892 = tpu.memref_squeeze %parallel_loop3A_1891 : memref<1x64x129xf32, #tpu.memory_space<vmem>> -> memref<64x129xf32, #tpu.memory_space<vmem>>
        tpu.vector_store_idx %parallel_loop3A_1892[%add3A_13, %parallel_loop3A_1859], %parallel_loop3A_1888 : memref<64x129xf32, #tpu.memory_space<vmem>>[vector<16xi32>, vector<16xi32>], vector<16xf32>,
        %parallel_loop3A_1893 = arith.constant 0 : i32
        %parallel_loop3A_1894 = arith.constant 0 : i32
        %parallel_loop3A_1895 = tpu.memref_slice %arg6[%parallel_loop3A_889, %parallel_loop3A_1893, %parallel_loop3A_1894] : memref<5x128x64xf32, #tpu.memory_space<vmem>> -> memref<1x128x64xf32, #tpu.memory_space<vmem>>
        %parallel_loop3A_1896 = tpu.memref_squeeze %parallel_loop3A_1895 : memref<1x128x64xf32, #tpu.memory_space<vmem>> -> memref<128x64xf32, #tpu.memory_space<vmem>>
        %parallel_loop3A_1897 = arith.index_cast %parallel_loop3A_1858 : i32 to index
        %parallel_loop3A_1898 = arith.constant 48 : index
        %parallel_loop3A_1899 = tpu.vector_load %parallel_loop3A_1896[%parallel_loop3A_1897, %parallel_loop3A_1898] {strides = array<i32>} : memref<128x64xf32, #tpu.memory_space<vmem>>, vector<16xf32>,
        %parallel_loop3A_1900 = arith.constant 0 : i32
        %parallel_loop3A_1901 = arith.constant 0 : i32
        %parallel_loop3A_1902 = tpu.memref_slice %arg7[%parallel_loop3A_890, %parallel_loop3A_1900, %parallel_loop3A_1901] : memref<5x64x129xf32, #tpu.memory_space<vmem>> -> memref<1x64x129xf32, #tpu.memory_space<vmem>>
        %parallel_loop3A_1903 = tpu.memref_squeeze %parallel_loop3A_1902 : memref<1x64x129xf32, #tpu.memory_space<vmem>> -> memref<64x129xf32, #tpu.memory_space<vmem>>
        tpu.vector_store_idx %parallel_loop3A_1903[%add3A_16, %parallel_loop3A_1859], %parallel_loop3A_1899 : memref<64x129xf32, #tpu.memory_space<vmem>>[vector<16xi32>, vector<16xi32>], vector<16xf32>,
      } {sc.loop_unroll_factor = 4 : i64, sc.parallel_access}
      %add3A_891 = arith.addi %mul3A_2, %add3A_874 : i32
      %jit3A = arith.constant 32 : i32
      %div3A = arith.divsi %add3A_891, %jit3A : i32
      %sign3A = arith.constant 0 : i32
      %sign3A_892 = arith.cmpi sgt, %add3A_891, %sign3A : i32
      %sign3A_893 = arith.extui %sign3A_892 : i1 to i32
      %sign3A_894 = arith.constant 0 : i32
      %sign3A_895 = arith.cmpi slt, %add3A_891, %sign3A_894 : i32
      %sign3A_896 = arith.extui %sign3A_895 : i1 to i32
      %sign3A_897 = arith.subi %sign3A_893, %sign3A_896 : i32
      %sign3A_898 = arith.constant 0 : i32
      %sign3A_899 = arith.cmpi sgt, %jit3A, %sign3A_898 : i32
      %sign3A_900 = arith.extui %sign3A_899 : i1 to i32
      %sign3A_901 = arith.constant 0 : i32
      %sign3A_902 = arith.cmpi slt, %jit3A, %sign3A_901 : i32
      %sign3A_903 = arith.extui %sign3A_902 : i1 to i32
      %sign3A_904 = arith.subi %sign3A_900, %sign3A_903 : i32
      %ne3A = arith.cmpi ne, %sign3A_897, %sign3A_904 : i32
      %rem3A = arith.remsi %add3A_891, %jit3A : i32
      %ne3A_905 = arith.constant 0 : i32
      %ne3A_906 = arith.cmpi ne, %rem3A, %ne3A_905 : i32
      %and3A = arith.andi %ne3A, %ne3A_906 : i1
      %sub3A = arith.constant 1 : i32
      %sub3A_907 = arith.subi %div3A, %sub3A : i32
      %select_n3A = arith.select %and3A, %sub3A_907, %div3A : i32
      %rem3A_908 = arith.constant 32 : i32
      %rem3A_909 = arith.remsi %add3A_891, %rem3A_908 : i32
      %dma_start3A_910 = arith.constant 0 : i32
      %dma_start3A_911 = arith.constant 0 : i32
      %dma_start3A_912 = arith.constant 0 : i32
      %dma_start3A_913 = arith.constant 0 : i32
      %dma_start3A_914 = tpu.memref_slice %arg7[%dma_start3A_910, %dma_start3A_912, %dma_start3A_913] : memref<5x64x129xf32, #tpu.memory_space<vmem>> -> memref<1x8x128xf32, #tpu.memory_space<vmem>>
      %dma_start3A_915 = tpu.memref_squeeze %dma_start3A_914 : memref<1x8x128xf32, #tpu.memory_space<vmem>> -> memref<8x128xf32, #tpu.memory_space<vmem>>
      %dma_start3A_916 = arith.constant 0 : i32
      %dma_start3A_917 = arith.constant 0 : i32
      %dma_start3A_918 = tpu.memref_slice %arg4[%select_n3A, %dma_start3A_911, %rem3A_909, %dma_start3A_916, %dma_start3A_917] : memref<50x8x32x8x128xf32, #tpu.memory_space<hbm>> -> memref<1x1x1x8x128xf32, #tpu.memory_space<hbm>>
      %dma_start3A_919 = tpu.memref_squeeze %dma_start3A_918 : memref<1x1x1x8x128xf32, #tpu.memory_space<hbm>> -> memref<8x128xf32, #tpu.memory_space<hbm>>
      %dma_start3A_920 = arith.constant 0 : i32
      %dma_start3A_921 = arith.constant 0 : i32
      %dma_start3A_922 = tpu.memref_slice %arg4[%select_n3A, %dma_start3A_911, %rem3A_909, %dma_start3A_920, %dma_start3A_921] : memref<50x8x32x8x128xf32, #tpu.memory_space<hbm>> -> memref<1x1x1x8x128xf32, #tpu.memory_space<hbm>>
      %dma_start3A_923 = tpu.memref_squeeze %dma_start3A_922 : memref<1x1x1x8x128xf32, #tpu.memory_space<hbm>> -> memref<8x128xf32, #tpu.memory_space<hbm>>
      %dma_start3A_924 = arith.constant 0 : i32
      %dma_start3A_925 = arith.constant 0 : i32
      %dma_start3A_926 = tpu.memref_slice %arg7[%dma_start3A_910, %dma_start3A_924, %dma_start3A_925] : memref<5x64x129xf32, #tpu.memory_space<vmem>> -> memref<1x8x128xf32, #tpu.memory_space<vmem>>
      %dma_start3A_927 = tpu.memref_squeeze %dma_start3A_926 : memref<1x8x128xf32, #tpu.memory_space<vmem>> -> memref<8x128xf32, #tpu.memory_space<vmem>>
      tpu.enqueue_dma source(%dma_start3A_927 : memref<8x128xf32, #tpu.memory_space<vmem>>) target(%dma_start3A_923 : memref<8x128xf32, #tpu.memory_space<hbm>>) target_semaphore(%arg9 : memref<!tpu.dma_semaphore, #tpu.memory_space<semaphore_mem>>)
      %dma_start3A_928 = arith.constant 0 : i32
      %dma_start3A_929 = arith.constant 1 : i32
      %dma_start3A_930 = arith.constant 8 : i32
      %dma_start3A_931 = arith.constant 0 : i32
      %dma_start3A_932 = tpu.memref_slice %arg7[%dma_start3A_928, %dma_start3A_930, %dma_start3A_931] : memref<5x64x129xf32, #tpu.memory_space<vmem>> -> memref<1x8x128xf32, #tpu.memory_space<vmem>>
      %dma_start3A_933 = tpu.memref_squeeze %dma_start3A_932 : memref<1x8x128xf32, #tpu.memory_space<vmem>> -> memref<8x128xf32, #tpu.memory_space<vmem>>
      %dma_start3A_934 = arith.constant 0 : i32
      %dma_start3A_935 = arith.constant 0 : i32
      %dma_start3A_936 = tpu.memref_slice %arg4[%select_n3A, %dma_start3A_929, %rem3A_909, %dma_start3A_934, %dma_start3A_935] : memref<50x8x32x8x128xf32, #tpu.memory_space<hbm>> -> memref<1x1x1x8x128xf32, #tpu.memory_space<hbm>>
      %dma_start3A_937 = tpu.memref_squeeze %dma_start3A_936 : memref<1x1x1x8x128xf32, #tpu.memory_space<hbm>> -> memref<8x128xf32, #tpu.memory_space<hbm>>
      %dma_start3A_938 = arith.constant 0 : i32
      %dma_start3A_939 = arith.constant 0 : i32
      %dma_start3A_940 = tpu.memref_slice %arg4[%select_n3A, %dma_start3A_929, %rem3A_909, %dma_start3A_938, %dma_start3A_939] : memref<50x8x32x8x128xf32, #tpu.memory_space<hbm>> -> memref<1x1x1x8x128xf32, #tpu.memory_space<hbm>>
      %dma_start3A_941 = tpu.memref_squeeze %dma_start3A_940 : memref<1x1x1x8x128xf32, #tpu.memory_space<hbm>> -> memref<8x128xf32, #tpu.memory_space<hbm>>
      %dma_start3A_942 = arith.constant 8 : i32
      %dma_start3A_943 = arith.constant 0 : i32
      %dma_start3A_944 = tpu.memref_slice %arg7[%dma_start3A_928, %dma_start3A_942, %dma_start3A_943] : memref<5x64x129xf32, #tpu.memory_space<vmem>> -> memref<1x8x128xf32, #tpu.memory_space<vmem>>
      %dma_start3A_945 = tpu.memref_squeeze %dma_start3A_944 : memref<1x8x128xf32, #tpu.memory_space<vmem>> -> memref<8x128xf32, #tpu.memory_space<vmem>>
      tpu.enqueue_dma source(%dma_start3A_945 : memref<8x128xf32, #tpu.memory_space<vmem>>) target(%dma_start3A_941 : memref<8x128xf32, #tpu.memory_space<hbm>>) target_semaphore(%arg9 : memref<!tpu.dma_semaphore, #tpu.memory_space<semaphore_mem>>)
      %dma_start3A_946 = arith.constant 0 : i32
      %dma_start3A_947 = arith.constant 2 : i32
      %dma_start3A_948 = arith.constant 16 : i32
      %dma_start3A_949 = arith.constant 0 : i32
      %dma_start3A_950 = tpu.memref_slice %arg7[%dma_start3A_946, %dma_start3A_948, %dma_start3A_949] : memref<5x64x129xf32, #tpu.memory_space<vmem>> -> memref<1x8x128xf32, #tpu.memory_space<vmem>>
      %dma_start3A_951 = tpu.memref_squeeze %dma_start3A_950 : memref<1x8x128xf32, #tpu.memory_space<vmem>> -> memref<8x128xf32, #tpu.memory_space<vmem>>
      %dma_start3A_952 = arith.constant 0 : i32
      %dma_start3A_953 = arith.constant 0 : i32
      %dma_start3A_954 = tpu.memref_slice %arg4[%select_n3A, %dma_start3A_947, %rem3A_909, %dma_start3A_952, %dma_start3A_953] : memref<50x8x32x8x128xf32, #tpu.memory_space<hbm>> -> memref<1x1x1x8x128xf32, #tpu.memory_space<hbm>>
      %dma_start3A_955 = tpu.memref_squeeze %dma_start3A_954 : memref<1x1x1x8x128xf32, #tpu.memory_space<hbm>> -> memref<8x128xf32, #tpu.memory_space<hbm>>
      %dma_start3A_956 = arith.constant 0 : i32
      %dma_start3A_957 = arith.constant 0 : i32
      %dma_start3A_958 = tpu.memref_slice %arg4[%select_n3A, %dma_start3A_947, %rem3A_909, %dma_start3A_956, %dma_start3A_957] : memref<50x8x32x8x128xf32, #tpu.memory_space<hbm>> -> memref<1x1x1x8x128xf32, #tpu.memory_space<hbm>>
      %dma_start3A_959 = tpu.memref_squeeze %dma_start3A_958 : memref<1x1x1x8x128xf32, #tpu.memory_space<hbm>> -> memref<8x128xf32, #tpu.memory_space<hbm>>
      %dma_start3A_960 = arith.constant 16 : i32
      %dma_start3A_961 = arith.constant 0 : i32
      %dma_start3A_962 = tpu.memref_slice %arg7[%dma_start3A_946, %dma_start3A_960, %dma_start3A_961] : memref<5x64x129xf32, #tpu.memory_space<vmem>> -> memref<1x8x128xf32, #tpu.memory_space<vmem>>
      %dma_start3A_963 = tpu.memref_squeeze %dma_start3A_962 : memref<1x8x128xf32, #tpu.memory_space<vmem>> -> memref<8x128xf32, #tpu.memory_space<vmem>>
      tpu.enqueue_dma source(%dma_start3A_963 : memref<8x128xf32, #tpu.memory_space<vmem>>) target(%dma_start3A_959 : memref<8x128xf32, #tpu.memory_space<hbm>>) target_semaphore(%arg9 : memref<!tpu.dma_semaphore, #tpu.memory_space<semaphore_mem>>)
      %dma_start3A_964 = arith.constant 0 : i32
      %dma_start3A_965 = arith.constant 3 : i32
      %dma_start3A_966 = arith.constant 24 : i32
      %dma_start3A_967 = arith.constant 0 : i32
      %dma_start3A_968 = tpu.memref_slice %arg7[%dma_start3A_964, %dma_start3A_966, %dma_start3A_967] : memref<5x64x129xf32, #tpu.memory_space<vmem>> -> memref<1x8x128xf32, #tpu.memory_space<vmem>>
      %dma_start3A_969 = tpu.memref_squeeze %dma_start3A_968 : memref<1x8x128xf32, #tpu.memory_space<vmem>> -> memref<8x128xf32, #tpu.memory_space<vmem>>
      %dma_start3A_970 = arith.constant 0 : i32
      %dma_start3A_971 = arith.constant 0 : i32
      %dma_start3A_972 = tpu.memref_slice %arg4[%select_n3A, %dma_start3A_965, %rem3A_909, %dma_start3A_970, %dma_start3A_971] : memref<50x8x32x8x128xf32, #tpu.memory_space<hbm>> -> memref<1x1x1x8x128xf32, #tpu.memory_space<hbm>>
      %dma_start3A_973 = tpu.memref_squeeze %dma_start3A_972 : memref<1x1x1x8x128xf32, #tpu.memory_space<hbm>> -> memref<8x128xf32, #tpu.memory_space<hbm>>
      %dma_start3A_974 = arith.constant 0 : i32
      %dma_start3A_975 = arith.constant 0 : i32
      %dma_start3A_976 = tpu.memref_slice %arg4[%select_n3A, %dma_start3A_965, %rem3A_909, %dma_start3A_974, %dma_start3A_975] : memref<50x8x32x8x128xf32, #tpu.memory_space<hbm>> -> memref<1x1x1x8x128xf32, #tpu.memory_space<hbm>>
      %dma_start3A_977 = tpu.memref_squeeze %dma_start3A_976 : memref<1x1x1x8x128xf32, #tpu.memory_space<hbm>> -> memref<8x128xf32, #tpu.memory_space<hbm>>
      %dma_start3A_978 = arith.constant 24 : i32
      %dma_start3A_979 = arith.constant 0 : i32
      %dma_start3A_980 = tpu.memref_slice %arg7[%dma_start3A_964, %dma_start3A_978, %dma_start3A_979] : memref<5x64x129xf32, #tpu.memory_space<vmem>> -> memref<1x8x128xf32, #tpu.memory_space<vmem>>
      %dma_start3A_981 = tpu.memref_squeeze %dma_start3A_980 : memref<1x8x128xf32, #tpu.memory_space<vmem>> -> memref<8x128xf32, #tpu.memory_space<vmem>>
      tpu.enqueue_dma source(%dma_start3A_981 : memref<8x128xf32, #tpu.memory_space<vmem>>) target(%dma_start3A_977 : memref<8x128xf32, #tpu.memory_space<hbm>>) target_semaphore(%arg9 : memref<!tpu.dma_semaphore, #tpu.memory_space<semaphore_mem>>)
      %dma_start3A_982 = arith.constant 0 : i32
      %dma_start3A_983 = arith.constant 4 : i32
      %dma_start3A_984 = arith.constant 32 : i32
      %dma_start3A_985 = arith.constant 0 : i32
      %dma_start3A_986 = tpu.memref_slice %arg7[%dma_start3A_982, %dma_start3A_984, %dma_start3A_985] : memref<5x64x129xf32, #tpu.memory_space<vmem>> -> memref<1x8x128xf32, #tpu.memory_space<vmem>>
      %dma_start3A_987 = tpu.memref_squeeze %dma_start3A_986 : memref<1x8x128xf32, #tpu.memory_space<vmem>> -> memref<8x128xf32, #tpu.memory_space<vmem>>
      %dma_start3A_988 = arith.constant 0 : i32
      %dma_start3A_989 = arith.constant 0 : i32
      %dma_start3A_990 = tpu.memref_slice %arg4[%select_n3A, %dma_start3A_983, %rem3A_909, %dma_start3A_988, %dma_start3A_989] : memref<50x8x32x8x128xf32, #tpu.memory_space<hbm>> -> memref<1x1x1x8x128xf32, #tpu.memory_space<hbm>>
      %dma_start3A_991 = tpu.memref_squeeze %dma_start3A_990 : memref<1x1x1x8x128xf32, #tpu.memory_space<hbm>> -> memref<8x128xf32, #tpu.memory_space<hbm>>
      %dma_start3A_992 = arith.constant 0 : i32
      %dma_start3A_993 = arith.constant 0 : i32
      %dma_start3A_994 = tpu.memref_slice %arg4[%select_n3A, %dma_start3A_983, %rem3A_909, %dma_start3A_992, %dma_start3A_993] : memref<50x8x32x8x128xf32, #tpu.memory_space<hbm>> -> memref<1x1x1x8x128xf32, #tpu.memory_space<hbm>>
      %dma_start3A_995 = tpu.memref_squeeze %dma_start3A_994 : memref<1x1x1x8x128xf32, #tpu.memory_space<hbm>> -> memref<8x128xf32, #tpu.memory_space<hbm>>
      %dma_start3A_996 = arith.constant 32 : i32
      %dma_start3A_997 = arith.constant 0 : i32
      %dma_start3A_998 = tpu.memref_slice %arg7[%dma_start3A_982, %dma_start3A_996, %dma_start3A_997] : memref<5x64x129xf32, #tpu.memory_space<vmem>> -> memref<1x8x128xf32, #tpu.memory_space<vmem>>
      %dma_start3A_999 = tpu.memref_squeeze %dma_start3A_998 : memref<1x8x128xf32, #tpu.memory_space<vmem>> -> memref<8x128xf32, #tpu.memory_space<vmem>>
      tpu.enqueue_dma source(%dma_start3A_999 : memref<8x128xf32, #tpu.memory_space<vmem>>) target(%dma_start3A_995 : memref<8x128xf32, #tpu.memory_space<hbm>>) target_semaphore(%arg9 : memref<!tpu.dma_semaphore, #tpu.memory_space<semaphore_mem>>)
      %dma_start3A_1000 = arith.constant 0 : i32
      %dma_start3A_1001 = arith.constant 5 : i32
      %dma_start3A_1002 = arith.constant 40 : i32
      %dma_start3A_1003 = arith.constant 0 : i32
      %dma_start3A_1004 = tpu.memref_slice %arg7[%dma_start3A_1000, %dma_start3A_1002, %dma_start3A_1003] : memref<5x64x129xf32, #tpu.memory_space<vmem>> -> memref<1x8x128xf32, #tpu.memory_space<vmem>>
      %dma_start3A_1005 = tpu.memref_squeeze %dma_start3A_1004 : memref<1x8x128xf32, #tpu.memory_space<vmem>> -> memref<8x128xf32, #tpu.memory_space<vmem>>
      %dma_start3A_1006 = arith.constant 0 : i32
      %dma_start3A_1007 = arith.constant 0 : i32
      %dma_start3A_1008 = tpu.memref_slice %arg4[%select_n3A, %dma_start3A_1001, %rem3A_909, %dma_start3A_1006, %dma_start3A_1007] : memref<50x8x32x8x128xf32, #tpu.memory_space<hbm>> -> memref<1x1x1x8x128xf32, #tpu.memory_space<hbm>>
      %dma_start3A_1009 = tpu.memref_squeeze %dma_start3A_1008 : memref<1x1x1x8x128xf32, #tpu.memory_space<hbm>> -> memref<8x128xf32, #tpu.memory_space<hbm>>
      %dma_start3A_1010 = arith.constant 0 : i32
      %dma_start3A_1011 = arith.constant 0 : i32
      %dma_start3A_1012 = tpu.memref_slice %arg4[%select_n3A, %dma_start3A_1001, %rem3A_909, %dma_start3A_1010, %dma_start3A_1011] : memref<50x8x32x8x128xf32, #tpu.memory_space<hbm>> -> memref<1x1x1x8x128xf32, #tpu.memory_space<hbm>>
      %dma_start3A_1013 = tpu.memref_squeeze %dma_start3A_1012 : memref<1x1x1x8x128xf32, #tpu.memory_space<hbm>> -> memref<8x128xf32, #tpu.memory_space<hbm>>
      %dma_start3A_1014 = arith.constant 40 : i32
      %dma_start3A_1015 = arith.constant 0 : i32
      %dma_start3A_1016 = tpu.memref_slice %arg7[%dma_start3A_1000, %dma_start3A_1014, %dma_start3A_1015] : memref<5x64x129xf32, #tpu.memory_space<vmem>> -> memref<1x8x128xf32, #tpu.memory_space<vmem>>
      %dma_start3A_1017 = tpu.memref_squeeze %dma_start3A_1016 : memref<1x8x128xf32, #tpu.memory_space<vmem>> -> memref<8x128xf32, #tpu.memory_space<vmem>>
      tpu.enqueue_dma source(%dma_start3A_1017 : memref<8x128xf32, #tpu.memory_space<vmem>>) target(%dma_start3A_1013 : memref<8x128xf32, #tpu.memory_space<hbm>>) target_semaphore(%arg9 : memref<!tpu.dma_semaphore, #tpu.memory_space<semaphore_mem>>)
      %dma_start3A_1018 = arith.constant 0 : i32
      %dma_start3A_1019 = arith.constant 6 : i32
      %dma_start3A_1020 = arith.constant 48 : i32
      %dma_start3A_1021 = arith.constant 0 : i32
      %dma_start3A_1022 = tpu.memref_slice %arg7[%dma_start3A_1018, %dma_start3A_1020, %dma_start3A_1021] : memref<5x64x129xf32, #tpu.memory_space<vmem>> -> memref<1x8x128xf32, #tpu.memory_space<vmem>>
      %dma_start3A_1023 = tpu.memref_squeeze %dma_start3A_1022 : memref<1x8x128xf32, #tpu.memory_space<vmem>> -> memref<8x128xf32, #tpu.memory_space<vmem>>
      %dma_start3A_1024 = arith.constant 0 : i32
      %dma_start3A_1025 = arith.constant 0 : i32
      %dma_start3A_1026 = tpu.memref_slice %arg4[%select_n3A, %dma_start3A_1019, %rem3A_909, %dma_start3A_1024, %dma_start3A_1025] : memref<50x8x32x8x128xf32, #tpu.memory_space<hbm>> -> memref<1x1x1x8x128xf32, #tpu.memory_space<hbm>>
      %dma_start3A_1027 = tpu.memref_squeeze %dma_start3A_1026 : memref<1x1x1x8x128xf32, #tpu.memory_space<hbm>> -> memref<8x128xf32, #tpu.memory_space<hbm>>
      %dma_start3A_1028 = arith.constant 0 : i32
      %dma_start3A_1029 = arith.constant 0 : i32
      %dma_start3A_1030 = tpu.memref_slice %arg4[%select_n3A, %dma_start3A_1019, %rem3A_909, %dma_start3A_1028, %dma_start3A_1029] : memref<50x8x32x8x128xf32, #tpu.memory_space<hbm>> -> memref<1x1x1x8x128xf32, #tpu.memory_space<hbm>>
      %dma_start3A_1031 = tpu.memref_squeeze %dma_start3A_1030 : memref<1x1x1x8x128xf32, #tpu.memory_space<hbm>> -> memref<8x128xf32, #tpu.memory_space<hbm>>
      %dma_start3A_1032 = arith.constant 48 : i32
      %dma_start3A_1033 = arith.constant 0 : i32
      %dma_start3A_1034 = tpu.memref_slice %arg7[%dma_start3A_1018, %dma_start3A_1032, %dma_start3A_1033] : memref<5x64x129xf32, #tpu.memory_space<vmem>> -> memref<1x8x128xf32, #tpu.memory_space<vmem>>
      %dma_start3A_1035 = tpu.memref_squeeze %dma_start3A_1034 : memref<1x8x128xf32, #tpu.memory_space<vmem>> -> memref<8x128xf32, #tpu.memory_space<vmem>>
      tpu.enqueue_dma source(%dma_start3A_1035 : memref<8x128xf32, #tpu.memory_space<vmem>>) target(%dma_start3A_1031 : memref<8x128xf32, #tpu.memory_space<hbm>>) target_semaphore(%arg9 : memref<!tpu.dma_semaphore, #tpu.memory_space<semaphore_mem>>)
      %dma_start3A_1036 = arith.constant 0 : i32
      %dma_start3A_1037 = arith.constant 7 : i32
      %dma_start3A_1038 = arith.constant 56 : i32
      %dma_start3A_1039 = arith.constant 0 : i32
      %dma_start3A_1040 = tpu.memref_slice %arg7[%dma_start3A_1036, %dma_start3A_1038, %dma_start3A_1039] : memref<5x64x129xf32, #tpu.memory_space<vmem>> -> memref<1x8x128xf32, #tpu.memory_space<vmem>>
      %dma_start3A_1041 = tpu.memref_squeeze %dma_start3A_1040 : memref<1x8x128xf32, #tpu.memory_space<vmem>> -> memref<8x128xf32, #tpu.memory_space<vmem>>
      %dma_start3A_1042 = arith.constant 0 : i32
      %dma_start3A_1043 = arith.constant 0 : i32
      %dma_start3A_1044 = tpu.memref_slice %arg4[%select_n3A, %dma_start3A_1037, %rem3A_909, %dma_start3A_1042, %dma_start3A_1043] : memref<50x8x32x8x128xf32, #tpu.memory_space<hbm>> -> memref<1x1x1x8x128xf32, #tpu.memory_space<hbm>>
      %dma_start3A_1045 = tpu.memref_squeeze %dma_start3A_1044 : memref<1x1x1x8x128xf32, #tpu.memory_space<hbm>> -> memref<8x128xf32, #tpu.memory_space<hbm>>
      %dma_start3A_1046 = arith.constant 0 : i32
      %dma_start3A_1047 = arith.constant 0 : i32
      %dma_start3A_1048 = tpu.memref_slice %arg4[%select_n3A, %dma_start3A_1037, %rem3A_909, %dma_start3A_1046, %dma_start3A_1047] : memref<50x8x32x8x128xf32, #tpu.memory_space<hbm>> -> memref<1x1x1x8x128xf32, #tpu.memory_space<hbm>>
      %dma_start3A_1049 = tpu.memref_squeeze %dma_start3A_1048 : memref<1x1x1x8x128xf32, #tpu.memory_space<hbm>> -> memref<8x128xf32, #tpu.memory_space<hbm>>
      %dma_start3A_1050 = arith.constant 56 : i32
      %dma_start3A_1051 = arith.constant 0 : i32
      %dma_start3A_1052 = tpu.memref_slice %arg7[%dma_start3A_1036, %dma_start3A_1050, %dma_start3A_1051] : memref<5x64x129xf32, #tpu.memory_space<vmem>> -> memref<1x8x128xf32, #tpu.memory_space<vmem>>
      %dma_start3A_1053 = tpu.memref_squeeze %dma_start3A_1052 : memref<1x8x128xf32, #tpu.memory_space<vmem>> -> memref<8x128xf32, #tpu.memory_space<vmem>>
      tpu.enqueue_dma source(%dma_start3A_1053 : memref<8x128xf32, #tpu.memory_space<vmem>>) target(%dma_start3A_1049 : memref<8x128xf32, #tpu.memory_space<hbm>>) target_semaphore(%arg9 : memref<!tpu.dma_semaphore, #tpu.memory_space<semaphore_mem>>)
      %lt3A = arith.constant 9 : i32
      %lt3A_1054 = arith.cmpi slt, %scan3A_870, %lt3A : i32
      %convert_element_type3A_1055 = arith.extui %lt3A_1054 : i1 to i32
      %cond3A_1056 = arith.constant 0 : i32
      %cond3A_1057 = arith.cmpi ne, %convert_element_type3A_1055, %cond3A_1056 : i32
      scf.if %cond3A_1057 {
        %add3A_1858 = arith.constant 5 : i32
        %add3A_1859 = arith.addi %add3A_874, %add3A_1858 : i32
        %mul3A_1860 = arith.constant 128 : i32
        %mul3A_1861 = arith.muli %add3A_1859, %mul3A_1860 : i32
        %dma_start3A_1862 = arith.constant 0 : i32
        %dma_start3A_1863 = arith.constant 0 : i32
        %dma_start3A_1864 = arith.constant 0 : i32
        %dma_start3A_1865 = tpu.memref_slice %arg6[%dma_start3A_1862, %dma_start3A_1863, %dma_start3A_1864] : memref<5x128x64xf32, #tpu.memory_space<vmem>> -> memref<1x128x64xf32, #tpu.memory_space<vmem>>
        %dma_start3A_1866 = tpu.memref_squeeze %dma_start3A_1865 : memref<1x128x64xf32, #tpu.memory_space<vmem>> -> memref<128x64xf32, #tpu.memory_space<vmem>>
        %dma_start3A_1867 = tpu.memref_slice %arg5[%mul3A_1861] : memref<6400xi32, #tpu.memory_space<vmem>> -> memref<128xi32, #tpu.memory_space<vmem>>
        %dma_start3A_1868 = arith.constant 0 : i32
        %dma_start3A_1869 = arith.constant 0 : i32
        %dma_start3A_1870 = tpu.memref_slice %arg3[%dma_start3A_1868, %dma_start3A_1869] : memref<100000x64xf32, #tpu.memory_space<hbm>> -> memref<100000x64xf32, #tpu.memory_space<hbm>>
        tpu.enqueue_indirect_dma source(%dma_start3A_1870 : memref<100000x64xf32, #tpu.memory_space<hbm>>) target(%dma_start3A_1866 : memref<128x64xf32, #tpu.memory_space<vmem>>) offsets(%dma_start3A_1867 : memref<128xi32, #tpu.memory_space<vmem>>) semaphore(%arg8 : memref<!tpu.dma_semaphore, #tpu.memory_space<semaphore_mem>>)
      } else {
      }
      %mul3A_1058 = arith.constant 5 : i32
      %mul3A_1059 = arith.muli %scan3A_870, %mul3A_1058 : i32
      %add3A_1060 = arith.constant 1 : i32
      %add3A_1061 = arith.addi %mul3A_1059, %add3A_1060 : i32
      %dma_wait3A_1062 = arith.constant 1 : i32
      %dma_wait3A_1063 = arith.constant 0 : i32
      %dma_wait3A_1064 = arith.constant 0 : i32
      %dma_wait3A_1065 = tpu.memref_slice %arg6[%dma_wait3A_1062, %dma_wait3A_1063, %dma_wait3A_1064] : memref<5x128x64xf32, #tpu.memory_space<vmem>> -> memref<1x128x64xf32, #tpu.memory_space<vmem>>
      %dma_wait3A_1066 = tpu.memref_squeeze %dma_wait3A_1065 : memref<1x128x64xf32, #tpu.memory_space<vmem>> -> memref<128x64xf32, #tpu.memory_space<vmem>>
      %dma_wait3A_1067 = arith.constant 0 : i32
      %dma_wait3A_1068 = tpu.memref_slice %arg5[%dma_wait3A_1067] : memref<6400xi32, #tpu.memory_space<vmem>> -> memref<128xi32, #tpu.memory_space<vmem>>
      %dma_wait3A_1069 = arith.constant 0 : i32
      %dma_wait3A_1070 = arith.constant 0 : i32
      %dma_wait3A_1071 = tpu.memref_slice %arg3[%dma_wait3A_1069, %dma_wait3A_1070] : memref<100000x64xf32, #tpu.memory_space<hbm>> -> memref<100000x64xf32, #tpu.memory_space<hbm>>
      tpu.wait_indirect_dma semaphore(%arg8 : memref<!tpu.dma_semaphore, #tpu.memory_space<semaphore_mem>>) src(%dma_wait3A_1071 : memref<100000x64xf32, #tpu.memory_space<hbm>>) dst(%dma_wait3A_1066 : memref<128x64xf32, #tpu.memory_space<vmem>>)
      %gt3A_1072 = arith.constant 0 : i32
      %gt3A_1073 = arith.cmpi sgt, %scan3A_870, %gt3A_1072 : i32
      %convert_element_type3A_1074 = arith.extui %gt3A_1073 : i1 to i32
      %cond3A_1075 = arith.constant 0 : i32
      %cond3A_1076 = arith.cmpi ne, %convert_element_type3A_1074, %cond3A_1075 : i32
      scf.if %cond3A_1076 {
        %dma_wait3A_1858 = arith.constant 1 : i32
        %dma_wait3A_1859 = arith.constant 0 : i32
        %dma_wait3A_1860 = arith.constant 0 : i32
        %dma_wait3A_1861 = arith.constant 0 : i32
        %dma_wait3A_1862 = arith.constant 0 : i32
        %dma_wait3A_1863 = arith.constant 0 : i32
        %dma_wait3A_1864 = tpu.memref_slice %arg7[%dma_wait3A_1858, %dma_wait3A_1862, %dma_wait3A_1863] : memref<5x64x129xf32, #tpu.memory_space<vmem>> -> memref<1x8x128xf32, #tpu.memory_space<vmem>>
        %dma_wait3A_1865 = tpu.memref_squeeze %dma_wait3A_1864 : memref<1x8x128xf32, #tpu.memory_space<vmem>> -> memref<8x128xf32, #tpu.memory_space<vmem>>
        %dma_wait3A_1866 = arith.constant 0 : i32
        %dma_wait3A_1867 = arith.constant 0 : i32
        %dma_wait3A_1868 = tpu.memref_slice %arg4[%dma_wait3A_1859, %dma_wait3A_1860, %dma_wait3A_1861, %dma_wait3A_1866, %dma_wait3A_1867] : memref<50x8x32x8x128xf32, #tpu.memory_space<hbm>> -> memref<1x1x1x8x128xf32, #tpu.memory_space<hbm>>
        %dma_wait3A_1869 = tpu.memref_squeeze %dma_wait3A_1868 : memref<1x1x1x8x128xf32, #tpu.memory_space<hbm>> -> memref<8x128xf32, #tpu.memory_space<hbm>>
        %dma_wait3A_1870 = arith.constant 0 : i32
        %dma_wait3A_1871 = arith.constant 0 : i32
        %dma_wait3A_1872 = tpu.memref_slice %arg4[%dma_wait3A_1859, %dma_wait3A_1860, %dma_wait3A_1861, %dma_wait3A_1870, %dma_wait3A_1871] : memref<50x8x32x8x128xf32, #tpu.memory_space<hbm>> -> memref<1x1x1x8x128xf32, #tpu.memory_space<hbm>>
        %dma_wait3A_1873 = tpu.memref_squeeze %dma_wait3A_1872 : memref<1x1x1x8x128xf32, #tpu.memory_space<hbm>> -> memref<8x128xf32, #tpu.memory_space<hbm>>
        %dma_wait3A_1874 = arith.constant 0 : i32
        %dma_wait3A_1875 = arith.constant 0 : i32
        %dma_wait3A_1876 = tpu.memref_slice %arg7[%dma_wait3A_1858, %dma_wait3A_1874, %dma_wait3A_1875] : memref<5x64x129xf32, #tpu.memory_space<vmem>> -> memref<1x8x128xf32, #tpu.memory_space<vmem>>
        %dma_wait3A_1877 = tpu.memref_squeeze %dma_wait3A_1876 : memref<1x8x128xf32, #tpu.memory_space<vmem>> -> memref<8x128xf32, #tpu.memory_space<vmem>>
        tpu.wait_dma2 semaphore(%arg9 : memref<!tpu.dma_semaphore, #tpu.memory_space<semaphore_mem>>) src(%dma_wait3A_1877 : memref<8x128xf32, #tpu.memory_space<vmem>>) dst(%dma_wait3A_1873 : memref<8x128xf32, #tpu.memory_space<hbm>>)
        %dma_wait3A_1878 = arith.constant 1 : i32
        %dma_wait3A_1879 = arith.constant 0 : i32
        %dma_wait3A_1880 = arith.constant 0 : i32
        %dma_wait3A_1881 = arith.constant 0 : i32
        %dma_wait3A_1882 = arith.constant 8 : i32
        %dma_wait3A_1883 = arith.constant 0 : i32
        %dma_wait3A_1884 = tpu.memref_slice %arg7[%dma_wait3A_1878, %dma_wait3A_1882, %dma_wait3A_1883] : memref<5x64x129xf32, #tpu.memory_space<vmem>> -> memref<1x8x128xf32, #tpu.memory_space<vmem>>
        %dma_wait3A_1885 = tpu.memref_squeeze %dma_wait3A_1884 : memref<1x8x128xf32, #tpu.memory_space<vmem>> -> memref<8x128xf32, #tpu.memory_space<vmem>>
        %dma_wait3A_1886 = arith.constant 0 : i32
        %dma_wait3A_1887 = arith.constant 0 : i32
        %dma_wait3A_1888 = tpu.memref_slice %arg4[%dma_wait3A_1879, %dma_wait3A_1880, %dma_wait3A_1881, %dma_wait3A_1886, %dma_wait3A_1887] : memref<50x8x32x8x128xf32, #tpu.memory_space<hbm>> -> memref<1x1x1x8x128xf32, #tpu.memory_space<hbm>>
        %dma_wait3A_1889 = tpu.memref_squeeze %dma_wait3A_1888 : memref<1x1x1x8x128xf32, #tpu.memory_space<hbm>> -> memref<8x128xf32, #tpu.memory_space<hbm>>
        %dma_wait3A_1890 = arith.constant 0 : i32
        %dma_wait3A_1891 = arith.constant 0 : i32
        %dma_wait3A_1892 = tpu.memref_slice %arg4[%dma_wait3A_1879, %dma_wait3A_1880, %dma_wait3A_1881, %dma_wait3A_1890, %dma_wait3A_1891] : memref<50x8x32x8x128xf32, #tpu.memory_space<hbm>> -> memref<1x1x1x8x128xf32, #tpu.memory_space<hbm>>
        %dma_wait3A_1893 = tpu.memref_squeeze %dma_wait3A_1892 : memref<1x1x1x8x128xf32, #tpu.memory_space<hbm>> -> memref<8x128xf32, #tpu.memory_space<hbm>>
        %dma_wait3A_1894 = arith.constant 8 : i32
        %dma_wait3A_1895 = arith.constant 0 : i32
        %dma_wait3A_1896 = tpu.memref_slice %arg7[%dma_wait3A_1878, %dma_wait3A_1894, %dma_wait3A_1895] : memref<5x64x129xf32, #tpu.memory_space<vmem>> -> memref<1x8x128xf32, #tpu.memory_space<vmem>>
        %dma_wait3A_1897 = tpu.memref_squeeze %dma_wait3A_1896 : memref<1x8x128xf32, #tpu.memory_space<vmem>> -> memref<8x128xf32, #tpu.memory_space<vmem>>
        tpu.wait_dma2 semaphore(%arg9 : memref<!tpu.dma_semaphore, #tpu.memory_space<semaphore_mem>>) src(%dma_wait3A_1897 : memref<8x128xf32, #tpu.memory_space<vmem>>) dst(%dma_wait3A_1893 : memref<8x128xf32, #tpu.memory_space<hbm>>)
        %dma_wait3A_1898 = arith.constant 1 : i32
        %dma_wait3A_1899 = arith.constant 0 : i32
        %dma_wait3A_1900 = arith.constant 0 : i32
        %dma_wait3A_1901 = arith.constant 0 : i32
        %dma_wait3A_1902 = arith.constant 16 : i32
        %dma_wait3A_1903 = arith.constant 0 : i32
        %dma_wait3A_1904 = tpu.memref_slice %arg7[%dma_wait3A_1898, %dma_wait3A_1902, %dma_wait3A_1903] : memref<5x64x129xf32, #tpu.memory_space<vmem>> -> memref<1x8x128xf32, #tpu.memory_space<vmem>>
        %dma_wait3A_1905 = tpu.memref_squeeze %dma_wait3A_1904 : memref<1x8x128xf32, #tpu.memory_space<vmem>> -> memref<8x128xf32, #tpu.memory_space<vmem>>
        %dma_wait3A_1906 = arith.constant 0 : i32
        %dma_wait3A_1907 = arith.constant 0 : i32
        %dma_wait3A_1908 = tpu.memref_slice %arg4[%dma_wait3A_1899, %dma_wait3A_1900, %dma_wait3A_1901, %dma_wait3A_1906, %dma_wait3A_1907] : memref<50x8x32x8x128xf32, #tpu.memory_space<hbm>> -> memref<1x1x1x8x128xf32, #tpu.memory_space<hbm>>
        %dma_wait3A_1909 = tpu.memref_squeeze %dma_wait3A_1908 : memref<1x1x1x8x128xf32, #tpu.memory_space<hbm>> -> memref<8x128xf32, #tpu.memory_space<hbm>>
        %dma_wait3A_1910 = arith.constant 0 : i32
        %dma_wait3A_1911 = arith.constant 0 : i32
        %dma_wait3A_1912 = tpu.memref_slice %arg4[%dma_wait3A_1899, %dma_wait3A_1900, %dma_wait3A_1901, %dma_wait3A_1910, %dma_wait3A_1911] : memref<50x8x32x8x128xf32, #tpu.memory_space<hbm>> -> memref<1x1x1x8x128xf32, #tpu.memory_space<hbm>>
        %dma_wait3A_1913 = tpu.memref_squeeze %dma_wait3A_1912 : memref<1x1x1x8x128xf32, #tpu.memory_space<hbm>> -> memref<8x128xf32, #tpu.memory_space<hbm>>
        %dma_wait3A_1914 = arith.constant 16 : i32
        %dma_wait3A_1915 = arith.constant 0 : i32
        %dma_wait3A_1916 = tpu.memref_slice %arg7[%dma_wait3A_1898, %dma_wait3A_1914, %dma_wait3A_1915] : memref<5x64x129xf32, #tpu.memory_space<vmem>> -> memref<1x8x128xf32, #tpu.memory_space<vmem>>
        %dma_wait3A_1917 = tpu.memref_squeeze %dma_wait3A_1916 : memref<1x8x128xf32, #tpu.memory_space<vmem>> -> memref<8x128xf32, #tpu.memory_space<vmem>>
        tpu.wait_dma2 semaphore(%arg9 : memref<!tpu.dma_semaphore, #tpu.memory_space<semaphore_mem>>) src(%dma_wait3A_1917 : memref<8x128xf32, #tpu.memory_space<vmem>>) dst(%dma_wait3A_1913 : memref<8x128xf32, #tpu.memory_space<hbm>>)
        %dma_wait3A_1918 = arith.constant 1 : i32
        %dma_wait3A_1919 = arith.constant 0 : i32
        %dma_wait3A_1920 = arith.constant 0 : i32
        %dma_wait3A_1921 = arith.constant 0 : i32
        %dma_wait3A_1922 = arith.constant 24 : i32
        %dma_wait3A_1923 = arith.constant 0 : i32
        %dma_wait3A_1924 = tpu.memref_slice %arg7[%dma_wait3A_1918, %dma_wait3A_1922, %dma_wait3A_1923] : memref<5x64x129xf32, #tpu.memory_space<vmem>> -> memref<1x8x128xf32, #tpu.memory_space<vmem>>
        %dma_wait3A_1925 = tpu.memref_squeeze %dma_wait3A_1924 : memref<1x8x128xf32, #tpu.memory_space<vmem>> -> memref<8x128xf32, #tpu.memory_space<vmem>>
        %dma_wait3A_1926 = arith.constant 0 : i32
        %dma_wait3A_1927 = arith.constant 0 : i32
        %dma_wait3A_1928 = tpu.memref_slice %arg4[%dma_wait3A_1919, %dma_wait3A_1920, %dma_wait3A_1921, %dma_wait3A_1926, %dma_wait3A_1927] : memref<50x8x32x8x128xf32, #tpu.memory_space<hbm>> -> memref<1x1x1x8x128xf32, #tpu.memory_space<hbm>>
        %dma_wait3A_1929 = tpu.memref_squeeze %dma_wait3A_1928 : memref<1x1x1x8x128xf32, #tpu.memory_space<hbm>> -> memref<8x128xf32, #tpu.memory_space<hbm>>
        %dma_wait3A_1930 = arith.constant 0 : i32
        %dma_wait3A_1931 = arith.constant 0 : i32
        %dma_wait3A_1932 = tpu.memref_slice %arg4[%dma_wait3A_1919, %dma_wait3A_1920, %dma_wait3A_1921, %dma_wait3A_1930, %dma_wait3A_1931] : memref<50x8x32x8x128xf32, #tpu.memory_space<hbm>> -> memref<1x1x1x8x128xf32, #tpu.memory_space<hbm>>
        %dma_wait3A_1933 = tpu.memref_squeeze %dma_wait3A_1932 : memref<1x1x1x8x128xf32, #tpu.memory_space<hbm>> -> memref<8x128xf32, #tpu.memory_space<hbm>>
        %dma_wait3A_1934 = arith.constant 24 : i32
        %dma_wait3A_1935 = arith.constant 0 : i32
        %dma_wait3A_1936 = tpu.memref_slice %arg7[%dma_wait3A_1918, %dma_wait3A_1934, %dma_wait3A_1935] : memref<5x64x129xf32, #tpu.memory_space<vmem>> -> memref<1x8x128xf32, #tpu.memory_space<vmem>>
        %dma_wait3A_1937 = tpu.memref_squeeze %dma_wait3A_1936 : memref<1x8x128xf32, #tpu.memory_space<vmem>> -> memref<8x128xf32, #tpu.memory_space<vmem>>
        tpu.wait_dma2 semaphore(%arg9 : memref<!tpu.dma_semaphore, #tpu.memory_space<semaphore_mem>>) src(%dma_wait3A_1937 : memref<8x128xf32, #tpu.memory_space<vmem>>) dst(%dma_wait3A_1933 : memref<8x128xf32, #tpu.memory_space<hbm>>)
        %dma_wait3A_1938 = arith.constant 1 : i32
        %dma_wait3A_1939 = arith.constant 0 : i32
        %dma_wait3A_1940 = arith.constant 0 : i32
        %dma_wait3A_1941 = arith.constant 0 : i32
        %dma_wait3A_1942 = arith.constant 32 : i32
        %dma_wait3A_1943 = arith.constant 0 : i32
        %dma_wait3A_1944 = tpu.memref_slice %arg7[%dma_wait3A_1938, %dma_wait3A_1942, %dma_wait3A_1943] : memref<5x64x129xf32, #tpu.memory_space<vmem>> -> memref<1x8x128xf32, #tpu.memory_space<vmem>>
        %dma_wait3A_1945 = tpu.memref_squeeze %dma_wait3A_1944 : memref<1x8x128xf32, #tpu.memory_space<vmem>> -> memref<8x128xf32, #tpu.memory_space<vmem>>
        %dma_wait3A_1946 = arith.constant 0 : i32
        %dma_wait3A_1947 = arith.constant 0 : i32
        %dma_wait3A_1948 = tpu.memref_slice %arg4[%dma_wait3A_1939, %dma_wait3A_1940, %dma_wait3A_1941, %dma_wait3A_1946, %dma_wait3A_1947] : memref<50x8x32x8x128xf32, #tpu.memory_space<hbm>> -> memref<1x1x1x8x128xf32, #tpu.memory_space<hbm>>
        %dma_wait3A_1949 = tpu.memref_squeeze %dma_wait3A_1948 : memref<1x1x1x8x128xf32, #tpu.memory_space<hbm>> -> memref<8x128xf32, #tpu.memory_space<hbm>>
        %dma_wait3A_1950 = arith.constant 0 : i32
        %dma_wait3A_1951 = arith.constant 0 : i32
        %dma_wait3A_1952 = tpu.memref_slice %arg4[%dma_wait3A_1939, %dma_wait3A_1940, %dma_wait3A_1941, %dma_wait3A_1950, %dma_wait3A_1951] : memref<50x8x32x8x128xf32, #tpu.memory_space<hbm>> -> memref<1x1x1x8x128xf32, #tpu.memory_space<hbm>>
        %dma_wait3A_1953 = tpu.memref_squeeze %dma_wait3A_1952 : memref<1x1x1x8x128xf32, #tpu.memory_space<hbm>> -> memref<8x128xf32, #tpu.memory_space<hbm>>
        %dma_wait3A_1954 = arith.constant 32 : i32
        %dma_wait3A_1955 = arith.constant 0 : i32
        %dma_wait3A_1956 = tpu.memref_slice %arg7[%dma_wait3A_1938, %dma_wait3A_1954, %dma_wait3A_1955] : memref<5x64x129xf32, #tpu.memory_space<vmem>> -> memref<1x8x128xf32, #tpu.memory_space<vmem>>
        %dma_wait3A_1957 = tpu.memref_squeeze %dma_wait3A_1956 : memref<1x8x128xf32, #tpu.memory_space<vmem>> -> memref<8x128xf32, #tpu.memory_space<vmem>>
        tpu.wait_dma2 semaphore(%arg9 : memref<!tpu.dma_semaphore, #tpu.memory_space<semaphore_mem>>) src(%dma_wait3A_1957 : memref<8x128xf32, #tpu.memory_space<vmem>>) dst(%dma_wait3A_1953 : memref<8x128xf32, #tpu.memory_space<hbm>>)
        %dma_wait3A_1958 = arith.constant 1 : i32
        %dma_wait3A_1959 = arith.constant 0 : i32
        %dma_wait3A_1960 = arith.constant 0 : i32
        %dma_wait3A_1961 = arith.constant 0 : i32
        %dma_wait3A_1962 = arith.constant 40 : i32
        %dma_wait3A_1963 = arith.constant 0 : i32
        %dma_wait3A_1964 = tpu.memref_slice %arg7[%dma_wait3A_1958, %dma_wait3A_1962, %dma_wait3A_1963] : memref<5x64x129xf32, #tpu.memory_space<vmem>> -> memref<1x8x128xf32, #tpu.memory_space<vmem>>
        %dma_wait3A_1965 = tpu.memref_squeeze %dma_wait3A_1964 : memref<1x8x128xf32, #tpu.memory_space<vmem>> -> memref<8x128xf32, #tpu.memory_space<vmem>>
        %dma_wait3A_1966 = arith.constant 0 : i32
        %dma_wait3A_1967 = arith.constant 0 : i32
        %dma_wait3A_1968 = tpu.memref_slice %arg4[%dma_wait3A_1959, %dma_wait3A_1960, %dma_wait3A_1961, %dma_wait3A_1966, %dma_wait3A_1967] : memref<50x8x32x8x128xf32, #tpu.memory_space<hbm>> -> memref<1x1x1x8x128xf32, #tpu.memory_space<hbm>>
        %dma_wait3A_1969 = tpu.memref_squeeze %dma_wait3A_1968 : memref<1x1x1x8x128xf32, #tpu.memory_space<hbm>> -> memref<8x128xf32, #tpu.memory_space<hbm>>
        %dma_wait3A_1970 = arith.constant 0 : i32
        %dma_wait3A_1971 = arith.constant 0 : i32
        %dma_wait3A_1972 = tpu.memref_slice %arg4[%dma_wait3A_1959, %dma_wait3A_1960, %dma_wait3A_1961, %dma_wait3A_1970, %dma_wait3A_1971] : memref<50x8x32x8x128xf32, #tpu.memory_space<hbm>> -> memref<1x1x1x8x128xf32, #tpu.memory_space<hbm>>
        %dma_wait3A_1973 = tpu.memref_squeeze %dma_wait3A_1972 : memref<1x1x1x8x128xf32, #tpu.memory_space<hbm>> -> memref<8x128xf32, #tpu.memory_space<hbm>>
        %dma_wait3A_1974 = arith.constant 40 : i32
        %dma_wait3A_1975 = arith.constant 0 : i32
        %dma_wait3A_1976 = tpu.memref_slice %arg7[%dma_wait3A_1958, %dma_wait3A_1974, %dma_wait3A_1975] : memref<5x64x129xf32, #tpu.memory_space<vmem>> -> memref<1x8x128xf32, #tpu.memory_space<vmem>>
        %dma_wait3A_1977 = tpu.memref_squeeze %dma_wait3A_1976 : memref<1x8x128xf32, #tpu.memory_space<vmem>> -> memref<8x128xf32, #tpu.memory_space<vmem>>
        tpu.wait_dma2 semaphore(%arg9 : memref<!tpu.dma_semaphore, #tpu.memory_space<semaphore_mem>>) src(%dma_wait3A_1977 : memref<8x128xf32, #tpu.memory_space<vmem>>) dst(%dma_wait3A_1973 : memref<8x128xf32, #tpu.memory_space<hbm>>)
        %dma_wait3A_1978 = arith.constant 1 : i32
        %dma_wait3A_1979 = arith.constant 0 : i32
        %dma_wait3A_1980 = arith.constant 0 : i32
        %dma_wait3A_1981 = arith.constant 0 : i32
        %dma_wait3A_1982 = arith.constant 48 : i32
        %dma_wait3A_1983 = arith.constant 0 : i32
        %dma_wait3A_1984 = tpu.memref_slice %arg7[%dma_wait3A_1978, %dma_wait3A_1982, %dma_wait3A_1983] : memref<5x64x129xf32, #tpu.memory_space<vmem>> -> memref<1x8x128xf32, #tpu.memory_space<vmem>>
        %dma_wait3A_1985 = tpu.memref_squeeze %dma_wait3A_1984 : memref<1x8x128xf32, #tpu.memory_space<vmem>> -> memref<8x128xf32, #tpu.memory_space<vmem>>
        %dma_wait3A_1986 = arith.constant 0 : i32
        %dma_wait3A_1987 = arith.constant 0 : i32
        %dma_wait3A_1988 = tpu.memref_slice %arg4[%dma_wait3A_1979, %dma_wait3A_1980, %dma_wait3A_1981, %dma_wait3A_1986, %dma_wait3A_1987] : memref<50x8x32x8x128xf32, #tpu.memory_space<hbm>> -> memref<1x1x1x8x128xf32, #tpu.memory_space<hbm>>
        %dma_wait3A_1989 = tpu.memref_squeeze %dma_wait3A_1988 : memref<1x1x1x8x128xf32, #tpu.memory_space<hbm>> -> memref<8x128xf32, #tpu.memory_space<hbm>>
        %dma_wait3A_1990 = arith.constant 0 : i32
        %dma_wait3A_1991 = arith.constant 0 : i32
        %dma_wait3A_1992 = tpu.memref_slice %arg4[%dma_wait3A_1979, %dma_wait3A_1980, %dma_wait3A_1981, %dma_wait3A_1990, %dma_wait3A_1991] : memref<50x8x32x8x128xf32, #tpu.memory_space<hbm>> -> memref<1x1x1x8x128xf32, #tpu.memory_space<hbm>>
        %dma_wait3A_1993 = tpu.memref_squeeze %dma_wait3A_1992 : memref<1x1x1x8x128xf32, #tpu.memory_space<hbm>> -> memref<8x128xf32, #tpu.memory_space<hbm>>
        %dma_wait3A_1994 = arith.constant 48 : i32
        %dma_wait3A_1995 = arith.constant 0 : i32
        %dma_wait3A_1996 = tpu.memref_slice %arg7[%dma_wait3A_1978, %dma_wait3A_1994, %dma_wait3A_1995] : memref<5x64x129xf32, #tpu.memory_space<vmem>> -> memref<1x8x128xf32, #tpu.memory_space<vmem>>
        %dma_wait3A_1997 = tpu.memref_squeeze %dma_wait3A_1996 : memref<1x8x128xf32, #tpu.memory_space<vmem>> -> memref<8x128xf32, #tpu.memory_space<vmem>>
        tpu.wait_dma2 semaphore(%arg9 : memref<!tpu.dma_semaphore, #tpu.memory_space<semaphore_mem>>) src(%dma_wait3A_1997 : memref<8x128xf32, #tpu.memory_space<vmem>>) dst(%dma_wait3A_1993 : memref<8x128xf32, #tpu.memory_space<hbm>>)
        %dma_wait3A_1998 = arith.constant 1 : i32
        %dma_wait3A_1999 = arith.constant 0 : i32
        %dma_wait3A_2000 = arith.constant 0 : i32
        %dma_wait3A_2001 = arith.constant 0 : i32
        %dma_wait3A_2002 = arith.constant 56 : i32
        %dma_wait3A_2003 = arith.constant 0 : i32
        %dma_wait3A_2004 = tpu.memref_slice %arg7[%dma_wait3A_1998, %dma_wait3A_2002, %dma_wait3A_2003] : memref<5x64x129xf32, #tpu.memory_space<vmem>> -> memref<1x8x128xf32, #tpu.memory_space<vmem>>
        %dma_wait3A_2005 = tpu.memref_squeeze %dma_wait3A_2004 : memref<1x8x128xf32, #tpu.memory_space<vmem>> -> memref<8x128xf32, #tpu.memory_space<vmem>>
        %dma_wait3A_2006 = arith.constant 0 : i32
        %dma_wait3A_2007 = arith.constant 0 : i32
        %dma_wait3A_2008 = tpu.memref_slice %arg4[%dma_wait3A_1999, %dma_wait3A_2000, %dma_wait3A_2001, %dma_wait3A_2006, %dma_wait3A_2007] : memref<50x8x32x8x128xf32, #tpu.memory_space<hbm>> -> memref<1x1x1x8x128xf32, #tpu.memory_space<hbm>>
        %dma_wait3A_2009 = tpu.memref_squeeze %dma_wait3A_2008 : memref<1x1x1x8x128xf32, #tpu.memory_space<hbm>> -> memref<8x128xf32, #tpu.memory_space<hbm>>
        %dma_wait3A_2010 = arith.constant 0 : i32
        %dma_wait3A_2011 = arith.constant 0 : i32
        %dma_wait3A_2012 = tpu.memref_slice %arg4[%dma_wait3A_1999, %dma_wait3A_2000, %dma_wait3A_2001, %dma_wait3A_2010, %dma_wait3A_2011] : memref<50x8x32x8x128xf32, #tpu.memory_space<hbm>> -> memref<1x1x1x8x128xf32, #tpu.memory_space<hbm>>
        %dma_wait3A_2013 = tpu.memref_squeeze %dma_wait3A_2012 : memref<1x1x1x8x128xf32, #tpu.memory_space<hbm>> -> memref<8x128xf32, #tpu.memory_space<hbm>>
        %dma_wait3A_2014 = arith.constant 56 : i32
        %dma_wait3A_2015 = arith.constant 0 : i32
        %dma_wait3A_2016 = tpu.memref_slice %arg7[%dma_wait3A_1998, %dma_wait3A_2014, %dma_wait3A_2015] : memref<5x64x129xf32, #tpu.memory_space<vmem>> -> memref<1x8x128xf32, #tpu.memory_space<vmem>>
        %dma_wait3A_2017 = tpu.memref_squeeze %dma_wait3A_2016 : memref<1x8x128xf32, #tpu.memory_space<vmem>> -> memref<8x128xf32, #tpu.memory_space<vmem>>
        tpu.wait_dma2 semaphore(%arg9 : memref<!tpu.dma_semaphore, #tpu.memory_space<semaphore_mem>>) src(%dma_wait3A_2017 : memref<8x128xf32, #tpu.memory_space<vmem>>) dst(%dma_wait3A_2013 : memref<8x128xf32, #tpu.memory_space<hbm>>)
      } else {
      }
      %parallel_loop3A_1077 = arith.constant 0 : i32
      %parallel_loop3A_1078 = arith.constant 128 : i32
      %parallel_loop3A_1079 = arith.constant 1 : i32
      %parallel_loop3A_1080 = arith.constant 1 : i32
      %parallel_loop3A_1081 = arith.constant 1 : i32
      scf.for %parallel_loop3A_1858 = %parallel_loop3A_1077 to %parallel_loop3A_1078 step %parallel_loop3A_1079  : i32 {
        %parallel_loop3A_1859 = vector.broadcast %parallel_loop3A_1858 : i32 to vector<16xi32>
        %parallel_loop3A_1860 = arith.constant 0 : i32
        %parallel_loop3A_1861 = arith.constant 0 : i32
        %parallel_loop3A_1862 = tpu.memref_slice %arg6[%parallel_loop3A_1080, %parallel_loop3A_1860, %parallel_loop3A_1861] : memref<5x128x64xf32, #tpu.memory_space<vmem>> -> memref<1x128x64xf32, #tpu.memory_space<vmem>>
        %parallel_loop3A_1863 = tpu.memref_squeeze %parallel_loop3A_1862 : memref<1x128x64xf32, #tpu.memory_space<vmem>> -> memref<128x64xf32, #tpu.memory_space<vmem>>
        %parallel_loop3A_1864 = arith.index_cast %parallel_loop3A_1858 : i32 to index
        %parallel_loop3A_1865 = arith.constant 0 : index
        %parallel_loop3A_1866 = tpu.vector_load %parallel_loop3A_1863[%parallel_loop3A_1864, %parallel_loop3A_1865] {strides = array<i32>} : memref<128x64xf32, #tpu.memory_space<vmem>>, vector<16xf32>,
        %parallel_loop3A_1867 = arith.constant 0 : i32
        %parallel_loop3A_1868 = arith.constant 0 : i32
        %parallel_loop3A_1869 = tpu.memref_slice %arg7[%parallel_loop3A_1081, %parallel_loop3A_1867, %parallel_loop3A_1868] : memref<5x64x129xf32, #tpu.memory_space<vmem>> -> memref<1x64x129xf32, #tpu.memory_space<vmem>>
        %parallel_loop3A_1870 = tpu.memref_squeeze %parallel_loop3A_1869 : memref<1x64x129xf32, #tpu.memory_space<vmem>> -> memref<64x129xf32, #tpu.memory_space<vmem>>
        tpu.vector_store_idx %parallel_loop3A_1870[%add3A_7, %parallel_loop3A_1859], %parallel_loop3A_1866 : memref<64x129xf32, #tpu.memory_space<vmem>>[vector<16xi32>, vector<16xi32>], vector<16xf32>,
        %parallel_loop3A_1871 = arith.constant 0 : i32
        %parallel_loop3A_1872 = arith.constant 0 : i32
        %parallel_loop3A_1873 = tpu.memref_slice %arg6[%parallel_loop3A_1080, %parallel_loop3A_1871, %parallel_loop3A_1872] : memref<5x128x64xf32, #tpu.memory_space<vmem>> -> memref<1x128x64xf32, #tpu.memory_space<vmem>>
        %parallel_loop3A_1874 = tpu.memref_squeeze %parallel_loop3A_1873 : memref<1x128x64xf32, #tpu.memory_space<vmem>> -> memref<128x64xf32, #tpu.memory_space<vmem>>
        %parallel_loop3A_1875 = arith.index_cast %parallel_loop3A_1858 : i32 to index
        %parallel_loop3A_1876 = arith.constant 16 : index
        %parallel_loop3A_1877 = tpu.vector_load %parallel_loop3A_1874[%parallel_loop3A_1875, %parallel_loop3A_1876] {strides = array<i32>} : memref<128x64xf32, #tpu.memory_space<vmem>>, vector<16xf32>,
        %parallel_loop3A_1878 = arith.constant 0 : i32
        %parallel_loop3A_1879 = arith.constant 0 : i32
        %parallel_loop3A_1880 = tpu.memref_slice %arg7[%parallel_loop3A_1081, %parallel_loop3A_1878, %parallel_loop3A_1879] : memref<5x64x129xf32, #tpu.memory_space<vmem>> -> memref<1x64x129xf32, #tpu.memory_space<vmem>>
        %parallel_loop3A_1881 = tpu.memref_squeeze %parallel_loop3A_1880 : memref<1x64x129xf32, #tpu.memory_space<vmem>> -> memref<64x129xf32, #tpu.memory_space<vmem>>
        tpu.vector_store_idx %parallel_loop3A_1881[%add3A_10, %parallel_loop3A_1859], %parallel_loop3A_1877 : memref<64x129xf32, #tpu.memory_space<vmem>>[vector<16xi32>, vector<16xi32>], vector<16xf32>,
        %parallel_loop3A_1882 = arith.constant 0 : i32
        %parallel_loop3A_1883 = arith.constant 0 : i32
        %parallel_loop3A_1884 = tpu.memref_slice %arg6[%parallel_loop3A_1080, %parallel_loop3A_1882, %parallel_loop3A_1883] : memref<5x128x64xf32, #tpu.memory_space<vmem>> -> memref<1x128x64xf32, #tpu.memory_space<vmem>>
        %parallel_loop3A_1885 = tpu.memref_squeeze %parallel_loop3A_1884 : memref<1x128x64xf32, #tpu.memory_space<vmem>> -> memref<128x64xf32, #tpu.memory_space<vmem>>
        %parallel_loop3A_1886 = arith.index_cast %parallel_loop3A_1858 : i32 to index
        %parallel_loop3A_1887 = arith.constant 32 : index
        %parallel_loop3A_1888 = tpu.vector_load %parallel_loop3A_1885[%parallel_loop3A_1886, %parallel_loop3A_1887] {strides = array<i32>} : memref<128x64xf32, #tpu.memory_space<vmem>>, vector<16xf32>,
        %parallel_loop3A_1889 = arith.constant 0 : i32
        %parallel_loop3A_1890 = arith.constant 0 : i32
        %parallel_loop3A_1891 = tpu.memref_slice %arg7[%parallel_loop3A_1081, %parallel_loop3A_1889, %parallel_loop3A_1890] : memref<5x64x129xf32, #tpu.memory_space<vmem>> -> memref<1x64x129xf32, #tpu.memory_space<vmem>>
        %parallel_loop3A_1892 = tpu.memref_squeeze %parallel_loop3A_1891 : memref<1x64x129xf32, #tpu.memory_space<vmem>> -> memref<64x129xf32, #tpu.memory_space<vmem>>
        tpu.vector_store_idx %parallel_loop3A_1892[%add3A_13, %parallel_loop3A_1859], %parallel_loop3A_1888 : memref<64x129xf32, #tpu.memory_space<vmem>>[vector<16xi32>, vector<16xi32>], vector<16xf32>,
        %parallel_loop3A_1893 = arith.constant 0 : i32
        %parallel_loop3A_1894 = arith.constant 0 : i32
        %parallel_loop3A_1895 = tpu.memref_slice %arg6[%parallel_loop3A_1080, %parallel_loop3A_1893, %parallel_loop3A_1894] : memref<5x128x64xf32, #tpu.memory_space<vmem>> -> memref<1x128x64xf32, #tpu.memory_space<vmem>>
        %parallel_loop3A_1896 = tpu.memref_squeeze %parallel_loop3A_1895 : memref<1x128x64xf32, #tpu.memory_space<vmem>> -> memref<128x64xf32, #tpu.memory_space<vmem>>
        %parallel_loop3A_1897 = arith.index_cast %parallel_loop3A_1858 : i32 to index
        %parallel_loop3A_1898 = arith.constant 48 : index
        %parallel_loop3A_1899 = tpu.vector_load %parallel_loop3A_1896[%parallel_loop3A_1897, %parallel_loop3A_1898] {strides = array<i32>} : memref<128x64xf32, #tpu.memory_space<vmem>>, vector<16xf32>,
        %parallel_loop3A_1900 = arith.constant 0 : i32
        %parallel_loop3A_1901 = arith.constant 0 : i32
        %parallel_loop3A_1902 = tpu.memref_slice %arg7[%parallel_loop3A_1081, %parallel_loop3A_1900, %parallel_loop3A_1901] : memref<5x64x129xf32, #tpu.memory_space<vmem>> -> memref<1x64x129xf32, #tpu.memory_space<vmem>>
        %parallel_loop3A_1903 = tpu.memref_squeeze %parallel_loop3A_1902 : memref<1x64x129xf32, #tpu.memory_space<vmem>> -> memref<64x129xf32, #tpu.memory_space<vmem>>
        tpu.vector_store_idx %parallel_loop3A_1903[%add3A_16, %parallel_loop3A_1859], %parallel_loop3A_1899 : memref<64x129xf32, #tpu.memory_space<vmem>>[vector<16xi32>, vector<16xi32>], vector<16xf32>,
      } {sc.loop_unroll_factor = 4 : i64, sc.parallel_access}
      %add3A_1082 = arith.addi %mul3A_2, %add3A_1061 : i32
      %jit3A_1083 = arith.constant 32 : i32
      %div3A_1084 = arith.divsi %add3A_1082, %jit3A_1083 : i32
      %sign3A_1085 = arith.constant 0 : i32
      %sign3A_1086 = arith.cmpi sgt, %add3A_1082, %sign3A_1085 : i32
      %sign3A_1087 = arith.extui %sign3A_1086 : i1 to i32
      %sign3A_1088 = arith.constant 0 : i32
      %sign3A_1089 = arith.cmpi slt, %add3A_1082, %sign3A_1088 : i32
      %sign3A_1090 = arith.extui %sign3A_1089 : i1 to i32
      %sign3A_1091 = arith.subi %sign3A_1087, %sign3A_1090 : i32
      %sign3A_1092 = arith.constant 0 : i32
      %sign3A_1093 = arith.cmpi sgt, %jit3A_1083, %sign3A_1092 : i32
      %sign3A_1094 = arith.extui %sign3A_1093 : i1 to i32
      %sign3A_1095 = arith.constant 0 : i32
      %sign3A_1096 = arith.cmpi slt, %jit3A_1083, %sign3A_1095 : i32
      %sign3A_1097 = arith.extui %sign3A_1096 : i1 to i32
      %sign3A_1098 = arith.subi %sign3A_1094, %sign3A_1097 : i32
      %ne3A_1099 = arith.cmpi ne, %sign3A_1091, %sign3A_1098 : i32
      %rem3A_1100 = arith.remsi %add3A_1082, %jit3A_1083 : i32
      %ne3A_1101 = arith.constant 0 : i32
      %ne3A_1102 = arith.cmpi ne, %rem3A_1100, %ne3A_1101 : i32
      %and3A_1103 = arith.andi %ne3A_1099, %ne3A_1102 : i1
      %sub3A_1104 = arith.constant 1 : i32
      %sub3A_1105 = arith.subi %div3A_1084, %sub3A_1104 : i32
      %select_n3A_1106 = arith.select %and3A_1103, %sub3A_1105, %div3A_1084 : i32
      %rem3A_1107 = arith.constant 32 : i32
      %rem3A_1108 = arith.remsi %add3A_1082, %rem3A_1107 : i32
      %dma_start3A_1109 = arith.constant 1 : i32
      %dma_start3A_1110 = arith.constant 0 : i32
      %dma_start3A_1111 = arith.constant 0 : i32
      %dma_start3A_1112 = arith.constant 0 : i32
      %dma_start3A_1113 = tpu.memref_slice %arg7[%dma_start3A_1109, %dma_start3A_1111, %dma_start3A_1112] : memref<5x64x129xf32, #tpu.memory_space<vmem>> -> memref<1x8x128xf32, #tpu.memory_space<vmem>>
      %dma_start3A_1114 = tpu.memref_squeeze %dma_start3A_1113 : memref<1x8x128xf32, #tpu.memory_space<vmem>> -> memref<8x128xf32, #tpu.memory_space<vmem>>
      %dma_start3A_1115 = arith.constant 0 : i32
      %dma_start3A_1116 = arith.constant 0 : i32
      %dma_start3A_1117 = tpu.memref_slice %arg4[%select_n3A_1106, %dma_start3A_1110, %rem3A_1108, %dma_start3A_1115, %dma_start3A_1116] : memref<50x8x32x8x128xf32, #tpu.memory_space<hbm>> -> memref<1x1x1x8x128xf32, #tpu.memory_space<hbm>>
      %dma_start3A_1118 = tpu.memref_squeeze %dma_start3A_1117 : memref<1x1x1x8x128xf32, #tpu.memory_space<hbm>> -> memref<8x128xf32, #tpu.memory_space<hbm>>
      %dma_start3A_1119 = arith.constant 0 : i32
      %dma_start3A_1120 = arith.constant 0 : i32
      %dma_start3A_1121 = tpu.memref_slice %arg4[%select_n3A_1106, %dma_start3A_1110, %rem3A_1108, %dma_start3A_1119, %dma_start3A_1120] : memref<50x8x32x8x128xf32, #tpu.memory_space<hbm>> -> memref<1x1x1x8x128xf32, #tpu.memory_space<hbm>>
      %dma_start3A_1122 = tpu.memref_squeeze %dma_start3A_1121 : memref<1x1x1x8x128xf32, #tpu.memory_space<hbm>> -> memref<8x128xf32, #tpu.memory_space<hbm>>
      %dma_start3A_1123 = arith.constant 0 : i32
      %dma_start3A_1124 = arith.constant 0 : i32
      %dma_start3A_1125 = tpu.memref_slice %arg7[%dma_start3A_1109, %dma_start3A_1123, %dma_start3A_1124] : memref<5x64x129xf32, #tpu.memory_space<vmem>> -> memref<1x8x128xf32, #tpu.memory_space<vmem>>
      %dma_start3A_1126 = tpu.memref_squeeze %dma_start3A_1125 : memref<1x8x128xf32, #tpu.memory_space<vmem>> -> memref<8x128xf32, #tpu.memory_space<vmem>>
      tpu.enqueue_dma source(%dma_start3A_1126 : memref<8x128xf32, #tpu.memory_space<vmem>>) target(%dma_start3A_1122 : memref<8x128xf32, #tpu.memory_space<hbm>>) target_semaphore(%arg9 : memref<!tpu.dma_semaphore, #tpu.memory_space<semaphore_mem>>)
      %dma_start3A_1127 = arith.constant 1 : i32
      %dma_start3A_1128 = arith.constant 1 : i32
      %dma_start3A_1129 = arith.constant 8 : i32
      %dma_start3A_1130 = arith.constant 0 : i32
      %dma_start3A_1131 = tpu.memref_slice %arg7[%dma_start3A_1127, %dma_start3A_1129, %dma_start3A_1130] : memref<5x64x129xf32, #tpu.memory_space<vmem>> -> memref<1x8x128xf32, #tpu.memory_space<vmem>>
      %dma_start3A_1132 = tpu.memref_squeeze %dma_start3A_1131 : memref<1x8x128xf32, #tpu.memory_space<vmem>> -> memref<8x128xf32, #tpu.memory_space<vmem>>
      %dma_start3A_1133 = arith.constant 0 : i32
      %dma_start3A_1134 = arith.constant 0 : i32
      %dma_start3A_1135 = tpu.memref_slice %arg4[%select_n3A_1106, %dma_start3A_1128, %rem3A_1108, %dma_start3A_1133, %dma_start3A_1134] : memref<50x8x32x8x128xf32, #tpu.memory_space<hbm>> -> memref<1x1x1x8x128xf32, #tpu.memory_space<hbm>>
      %dma_start3A_1136 = tpu.memref_squeeze %dma_start3A_1135 : memref<1x1x1x8x128xf32, #tpu.memory_space<hbm>> -> memref<8x128xf32, #tpu.memory_space<hbm>>
      %dma_start3A_1137 = arith.constant 0 : i32
      %dma_start3A_1138 = arith.constant 0 : i32
      %dma_start3A_1139 = tpu.memref_slice %arg4[%select_n3A_1106, %dma_start3A_1128, %rem3A_1108, %dma_start3A_1137, %dma_start3A_1138] : memref<50x8x32x8x128xf32, #tpu.memory_space<hbm>> -> memref<1x1x1x8x128xf32, #tpu.memory_space<hbm>>
      %dma_start3A_1140 = tpu.memref_squeeze %dma_start3A_1139 : memref<1x1x1x8x128xf32, #tpu.memory_space<hbm>> -> memref<8x128xf32, #tpu.memory_space<hbm>>
      %dma_start3A_1141 = arith.constant 8 : i32
      %dma_start3A_1142 = arith.constant 0 : i32
      %dma_start3A_1143 = tpu.memref_slice %arg7[%dma_start3A_1127, %dma_start3A_1141, %dma_start3A_1142] : memref<5x64x129xf32, #tpu.memory_space<vmem>> -> memref<1x8x128xf32, #tpu.memory_space<vmem>>
      %dma_start3A_1144 = tpu.memref_squeeze %dma_start3A_1143 : memref<1x8x128xf32, #tpu.memory_space<vmem>> -> memref<8x128xf32, #tpu.memory_space<vmem>>
      tpu.enqueue_dma source(%dma_start3A_1144 : memref<8x128xf32, #tpu.memory_space<vmem>>) target(%dma_start3A_1140 : memref<8x128xf32, #tpu.memory_space<hbm>>) target_semaphore(%arg9 : memref<!tpu.dma_semaphore, #tpu.memory_space<semaphore_mem>>)
      %dma_start3A_1145 = arith.constant 1 : i32
      %dma_start3A_1146 = arith.constant 2 : i32
      %dma_start3A_1147 = arith.constant 16 : i32
      %dma_start3A_1148 = arith.constant 0 : i32
      %dma_start3A_1149 = tpu.memref_slice %arg7[%dma_start3A_1145, %dma_start3A_1147, %dma_start3A_1148] : memref<5x64x129xf32, #tpu.memory_space<vmem>> -> memref<1x8x128xf32, #tpu.memory_space<vmem>>
      %dma_start3A_1150 = tpu.memref_squeeze %dma_start3A_1149 : memref<1x8x128xf32, #tpu.memory_space<vmem>> -> memref<8x128xf32, #tpu.memory_space<vmem>>
      %dma_start3A_1151 = arith.constant 0 : i32
      %dma_start3A_1152 = arith.constant 0 : i32
      %dma_start3A_1153 = tpu.memref_slice %arg4[%select_n3A_1106, %dma_start3A_1146, %rem3A_1108, %dma_start3A_1151, %dma_start3A_1152] : memref<50x8x32x8x128xf32, #tpu.memory_space<hbm>> -> memref<1x1x1x8x128xf32, #tpu.memory_space<hbm>>
      %dma_start3A_1154 = tpu.memref_squeeze %dma_start3A_1153 : memref<1x1x1x8x128xf32, #tpu.memory_space<hbm>> -> memref<8x128xf32, #tpu.memory_space<hbm>>
      %dma_start3A_1155 = arith.constant 0 : i32
      %dma_start3A_1156 = arith.constant 0 : i32
      %dma_start3A_1157 = tpu.memref_slice %arg4[%select_n3A_1106, %dma_start3A_1146, %rem3A_1108, %dma_start3A_1155, %dma_start3A_1156] : memref<50x8x32x8x128xf32, #tpu.memory_space<hbm>> -> memref<1x1x1x8x128xf32, #tpu.memory_space<hbm>>
      %dma_start3A_1158 = tpu.memref_squeeze %dma_start3A_1157 : memref<1x1x1x8x128xf32, #tpu.memory_space<hbm>> -> memref<8x128xf32, #tpu.memory_space<hbm>>
      %dma_start3A_1159 = arith.constant 16 : i32
      %dma_start3A_1160 = arith.constant 0 : i32
      %dma_start3A_1161 = tpu.memref_slice %arg7[%dma_start3A_1145, %dma_start3A_1159, %dma_start3A_1160] : memref<5x64x129xf32, #tpu.memory_space<vmem>> -> memref<1x8x128xf32, #tpu.memory_space<vmem>>
      %dma_start3A_1162 = tpu.memref_squeeze %dma_start3A_1161 : memref<1x8x128xf32, #tpu.memory_space<vmem>> -> memref<8x128xf32, #tpu.memory_space<vmem>>
      tpu.enqueue_dma source(%dma_start3A_1162 : memref<8x128xf32, #tpu.memory_space<vmem>>) target(%dma_start3A_1158 : memref<8x128xf32, #tpu.memory_space<hbm>>) target_semaphore(%arg9 : memref<!tpu.dma_semaphore, #tpu.memory_space<semaphore_mem>>)
      %dma_start3A_1163 = arith.constant 1 : i32
      %dma_start3A_1164 = arith.constant 3 : i32
      %dma_start3A_1165 = arith.constant 24 : i32
      %dma_start3A_1166 = arith.constant 0 : i32
      %dma_start3A_1167 = tpu.memref_slice %arg7[%dma_start3A_1163, %dma_start3A_1165, %dma_start3A_1166] : memref<5x64x129xf32, #tpu.memory_space<vmem>> -> memref<1x8x128xf32, #tpu.memory_space<vmem>>
      %dma_start3A_1168 = tpu.memref_squeeze %dma_start3A_1167 : memref<1x8x128xf32, #tpu.memory_space<vmem>> -> memref<8x128xf32, #tpu.memory_space<vmem>>
      %dma_start3A_1169 = arith.constant 0 : i32
      %dma_start3A_1170 = arith.constant 0 : i32
      %dma_start3A_1171 = tpu.memref_slice %arg4[%select_n3A_1106, %dma_start3A_1164, %rem3A_1108, %dma_start3A_1169, %dma_start3A_1170] : memref<50x8x32x8x128xf32, #tpu.memory_space<hbm>> -> memref<1x1x1x8x128xf32, #tpu.memory_space<hbm>>
      %dma_start3A_1172 = tpu.memref_squeeze %dma_start3A_1171 : memref<1x1x1x8x128xf32, #tpu.memory_space<hbm>> -> memref<8x128xf32, #tpu.memory_space<hbm>>
      %dma_start3A_1173 = arith.constant 0 : i32
      %dma_start3A_1174 = arith.constant 0 : i32
      %dma_start3A_1175 = tpu.memref_slice %arg4[%select_n3A_1106, %dma_start3A_1164, %rem3A_1108, %dma_start3A_1173, %dma_start3A_1174] : memref<50x8x32x8x128xf32, #tpu.memory_space<hbm>> -> memref<1x1x1x8x128xf32, #tpu.memory_space<hbm>>
      %dma_start3A_1176 = tpu.memref_squeeze %dma_start3A_1175 : memref<1x1x1x8x128xf32, #tpu.memory_space<hbm>> -> memref<8x128xf32, #tpu.memory_space<hbm>>
      %dma_start3A_1177 = arith.constant 24 : i32
      %dma_start3A_1178 = arith.constant 0 : i32
      %dma_start3A_1179 = tpu.memref_slice %arg7[%dma_start3A_1163, %dma_start3A_1177, %dma_start3A_1178] : memref<5x64x129xf32, #tpu.memory_space<vmem>> -> memref<1x8x128xf32, #tpu.memory_space<vmem>>
      %dma_start3A_1180 = tpu.memref_squeeze %dma_start3A_1179 : memref<1x8x128xf32, #tpu.memory_space<vmem>> -> memref<8x128xf32, #tpu.memory_space<vmem>>
      tpu.enqueue_dma source(%dma_start3A_1180 : memref<8x128xf32, #tpu.memory_space<vmem>>) target(%dma_start3A_1176 : memref<8x128xf32, #tpu.memory_space<hbm>>) target_semaphore(%arg9 : memref<!tpu.dma_semaphore, #tpu.memory_space<semaphore_mem>>)
      %dma_start3A_1181 = arith.constant 1 : i32
      %dma_start3A_1182 = arith.constant 4 : i32
      %dma_start3A_1183 = arith.constant 32 : i32
      %dma_start3A_1184 = arith.constant 0 : i32
      %dma_start3A_1185 = tpu.memref_slice %arg7[%dma_start3A_1181, %dma_start3A_1183, %dma_start3A_1184] : memref<5x64x129xf32, #tpu.memory_space<vmem>> -> memref<1x8x128xf32, #tpu.memory_space<vmem>>
      %dma_start3A_1186 = tpu.memref_squeeze %dma_start3A_1185 : memref<1x8x128xf32, #tpu.memory_space<vmem>> -> memref<8x128xf32, #tpu.memory_space<vmem>>
      %dma_start3A_1187 = arith.constant 0 : i32
      %dma_start3A_1188 = arith.constant 0 : i32
      %dma_start3A_1189 = tpu.memref_slice %arg4[%select_n3A_1106, %dma_start3A_1182, %rem3A_1108, %dma_start3A_1187, %dma_start3A_1188] : memref<50x8x32x8x128xf32, #tpu.memory_space<hbm>> -> memref<1x1x1x8x128xf32, #tpu.memory_space<hbm>>
      %dma_start3A_1190 = tpu.memref_squeeze %dma_start3A_1189 : memref<1x1x1x8x128xf32, #tpu.memory_space<hbm>> -> memref<8x128xf32, #tpu.memory_space<hbm>>
      %dma_start3A_1191 = arith.constant 0 : i32
      %dma_start3A_1192 = arith.constant 0 : i32
      %dma_start3A_1193 = tpu.memref_slice %arg4[%select_n3A_1106, %dma_start3A_1182, %rem3A_1108, %dma_start3A_1191, %dma_start3A_1192] : memref<50x8x32x8x128xf32, #tpu.memory_space<hbm>> -> memref<1x1x1x8x128xf32, #tpu.memory_space<hbm>>
      %dma_start3A_1194 = tpu.memref_squeeze %dma_start3A_1193 : memref<1x1x1x8x128xf32, #tpu.memory_space<hbm>> -> memref<8x128xf32, #tpu.memory_space<hbm>>
      %dma_start3A_1195 = arith.constant 32 : i32
      %dma_start3A_1196 = arith.constant 0 : i32
      %dma_start3A_1197 = tpu.memref_slice %arg7[%dma_start3A_1181, %dma_start3A_1195, %dma_start3A_1196] : memref<5x64x129xf32, #tpu.memory_space<vmem>> -> memref<1x8x128xf32, #tpu.memory_space<vmem>>
      %dma_start3A_1198 = tpu.memref_squeeze %dma_start3A_1197 : memref<1x8x128xf32, #tpu.memory_space<vmem>> -> memref<8x128xf32, #tpu.memory_space<vmem>>
      tpu.enqueue_dma source(%dma_start3A_1198 : memref<8x128xf32, #tpu.memory_space<vmem>>) target(%dma_start3A_1194 : memref<8x128xf32, #tpu.memory_space<hbm>>) target_semaphore(%arg9 : memref<!tpu.dma_semaphore, #tpu.memory_space<semaphore_mem>>)
      %dma_start3A_1199 = arith.constant 1 : i32
      %dma_start3A_1200 = arith.constant 5 : i32
      %dma_start3A_1201 = arith.constant 40 : i32
      %dma_start3A_1202 = arith.constant 0 : i32
      %dma_start3A_1203 = tpu.memref_slice %arg7[%dma_start3A_1199, %dma_start3A_1201, %dma_start3A_1202] : memref<5x64x129xf32, #tpu.memory_space<vmem>> -> memref<1x8x128xf32, #tpu.memory_space<vmem>>
      %dma_start3A_1204 = tpu.memref_squeeze %dma_start3A_1203 : memref<1x8x128xf32, #tpu.memory_space<vmem>> -> memref<8x128xf32, #tpu.memory_space<vmem>>
      %dma_start3A_1205 = arith.constant 0 : i32
      %dma_start3A_1206 = arith.constant 0 : i32
      %dma_start3A_1207 = tpu.memref_slice %arg4[%select_n3A_1106, %dma_start3A_1200, %rem3A_1108, %dma_start3A_1205, %dma_start3A_1206] : memref<50x8x32x8x128xf32, #tpu.memory_space<hbm>> -> memref<1x1x1x8x128xf32, #tpu.memory_space<hbm>>
      %dma_start3A_1208 = tpu.memref_squeeze %dma_start3A_1207 : memref<1x1x1x8x128xf32, #tpu.memory_space<hbm>> -> memref<8x128xf32, #tpu.memory_space<hbm>>
      %dma_start3A_1209 = arith.constant 0 : i32
      %dma_start3A_1210 = arith.constant 0 : i32
      %dma_start3A_1211 = tpu.memref_slice %arg4[%select_n3A_1106, %dma_start3A_1200, %rem3A_1108, %dma_start3A_1209, %dma_start3A_1210] : memref<50x8x32x8x128xf32, #tpu.memory_space<hbm>> -> memref<1x1x1x8x128xf32, #tpu.memory_space<hbm>>
      %dma_start3A_1212 = tpu.memref_squeeze %dma_start3A_1211 : memref<1x1x1x8x128xf32, #tpu.memory_space<hbm>> -> memref<8x128xf32, #tpu.memory_space<hbm>>
      %dma_start3A_1213 = arith.constant 40 : i32
      %dma_start3A_1214 = arith.constant 0 : i32
      %dma_start3A_1215 = tpu.memref_slice %arg7[%dma_start3A_1199, %dma_start3A_1213, %dma_start3A_1214] : memref<5x64x129xf32, #tpu.memory_space<vmem>> -> memref<1x8x128xf32, #tpu.memory_space<vmem>>
      %dma_start3A_1216 = tpu.memref_squeeze %dma_start3A_1215 : memref<1x8x128xf32, #tpu.memory_space<vmem>> -> memref<8x128xf32, #tpu.memory_space<vmem>>
      tpu.enqueue_dma source(%dma_start3A_1216 : memref<8x128xf32, #tpu.memory_space<vmem>>) target(%dma_start3A_1212 : memref<8x128xf32, #tpu.memory_space<hbm>>) target_semaphore(%arg9 : memref<!tpu.dma_semaphore, #tpu.memory_space<semaphore_mem>>)
      %dma_start3A_1217 = arith.constant 1 : i32
      %dma_start3A_1218 = arith.constant 6 : i32
      %dma_start3A_1219 = arith.constant 48 : i32
      %dma_start3A_1220 = arith.constant 0 : i32
      %dma_start3A_1221 = tpu.memref_slice %arg7[%dma_start3A_1217, %dma_start3A_1219, %dma_start3A_1220] : memref<5x64x129xf32, #tpu.memory_space<vmem>> -> memref<1x8x128xf32, #tpu.memory_space<vmem>>
      %dma_start3A_1222 = tpu.memref_squeeze %dma_start3A_1221 : memref<1x8x128xf32, #tpu.memory_space<vmem>> -> memref<8x128xf32, #tpu.memory_space<vmem>>
      %dma_start3A_1223 = arith.constant 0 : i32
      %dma_start3A_1224 = arith.constant 0 : i32
      %dma_start3A_1225 = tpu.memref_slice %arg4[%select_n3A_1106, %dma_start3A_1218, %rem3A_1108, %dma_start3A_1223, %dma_start3A_1224] : memref<50x8x32x8x128xf32, #tpu.memory_space<hbm>> -> memref<1x1x1x8x128xf32, #tpu.memory_space<hbm>>
      %dma_start3A_1226 = tpu.memref_squeeze %dma_start3A_1225 : memref<1x1x1x8x128xf32, #tpu.memory_space<hbm>> -> memref<8x128xf32, #tpu.memory_space<hbm>>
      %dma_start3A_1227 = arith.constant 0 : i32
      %dma_start3A_1228 = arith.constant 0 : i32
      %dma_start3A_1229 = tpu.memref_slice %arg4[%select_n3A_1106, %dma_start3A_1218, %rem3A_1108, %dma_start3A_1227, %dma_start3A_1228] : memref<50x8x32x8x128xf32, #tpu.memory_space<hbm>> -> memref<1x1x1x8x128xf32, #tpu.memory_space<hbm>>
      %dma_start3A_1230 = tpu.memref_squeeze %dma_start3A_1229 : memref<1x1x1x8x128xf32, #tpu.memory_space<hbm>> -> memref<8x128xf32, #tpu.memory_space<hbm>>
      %dma_start3A_1231 = arith.constant 48 : i32
      %dma_start3A_1232 = arith.constant 0 : i32
      %dma_start3A_1233 = tpu.memref_slice %arg7[%dma_start3A_1217, %dma_start3A_1231, %dma_start3A_1232] : memref<5x64x129xf32, #tpu.memory_space<vmem>> -> memref<1x8x128xf32, #tpu.memory_space<vmem>>
      %dma_start3A_1234 = tpu.memref_squeeze %dma_start3A_1233 : memref<1x8x128xf32, #tpu.memory_space<vmem>> -> memref<8x128xf32, #tpu.memory_space<vmem>>
      tpu.enqueue_dma source(%dma_start3A_1234 : memref<8x128xf32, #tpu.memory_space<vmem>>) target(%dma_start3A_1230 : memref<8x128xf32, #tpu.memory_space<hbm>>) target_semaphore(%arg9 : memref<!tpu.dma_semaphore, #tpu.memory_space<semaphore_mem>>)
      %dma_start3A_1235 = arith.constant 1 : i32
      %dma_start3A_1236 = arith.constant 7 : i32
      %dma_start3A_1237 = arith.constant 56 : i32
      %dma_start3A_1238 = arith.constant 0 : i32
      %dma_start3A_1239 = tpu.memref_slice %arg7[%dma_start3A_1235, %dma_start3A_1237, %dma_start3A_1238] : memref<5x64x129xf32, #tpu.memory_space<vmem>> -> memref<1x8x128xf32, #tpu.memory_space<vmem>>
      %dma_start3A_1240 = tpu.memref_squeeze %dma_start3A_1239 : memref<1x8x128xf32, #tpu.memory_space<vmem>> -> memref<8x128xf32, #tpu.memory_space<vmem>>
      %dma_start3A_1241 = arith.constant 0 : i32
      %dma_start3A_1242 = arith.constant 0 : i32
      %dma_start3A_1243 = tpu.memref_slice %arg4[%select_n3A_1106, %dma_start3A_1236, %rem3A_1108, %dma_start3A_1241, %dma_start3A_1242] : memref<50x8x32x8x128xf32, #tpu.memory_space<hbm>> -> memref<1x1x1x8x128xf32, #tpu.memory_space<hbm>>
      %dma_start3A_1244 = tpu.memref_squeeze %dma_start3A_1243 : memref<1x1x1x8x128xf32, #tpu.memory_space<hbm>> -> memref<8x128xf32, #tpu.memory_space<hbm>>
      %dma_start3A_1245 = arith.constant 0 : i32
      %dma_start3A_1246 = arith.constant 0 : i32
      %dma_start3A_1247 = tpu.memref_slice %arg4[%select_n3A_1106, %dma_start3A_1236, %rem3A_1108, %dma_start3A_1245, %dma_start3A_1246] : memref<50x8x32x8x128xf32, #tpu.memory_space<hbm>> -> memref<1x1x1x8x128xf32, #tpu.memory_space<hbm>>
      %dma_start3A_1248 = tpu.memref_squeeze %dma_start3A_1247 : memref<1x1x1x8x128xf32, #tpu.memory_space<hbm>> -> memref<8x128xf32, #tpu.memory_space<hbm>>
      %dma_start3A_1249 = arith.constant 56 : i32
      %dma_start3A_1250 = arith.constant 0 : i32
      %dma_start3A_1251 = tpu.memref_slice %arg7[%dma_start3A_1235, %dma_start3A_1249, %dma_start3A_1250] : memref<5x64x129xf32, #tpu.memory_space<vmem>> -> memref<1x8x128xf32, #tpu.memory_space<vmem>>
      %dma_start3A_1252 = tpu.memref_squeeze %dma_start3A_1251 : memref<1x8x128xf32, #tpu.memory_space<vmem>> -> memref<8x128xf32, #tpu.memory_space<vmem>>
      tpu.enqueue_dma source(%dma_start3A_1252 : memref<8x128xf32, #tpu.memory_space<vmem>>) target(%dma_start3A_1248 : memref<8x128xf32, #tpu.memory_space<hbm>>) target_semaphore(%arg9 : memref<!tpu.dma_semaphore, #tpu.memory_space<semaphore_mem>>)
      %lt3A_1253 = arith.constant 9 : i32
      %lt3A_1254 = arith.cmpi slt, %scan3A_870, %lt3A_1253 : i32
      %convert_element_type3A_1255 = arith.extui %lt3A_1254 : i1 to i32
      %cond3A_1256 = arith.constant 0 : i32
      %cond3A_1257 = arith.cmpi ne, %convert_element_type3A_1255, %cond3A_1256 : i32
      scf.if %cond3A_1257 {
        %add3A_1858 = arith.constant 5 : i32
        %add3A_1859 = arith.addi %add3A_1061, %add3A_1858 : i32
        %mul3A_1860 = arith.constant 128 : i32
        %mul3A_1861 = arith.muli %add3A_1859, %mul3A_1860 : i32
        %dma_start3A_1862 = arith.constant 1 : i32
        %dma_start3A_1863 = arith.constant 0 : i32
        %dma_start3A_1864 = arith.constant 0 : i32
        %dma_start3A_1865 = tpu.memref_slice %arg6[%dma_start3A_1862, %dma_start3A_1863, %dma_start3A_1864] : memref<5x128x64xf32, #tpu.memory_space<vmem>> -> memref<1x128x64xf32, #tpu.memory_space<vmem>>
        %dma_start3A_1866 = tpu.memref_squeeze %dma_start3A_1865 : memref<1x128x64xf32, #tpu.memory_space<vmem>> -> memref<128x64xf32, #tpu.memory_space<vmem>>
        %dma_start3A_1867 = tpu.memref_slice %arg5[%mul3A_1861] : memref<6400xi32, #tpu.memory_space<vmem>> -> memref<128xi32, #tpu.memory_space<vmem>>
        %dma_start3A_1868 = arith.constant 0 : i32
        %dma_start3A_1869 = arith.constant 0 : i32
        %dma_start3A_1870 = tpu.memref_slice %arg3[%dma_start3A_1868, %dma_start3A_1869] : memref<100000x64xf32, #tpu.memory_space<hbm>> -> memref<100000x64xf32, #tpu.memory_space<hbm>>
        tpu.enqueue_indirect_dma source(%dma_start3A_1870 : memref<100000x64xf32, #tpu.memory_space<hbm>>) target(%dma_start3A_1866 : memref<128x64xf32, #tpu.memory_space<vmem>>) offsets(%dma_start3A_1867 : memref<128xi32, #tpu.memory_space<vmem>>) semaphore(%arg8 : memref<!tpu.dma_semaphore, #tpu.memory_space<semaphore_mem>>)
      } else {
      }
      %mul3A_1258 = arith.constant 5 : i32
      %mul3A_1259 = arith.muli %scan3A_870, %mul3A_1258 : i32
      %add3A_1260 = arith.constant 2 : i32
      %add3A_1261 = arith.addi %mul3A_1259, %add3A_1260 : i32
      %dma_wait3A_1262 = arith.constant 2 : i32
      %dma_wait3A_1263 = arith.constant 0 : i32
      %dma_wait3A_1264 = arith.constant 0 : i32
      %dma_wait3A_1265 = tpu.memref_slice %arg6[%dma_wait3A_1262, %dma_wait3A_1263, %dma_wait3A_1264] : memref<5x128x64xf32, #tpu.memory_space<vmem>> -> memref<1x128x64xf32, #tpu.memory_space<vmem>>
      %dma_wait3A_1266 = tpu.memref_squeeze %dma_wait3A_1265 : memref<1x128x64xf32, #tpu.memory_space<vmem>> -> memref<128x64xf32, #tpu.memory_space<vmem>>
      %dma_wait3A_1267 = arith.constant 0 : i32
      %dma_wait3A_1268 = tpu.memref_slice %arg5[%dma_wait3A_1267] : memref<6400xi32, #tpu.memory_space<vmem>> -> memref<128xi32, #tpu.memory_space<vmem>>
      %dma_wait3A_1269 = arith.constant 0 : i32
      %dma_wait3A_1270 = arith.constant 0 : i32
      %dma_wait3A_1271 = tpu.memref_slice %arg3[%dma_wait3A_1269, %dma_wait3A_1270] : memref<100000x64xf32, #tpu.memory_space<hbm>> -> memref<100000x64xf32, #tpu.memory_space<hbm>>
      tpu.wait_indirect_dma semaphore(%arg8 : memref<!tpu.dma_semaphore, #tpu.memory_space<semaphore_mem>>) src(%dma_wait3A_1271 : memref<100000x64xf32, #tpu.memory_space<hbm>>) dst(%dma_wait3A_1266 : memref<128x64xf32, #tpu.memory_space<vmem>>)
      %gt3A_1272 = arith.constant 0 : i32
      %gt3A_1273 = arith.cmpi sgt, %scan3A_870, %gt3A_1272 : i32
      %convert_element_type3A_1274 = arith.extui %gt3A_1273 : i1 to i32
      %cond3A_1275 = arith.constant 0 : i32
      %cond3A_1276 = arith.cmpi ne, %convert_element_type3A_1274, %cond3A_1275 : i32
      scf.if %cond3A_1276 {
        %dma_wait3A_1858 = arith.constant 2 : i32
        %dma_wait3A_1859 = arith.constant 0 : i32
        %dma_wait3A_1860 = arith.constant 0 : i32
        %dma_wait3A_1861 = arith.constant 0 : i32
        %dma_wait3A_1862 = arith.constant 0 : i32
        %dma_wait3A_1863 = arith.constant 0 : i32
        %dma_wait3A_1864 = tpu.memref_slice %arg7[%dma_wait3A_1858, %dma_wait3A_1862, %dma_wait3A_1863] : memref<5x64x129xf32, #tpu.memory_space<vmem>> -> memref<1x8x128xf32, #tpu.memory_space<vmem>>
        %dma_wait3A_1865 = tpu.memref_squeeze %dma_wait3A_1864 : memref<1x8x128xf32, #tpu.memory_space<vmem>> -> memref<8x128xf32, #tpu.memory_space<vmem>>
        %dma_wait3A_1866 = arith.constant 0 : i32
        %dma_wait3A_1867 = arith.constant 0 : i32
        %dma_wait3A_1868 = tpu.memref_slice %arg4[%dma_wait3A_1859, %dma_wait3A_1860, %dma_wait3A_1861, %dma_wait3A_1866, %dma_wait3A_1867] : memref<50x8x32x8x128xf32, #tpu.memory_space<hbm>> -> memref<1x1x1x8x128xf32, #tpu.memory_space<hbm>>
        %dma_wait3A_1869 = tpu.memref_squeeze %dma_wait3A_1868 : memref<1x1x1x8x128xf32, #tpu.memory_space<hbm>> -> memref<8x128xf32, #tpu.memory_space<hbm>>
        %dma_wait3A_1870 = arith.constant 0 : i32
        %dma_wait3A_1871 = arith.constant 0 : i32
        %dma_wait3A_1872 = tpu.memref_slice %arg4[%dma_wait3A_1859, %dma_wait3A_1860, %dma_wait3A_1861, %dma_wait3A_1870, %dma_wait3A_1871] : memref<50x8x32x8x128xf32, #tpu.memory_space<hbm>> -> memref<1x1x1x8x128xf32, #tpu.memory_space<hbm>>
        %dma_wait3A_1873 = tpu.memref_squeeze %dma_wait3A_1872 : memref<1x1x1x8x128xf32, #tpu.memory_space<hbm>> -> memref<8x128xf32, #tpu.memory_space<hbm>>
        %dma_wait3A_1874 = arith.constant 0 : i32
        %dma_wait3A_1875 = arith.constant 0 : i32
        %dma_wait3A_1876 = tpu.memref_slice %arg7[%dma_wait3A_1858, %dma_wait3A_1874, %dma_wait3A_1875] : memref<5x64x129xf32, #tpu.memory_space<vmem>> -> memref<1x8x128xf32, #tpu.memory_space<vmem>>
        %dma_wait3A_1877 = tpu.memref_squeeze %dma_wait3A_1876 : memref<1x8x128xf32, #tpu.memory_space<vmem>> -> memref<8x128xf32, #tpu.memory_space<vmem>>
        tpu.wait_dma2 semaphore(%arg9 : memref<!tpu.dma_semaphore, #tpu.memory_space<semaphore_mem>>) src(%dma_wait3A_1877 : memref<8x128xf32, #tpu.memory_space<vmem>>) dst(%dma_wait3A_1873 : memref<8x128xf32, #tpu.memory_space<hbm>>)
        %dma_wait3A_1878 = arith.constant 2 : i32
        %dma_wait3A_1879 = arith.constant 0 : i32
        %dma_wait3A_1880 = arith.constant 0 : i32
        %dma_wait3A_1881 = arith.constant 0 : i32
        %dma_wait3A_1882 = arith.constant 8 : i32
        %dma_wait3A_1883 = arith.constant 0 : i32
        %dma_wait3A_1884 = tpu.memref_slice %arg7[%dma_wait3A_1878, %dma_wait3A_1882, %dma_wait3A_1883] : memref<5x64x129xf32, #tpu.memory_space<vmem>> -> memref<1x8x128xf32, #tpu.memory_space<vmem>>
        %dma_wait3A_1885 = tpu.memref_squeeze %dma_wait3A_1884 : memref<1x8x128xf32, #tpu.memory_space<vmem>> -> memref<8x128xf32, #tpu.memory_space<vmem>>
        %dma_wait3A_1886 = arith.constant 0 : i32
        %dma_wait3A_1887 = arith.constant 0 : i32
        %dma_wait3A_1888 = tpu.memref_slice %arg4[%dma_wait3A_1879, %dma_wait3A_1880, %dma_wait3A_1881, %dma_wait3A_1886, %dma_wait3A_1887] : memref<50x8x32x8x128xf32, #tpu.memory_space<hbm>> -> memref<1x1x1x8x128xf32, #tpu.memory_space<hbm>>
        %dma_wait3A_1889 = tpu.memref_squeeze %dma_wait3A_1888 : memref<1x1x1x8x128xf32, #tpu.memory_space<hbm>> -> memref<8x128xf32, #tpu.memory_space<hbm>>
        %dma_wait3A_1890 = arith.constant 0 : i32
        %dma_wait3A_1891 = arith.constant 0 : i32
        %dma_wait3A_1892 = tpu.memref_slice %arg4[%dma_wait3A_1879, %dma_wait3A_1880, %dma_wait3A_1881, %dma_wait3A_1890, %dma_wait3A_1891] : memref<50x8x32x8x128xf32, #tpu.memory_space<hbm>> -> memref<1x1x1x8x128xf32, #tpu.memory_space<hbm>>
        %dma_wait3A_1893 = tpu.memref_squeeze %dma_wait3A_1892 : memref<1x1x1x8x128xf32, #tpu.memory_space<hbm>> -> memref<8x128xf32, #tpu.memory_space<hbm>>
        %dma_wait3A_1894 = arith.constant 8 : i32
        %dma_wait3A_1895 = arith.constant 0 : i32
        %dma_wait3A_1896 = tpu.memref_slice %arg7[%dma_wait3A_1878, %dma_wait3A_1894, %dma_wait3A_1895] : memref<5x64x129xf32, #tpu.memory_space<vmem>> -> memref<1x8x128xf32, #tpu.memory_space<vmem>>
        %dma_wait3A_1897 = tpu.memref_squeeze %dma_wait3A_1896 : memref<1x8x128xf32, #tpu.memory_space<vmem>> -> memref<8x128xf32, #tpu.memory_space<vmem>>
        tpu.wait_dma2 semaphore(%arg9 : memref<!tpu.dma_semaphore, #tpu.memory_space<semaphore_mem>>) src(%dma_wait3A_1897 : memref<8x128xf32, #tpu.memory_space<vmem>>) dst(%dma_wait3A_1893 : memref<8x128xf32, #tpu.memory_space<hbm>>)
        %dma_wait3A_1898 = arith.constant 2 : i32
        %dma_wait3A_1899 = arith.constant 0 : i32
        %dma_wait3A_1900 = arith.constant 0 : i32
        %dma_wait3A_1901 = arith.constant 0 : i32
        %dma_wait3A_1902 = arith.constant 16 : i32
        %dma_wait3A_1903 = arith.constant 0 : i32
        %dma_wait3A_1904 = tpu.memref_slice %arg7[%dma_wait3A_1898, %dma_wait3A_1902, %dma_wait3A_1903] : memref<5x64x129xf32, #tpu.memory_space<vmem>> -> memref<1x8x128xf32, #tpu.memory_space<vmem>>
        %dma_wait3A_1905 = tpu.memref_squeeze %dma_wait3A_1904 : memref<1x8x128xf32, #tpu.memory_space<vmem>> -> memref<8x128xf32, #tpu.memory_space<vmem>>
        %dma_wait3A_1906 = arith.constant 0 : i32
        %dma_wait3A_1907 = arith.constant 0 : i32
        %dma_wait3A_1908 = tpu.memref_slice %arg4[%dma_wait3A_1899, %dma_wait3A_1900, %dma_wait3A_1901, %dma_wait3A_1906, %dma_wait3A_1907] : memref<50x8x32x8x128xf32, #tpu.memory_space<hbm>> -> memref<1x1x1x8x128xf32, #tpu.memory_space<hbm>>
        %dma_wait3A_1909 = tpu.memref_squeeze %dma_wait3A_1908 : memref<1x1x1x8x128xf32, #tpu.memory_space<hbm>> -> memref<8x128xf32, #tpu.memory_space<hbm>>
        %dma_wait3A_1910 = arith.constant 0 : i32
        %dma_wait3A_1911 = arith.constant 0 : i32
        %dma_wait3A_1912 = tpu.memref_slice %arg4[%dma_wait3A_1899, %dma_wait3A_1900, %dma_wait3A_1901, %dma_wait3A_1910, %dma_wait3A_1911] : memref<50x8x32x8x128xf32, #tpu.memory_space<hbm>> -> memref<1x1x1x8x128xf32, #tpu.memory_space<hbm>>
        %dma_wait3A_1913 = tpu.memref_squeeze %dma_wait3A_1912 : memref<1x1x1x8x128xf32, #tpu.memory_space<hbm>> -> memref<8x128xf32, #tpu.memory_space<hbm>>
        %dma_wait3A_1914 = arith.constant 16 : i32
        %dma_wait3A_1915 = arith.constant 0 : i32
        %dma_wait3A_1916 = tpu.memref_slice %arg7[%dma_wait3A_1898, %dma_wait3A_1914, %dma_wait3A_1915] : memref<5x64x129xf32, #tpu.memory_space<vmem>> -> memref<1x8x128xf32, #tpu.memory_space<vmem>>
        %dma_wait3A_1917 = tpu.memref_squeeze %dma_wait3A_1916 : memref<1x8x128xf32, #tpu.memory_space<vmem>> -> memref<8x128xf32, #tpu.memory_space<vmem>>
        tpu.wait_dma2 semaphore(%arg9 : memref<!tpu.dma_semaphore, #tpu.memory_space<semaphore_mem>>) src(%dma_wait3A_1917 : memref<8x128xf32, #tpu.memory_space<vmem>>) dst(%dma_wait3A_1913 : memref<8x128xf32, #tpu.memory_space<hbm>>)
        %dma_wait3A_1918 = arith.constant 2 : i32
        %dma_wait3A_1919 = arith.constant 0 : i32
        %dma_wait3A_1920 = arith.constant 0 : i32
        %dma_wait3A_1921 = arith.constant 0 : i32
        %dma_wait3A_1922 = arith.constant 24 : i32
        %dma_wait3A_1923 = arith.constant 0 : i32
        %dma_wait3A_1924 = tpu.memref_slice %arg7[%dma_wait3A_1918, %dma_wait3A_1922, %dma_wait3A_1923] : memref<5x64x129xf32, #tpu.memory_space<vmem>> -> memref<1x8x128xf32, #tpu.memory_space<vmem>>
        %dma_wait3A_1925 = tpu.memref_squeeze %dma_wait3A_1924 : memref<1x8x128xf32, #tpu.memory_space<vmem>> -> memref<8x128xf32, #tpu.memory_space<vmem>>
        %dma_wait3A_1926 = arith.constant 0 : i32
        %dma_wait3A_1927 = arith.constant 0 : i32
        %dma_wait3A_1928 = tpu.memref_slice %arg4[%dma_wait3A_1919, %dma_wait3A_1920, %dma_wait3A_1921, %dma_wait3A_1926, %dma_wait3A_1927] : memref<50x8x32x8x128xf32, #tpu.memory_space<hbm>> -> memref<1x1x1x8x128xf32, #tpu.memory_space<hbm>>
        %dma_wait3A_1929 = tpu.memref_squeeze %dma_wait3A_1928 : memref<1x1x1x8x128xf32, #tpu.memory_space<hbm>> -> memref<8x128xf32, #tpu.memory_space<hbm>>
        %dma_wait3A_1930 = arith.constant 0 : i32
        %dma_wait3A_1931 = arith.constant 0 : i32
        %dma_wait3A_1932 = tpu.memref_slice %arg4[%dma_wait3A_1919, %dma_wait3A_1920, %dma_wait3A_1921, %dma_wait3A_1930, %dma_wait3A_1931] : memref<50x8x32x8x128xf32, #tpu.memory_space<hbm>> -> memref<1x1x1x8x128xf32, #tpu.memory_space<hbm>>
        %dma_wait3A_1933 = tpu.memref_squeeze %dma_wait3A_1932 : memref<1x1x1x8x128xf32, #tpu.memory_space<hbm>> -> memref<8x128xf32, #tpu.memory_space<hbm>>
        %dma_wait3A_1934 = arith.constant 24 : i32
        %dma_wait3A_1935 = arith.constant 0 : i32
        %dma_wait3A_1936 = tpu.memref_slice %arg7[%dma_wait3A_1918, %dma_wait3A_1934, %dma_wait3A_1935] : memref<5x64x129xf32, #tpu.memory_space<vmem>> -> memref<1x8x128xf32, #tpu.memory_space<vmem>>
        %dma_wait3A_1937 = tpu.memref_squeeze %dma_wait3A_1936 : memref<1x8x128xf32, #tpu.memory_space<vmem>> -> memref<8x128xf32, #tpu.memory_space<vmem>>
        tpu.wait_dma2 semaphore(%arg9 : memref<!tpu.dma_semaphore, #tpu.memory_space<semaphore_mem>>) src(%dma_wait3A_1937 : memref<8x128xf32, #tpu.memory_space<vmem>>) dst(%dma_wait3A_1933 : memref<8x128xf32, #tpu.memory_space<hbm>>)
        %dma_wait3A_1938 = arith.constant 2 : i32
        %dma_wait3A_1939 = arith.constant 0 : i32
        %dma_wait3A_1940 = arith.constant 0 : i32
        %dma_wait3A_1941 = arith.constant 0 : i32
        %dma_wait3A_1942 = arith.constant 32 : i32
        %dma_wait3A_1943 = arith.constant 0 : i32
        %dma_wait3A_1944 = tpu.memref_slice %arg7[%dma_wait3A_1938, %dma_wait3A_1942, %dma_wait3A_1943] : memref<5x64x129xf32, #tpu.memory_space<vmem>> -> memref<1x8x128xf32, #tpu.memory_space<vmem>>
        %dma_wait3A_1945 = tpu.memref_squeeze %dma_wait3A_1944 : memref<1x8x128xf32, #tpu.memory_space<vmem>> -> memref<8x128xf32, #tpu.memory_space<vmem>>
        %dma_wait3A_1946 = arith.constant 0 : i32
        %dma_wait3A_1947 = arith.constant 0 : i32
        %dma_wait3A_1948 = tpu.memref_slice %arg4[%dma_wait3A_1939, %dma_wait3A_1940, %dma_wait3A_1941, %dma_wait3A_1946, %dma_wait3A_1947] : memref<50x8x32x8x128xf32, #tpu.memory_space<hbm>> -> memref<1x1x1x8x128xf32, #tpu.memory_space<hbm>>
        %dma_wait3A_1949 = tpu.memref_squeeze %dma_wait3A_1948 : memref<1x1x1x8x128xf32, #tpu.memory_space<hbm>> -> memref<8x128xf32, #tpu.memory_space<hbm>>
        %dma_wait3A_1950 = arith.constant 0 : i32
        %dma_wait3A_1951 = arith.constant 0 : i32
        %dma_wait3A_1952 = tpu.memref_slice %arg4[%dma_wait3A_1939, %dma_wait3A_1940, %dma_wait3A_1941, %dma_wait3A_1950, %dma_wait3A_1951] : memref<50x8x32x8x128xf32, #tpu.memory_space<hbm>> -> memref<1x1x1x8x128xf32, #tpu.memory_space<hbm>>
        %dma_wait3A_1953 = tpu.memref_squeeze %dma_wait3A_1952 : memref<1x1x1x8x128xf32, #tpu.memory_space<hbm>> -> memref<8x128xf32, #tpu.memory_space<hbm>>
        %dma_wait3A_1954 = arith.constant 32 : i32
        %dma_wait3A_1955 = arith.constant 0 : i32
        %dma_wait3A_1956 = tpu.memref_slice %arg7[%dma_wait3A_1938, %dma_wait3A_1954, %dma_wait3A_1955] : memref<5x64x129xf32, #tpu.memory_space<vmem>> -> memref<1x8x128xf32, #tpu.memory_space<vmem>>
        %dma_wait3A_1957 = tpu.memref_squeeze %dma_wait3A_1956 : memref<1x8x128xf32, #tpu.memory_space<vmem>> -> memref<8x128xf32, #tpu.memory_space<vmem>>
        tpu.wait_dma2 semaphore(%arg9 : memref<!tpu.dma_semaphore, #tpu.memory_space<semaphore_mem>>) src(%dma_wait3A_1957 : memref<8x128xf32, #tpu.memory_space<vmem>>) dst(%dma_wait3A_1953 : memref<8x128xf32, #tpu.memory_space<hbm>>)
        %dma_wait3A_1958 = arith.constant 2 : i32
        %dma_wait3A_1959 = arith.constant 0 : i32
        %dma_wait3A_1960 = arith.constant 0 : i32
        %dma_wait3A_1961 = arith.constant 0 : i32
        %dma_wait3A_1962 = arith.constant 40 : i32
        %dma_wait3A_1963 = arith.constant 0 : i32
        %dma_wait3A_1964 = tpu.memref_slice %arg7[%dma_wait3A_1958, %dma_wait3A_1962, %dma_wait3A_1963] : memref<5x64x129xf32, #tpu.memory_space<vmem>> -> memref<1x8x128xf32, #tpu.memory_space<vmem>>
        %dma_wait3A_1965 = tpu.memref_squeeze %dma_wait3A_1964 : memref<1x8x128xf32, #tpu.memory_space<vmem>> -> memref<8x128xf32, #tpu.memory_space<vmem>>
        %dma_wait3A_1966 = arith.constant 0 : i32
        %dma_wait3A_1967 = arith.constant 0 : i32
        %dma_wait3A_1968 = tpu.memref_slice %arg4[%dma_wait3A_1959, %dma_wait3A_1960, %dma_wait3A_1961, %dma_wait3A_1966, %dma_wait3A_1967] : memref<50x8x32x8x128xf32, #tpu.memory_space<hbm>> -> memref<1x1x1x8x128xf32, #tpu.memory_space<hbm>>
        %dma_wait3A_1969 = tpu.memref_squeeze %dma_wait3A_1968 : memref<1x1x1x8x128xf32, #tpu.memory_space<hbm>> -> memref<8x128xf32, #tpu.memory_space<hbm>>
        %dma_wait3A_1970 = arith.constant 0 : i32
        %dma_wait3A_1971 = arith.constant 0 : i32
        %dma_wait3A_1972 = tpu.memref_slice %arg4[%dma_wait3A_1959, %dma_wait3A_1960, %dma_wait3A_1961, %dma_wait3A_1970, %dma_wait3A_1971] : memref<50x8x32x8x128xf32, #tpu.memory_space<hbm>> -> memref<1x1x1x8x128xf32, #tpu.memory_space<hbm>>
        %dma_wait3A_1973 = tpu.memref_squeeze %dma_wait3A_1972 : memref<1x1x1x8x128xf32, #tpu.memory_space<hbm>> -> memref<8x128xf32, #tpu.memory_space<hbm>>
        %dma_wait3A_1974 = arith.constant 40 : i32
        %dma_wait3A_1975 = arith.constant 0 : i32
        %dma_wait3A_1976 = tpu.memref_slice %arg7[%dma_wait3A_1958, %dma_wait3A_1974, %dma_wait3A_1975] : memref<5x64x129xf32, #tpu.memory_space<vmem>> -> memref<1x8x128xf32, #tpu.memory_space<vmem>>
        %dma_wait3A_1977 = tpu.memref_squeeze %dma_wait3A_1976 : memref<1x8x128xf32, #tpu.memory_space<vmem>> -> memref<8x128xf32, #tpu.memory_space<vmem>>
        tpu.wait_dma2 semaphore(%arg9 : memref<!tpu.dma_semaphore, #tpu.memory_space<semaphore_mem>>) src(%dma_wait3A_1977 : memref<8x128xf32, #tpu.memory_space<vmem>>) dst(%dma_wait3A_1973 : memref<8x128xf32, #tpu.memory_space<hbm>>)
        %dma_wait3A_1978 = arith.constant 2 : i32
        %dma_wait3A_1979 = arith.constant 0 : i32
        %dma_wait3A_1980 = arith.constant 0 : i32
        %dma_wait3A_1981 = arith.constant 0 : i32
        %dma_wait3A_1982 = arith.constant 48 : i32
        %dma_wait3A_1983 = arith.constant 0 : i32
        %dma_wait3A_1984 = tpu.memref_slice %arg7[%dma_wait3A_1978, %dma_wait3A_1982, %dma_wait3A_1983] : memref<5x64x129xf32, #tpu.memory_space<vmem>> -> memref<1x8x128xf32, #tpu.memory_space<vmem>>
        %dma_wait3A_1985 = tpu.memref_squeeze %dma_wait3A_1984 : memref<1x8x128xf32, #tpu.memory_space<vmem>> -> memref<8x128xf32, #tpu.memory_space<vmem>>
        %dma_wait3A_1986 = arith.constant 0 : i32
        %dma_wait3A_1987 = arith.constant 0 : i32
        %dma_wait3A_1988 = tpu.memref_slice %arg4[%dma_wait3A_1979, %dma_wait3A_1980, %dma_wait3A_1981, %dma_wait3A_1986, %dma_wait3A_1987] : memref<50x8x32x8x128xf32, #tpu.memory_space<hbm>> -> memref<1x1x1x8x128xf32, #tpu.memory_space<hbm>>
        %dma_wait3A_1989 = tpu.memref_squeeze %dma_wait3A_1988 : memref<1x1x1x8x128xf32, #tpu.memory_space<hbm>> -> memref<8x128xf32, #tpu.memory_space<hbm>>
        %dma_wait3A_1990 = arith.constant 0 : i32
        %dma_wait3A_1991 = arith.constant 0 : i32
        %dma_wait3A_1992 = tpu.memref_slice %arg4[%dma_wait3A_1979, %dma_wait3A_1980, %dma_wait3A_1981, %dma_wait3A_1990, %dma_wait3A_1991] : memref<50x8x32x8x128xf32, #tpu.memory_space<hbm>> -> memref<1x1x1x8x128xf32, #tpu.memory_space<hbm>>
        %dma_wait3A_1993 = tpu.memref_squeeze %dma_wait3A_1992 : memref<1x1x1x8x128xf32, #tpu.memory_space<hbm>> -> memref<8x128xf32, #tpu.memory_space<hbm>>
        %dma_wait3A_1994 = arith.constant 48 : i32
        %dma_wait3A_1995 = arith.constant 0 : i32
        %dma_wait3A_1996 = tpu.memref_slice %arg7[%dma_wait3A_1978, %dma_wait3A_1994, %dma_wait3A_1995] : memref<5x64x129xf32, #tpu.memory_space<vmem>> -> memref<1x8x128xf32, #tpu.memory_space<vmem>>
        %dma_wait3A_1997 = tpu.memref_squeeze %dma_wait3A_1996 : memref<1x8x128xf32, #tpu.memory_space<vmem>> -> memref<8x128xf32, #tpu.memory_space<vmem>>
        tpu.wait_dma2 semaphore(%arg9 : memref<!tpu.dma_semaphore, #tpu.memory_space<semaphore_mem>>) src(%dma_wait3A_1997 : memref<8x128xf32, #tpu.memory_space<vmem>>) dst(%dma_wait3A_1993 : memref<8x128xf32, #tpu.memory_space<hbm>>)
        %dma_wait3A_1998 = arith.constant 2 : i32
        %dma_wait3A_1999 = arith.constant 0 : i32
        %dma_wait3A_2000 = arith.constant 0 : i32
        %dma_wait3A_2001 = arith.constant 0 : i32
        %dma_wait3A_2002 = arith.constant 56 : i32
        %dma_wait3A_2003 = arith.constant 0 : i32
        %dma_wait3A_2004 = tpu.memref_slice %arg7[%dma_wait3A_1998, %dma_wait3A_2002, %dma_wait3A_2003] : memref<5x64x129xf32, #tpu.memory_space<vmem>> -> memref<1x8x128xf32, #tpu.memory_space<vmem>>
        %dma_wait3A_2005 = tpu.memref_squeeze %dma_wait3A_2004 : memref<1x8x128xf32, #tpu.memory_space<vmem>> -> memref<8x128xf32, #tpu.memory_space<vmem>>
        %dma_wait3A_2006 = arith.constant 0 : i32
        %dma_wait3A_2007 = arith.constant 0 : i32
        %dma_wait3A_2008 = tpu.memref_slice %arg4[%dma_wait3A_1999, %dma_wait3A_2000, %dma_wait3A_2001, %dma_wait3A_2006, %dma_wait3A_2007] : memref<50x8x32x8x128xf32, #tpu.memory_space<hbm>> -> memref<1x1x1x8x128xf32, #tpu.memory_space<hbm>>
        %dma_wait3A_2009 = tpu.memref_squeeze %dma_wait3A_2008 : memref<1x1x1x8x128xf32, #tpu.memory_space<hbm>> -> memref<8x128xf32, #tpu.memory_space<hbm>>
        %dma_wait3A_2010 = arith.constant 0 : i32
        %dma_wait3A_2011 = arith.constant 0 : i32
        %dma_wait3A_2012 = tpu.memref_slice %arg4[%dma_wait3A_1999, %dma_wait3A_2000, %dma_wait3A_2001, %dma_wait3A_2010, %dma_wait3A_2011] : memref<50x8x32x8x128xf32, #tpu.memory_space<hbm>> -> memref<1x1x1x8x128xf32, #tpu.memory_space<hbm>>
        %dma_wait3A_2013 = tpu.memref_squeeze %dma_wait3A_2012 : memref<1x1x1x8x128xf32, #tpu.memory_space<hbm>> -> memref<8x128xf32, #tpu.memory_space<hbm>>
        %dma_wait3A_2014 = arith.constant 56 : i32
        %dma_wait3A_2015 = arith.constant 0 : i32
        %dma_wait3A_2016 = tpu.memref_slice %arg7[%dma_wait3A_1998, %dma_wait3A_2014, %dma_wait3A_2015] : memref<5x64x129xf32, #tpu.memory_space<vmem>> -> memref<1x8x128xf32, #tpu.memory_space<vmem>>
        %dma_wait3A_2017 = tpu.memref_squeeze %dma_wait3A_2016 : memref<1x8x128xf32, #tpu.memory_space<vmem>> -> memref<8x128xf32, #tpu.memory_space<vmem>>
        tpu.wait_dma2 semaphore(%arg9 : memref<!tpu.dma_semaphore, #tpu.memory_space<semaphore_mem>>) src(%dma_wait3A_2017 : memref<8x128xf32, #tpu.memory_space<vmem>>) dst(%dma_wait3A_2013 : memref<8x128xf32, #tpu.memory_space<hbm>>)
      } else {
      }
      %parallel_loop3A_1277 = arith.constant 0 : i32
      %parallel_loop3A_1278 = arith.constant 128 : i32
      %parallel_loop3A_1279 = arith.constant 1 : i32
      %parallel_loop3A_1280 = arith.constant 2 : i32
      %parallel_loop3A_1281 = arith.constant 2 : i32
      scf.for %parallel_loop3A_1858 = %parallel_loop3A_1277 to %parallel_loop3A_1278 step %parallel_loop3A_1279  : i32 {
        %parallel_loop3A_1859 = vector.broadcast %parallel_loop3A_1858 : i32 to vector<16xi32>
        %parallel_loop3A_1860 = arith.constant 0 : i32
        %parallel_loop3A_1861 = arith.constant 0 : i32
        %parallel_loop3A_1862 = tpu.memref_slice %arg6[%parallel_loop3A_1280, %parallel_loop3A_1860, %parallel_loop3A_1861] : memref<5x128x64xf32, #tpu.memory_space<vmem>> -> memref<1x128x64xf32, #tpu.memory_space<vmem>>
        %parallel_loop3A_1863 = tpu.memref_squeeze %parallel_loop3A_1862 : memref<1x128x64xf32, #tpu.memory_space<vmem>> -> memref<128x64xf32, #tpu.memory_space<vmem>>
        %parallel_loop3A_1864 = arith.index_cast %parallel_loop3A_1858 : i32 to index
        %parallel_loop3A_1865 = arith.constant 0 : index
        %parallel_loop3A_1866 = tpu.vector_load %parallel_loop3A_1863[%parallel_loop3A_1864, %parallel_loop3A_1865] {strides = array<i32>} : memref<128x64xf32, #tpu.memory_space<vmem>>, vector<16xf32>,
        %parallel_loop3A_1867 = arith.constant 0 : i32
        %parallel_loop3A_1868 = arith.constant 0 : i32
        %parallel_loop3A_1869 = tpu.memref_slice %arg7[%parallel_loop3A_1281, %parallel_loop3A_1867, %parallel_loop3A_1868] : memref<5x64x129xf32, #tpu.memory_space<vmem>> -> memref<1x64x129xf32, #tpu.memory_space<vmem>>
        %parallel_loop3A_1870 = tpu.memref_squeeze %parallel_loop3A_1869 : memref<1x64x129xf32, #tpu.memory_space<vmem>> -> memref<64x129xf32, #tpu.memory_space<vmem>>
        tpu.vector_store_idx %parallel_loop3A_1870[%add3A_7, %parallel_loop3A_1859], %parallel_loop3A_1866 : memref<64x129xf32, #tpu.memory_space<vmem>>[vector<16xi32>, vector<16xi32>], vector<16xf32>,
        %parallel_loop3A_1871 = arith.constant 0 : i32
        %parallel_loop3A_1872 = arith.constant 0 : i32
        %parallel_loop3A_1873 = tpu.memref_slice %arg6[%parallel_loop3A_1280, %parallel_loop3A_1871, %parallel_loop3A_1872] : memref<5x128x64xf32, #tpu.memory_space<vmem>> -> memref<1x128x64xf32, #tpu.memory_space<vmem>>
        %parallel_loop3A_1874 = tpu.memref_squeeze %parallel_loop3A_1873 : memref<1x128x64xf32, #tpu.memory_space<vmem>> -> memref<128x64xf32, #tpu.memory_space<vmem>>
        %parallel_loop3A_1875 = arith.index_cast %parallel_loop3A_1858 : i32 to index
        %parallel_loop3A_1876 = arith.constant 16 : index
        %parallel_loop3A_1877 = tpu.vector_load %parallel_loop3A_1874[%parallel_loop3A_1875, %parallel_loop3A_1876] {strides = array<i32>} : memref<128x64xf32, #tpu.memory_space<vmem>>, vector<16xf32>,
        %parallel_loop3A_1878 = arith.constant 0 : i32
        %parallel_loop3A_1879 = arith.constant 0 : i32
        %parallel_loop3A_1880 = tpu.memref_slice %arg7[%parallel_loop3A_1281, %parallel_loop3A_1878, %parallel_loop3A_1879] : memref<5x64x129xf32, #tpu.memory_space<vmem>> -> memref<1x64x129xf32, #tpu.memory_space<vmem>>
        %parallel_loop3A_1881 = tpu.memref_squeeze %parallel_loop3A_1880 : memref<1x64x129xf32, #tpu.memory_space<vmem>> -> memref<64x129xf32, #tpu.memory_space<vmem>>
        tpu.vector_store_idx %parallel_loop3A_1881[%add3A_10, %parallel_loop3A_1859], %parallel_loop3A_1877 : memref<64x129xf32, #tpu.memory_space<vmem>>[vector<16xi32>, vector<16xi32>], vector<16xf32>,
        %parallel_loop3A_1882 = arith.constant 0 : i32
        %parallel_loop3A_1883 = arith.constant 0 : i32
        %parallel_loop3A_1884 = tpu.memref_slice %arg6[%parallel_loop3A_1280, %parallel_loop3A_1882, %parallel_loop3A_1883] : memref<5x128x64xf32, #tpu.memory_space<vmem>> -> memref<1x128x64xf32, #tpu.memory_space<vmem>>
        %parallel_loop3A_1885 = tpu.memref_squeeze %parallel_loop3A_1884 : memref<1x128x64xf32, #tpu.memory_space<vmem>> -> memref<128x64xf32, #tpu.memory_space<vmem>>
        %parallel_loop3A_1886 = arith.index_cast %parallel_loop3A_1858 : i32 to index
        %parallel_loop3A_1887 = arith.constant 32 : index
        %parallel_loop3A_1888 = tpu.vector_load %parallel_loop3A_1885[%parallel_loop3A_1886, %parallel_loop3A_1887] {strides = array<i32>} : memref<128x64xf32, #tpu.memory_space<vmem>>, vector<16xf32>,
        %parallel_loop3A_1889 = arith.constant 0 : i32
        %parallel_loop3A_1890 = arith.constant 0 : i32
        %parallel_loop3A_1891 = tpu.memref_slice %arg7[%parallel_loop3A_1281, %parallel_loop3A_1889, %parallel_loop3A_1890] : memref<5x64x129xf32, #tpu.memory_space<vmem>> -> memref<1x64x129xf32, #tpu.memory_space<vmem>>
        %parallel_loop3A_1892 = tpu.memref_squeeze %parallel_loop3A_1891 : memref<1x64x129xf32, #tpu.memory_space<vmem>> -> memref<64x129xf32, #tpu.memory_space<vmem>>
        tpu.vector_store_idx %parallel_loop3A_1892[%add3A_13, %parallel_loop3A_1859], %parallel_loop3A_1888 : memref<64x129xf32, #tpu.memory_space<vmem>>[vector<16xi32>, vector<16xi32>], vector<16xf32>,
        %parallel_loop3A_1893 = arith.constant 0 : i32
        %parallel_loop3A_1894 = arith.constant 0 : i32
        %parallel_loop3A_1895 = tpu.memref_slice %arg6[%parallel_loop3A_1280, %parallel_loop3A_1893, %parallel_loop3A_1894] : memref<5x128x64xf32, #tpu.memory_space<vmem>> -> memref<1x128x64xf32, #tpu.memory_space<vmem>>
        %parallel_loop3A_1896 = tpu.memref_squeeze %parallel_loop3A_1895 : memref<1x128x64xf32, #tpu.memory_space<vmem>> -> memref<128x64xf32, #tpu.memory_space<vmem>>
        %parallel_loop3A_1897 = arith.index_cast %parallel_loop3A_1858 : i32 to index
        %parallel_loop3A_1898 = arith.constant 48 : index
        %parallel_loop3A_1899 = tpu.vector_load %parallel_loop3A_1896[%parallel_loop3A_1897, %parallel_loop3A_1898] {strides = array<i32>} : memref<128x64xf32, #tpu.memory_space<vmem>>, vector<16xf32>,
        %parallel_loop3A_1900 = arith.constant 0 : i32
        %parallel_loop3A_1901 = arith.constant 0 : i32
        %parallel_loop3A_1902 = tpu.memref_slice %arg7[%parallel_loop3A_1281, %parallel_loop3A_1900, %parallel_loop3A_1901] : memref<5x64x129xf32, #tpu.memory_space<vmem>> -> memref<1x64x129xf32, #tpu.memory_space<vmem>>
        %parallel_loop3A_1903 = tpu.memref_squeeze %parallel_loop3A_1902 : memref<1x64x129xf32, #tpu.memory_space<vmem>> -> memref<64x129xf32, #tpu.memory_space<vmem>>
        tpu.vector_store_idx %parallel_loop3A_1903[%add3A_16, %parallel_loop3A_1859], %parallel_loop3A_1899 : memref<64x129xf32, #tpu.memory_space<vmem>>[vector<16xi32>, vector<16xi32>], vector<16xf32>,
      } {sc.loop_unroll_factor = 4 : i64, sc.parallel_access}
      %add3A_1282 = arith.addi %mul3A_2, %add3A_1261 : i32
      %jit3A_1283 = arith.constant 32 : i32
      %div3A_1284 = arith.divsi %add3A_1282, %jit3A_1283 : i32
      %sign3A_1285 = arith.constant 0 : i32
      %sign3A_1286 = arith.cmpi sgt, %add3A_1282, %sign3A_1285 : i32
      %sign3A_1287 = arith.extui %sign3A_1286 : i1 to i32
      %sign3A_1288 = arith.constant 0 : i32
      %sign3A_1289 = arith.cmpi slt, %add3A_1282, %sign3A_1288 : i32
      %sign3A_1290 = arith.extui %sign3A_1289 : i1 to i32
      %sign3A_1291 = arith.subi %sign3A_1287, %sign3A_1290 : i32
      %sign3A_1292 = arith.constant 0 : i32
      %sign3A_1293 = arith.cmpi sgt, %jit3A_1283, %sign3A_1292 : i32
      %sign3A_1294 = arith.extui %sign3A_1293 : i1 to i32
      %sign3A_1295 = arith.constant 0 : i32
      %sign3A_1296 = arith.cmpi slt, %jit3A_1283, %sign3A_1295 : i32
      %sign3A_1297 = arith.extui %sign3A_1296 : i1 to i32
      %sign3A_1298 = arith.subi %sign3A_1294, %sign3A_1297 : i32
      %ne3A_1299 = arith.cmpi ne, %sign3A_1291, %sign3A_1298 : i32
      %rem3A_1300 = arith.remsi %add3A_1282, %jit3A_1283 : i32
      %ne3A_1301 = arith.constant 0 : i32
      %ne3A_1302 = arith.cmpi ne, %rem3A_1300, %ne3A_1301 : i32
      %and3A_1303 = arith.andi %ne3A_1299, %ne3A_1302 : i1
      %sub3A_1304 = arith.constant 1 : i32
      %sub3A_1305 = arith.subi %div3A_1284, %sub3A_1304 : i32
      %select_n3A_1306 = arith.select %and3A_1303, %sub3A_1305, %div3A_1284 : i32
      %rem3A_1307 = arith.constant 32 : i32
      %rem3A_1308 = arith.remsi %add3A_1282, %rem3A_1307 : i32
      %dma_start3A_1309 = arith.constant 2 : i32
      %dma_start3A_1310 = arith.constant 0 : i32
      %dma_start3A_1311 = arith.constant 0 : i32
      %dma_start3A_1312 = arith.constant 0 : i32
      %dma_start3A_1313 = tpu.memref_slice %arg7[%dma_start3A_1309, %dma_start3A_1311, %dma_start3A_1312] : memref<5x64x129xf32, #tpu.memory_space<vmem>> -> memref<1x8x128xf32, #tpu.memory_space<vmem>>
      %dma_start3A_1314 = tpu.memref_squeeze %dma_start3A_1313 : memref<1x8x128xf32, #tpu.memory_space<vmem>> -> memref<8x128xf32, #tpu.memory_space<vmem>>
      %dma_start3A_1315 = arith.constant 0 : i32
      %dma_start3A_1316 = arith.constant 0 : i32
      %dma_start3A_1317 = tpu.memref_slice %arg4[%select_n3A_1306, %dma_start3A_1310, %rem3A_1308, %dma_start3A_1315, %dma_start3A_1316] : memref<50x8x32x8x128xf32, #tpu.memory_space<hbm>> -> memref<1x1x1x8x128xf32, #tpu.memory_space<hbm>>
      %dma_start3A_1318 = tpu.memref_squeeze %dma_start3A_1317 : memref<1x1x1x8x128xf32, #tpu.memory_space<hbm>> -> memref<8x128xf32, #tpu.memory_space<hbm>>
      %dma_start3A_1319 = arith.constant 0 : i32
      %dma_start3A_1320 = arith.constant 0 : i32
      %dma_start3A_1321 = tpu.memref_slice %arg4[%select_n3A_1306, %dma_start3A_1310, %rem3A_1308, %dma_start3A_1319, %dma_start3A_1320] : memref<50x8x32x8x128xf32, #tpu.memory_space<hbm>> -> memref<1x1x1x8x128xf32, #tpu.memory_space<hbm>>
      %dma_start3A_1322 = tpu.memref_squeeze %dma_start3A_1321 : memref<1x1x1x8x128xf32, #tpu.memory_space<hbm>> -> memref<8x128xf32, #tpu.memory_space<hbm>>
      %dma_start3A_1323 = arith.constant 0 : i32
      %dma_start3A_1324 = arith.constant 0 : i32
      %dma_start3A_1325 = tpu.memref_slice %arg7[%dma_start3A_1309, %dma_start3A_1323, %dma_start3A_1324] : memref<5x64x129xf32, #tpu.memory_space<vmem>> -> memref<1x8x128xf32, #tpu.memory_space<vmem>>
      %dma_start3A_1326 = tpu.memref_squeeze %dma_start3A_1325 : memref<1x8x128xf32, #tpu.memory_space<vmem>> -> memref<8x128xf32, #tpu.memory_space<vmem>>
      tpu.enqueue_dma source(%dma_start3A_1326 : memref<8x128xf32, #tpu.memory_space<vmem>>) target(%dma_start3A_1322 : memref<8x128xf32, #tpu.memory_space<hbm>>) target_semaphore(%arg9 : memref<!tpu.dma_semaphore, #tpu.memory_space<semaphore_mem>>)
      %dma_start3A_1327 = arith.constant 2 : i32
      %dma_start3A_1328 = arith.constant 1 : i32
      %dma_start3A_1329 = arith.constant 8 : i32
      %dma_start3A_1330 = arith.constant 0 : i32
      %dma_start3A_1331 = tpu.memref_slice %arg7[%dma_start3A_1327, %dma_start3A_1329, %dma_start3A_1330] : memref<5x64x129xf32, #tpu.memory_space<vmem>> -> memref<1x8x128xf32, #tpu.memory_space<vmem>>
      %dma_start3A_1332 = tpu.memref_squeeze %dma_start3A_1331 : memref<1x8x128xf32, #tpu.memory_space<vmem>> -> memref<8x128xf32, #tpu.memory_space<vmem>>
      %dma_start3A_1333 = arith.constant 0 : i32
      %dma_start3A_1334 = arith.constant 0 : i32
      %dma_start3A_1335 = tpu.memref_slice %arg4[%select_n3A_1306, %dma_start3A_1328, %rem3A_1308, %dma_start3A_1333, %dma_start3A_1334] : memref<50x8x32x8x128xf32, #tpu.memory_space<hbm>> -> memref<1x1x1x8x128xf32, #tpu.memory_space<hbm>>
      %dma_start3A_1336 = tpu.memref_squeeze %dma_start3A_1335 : memref<1x1x1x8x128xf32, #tpu.memory_space<hbm>> -> memref<8x128xf32, #tpu.memory_space<hbm>>
      %dma_start3A_1337 = arith.constant 0 : i32
      %dma_start3A_1338 = arith.constant 0 : i32
      %dma_start3A_1339 = tpu.memref_slice %arg4[%select_n3A_1306, %dma_start3A_1328, %rem3A_1308, %dma_start3A_1337, %dma_start3A_1338] : memref<50x8x32x8x128xf32, #tpu.memory_space<hbm>> -> memref<1x1x1x8x128xf32, #tpu.memory_space<hbm>>
      %dma_start3A_1340 = tpu.memref_squeeze %dma_start3A_1339 : memref<1x1x1x8x128xf32, #tpu.memory_space<hbm>> -> memref<8x128xf32, #tpu.memory_space<hbm>>
      %dma_start3A_1341 = arith.constant 8 : i32
      %dma_start3A_1342 = arith.constant 0 : i32
      %dma_start3A_1343 = tpu.memref_slice %arg7[%dma_start3A_1327, %dma_start3A_1341, %dma_start3A_1342] : memref<5x64x129xf32, #tpu.memory_space<vmem>> -> memref<1x8x128xf32, #tpu.memory_space<vmem>>
      %dma_start3A_1344 = tpu.memref_squeeze %dma_start3A_1343 : memref<1x8x128xf32, #tpu.memory_space<vmem>> -> memref<8x128xf32, #tpu.memory_space<vmem>>
      tpu.enqueue_dma source(%dma_start3A_1344 : memref<8x128xf32, #tpu.memory_space<vmem>>) target(%dma_start3A_1340 : memref<8x128xf32, #tpu.memory_space<hbm>>) target_semaphore(%arg9 : memref<!tpu.dma_semaphore, #tpu.memory_space<semaphore_mem>>)
      %dma_start3A_1345 = arith.constant 2 : i32
      %dma_start3A_1346 = arith.constant 2 : i32
      %dma_start3A_1347 = arith.constant 16 : i32
      %dma_start3A_1348 = arith.constant 0 : i32
      %dma_start3A_1349 = tpu.memref_slice %arg7[%dma_start3A_1345, %dma_start3A_1347, %dma_start3A_1348] : memref<5x64x129xf32, #tpu.memory_space<vmem>> -> memref<1x8x128xf32, #tpu.memory_space<vmem>>
      %dma_start3A_1350 = tpu.memref_squeeze %dma_start3A_1349 : memref<1x8x128xf32, #tpu.memory_space<vmem>> -> memref<8x128xf32, #tpu.memory_space<vmem>>
      %dma_start3A_1351 = arith.constant 0 : i32
      %dma_start3A_1352 = arith.constant 0 : i32
      %dma_start3A_1353 = tpu.memref_slice %arg4[%select_n3A_1306, %dma_start3A_1346, %rem3A_1308, %dma_start3A_1351, %dma_start3A_1352] : memref<50x8x32x8x128xf32, #tpu.memory_space<hbm>> -> memref<1x1x1x8x128xf32, #tpu.memory_space<hbm>>
      %dma_start3A_1354 = tpu.memref_squeeze %dma_start3A_1353 : memref<1x1x1x8x128xf32, #tpu.memory_space<hbm>> -> memref<8x128xf32, #tpu.memory_space<hbm>>
      %dma_start3A_1355 = arith.constant 0 : i32
      %dma_start3A_1356 = arith.constant 0 : i32
      %dma_start3A_1357 = tpu.memref_slice %arg4[%select_n3A_1306, %dma_start3A_1346, %rem3A_1308, %dma_start3A_1355, %dma_start3A_1356] : memref<50x8x32x8x128xf32, #tpu.memory_space<hbm>> -> memref<1x1x1x8x128xf32, #tpu.memory_space<hbm>>
      %dma_start3A_1358 = tpu.memref_squeeze %dma_start3A_1357 : memref<1x1x1x8x128xf32, #tpu.memory_space<hbm>> -> memref<8x128xf32, #tpu.memory_space<hbm>>
      %dma_start3A_1359 = arith.constant 16 : i32
      %dma_start3A_1360 = arith.constant 0 : i32
      %dma_start3A_1361 = tpu.memref_slice %arg7[%dma_start3A_1345, %dma_start3A_1359, %dma_start3A_1360] : memref<5x64x129xf32, #tpu.memory_space<vmem>> -> memref<1x8x128xf32, #tpu.memory_space<vmem>>
      %dma_start3A_1362 = tpu.memref_squeeze %dma_start3A_1361 : memref<1x8x128xf32, #tpu.memory_space<vmem>> -> memref<8x128xf32, #tpu.memory_space<vmem>>
      tpu.enqueue_dma source(%dma_start3A_1362 : memref<8x128xf32, #tpu.memory_space<vmem>>) target(%dma_start3A_1358 : memref<8x128xf32, #tpu.memory_space<hbm>>) target_semaphore(%arg9 : memref<!tpu.dma_semaphore, #tpu.memory_space<semaphore_mem>>)
      %dma_start3A_1363 = arith.constant 2 : i32
      %dma_start3A_1364 = arith.constant 3 : i32
      %dma_start3A_1365 = arith.constant 24 : i32
      %dma_start3A_1366 = arith.constant 0 : i32
      %dma_start3A_1367 = tpu.memref_slice %arg7[%dma_start3A_1363, %dma_start3A_1365, %dma_start3A_1366] : memref<5x64x129xf32, #tpu.memory_space<vmem>> -> memref<1x8x128xf32, #tpu.memory_space<vmem>>
      %dma_start3A_1368 = tpu.memref_squeeze %dma_start3A_1367 : memref<1x8x128xf32, #tpu.memory_space<vmem>> -> memref<8x128xf32, #tpu.memory_space<vmem>>
      %dma_start3A_1369 = arith.constant 0 : i32
      %dma_start3A_1370 = arith.constant 0 : i32
      %dma_start3A_1371 = tpu.memref_slice %arg4[%select_n3A_1306, %dma_start3A_1364, %rem3A_1308, %dma_start3A_1369, %dma_start3A_1370] : memref<50x8x32x8x128xf32, #tpu.memory_space<hbm>> -> memref<1x1x1x8x128xf32, #tpu.memory_space<hbm>>
      %dma_start3A_1372 = tpu.memref_squeeze %dma_start3A_1371 : memref<1x1x1x8x128xf32, #tpu.memory_space<hbm>> -> memref<8x128xf32, #tpu.memory_space<hbm>>
      %dma_start3A_1373 = arith.constant 0 : i32
      %dma_start3A_1374 = arith.constant 0 : i32
      %dma_start3A_1375 = tpu.memref_slice %arg4[%select_n3A_1306, %dma_start3A_1364, %rem3A_1308, %dma_start3A_1373, %dma_start3A_1374] : memref<50x8x32x8x128xf32, #tpu.memory_space<hbm>> -> memref<1x1x1x8x128xf32, #tpu.memory_space<hbm>>
      %dma_start3A_1376 = tpu.memref_squeeze %dma_start3A_1375 : memref<1x1x1x8x128xf32, #tpu.memory_space<hbm>> -> memref<8x128xf32, #tpu.memory_space<hbm>>
      %dma_start3A_1377 = arith.constant 24 : i32
      %dma_start3A_1378 = arith.constant 0 : i32
      %dma_start3A_1379 = tpu.memref_slice %arg7[%dma_start3A_1363, %dma_start3A_1377, %dma_start3A_1378] : memref<5x64x129xf32, #tpu.memory_space<vmem>> -> memref<1x8x128xf32, #tpu.memory_space<vmem>>
      %dma_start3A_1380 = tpu.memref_squeeze %dma_start3A_1379 : memref<1x8x128xf32, #tpu.memory_space<vmem>> -> memref<8x128xf32, #tpu.memory_space<vmem>>
      tpu.enqueue_dma source(%dma_start3A_1380 : memref<8x128xf32, #tpu.memory_space<vmem>>) target(%dma_start3A_1376 : memref<8x128xf32, #tpu.memory_space<hbm>>) target_semaphore(%arg9 : memref<!tpu.dma_semaphore, #tpu.memory_space<semaphore_mem>>)
      %dma_start3A_1381 = arith.constant 2 : i32
      %dma_start3A_1382 = arith.constant 4 : i32
      %dma_start3A_1383 = arith.constant 32 : i32
      %dma_start3A_1384 = arith.constant 0 : i32
      %dma_start3A_1385 = tpu.memref_slice %arg7[%dma_start3A_1381, %dma_start3A_1383, %dma_start3A_1384] : memref<5x64x129xf32, #tpu.memory_space<vmem>> -> memref<1x8x128xf32, #tpu.memory_space<vmem>>
      %dma_start3A_1386 = tpu.memref_squeeze %dma_start3A_1385 : memref<1x8x128xf32, #tpu.memory_space<vmem>> -> memref<8x128xf32, #tpu.memory_space<vmem>>
      %dma_start3A_1387 = arith.constant 0 : i32
      %dma_start3A_1388 = arith.constant 0 : i32
      %dma_start3A_1389 = tpu.memref_slice %arg4[%select_n3A_1306, %dma_start3A_1382, %rem3A_1308, %dma_start3A_1387, %dma_start3A_1388] : memref<50x8x32x8x128xf32, #tpu.memory_space<hbm>> -> memref<1x1x1x8x128xf32, #tpu.memory_space<hbm>>
      %dma_start3A_1390 = tpu.memref_squeeze %dma_start3A_1389 : memref<1x1x1x8x128xf32, #tpu.memory_space<hbm>> -> memref<8x128xf32, #tpu.memory_space<hbm>>
      %dma_start3A_1391 = arith.constant 0 : i32
      %dma_start3A_1392 = arith.constant 0 : i32
      %dma_start3A_1393 = tpu.memref_slice %arg4[%select_n3A_1306, %dma_start3A_1382, %rem3A_1308, %dma_start3A_1391, %dma_start3A_1392] : memref<50x8x32x8x128xf32, #tpu.memory_space<hbm>> -> memref<1x1x1x8x128xf32, #tpu.memory_space<hbm>>
      %dma_start3A_1394 = tpu.memref_squeeze %dma_start3A_1393 : memref<1x1x1x8x128xf32, #tpu.memory_space<hbm>> -> memref<8x128xf32, #tpu.memory_space<hbm>>
      %dma_start3A_1395 = arith.constant 32 : i32
      %dma_start3A_1396 = arith.constant 0 : i32
      %dma_start3A_1397 = tpu.memref_slice %arg7[%dma_start3A_1381, %dma_start3A_1395, %dma_start3A_1396] : memref<5x64x129xf32, #tpu.memory_space<vmem>> -> memref<1x8x128xf32, #tpu.memory_space<vmem>>
      %dma_start3A_1398 = tpu.memref_squeeze %dma_start3A_1397 : memref<1x8x128xf32, #tpu.memory_space<vmem>> -> memref<8x128xf32, #tpu.memory_space<vmem>>
      tpu.enqueue_dma source(%dma_start3A_1398 : memref<8x128xf32, #tpu.memory_space<vmem>>) target(%dma_start3A_1394 : memref<8x128xf32, #tpu.memory_space<hbm>>) target_semaphore(%arg9 : memref<!tpu.dma_semaphore, #tpu.memory_space<semaphore_mem>>)
      %dma_start3A_1399 = arith.constant 2 : i32
      %dma_start3A_1400 = arith.constant 5 : i32
      %dma_start3A_1401 = arith.constant 40 : i32
      %dma_start3A_1402 = arith.constant 0 : i32
      %dma_start3A_1403 = tpu.memref_slice %arg7[%dma_start3A_1399, %dma_start3A_1401, %dma_start3A_1402] : memref<5x64x129xf32, #tpu.memory_space<vmem>> -> memref<1x8x128xf32, #tpu.memory_space<vmem>>
      %dma_start3A_1404 = tpu.memref_squeeze %dma_start3A_1403 : memref<1x8x128xf32, #tpu.memory_space<vmem>> -> memref<8x128xf32, #tpu.memory_space<vmem>>
      %dma_start3A_1405 = arith.constant 0 : i32
      %dma_start3A_1406 = arith.constant 0 : i32
      %dma_start3A_1407 = tpu.memref_slice %arg4[%select_n3A_1306, %dma_start3A_1400, %rem3A_1308, %dma_start3A_1405, %dma_start3A_1406] : memref<50x8x32x8x128xf32, #tpu.memory_space<hbm>> -> memref<1x1x1x8x128xf32, #tpu.memory_space<hbm>>
      %dma_start3A_1408 = tpu.memref_squeeze %dma_start3A_1407 : memref<1x1x1x8x128xf32, #tpu.memory_space<hbm>> -> memref<8x128xf32, #tpu.memory_space<hbm>>
      %dma_start3A_1409 = arith.constant 0 : i32
      %dma_start3A_1410 = arith.constant 0 : i32
      %dma_start3A_1411 = tpu.memref_slice %arg4[%select_n3A_1306, %dma_start3A_1400, %rem3A_1308, %dma_start3A_1409, %dma_start3A_1410] : memref<50x8x32x8x128xf32, #tpu.memory_space<hbm>> -> memref<1x1x1x8x128xf32, #tpu.memory_space<hbm>>
      %dma_start3A_1412 = tpu.memref_squeeze %dma_start3A_1411 : memref<1x1x1x8x128xf32, #tpu.memory_space<hbm>> -> memref<8x128xf32, #tpu.memory_space<hbm>>
      %dma_start3A_1413 = arith.constant 40 : i32
      %dma_start3A_1414 = arith.constant 0 : i32
      %dma_start3A_1415 = tpu.memref_slice %arg7[%dma_start3A_1399, %dma_start3A_1413, %dma_start3A_1414] : memref<5x64x129xf32, #tpu.memory_space<vmem>> -> memref<1x8x128xf32, #tpu.memory_space<vmem>>
      %dma_start3A_1416 = tpu.memref_squeeze %dma_start3A_1415 : memref<1x8x128xf32, #tpu.memory_space<vmem>> -> memref<8x128xf32, #tpu.memory_space<vmem>>
      tpu.enqueue_dma source(%dma_start3A_1416 : memref<8x128xf32, #tpu.memory_space<vmem>>) target(%dma_start3A_1412 : memref<8x128xf32, #tpu.memory_space<hbm>>) target_semaphore(%arg9 : memref<!tpu.dma_semaphore, #tpu.memory_space<semaphore_mem>>)
      %dma_start3A_1417 = arith.constant 2 : i32
      %dma_start3A_1418 = arith.constant 6 : i32
      %dma_start3A_1419 = arith.constant 48 : i32
      %dma_start3A_1420 = arith.constant 0 : i32
      %dma_start3A_1421 = tpu.memref_slice %arg7[%dma_start3A_1417, %dma_start3A_1419, %dma_start3A_1420] : memref<5x64x129xf32, #tpu.memory_space<vmem>> -> memref<1x8x128xf32, #tpu.memory_space<vmem>>
      %dma_start3A_1422 = tpu.memref_squeeze %dma_start3A_1421 : memref<1x8x128xf32, #tpu.memory_space<vmem>> -> memref<8x128xf32, #tpu.memory_space<vmem>>
      %dma_start3A_1423 = arith.constant 0 : i32
      %dma_start3A_1424 = arith.constant 0 : i32
      %dma_start3A_1425 = tpu.memref_slice %arg4[%select_n3A_1306, %dma_start3A_1418, %rem3A_1308, %dma_start3A_1423, %dma_start3A_1424] : memref<50x8x32x8x128xf32, #tpu.memory_space<hbm>> -> memref<1x1x1x8x128xf32, #tpu.memory_space<hbm>>
      %dma_start3A_1426 = tpu.memref_squeeze %dma_start3A_1425 : memref<1x1x1x8x128xf32, #tpu.memory_space<hbm>> -> memref<8x128xf32, #tpu.memory_space<hbm>>
      %dma_start3A_1427 = arith.constant 0 : i32
      %dma_start3A_1428 = arith.constant 0 : i32
      %dma_start3A_1429 = tpu.memref_slice %arg4[%select_n3A_1306, %dma_start3A_1418, %rem3A_1308, %dma_start3A_1427, %dma_start3A_1428] : memref<50x8x32x8x128xf32, #tpu.memory_space<hbm>> -> memref<1x1x1x8x128xf32, #tpu.memory_space<hbm>>
      %dma_start3A_1430 = tpu.memref_squeeze %dma_start3A_1429 : memref<1x1x1x8x128xf32, #tpu.memory_space<hbm>> -> memref<8x128xf32, #tpu.memory_space<hbm>>
      %dma_start3A_1431 = arith.constant 48 : i32
      %dma_start3A_1432 = arith.constant 0 : i32
      %dma_start3A_1433 = tpu.memref_slice %arg7[%dma_start3A_1417, %dma_start3A_1431, %dma_start3A_1432] : memref<5x64x129xf32, #tpu.memory_space<vmem>> -> memref<1x8x128xf32, #tpu.memory_space<vmem>>
      %dma_start3A_1434 = tpu.memref_squeeze %dma_start3A_1433 : memref<1x8x128xf32, #tpu.memory_space<vmem>> -> memref<8x128xf32, #tpu.memory_space<vmem>>
      tpu.enqueue_dma source(%dma_start3A_1434 : memref<8x128xf32, #tpu.memory_space<vmem>>) target(%dma_start3A_1430 : memref<8x128xf32, #tpu.memory_space<hbm>>) target_semaphore(%arg9 : memref<!tpu.dma_semaphore, #tpu.memory_space<semaphore_mem>>)
      %dma_start3A_1435 = arith.constant 2 : i32
      %dma_start3A_1436 = arith.constant 7 : i32
      %dma_start3A_1437 = arith.constant 56 : i32
      %dma_start3A_1438 = arith.constant 0 : i32
      %dma_start3A_1439 = tpu.memref_slice %arg7[%dma_start3A_1435, %dma_start3A_1437, %dma_start3A_1438] : memref<5x64x129xf32, #tpu.memory_space<vmem>> -> memref<1x8x128xf32, #tpu.memory_space<vmem>>
      %dma_start3A_1440 = tpu.memref_squeeze %dma_start3A_1439 : memref<1x8x128xf32, #tpu.memory_space<vmem>> -> memref<8x128xf32, #tpu.memory_space<vmem>>
      %dma_start3A_1441 = arith.constant 0 : i32
      %dma_start3A_1442 = arith.constant 0 : i32
      %dma_start3A_1443 = tpu.memref_slice %arg4[%select_n3A_1306, %dma_start3A_1436, %rem3A_1308, %dma_start3A_1441, %dma_start3A_1442] : memref<50x8x32x8x128xf32, #tpu.memory_space<hbm>> -> memref<1x1x1x8x128xf32, #tpu.memory_space<hbm>>
      %dma_start3A_1444 = tpu.memref_squeeze %dma_start3A_1443 : memref<1x1x1x8x128xf32, #tpu.memory_space<hbm>> -> memref<8x128xf32, #tpu.memory_space<hbm>>
      %dma_start3A_1445 = arith.constant 0 : i32
      %dma_start3A_1446 = arith.constant 0 : i32
      %dma_start3A_1447 = tpu.memref_slice %arg4[%select_n3A_1306, %dma_start3A_1436, %rem3A_1308, %dma_start3A_1445, %dma_start3A_1446] : memref<50x8x32x8x128xf32, #tpu.memory_space<hbm>> -> memref<1x1x1x8x128xf32, #tpu.memory_space<hbm>>
      %dma_start3A_1448 = tpu.memref_squeeze %dma_start3A_1447 : memref<1x1x1x8x128xf32, #tpu.memory_space<hbm>> -> memref<8x128xf32, #tpu.memory_space<hbm>>
      %dma_start3A_1449 = arith.constant 56 : i32
      %dma_start3A_1450 = arith.constant 0 : i32
      %dma_start3A_1451 = tpu.memref_slice %arg7[%dma_start3A_1435, %dma_start3A_1449, %dma_start3A_1450] : memref<5x64x129xf32, #tpu.memory_space<vmem>> -> memref<1x8x128xf32, #tpu.memory_space<vmem>>
      %dma_start3A_1452 = tpu.memref_squeeze %dma_start3A_1451 : memref<1x8x128xf32, #tpu.memory_space<vmem>> -> memref<8x128xf32, #tpu.memory_space<vmem>>
      tpu.enqueue_dma source(%dma_start3A_1452 : memref<8x128xf32, #tpu.memory_space<vmem>>) target(%dma_start3A_1448 : memref<8x128xf32, #tpu.memory_space<hbm>>) target_semaphore(%arg9 : memref<!tpu.dma_semaphore, #tpu.memory_space<semaphore_mem>>)
      %lt3A_1453 = arith.constant 9 : i32
      %lt3A_1454 = arith.cmpi slt, %scan3A_870, %lt3A_1453 : i32
      %convert_element_type3A_1455 = arith.extui %lt3A_1454 : i1 to i32
      %cond3A_1456 = arith.constant 0 : i32
      %cond3A_1457 = arith.cmpi ne, %convert_element_type3A_1455, %cond3A_1456 : i32
      scf.if %cond3A_1457 {
        %add3A_1858 = arith.constant 5 : i32
        %add3A_1859 = arith.addi %add3A_1261, %add3A_1858 : i32
        %mul3A_1860 = arith.constant 128 : i32
        %mul3A_1861 = arith.muli %add3A_1859, %mul3A_1860 : i32
        %dma_start3A_1862 = arith.constant 2 : i32
        %dma_start3A_1863 = arith.constant 0 : i32
        %dma_start3A_1864 = arith.constant 0 : i32
        %dma_start3A_1865 = tpu.memref_slice %arg6[%dma_start3A_1862, %dma_start3A_1863, %dma_start3A_1864] : memref<5x128x64xf32, #tpu.memory_space<vmem>> -> memref<1x128x64xf32, #tpu.memory_space<vmem>>
        %dma_start3A_1866 = tpu.memref_squeeze %dma_start3A_1865 : memref<1x128x64xf32, #tpu.memory_space<vmem>> -> memref<128x64xf32, #tpu.memory_space<vmem>>
        %dma_start3A_1867 = tpu.memref_slice %arg5[%mul3A_1861] : memref<6400xi32, #tpu.memory_space<vmem>> -> memref<128xi32, #tpu.memory_space<vmem>>
        %dma_start3A_1868 = arith.constant 0 : i32
        %dma_start3A_1869 = arith.constant 0 : i32
        %dma_start3A_1870 = tpu.memref_slice %arg3[%dma_start3A_1868, %dma_start3A_1869] : memref<100000x64xf32, #tpu.memory_space<hbm>> -> memref<100000x64xf32, #tpu.memory_space<hbm>>
        tpu.enqueue_indirect_dma source(%dma_start3A_1870 : memref<100000x64xf32, #tpu.memory_space<hbm>>) target(%dma_start3A_1866 : memref<128x64xf32, #tpu.memory_space<vmem>>) offsets(%dma_start3A_1867 : memref<128xi32, #tpu.memory_space<vmem>>) semaphore(%arg8 : memref<!tpu.dma_semaphore, #tpu.memory_space<semaphore_mem>>)
      } else {
      }
      %mul3A_1458 = arith.constant 5 : i32
      %mul3A_1459 = arith.muli %scan3A_870, %mul3A_1458 : i32
      %add3A_1460 = arith.constant 3 : i32
      %add3A_1461 = arith.addi %mul3A_1459, %add3A_1460 : i32
      %dma_wait3A_1462 = arith.constant 3 : i32
      %dma_wait3A_1463 = arith.constant 0 : i32
      %dma_wait3A_1464 = arith.constant 0 : i32
      %dma_wait3A_1465 = tpu.memref_slice %arg6[%dma_wait3A_1462, %dma_wait3A_1463, %dma_wait3A_1464] : memref<5x128x64xf32, #tpu.memory_space<vmem>> -> memref<1x128x64xf32, #tpu.memory_space<vmem>>
      %dma_wait3A_1466 = tpu.memref_squeeze %dma_wait3A_1465 : memref<1x128x64xf32, #tpu.memory_space<vmem>> -> memref<128x64xf32, #tpu.memory_space<vmem>>
      %dma_wait3A_1467 = arith.constant 0 : i32
      %dma_wait3A_1468 = tpu.memref_slice %arg5[%dma_wait3A_1467] : memref<6400xi32, #tpu.memory_space<vmem>> -> memref<128xi32, #tpu.memory_space<vmem>>
      %dma_wait3A_1469 = arith.constant 0 : i32
      %dma_wait3A_1470 = arith.constant 0 : i32
      %dma_wait3A_1471 = tpu.memref_slice %arg3[%dma_wait3A_1469, %dma_wait3A_1470] : memref<100000x64xf32, #tpu.memory_space<hbm>> -> memref<100000x64xf32, #tpu.memory_space<hbm>>
      tpu.wait_indirect_dma semaphore(%arg8 : memref<!tpu.dma_semaphore, #tpu.memory_space<semaphore_mem>>) src(%dma_wait3A_1471 : memref<100000x64xf32, #tpu.memory_space<hbm>>) dst(%dma_wait3A_1466 : memref<128x64xf32, #tpu.memory_space<vmem>>)
      %gt3A_1472 = arith.constant 0 : i32
      %gt3A_1473 = arith.cmpi sgt, %scan3A_870, %gt3A_1472 : i32
      %convert_element_type3A_1474 = arith.extui %gt3A_1473 : i1 to i32
      %cond3A_1475 = arith.constant 0 : i32
      %cond3A_1476 = arith.cmpi ne, %convert_element_type3A_1474, %cond3A_1475 : i32
      scf.if %cond3A_1476 {
        %dma_wait3A_1858 = arith.constant 3 : i32
        %dma_wait3A_1859 = arith.constant 0 : i32
        %dma_wait3A_1860 = arith.constant 0 : i32
        %dma_wait3A_1861 = arith.constant 0 : i32
        %dma_wait3A_1862 = arith.constant 0 : i32
        %dma_wait3A_1863 = arith.constant 0 : i32
        %dma_wait3A_1864 = tpu.memref_slice %arg7[%dma_wait3A_1858, %dma_wait3A_1862, %dma_wait3A_1863] : memref<5x64x129xf32, #tpu.memory_space<vmem>> -> memref<1x8x128xf32, #tpu.memory_space<vmem>>
        %dma_wait3A_1865 = tpu.memref_squeeze %dma_wait3A_1864 : memref<1x8x128xf32, #tpu.memory_space<vmem>> -> memref<8x128xf32, #tpu.memory_space<vmem>>
        %dma_wait3A_1866 = arith.constant 0 : i32
        %dma_wait3A_1867 = arith.constant 0 : i32
        %dma_wait3A_1868 = tpu.memref_slice %arg4[%dma_wait3A_1859, %dma_wait3A_1860, %dma_wait3A_1861, %dma_wait3A_1866, %dma_wait3A_1867] : memref<50x8x32x8x128xf32, #tpu.memory_space<hbm>> -> memref<1x1x1x8x128xf32, #tpu.memory_space<hbm>>
        %dma_wait3A_1869 = tpu.memref_squeeze %dma_wait3A_1868 : memref<1x1x1x8x128xf32, #tpu.memory_space<hbm>> -> memref<8x128xf32, #tpu.memory_space<hbm>>
        %dma_wait3A_1870 = arith.constant 0 : i32
        %dma_wait3A_1871 = arith.constant 0 : i32
        %dma_wait3A_1872 = tpu.memref_slice %arg4[%dma_wait3A_1859, %dma_wait3A_1860, %dma_wait3A_1861, %dma_wait3A_1870, %dma_wait3A_1871] : memref<50x8x32x8x128xf32, #tpu.memory_space<hbm>> -> memref<1x1x1x8x128xf32, #tpu.memory_space<hbm>>
        %dma_wait3A_1873 = tpu.memref_squeeze %dma_wait3A_1872 : memref<1x1x1x8x128xf32, #tpu.memory_space<hbm>> -> memref<8x128xf32, #tpu.memory_space<hbm>>
        %dma_wait3A_1874 = arith.constant 0 : i32
        %dma_wait3A_1875 = arith.constant 0 : i32
        %dma_wait3A_1876 = tpu.memref_slice %arg7[%dma_wait3A_1858, %dma_wait3A_1874, %dma_wait3A_1875] : memref<5x64x129xf32, #tpu.memory_space<vmem>> -> memref<1x8x128xf32, #tpu.memory_space<vmem>>
        %dma_wait3A_1877 = tpu.memref_squeeze %dma_wait3A_1876 : memref<1x8x128xf32, #tpu.memory_space<vmem>> -> memref<8x128xf32, #tpu.memory_space<vmem>>
        tpu.wait_dma2 semaphore(%arg9 : memref<!tpu.dma_semaphore, #tpu.memory_space<semaphore_mem>>) src(%dma_wait3A_1877 : memref<8x128xf32, #tpu.memory_space<vmem>>) dst(%dma_wait3A_1873 : memref<8x128xf32, #tpu.memory_space<hbm>>)
        %dma_wait3A_1878 = arith.constant 3 : i32
        %dma_wait3A_1879 = arith.constant 0 : i32
        %dma_wait3A_1880 = arith.constant 0 : i32
        %dma_wait3A_1881 = arith.constant 0 : i32
        %dma_wait3A_1882 = arith.constant 8 : i32
        %dma_wait3A_1883 = arith.constant 0 : i32
        %dma_wait3A_1884 = tpu.memref_slice %arg7[%dma_wait3A_1878, %dma_wait3A_1882, %dma_wait3A_1883] : memref<5x64x129xf32, #tpu.memory_space<vmem>> -> memref<1x8x128xf32, #tpu.memory_space<vmem>>
        %dma_wait3A_1885 = tpu.memref_squeeze %dma_wait3A_1884 : memref<1x8x128xf32, #tpu.memory_space<vmem>> -> memref<8x128xf32, #tpu.memory_space<vmem>>
        %dma_wait3A_1886 = arith.constant 0 : i32
        %dma_wait3A_1887 = arith.constant 0 : i32
        %dma_wait3A_1888 = tpu.memref_slice %arg4[%dma_wait3A_1879, %dma_wait3A_1880, %dma_wait3A_1881, %dma_wait3A_1886, %dma_wait3A_1887] : memref<50x8x32x8x128xf32, #tpu.memory_space<hbm>> -> memref<1x1x1x8x128xf32, #tpu.memory_space<hbm>>
        %dma_wait3A_1889 = tpu.memref_squeeze %dma_wait3A_1888 : memref<1x1x1x8x128xf32, #tpu.memory_space<hbm>> -> memref<8x128xf32, #tpu.memory_space<hbm>>
        %dma_wait3A_1890 = arith.constant 0 : i32
        %dma_wait3A_1891 = arith.constant 0 : i32
        %dma_wait3A_1892 = tpu.memref_slice %arg4[%dma_wait3A_1879, %dma_wait3A_1880, %dma_wait3A_1881, %dma_wait3A_1890, %dma_wait3A_1891] : memref<50x8x32x8x128xf32, #tpu.memory_space<hbm>> -> memref<1x1x1x8x128xf32, #tpu.memory_space<hbm>>
        %dma_wait3A_1893 = tpu.memref_squeeze %dma_wait3A_1892 : memref<1x1x1x8x128xf32, #tpu.memory_space<hbm>> -> memref<8x128xf32, #tpu.memory_space<hbm>>
        %dma_wait3A_1894 = arith.constant 8 : i32
        %dma_wait3A_1895 = arith.constant 0 : i32
        %dma_wait3A_1896 = tpu.memref_slice %arg7[%dma_wait3A_1878, %dma_wait3A_1894, %dma_wait3A_1895] : memref<5x64x129xf32, #tpu.memory_space<vmem>> -> memref<1x8x128xf32, #tpu.memory_space<vmem>>
        %dma_wait3A_1897 = tpu.memref_squeeze %dma_wait3A_1896 : memref<1x8x128xf32, #tpu.memory_space<vmem>> -> memref<8x128xf32, #tpu.memory_space<vmem>>
        tpu.wait_dma2 semaphore(%arg9 : memref<!tpu.dma_semaphore, #tpu.memory_space<semaphore_mem>>) src(%dma_wait3A_1897 : memref<8x128xf32, #tpu.memory_space<vmem>>) dst(%dma_wait3A_1893 : memref<8x128xf32, #tpu.memory_space<hbm>>)
        %dma_wait3A_1898 = arith.constant 3 : i32
        %dma_wait3A_1899 = arith.constant 0 : i32
        %dma_wait3A_1900 = arith.constant 0 : i32
        %dma_wait3A_1901 = arith.constant 0 : i32
        %dma_wait3A_1902 = arith.constant 16 : i32
        %dma_wait3A_1903 = arith.constant 0 : i32
        %dma_wait3A_1904 = tpu.memref_slice %arg7[%dma_wait3A_1898, %dma_wait3A_1902, %dma_wait3A_1903] : memref<5x64x129xf32, #tpu.memory_space<vmem>> -> memref<1x8x128xf32, #tpu.memory_space<vmem>>
        %dma_wait3A_1905 = tpu.memref_squeeze %dma_wait3A_1904 : memref<1x8x128xf32, #tpu.memory_space<vmem>> -> memref<8x128xf32, #tpu.memory_space<vmem>>
        %dma_wait3A_1906 = arith.constant 0 : i32
        %dma_wait3A_1907 = arith.constant 0 : i32
        %dma_wait3A_1908 = tpu.memref_slice %arg4[%dma_wait3A_1899, %dma_wait3A_1900, %dma_wait3A_1901, %dma_wait3A_1906, %dma_wait3A_1907] : memref<50x8x32x8x128xf32, #tpu.memory_space<hbm>> -> memref<1x1x1x8x128xf32, #tpu.memory_space<hbm>>
        %dma_wait3A_1909 = tpu.memref_squeeze %dma_wait3A_1908 : memref<1x1x1x8x128xf32, #tpu.memory_space<hbm>> -> memref<8x128xf32, #tpu.memory_space<hbm>>
        %dma_wait3A_1910 = arith.constant 0 : i32
        %dma_wait3A_1911 = arith.constant 0 : i32
        %dma_wait3A_1912 = tpu.memref_slice %arg4[%dma_wait3A_1899, %dma_wait3A_1900, %dma_wait3A_1901, %dma_wait3A_1910, %dma_wait3A_1911] : memref<50x8x32x8x128xf32, #tpu.memory_space<hbm>> -> memref<1x1x1x8x128xf32, #tpu.memory_space<hbm>>
        %dma_wait3A_1913 = tpu.memref_squeeze %dma_wait3A_1912 : memref<1x1x1x8x128xf32, #tpu.memory_space<hbm>> -> memref<8x128xf32, #tpu.memory_space<hbm>>
        %dma_wait3A_1914 = arith.constant 16 : i32
        %dma_wait3A_1915 = arith.constant 0 : i32
        %dma_wait3A_1916 = tpu.memref_slice %arg7[%dma_wait3A_1898, %dma_wait3A_1914, %dma_wait3A_1915] : memref<5x64x129xf32, #tpu.memory_space<vmem>> -> memref<1x8x128xf32, #tpu.memory_space<vmem>>
        %dma_wait3A_1917 = tpu.memref_squeeze %dma_wait3A_1916 : memref<1x8x128xf32, #tpu.memory_space<vmem>> -> memref<8x128xf32, #tpu.memory_space<vmem>>
        tpu.wait_dma2 semaphore(%arg9 : memref<!tpu.dma_semaphore, #tpu.memory_space<semaphore_mem>>) src(%dma_wait3A_1917 : memref<8x128xf32, #tpu.memory_space<vmem>>) dst(%dma_wait3A_1913 : memref<8x128xf32, #tpu.memory_space<hbm>>)
        %dma_wait3A_1918 = arith.constant 3 : i32
        %dma_wait3A_1919 = arith.constant 0 : i32
        %dma_wait3A_1920 = arith.constant 0 : i32
        %dma_wait3A_1921 = arith.constant 0 : i32
        %dma_wait3A_1922 = arith.constant 24 : i32
        %dma_wait3A_1923 = arith.constant 0 : i32
        %dma_wait3A_1924 = tpu.memref_slice %arg7[%dma_wait3A_1918, %dma_wait3A_1922, %dma_wait3A_1923] : memref<5x64x129xf32, #tpu.memory_space<vmem>> -> memref<1x8x128xf32, #tpu.memory_space<vmem>>
        %dma_wait3A_1925 = tpu.memref_squeeze %dma_wait3A_1924 : memref<1x8x128xf32, #tpu.memory_space<vmem>> -> memref<8x128xf32, #tpu.memory_space<vmem>>
        %dma_wait3A_1926 = arith.constant 0 : i32
        %dma_wait3A_1927 = arith.constant 0 : i32
        %dma_wait3A_1928 = tpu.memref_slice %arg4[%dma_wait3A_1919, %dma_wait3A_1920, %dma_wait3A_1921, %dma_wait3A_1926, %dma_wait3A_1927] : memref<50x8x32x8x128xf32, #tpu.memory_space<hbm>> -> memref<1x1x1x8x128xf32, #tpu.memory_space<hbm>>
        %dma_wait3A_1929 = tpu.memref_squeeze %dma_wait3A_1928 : memref<1x1x1x8x128xf32, #tpu.memory_space<hbm>> -> memref<8x128xf32, #tpu.memory_space<hbm>>
        %dma_wait3A_1930 = arith.constant 0 : i32
        %dma_wait3A_1931 = arith.constant 0 : i32
        %dma_wait3A_1932 = tpu.memref_slice %arg4[%dma_wait3A_1919, %dma_wait3A_1920, %dma_wait3A_1921, %dma_wait3A_1930, %dma_wait3A_1931] : memref<50x8x32x8x128xf32, #tpu.memory_space<hbm>> -> memref<1x1x1x8x128xf32, #tpu.memory_space<hbm>>
        %dma_wait3A_1933 = tpu.memref_squeeze %dma_wait3A_1932 : memref<1x1x1x8x128xf32, #tpu.memory_space<hbm>> -> memref<8x128xf32, #tpu.memory_space<hbm>>
        %dma_wait3A_1934 = arith.constant 24 : i32
        %dma_wait3A_1935 = arith.constant 0 : i32
        %dma_wait3A_1936 = tpu.memref_slice %arg7[%dma_wait3A_1918, %dma_wait3A_1934, %dma_wait3A_1935] : memref<5x64x129xf32, #tpu.memory_space<vmem>> -> memref<1x8x128xf32, #tpu.memory_space<vmem>>
        %dma_wait3A_1937 = tpu.memref_squeeze %dma_wait3A_1936 : memref<1x8x128xf32, #tpu.memory_space<vmem>> -> memref<8x128xf32, #tpu.memory_space<vmem>>
        tpu.wait_dma2 semaphore(%arg9 : memref<!tpu.dma_semaphore, #tpu.memory_space<semaphore_mem>>) src(%dma_wait3A_1937 : memref<8x128xf32, #tpu.memory_space<vmem>>) dst(%dma_wait3A_1933 : memref<8x128xf32, #tpu.memory_space<hbm>>)
        %dma_wait3A_1938 = arith.constant 3 : i32
        %dma_wait3A_1939 = arith.constant 0 : i32
        %dma_wait3A_1940 = arith.constant 0 : i32
        %dma_wait3A_1941 = arith.constant 0 : i32
        %dma_wait3A_1942 = arith.constant 32 : i32
        %dma_wait3A_1943 = arith.constant 0 : i32
        %dma_wait3A_1944 = tpu.memref_slice %arg7[%dma_wait3A_1938, %dma_wait3A_1942, %dma_wait3A_1943] : memref<5x64x129xf32, #tpu.memory_space<vmem>> -> memref<1x8x128xf32, #tpu.memory_space<vmem>>
        %dma_wait3A_1945 = tpu.memref_squeeze %dma_wait3A_1944 : memref<1x8x128xf32, #tpu.memory_space<vmem>> -> memref<8x128xf32, #tpu.memory_space<vmem>>
        %dma_wait3A_1946 = arith.constant 0 : i32
        %dma_wait3A_1947 = arith.constant 0 : i32
        %dma_wait3A_1948 = tpu.memref_slice %arg4[%dma_wait3A_1939, %dma_wait3A_1940, %dma_wait3A_1941, %dma_wait3A_1946, %dma_wait3A_1947] : memref<50x8x32x8x128xf32, #tpu.memory_space<hbm>> -> memref<1x1x1x8x128xf32, #tpu.memory_space<hbm>>
        %dma_wait3A_1949 = tpu.memref_squeeze %dma_wait3A_1948 : memref<1x1x1x8x128xf32, #tpu.memory_space<hbm>> -> memref<8x128xf32, #tpu.memory_space<hbm>>
        %dma_wait3A_1950 = arith.constant 0 : i32
        %dma_wait3A_1951 = arith.constant 0 : i32
        %dma_wait3A_1952 = tpu.memref_slice %arg4[%dma_wait3A_1939, %dma_wait3A_1940, %dma_wait3A_1941, %dma_wait3A_1950, %dma_wait3A_1951] : memref<50x8x32x8x128xf32, #tpu.memory_space<hbm>> -> memref<1x1x1x8x128xf32, #tpu.memory_space<hbm>>
        %dma_wait3A_1953 = tpu.memref_squeeze %dma_wait3A_1952 : memref<1x1x1x8x128xf32, #tpu.memory_space<hbm>> -> memref<8x128xf32, #tpu.memory_space<hbm>>
        %dma_wait3A_1954 = arith.constant 32 : i32
        %dma_wait3A_1955 = arith.constant 0 : i32
        %dma_wait3A_1956 = tpu.memref_slice %arg7[%dma_wait3A_1938, %dma_wait3A_1954, %dma_wait3A_1955] : memref<5x64x129xf32, #tpu.memory_space<vmem>> -> memref<1x8x128xf32, #tpu.memory_space<vmem>>
        %dma_wait3A_1957 = tpu.memref_squeeze %dma_wait3A_1956 : memref<1x8x128xf32, #tpu.memory_space<vmem>> -> memref<8x128xf32, #tpu.memory_space<vmem>>
        tpu.wait_dma2 semaphore(%arg9 : memref<!tpu.dma_semaphore, #tpu.memory_space<semaphore_mem>>) src(%dma_wait3A_1957 : memref<8x128xf32, #tpu.memory_space<vmem>>) dst(%dma_wait3A_1953 : memref<8x128xf32, #tpu.memory_space<hbm>>)
        %dma_wait3A_1958 = arith.constant 3 : i32
        %dma_wait3A_1959 = arith.constant 0 : i32
        %dma_wait3A_1960 = arith.constant 0 : i32
        %dma_wait3A_1961 = arith.constant 0 : i32
        %dma_wait3A_1962 = arith.constant 40 : i32
        %dma_wait3A_1963 = arith.constant 0 : i32
        %dma_wait3A_1964 = tpu.memref_slice %arg7[%dma_wait3A_1958, %dma_wait3A_1962, %dma_wait3A_1963] : memref<5x64x129xf32, #tpu.memory_space<vmem>> -> memref<1x8x128xf32, #tpu.memory_space<vmem>>
        %dma_wait3A_1965 = tpu.memref_squeeze %dma_wait3A_1964 : memref<1x8x128xf32, #tpu.memory_space<vmem>> -> memref<8x128xf32, #tpu.memory_space<vmem>>
        %dma_wait3A_1966 = arith.constant 0 : i32
        %dma_wait3A_1967 = arith.constant 0 : i32
        %dma_wait3A_1968 = tpu.memref_slice %arg4[%dma_wait3A_1959, %dma_wait3A_1960, %dma_wait3A_1961, %dma_wait3A_1966, %dma_wait3A_1967] : memref<50x8x32x8x128xf32, #tpu.memory_space<hbm>> -> memref<1x1x1x8x128xf32, #tpu.memory_space<hbm>>
        %dma_wait3A_1969 = tpu.memref_squeeze %dma_wait3A_1968 : memref<1x1x1x8x128xf32, #tpu.memory_space<hbm>> -> memref<8x128xf32, #tpu.memory_space<hbm>>
        %dma_wait3A_1970 = arith.constant 0 : i32
        %dma_wait3A_1971 = arith.constant 0 : i32
        %dma_wait3A_1972 = tpu.memref_slice %arg4[%dma_wait3A_1959, %dma_wait3A_1960, %dma_wait3A_1961, %dma_wait3A_1970, %dma_wait3A_1971] : memref<50x8x32x8x128xf32, #tpu.memory_space<hbm>> -> memref<1x1x1x8x128xf32, #tpu.memory_space<hbm>>
        %dma_wait3A_1973 = tpu.memref_squeeze %dma_wait3A_1972 : memref<1x1x1x8x128xf32, #tpu.memory_space<hbm>> -> memref<8x128xf32, #tpu.memory_space<hbm>>
        %dma_wait3A_1974 = arith.constant 40 : i32
        %dma_wait3A_1975 = arith.constant 0 : i32
        %dma_wait3A_1976 = tpu.memref_slice %arg7[%dma_wait3A_1958, %dma_wait3A_1974, %dma_wait3A_1975] : memref<5x64x129xf32, #tpu.memory_space<vmem>> -> memref<1x8x128xf32, #tpu.memory_space<vmem>>
        %dma_wait3A_1977 = tpu.memref_squeeze %dma_wait3A_1976 : memref<1x8x128xf32, #tpu.memory_space<vmem>> -> memref<8x128xf32, #tpu.memory_space<vmem>>
        tpu.wait_dma2 semaphore(%arg9 : memref<!tpu.dma_semaphore, #tpu.memory_space<semaphore_mem>>) src(%dma_wait3A_1977 : memref<8x128xf32, #tpu.memory_space<vmem>>) dst(%dma_wait3A_1973 : memref<8x128xf32, #tpu.memory_space<hbm>>)
        %dma_wait3A_1978 = arith.constant 3 : i32
        %dma_wait3A_1979 = arith.constant 0 : i32
        %dma_wait3A_1980 = arith.constant 0 : i32
        %dma_wait3A_1981 = arith.constant 0 : i32
        %dma_wait3A_1982 = arith.constant 48 : i32
        %dma_wait3A_1983 = arith.constant 0 : i32
        %dma_wait3A_1984 = tpu.memref_slice %arg7[%dma_wait3A_1978, %dma_wait3A_1982, %dma_wait3A_1983] : memref<5x64x129xf32, #tpu.memory_space<vmem>> -> memref<1x8x128xf32, #tpu.memory_space<vmem>>
        %dma_wait3A_1985 = tpu.memref_squeeze %dma_wait3A_1984 : memref<1x8x128xf32, #tpu.memory_space<vmem>> -> memref<8x128xf32, #tpu.memory_space<vmem>>
        %dma_wait3A_1986 = arith.constant 0 : i32
        %dma_wait3A_1987 = arith.constant 0 : i32
        %dma_wait3A_1988 = tpu.memref_slice %arg4[%dma_wait3A_1979, %dma_wait3A_1980, %dma_wait3A_1981, %dma_wait3A_1986, %dma_wait3A_1987] : memref<50x8x32x8x128xf32, #tpu.memory_space<hbm>> -> memref<1x1x1x8x128xf32, #tpu.memory_space<hbm>>
        %dma_wait3A_1989 = tpu.memref_squeeze %dma_wait3A_1988 : memref<1x1x1x8x128xf32, #tpu.memory_space<hbm>> -> memref<8x128xf32, #tpu.memory_space<hbm>>
        %dma_wait3A_1990 = arith.constant 0 : i32
        %dma_wait3A_1991 = arith.constant 0 : i32
        %dma_wait3A_1992 = tpu.memref_slice %arg4[%dma_wait3A_1979, %dma_wait3A_1980, %dma_wait3A_1981, %dma_wait3A_1990, %dma_wait3A_1991] : memref<50x8x32x8x128xf32, #tpu.memory_space<hbm>> -> memref<1x1x1x8x128xf32, #tpu.memory_space<hbm>>
        %dma_wait3A_1993 = tpu.memref_squeeze %dma_wait3A_1992 : memref<1x1x1x8x128xf32, #tpu.memory_space<hbm>> -> memref<8x128xf32, #tpu.memory_space<hbm>>
        %dma_wait3A_1994 = arith.constant 48 : i32
        %dma_wait3A_1995 = arith.constant 0 : i32
        %dma_wait3A_1996 = tpu.memref_slice %arg7[%dma_wait3A_1978, %dma_wait3A_1994, %dma_wait3A_1995] : memref<5x64x129xf32, #tpu.memory_space<vmem>> -> memref<1x8x128xf32, #tpu.memory_space<vmem>>
        %dma_wait3A_1997 = tpu.memref_squeeze %dma_wait3A_1996 : memref<1x8x128xf32, #tpu.memory_space<vmem>> -> memref<8x128xf32, #tpu.memory_space<vmem>>
        tpu.wait_dma2 semaphore(%arg9 : memref<!tpu.dma_semaphore, #tpu.memory_space<semaphore_mem>>) src(%dma_wait3A_1997 : memref<8x128xf32, #tpu.memory_space<vmem>>) dst(%dma_wait3A_1993 : memref<8x128xf32, #tpu.memory_space<hbm>>)
        %dma_wait3A_1998 = arith.constant 3 : i32
        %dma_wait3A_1999 = arith.constant 0 : i32
        %dma_wait3A_2000 = arith.constant 0 : i32
        %dma_wait3A_2001 = arith.constant 0 : i32
        %dma_wait3A_2002 = arith.constant 56 : i32
        %dma_wait3A_2003 = arith.constant 0 : i32
        %dma_wait3A_2004 = tpu.memref_slice %arg7[%dma_wait3A_1998, %dma_wait3A_2002, %dma_wait3A_2003] : memref<5x64x129xf32, #tpu.memory_space<vmem>> -> memref<1x8x128xf32, #tpu.memory_space<vmem>>
        %dma_wait3A_2005 = tpu.memref_squeeze %dma_wait3A_2004 : memref<1x8x128xf32, #tpu.memory_space<vmem>> -> memref<8x128xf32, #tpu.memory_space<vmem>>
        %dma_wait3A_2006 = arith.constant 0 : i32
        %dma_wait3A_2007 = arith.constant 0 : i32
        %dma_wait3A_2008 = tpu.memref_slice %arg4[%dma_wait3A_1999, %dma_wait3A_2000, %dma_wait3A_2001, %dma_wait3A_2006, %dma_wait3A_2007] : memref<50x8x32x8x128xf32, #tpu.memory_space<hbm>> -> memref<1x1x1x8x128xf32, #tpu.memory_space<hbm>>
        %dma_wait3A_2009 = tpu.memref_squeeze %dma_wait3A_2008 : memref<1x1x1x8x128xf32, #tpu.memory_space<hbm>> -> memref<8x128xf32, #tpu.memory_space<hbm>>
        %dma_wait3A_2010 = arith.constant 0 : i32
        %dma_wait3A_2011 = arith.constant 0 : i32
        %dma_wait3A_2012 = tpu.memref_slice %arg4[%dma_wait3A_1999, %dma_wait3A_2000, %dma_wait3A_2001, %dma_wait3A_2010, %dma_wait3A_2011] : memref<50x8x32x8x128xf32, #tpu.memory_space<hbm>> -> memref<1x1x1x8x128xf32, #tpu.memory_space<hbm>>
        %dma_wait3A_2013 = tpu.memref_squeeze %dma_wait3A_2012 : memref<1x1x1x8x128xf32, #tpu.memory_space<hbm>> -> memref<8x128xf32, #tpu.memory_space<hbm>>
        %dma_wait3A_2014 = arith.constant 56 : i32
        %dma_wait3A_2015 = arith.constant 0 : i32
        %dma_wait3A_2016 = tpu.memref_slice %arg7[%dma_wait3A_1998, %dma_wait3A_2014, %dma_wait3A_2015] : memref<5x64x129xf32, #tpu.memory_space<vmem>> -> memref<1x8x128xf32, #tpu.memory_space<vmem>>
        %dma_wait3A_2017 = tpu.memref_squeeze %dma_wait3A_2016 : memref<1x8x128xf32, #tpu.memory_space<vmem>> -> memref<8x128xf32, #tpu.memory_space<vmem>>
        tpu.wait_dma2 semaphore(%arg9 : memref<!tpu.dma_semaphore, #tpu.memory_space<semaphore_mem>>) src(%dma_wait3A_2017 : memref<8x128xf32, #tpu.memory_space<vmem>>) dst(%dma_wait3A_2013 : memref<8x128xf32, #tpu.memory_space<hbm>>)
      } else {
      }
      %parallel_loop3A_1477 = arith.constant 0 : i32
      %parallel_loop3A_1478 = arith.constant 128 : i32
      %parallel_loop3A_1479 = arith.constant 1 : i32
      %parallel_loop3A_1480 = arith.constant 3 : i32
      %parallel_loop3A_1481 = arith.constant 3 : i32
      scf.for %parallel_loop3A_1858 = %parallel_loop3A_1477 to %parallel_loop3A_1478 step %parallel_loop3A_1479  : i32 {
        %parallel_loop3A_1859 = vector.broadcast %parallel_loop3A_1858 : i32 to vector<16xi32>
        %parallel_loop3A_1860 = arith.constant 0 : i32
        %parallel_loop3A_1861 = arith.constant 0 : i32
        %parallel_loop3A_1862 = tpu.memref_slice %arg6[%parallel_loop3A_1480, %parallel_loop3A_1860, %parallel_loop3A_1861] : memref<5x128x64xf32, #tpu.memory_space<vmem>> -> memref<1x128x64xf32, #tpu.memory_space<vmem>>
        %parallel_loop3A_1863 = tpu.memref_squeeze %parallel_loop3A_1862 : memref<1x128x64xf32, #tpu.memory_space<vmem>> -> memref<128x64xf32, #tpu.memory_space<vmem>>
        %parallel_loop3A_1864 = arith.index_cast %parallel_loop3A_1858 : i32 to index
        %parallel_loop3A_1865 = arith.constant 0 : index
        %parallel_loop3A_1866 = tpu.vector_load %parallel_loop3A_1863[%parallel_loop3A_1864, %parallel_loop3A_1865] {strides = array<i32>} : memref<128x64xf32, #tpu.memory_space<vmem>>, vector<16xf32>,
        %parallel_loop3A_1867 = arith.constant 0 : i32
        %parallel_loop3A_1868 = arith.constant 0 : i32
        %parallel_loop3A_1869 = tpu.memref_slice %arg7[%parallel_loop3A_1481, %parallel_loop3A_1867, %parallel_loop3A_1868] : memref<5x64x129xf32, #tpu.memory_space<vmem>> -> memref<1x64x129xf32, #tpu.memory_space<vmem>>
        %parallel_loop3A_1870 = tpu.memref_squeeze %parallel_loop3A_1869 : memref<1x64x129xf32, #tpu.memory_space<vmem>> -> memref<64x129xf32, #tpu.memory_space<vmem>>
        tpu.vector_store_idx %parallel_loop3A_1870[%add3A_7, %parallel_loop3A_1859], %parallel_loop3A_1866 : memref<64x129xf32, #tpu.memory_space<vmem>>[vector<16xi32>, vector<16xi32>], vector<16xf32>,
        %parallel_loop3A_1871 = arith.constant 0 : i32
        %parallel_loop3A_1872 = arith.constant 0 : i32
        %parallel_loop3A_1873 = tpu.memref_slice %arg6[%parallel_loop3A_1480, %parallel_loop3A_1871, %parallel_loop3A_1872] : memref<5x128x64xf32, #tpu.memory_space<vmem>> -> memref<1x128x64xf32, #tpu.memory_space<vmem>>
        %parallel_loop3A_1874 = tpu.memref_squeeze %parallel_loop3A_1873 : memref<1x128x64xf32, #tpu.memory_space<vmem>> -> memref<128x64xf32, #tpu.memory_space<vmem>>
        %parallel_loop3A_1875 = arith.index_cast %parallel_loop3A_1858 : i32 to index
        %parallel_loop3A_1876 = arith.constant 16 : index
        %parallel_loop3A_1877 = tpu.vector_load %parallel_loop3A_1874[%parallel_loop3A_1875, %parallel_loop3A_1876] {strides = array<i32>} : memref<128x64xf32, #tpu.memory_space<vmem>>, vector<16xf32>,
        %parallel_loop3A_1878 = arith.constant 0 : i32
        %parallel_loop3A_1879 = arith.constant 0 : i32
        %parallel_loop3A_1880 = tpu.memref_slice %arg7[%parallel_loop3A_1481, %parallel_loop3A_1878, %parallel_loop3A_1879] : memref<5x64x129xf32, #tpu.memory_space<vmem>> -> memref<1x64x129xf32, #tpu.memory_space<vmem>>
        %parallel_loop3A_1881 = tpu.memref_squeeze %parallel_loop3A_1880 : memref<1x64x129xf32, #tpu.memory_space<vmem>> -> memref<64x129xf32, #tpu.memory_space<vmem>>
        tpu.vector_store_idx %parallel_loop3A_1881[%add3A_10, %parallel_loop3A_1859], %parallel_loop3A_1877 : memref<64x129xf32, #tpu.memory_space<vmem>>[vector<16xi32>, vector<16xi32>], vector<16xf32>,
        %parallel_loop3A_1882 = arith.constant 0 : i32
        %parallel_loop3A_1883 = arith.constant 0 : i32
        %parallel_loop3A_1884 = tpu.memref_slice %arg6[%parallel_loop3A_1480, %parallel_loop3A_1882, %parallel_loop3A_1883] : memref<5x128x64xf32, #tpu.memory_space<vmem>> -> memref<1x128x64xf32, #tpu.memory_space<vmem>>
        %parallel_loop3A_1885 = tpu.memref_squeeze %parallel_loop3A_1884 : memref<1x128x64xf32, #tpu.memory_space<vmem>> -> memref<128x64xf32, #tpu.memory_space<vmem>>
        %parallel_loop3A_1886 = arith.index_cast %parallel_loop3A_1858 : i32 to index
        %parallel_loop3A_1887 = arith.constant 32 : index
        %parallel_loop3A_1888 = tpu.vector_load %parallel_loop3A_1885[%parallel_loop3A_1886, %parallel_loop3A_1887] {strides = array<i32>} : memref<128x64xf32, #tpu.memory_space<vmem>>, vector<16xf32>,
        %parallel_loop3A_1889 = arith.constant 0 : i32
        %parallel_loop3A_1890 = arith.constant 0 : i32
        %parallel_loop3A_1891 = tpu.memref_slice %arg7[%parallel_loop3A_1481, %parallel_loop3A_1889, %parallel_loop3A_1890] : memref<5x64x129xf32, #tpu.memory_space<vmem>> -> memref<1x64x129xf32, #tpu.memory_space<vmem>>
        %parallel_loop3A_1892 = tpu.memref_squeeze %parallel_loop3A_1891 : memref<1x64x129xf32, #tpu.memory_space<vmem>> -> memref<64x129xf32, #tpu.memory_space<vmem>>
        tpu.vector_store_idx %parallel_loop3A_1892[%add3A_13, %parallel_loop3A_1859], %parallel_loop3A_1888 : memref<64x129xf32, #tpu.memory_space<vmem>>[vector<16xi32>, vector<16xi32>], vector<16xf32>,
        %parallel_loop3A_1893 = arith.constant 0 : i32
        %parallel_loop3A_1894 = arith.constant 0 : i32
        %parallel_loop3A_1895 = tpu.memref_slice %arg6[%parallel_loop3A_1480, %parallel_loop3A_1893, %parallel_loop3A_1894] : memref<5x128x64xf32, #tpu.memory_space<vmem>> -> memref<1x128x64xf32, #tpu.memory_space<vmem>>
        %parallel_loop3A_1896 = tpu.memref_squeeze %parallel_loop3A_1895 : memref<1x128x64xf32, #tpu.memory_space<vmem>> -> memref<128x64xf32, #tpu.memory_space<vmem>>
        %parallel_loop3A_1897 = arith.index_cast %parallel_loop3A_1858 : i32 to index
        %parallel_loop3A_1898 = arith.constant 48 : index
        %parallel_loop3A_1899 = tpu.vector_load %parallel_loop3A_1896[%parallel_loop3A_1897, %parallel_loop3A_1898] {strides = array<i32>} : memref<128x64xf32, #tpu.memory_space<vmem>>, vector<16xf32>,
        %parallel_loop3A_1900 = arith.constant 0 : i32
        %parallel_loop3A_1901 = arith.constant 0 : i32
        %parallel_loop3A_1902 = tpu.memref_slice %arg7[%parallel_loop3A_1481, %parallel_loop3A_1900, %parallel_loop3A_1901] : memref<5x64x129xf32, #tpu.memory_space<vmem>> -> memref<1x64x129xf32, #tpu.memory_space<vmem>>
        %parallel_loop3A_1903 = tpu.memref_squeeze %parallel_loop3A_1902 : memref<1x64x129xf32, #tpu.memory_space<vmem>> -> memref<64x129xf32, #tpu.memory_space<vmem>>
        tpu.vector_store_idx %parallel_loop3A_1903[%add3A_16, %parallel_loop3A_1859], %parallel_loop3A_1899 : memref<64x129xf32, #tpu.memory_space<vmem>>[vector<16xi32>, vector<16xi32>], vector<16xf32>,
      } {sc.loop_unroll_factor = 4 : i64, sc.parallel_access}
      %add3A_1482 = arith.addi %mul3A_2, %add3A_1461 : i32
      %jit3A_1483 = arith.constant 32 : i32
      %div3A_1484 = arith.divsi %add3A_1482, %jit3A_1483 : i32
      %sign3A_1485 = arith.constant 0 : i32
      %sign3A_1486 = arith.cmpi sgt, %add3A_1482, %sign3A_1485 : i32
      %sign3A_1487 = arith.extui %sign3A_1486 : i1 to i32
      %sign3A_1488 = arith.constant 0 : i32
      %sign3A_1489 = arith.cmpi slt, %add3A_1482, %sign3A_1488 : i32
      %sign3A_1490 = arith.extui %sign3A_1489 : i1 to i32
      %sign3A_1491 = arith.subi %sign3A_1487, %sign3A_1490 : i32
      %sign3A_1492 = arith.constant 0 : i32
      %sign3A_1493 = arith.cmpi sgt, %jit3A_1483, %sign3A_1492 : i32
      %sign3A_1494 = arith.extui %sign3A_1493 : i1 to i32
      %sign3A_1495 = arith.constant 0 : i32
      %sign3A_1496 = arith.cmpi slt, %jit3A_1483, %sign3A_1495 : i32
      %sign3A_1497 = arith.extui %sign3A_1496 : i1 to i32
      %sign3A_1498 = arith.subi %sign3A_1494, %sign3A_1497 : i32
      %ne3A_1499 = arith.cmpi ne, %sign3A_1491, %sign3A_1498 : i32
      %rem3A_1500 = arith.remsi %add3A_1482, %jit3A_1483 : i32
      %ne3A_1501 = arith.constant 0 : i32
      %ne3A_1502 = arith.cmpi ne, %rem3A_1500, %ne3A_1501 : i32
      %and3A_1503 = arith.andi %ne3A_1499, %ne3A_1502 : i1
      %sub3A_1504 = arith.constant 1 : i32
      %sub3A_1505 = arith.subi %div3A_1484, %sub3A_1504 : i32
      %select_n3A_1506 = arith.select %and3A_1503, %sub3A_1505, %div3A_1484 : i32
      %rem3A_1507 = arith.constant 32 : i32
      %rem3A_1508 = arith.remsi %add3A_1482, %rem3A_1507 : i32
      %dma_start3A_1509 = arith.constant 3 : i32
      %dma_start3A_1510 = arith.constant 0 : i32
      %dma_start3A_1511 = arith.constant 0 : i32
      %dma_start3A_1512 = arith.constant 0 : i32
      %dma_start3A_1513 = tpu.memref_slice %arg7[%dma_start3A_1509, %dma_start3A_1511, %dma_start3A_1512] : memref<5x64x129xf32, #tpu.memory_space<vmem>> -> memref<1x8x128xf32, #tpu.memory_space<vmem>>
      %dma_start3A_1514 = tpu.memref_squeeze %dma_start3A_1513 : memref<1x8x128xf32, #tpu.memory_space<vmem>> -> memref<8x128xf32, #tpu.memory_space<vmem>>
      %dma_start3A_1515 = arith.constant 0 : i32
      %dma_start3A_1516 = arith.constant 0 : i32
      %dma_start3A_1517 = tpu.memref_slice %arg4[%select_n3A_1506, %dma_start3A_1510, %rem3A_1508, %dma_start3A_1515, %dma_start3A_1516] : memref<50x8x32x8x128xf32, #tpu.memory_space<hbm>> -> memref<1x1x1x8x128xf32, #tpu.memory_space<hbm>>
      %dma_start3A_1518 = tpu.memref_squeeze %dma_start3A_1517 : memref<1x1x1x8x128xf32, #tpu.memory_space<hbm>> -> memref<8x128xf32, #tpu.memory_space<hbm>>
      %dma_start3A_1519 = arith.constant 0 : i32
      %dma_start3A_1520 = arith.constant 0 : i32
      %dma_start3A_1521 = tpu.memref_slice %arg4[%select_n3A_1506, %dma_start3A_1510, %rem3A_1508, %dma_start3A_1519, %dma_start3A_1520] : memref<50x8x32x8x128xf32, #tpu.memory_space<hbm>> -> memref<1x1x1x8x128xf32, #tpu.memory_space<hbm>>
      %dma_start3A_1522 = tpu.memref_squeeze %dma_start3A_1521 : memref<1x1x1x8x128xf32, #tpu.memory_space<hbm>> -> memref<8x128xf32, #tpu.memory_space<hbm>>
      %dma_start3A_1523 = arith.constant 0 : i32
      %dma_start3A_1524 = arith.constant 0 : i32
      %dma_start3A_1525 = tpu.memref_slice %arg7[%dma_start3A_1509, %dma_start3A_1523, %dma_start3A_1524] : memref<5x64x129xf32, #tpu.memory_space<vmem>> -> memref<1x8x128xf32, #tpu.memory_space<vmem>>
      %dma_start3A_1526 = tpu.memref_squeeze %dma_start3A_1525 : memref<1x8x128xf32, #tpu.memory_space<vmem>> -> memref<8x128xf32, #tpu.memory_space<vmem>>
      tpu.enqueue_dma source(%dma_start3A_1526 : memref<8x128xf32, #tpu.memory_space<vmem>>) target(%dma_start3A_1522 : memref<8x128xf32, #tpu.memory_space<hbm>>) target_semaphore(%arg9 : memref<!tpu.dma_semaphore, #tpu.memory_space<semaphore_mem>>)
      %dma_start3A_1527 = arith.constant 3 : i32
      %dma_start3A_1528 = arith.constant 1 : i32
      %dma_start3A_1529 = arith.constant 8 : i32
      %dma_start3A_1530 = arith.constant 0 : i32
      %dma_start3A_1531 = tpu.memref_slice %arg7[%dma_start3A_1527, %dma_start3A_1529, %dma_start3A_1530] : memref<5x64x129xf32, #tpu.memory_space<vmem>> -> memref<1x8x128xf32, #tpu.memory_space<vmem>>
      %dma_start3A_1532 = tpu.memref_squeeze %dma_start3A_1531 : memref<1x8x128xf32, #tpu.memory_space<vmem>> -> memref<8x128xf32, #tpu.memory_space<vmem>>
      %dma_start3A_1533 = arith.constant 0 : i32
      %dma_start3A_1534 = arith.constant 0 : i32
      %dma_start3A_1535 = tpu.memref_slice %arg4[%select_n3A_1506, %dma_start3A_1528, %rem3A_1508, %dma_start3A_1533, %dma_start3A_1534] : memref<50x8x32x8x128xf32, #tpu.memory_space<hbm>> -> memref<1x1x1x8x128xf32, #tpu.memory_space<hbm>>
      %dma_start3A_1536 = tpu.memref_squeeze %dma_start3A_1535 : memref<1x1x1x8x128xf32, #tpu.memory_space<hbm>> -> memref<8x128xf32, #tpu.memory_space<hbm>>
      %dma_start3A_1537 = arith.constant 0 : i32
      %dma_start3A_1538 = arith.constant 0 : i32
      %dma_start3A_1539 = tpu.memref_slice %arg4[%select_n3A_1506, %dma_start3A_1528, %rem3A_1508, %dma_start3A_1537, %dma_start3A_1538] : memref<50x8x32x8x128xf32, #tpu.memory_space<hbm>> -> memref<1x1x1x8x128xf32, #tpu.memory_space<hbm>>
      %dma_start3A_1540 = tpu.memref_squeeze %dma_start3A_1539 : memref<1x1x1x8x128xf32, #tpu.memory_space<hbm>> -> memref<8x128xf32, #tpu.memory_space<hbm>>
      %dma_start3A_1541 = arith.constant 8 : i32
      %dma_start3A_1542 = arith.constant 0 : i32
      %dma_start3A_1543 = tpu.memref_slice %arg7[%dma_start3A_1527, %dma_start3A_1541, %dma_start3A_1542] : memref<5x64x129xf32, #tpu.memory_space<vmem>> -> memref<1x8x128xf32, #tpu.memory_space<vmem>>
      %dma_start3A_1544 = tpu.memref_squeeze %dma_start3A_1543 : memref<1x8x128xf32, #tpu.memory_space<vmem>> -> memref<8x128xf32, #tpu.memory_space<vmem>>
      tpu.enqueue_dma source(%dma_start3A_1544 : memref<8x128xf32, #tpu.memory_space<vmem>>) target(%dma_start3A_1540 : memref<8x128xf32, #tpu.memory_space<hbm>>) target_semaphore(%arg9 : memref<!tpu.dma_semaphore, #tpu.memory_space<semaphore_mem>>)
      %dma_start3A_1545 = arith.constant 3 : i32
      %dma_start3A_1546 = arith.constant 2 : i32
      %dma_start3A_1547 = arith.constant 16 : i32
      %dma_start3A_1548 = arith.constant 0 : i32
      %dma_start3A_1549 = tpu.memref_slice %arg7[%dma_start3A_1545, %dma_start3A_1547, %dma_start3A_1548] : memref<5x64x129xf32, #tpu.memory_space<vmem>> -> memref<1x8x128xf32, #tpu.memory_space<vmem>>
      %dma_start3A_1550 = tpu.memref_squeeze %dma_start3A_1549 : memref<1x8x128xf32, #tpu.memory_space<vmem>> -> memref<8x128xf32, #tpu.memory_space<vmem>>
      %dma_start3A_1551 = arith.constant 0 : i32
      %dma_start3A_1552 = arith.constant 0 : i32
      %dma_start3A_1553 = tpu.memref_slice %arg4[%select_n3A_1506, %dma_start3A_1546, %rem3A_1508, %dma_start3A_1551, %dma_start3A_1552] : memref<50x8x32x8x128xf32, #tpu.memory_space<hbm>> -> memref<1x1x1x8x128xf32, #tpu.memory_space<hbm>>
      %dma_start3A_1554 = tpu.memref_squeeze %dma_start3A_1553 : memref<1x1x1x8x128xf32, #tpu.memory_space<hbm>> -> memref<8x128xf32, #tpu.memory_space<hbm>>
      %dma_start3A_1555 = arith.constant 0 : i32
      %dma_start3A_1556 = arith.constant 0 : i32
      %dma_start3A_1557 = tpu.memref_slice %arg4[%select_n3A_1506, %dma_start3A_1546, %rem3A_1508, %dma_start3A_1555, %dma_start3A_1556] : memref<50x8x32x8x128xf32, #tpu.memory_space<hbm>> -> memref<1x1x1x8x128xf32, #tpu.memory_space<hbm>>
      %dma_start3A_1558 = tpu.memref_squeeze %dma_start3A_1557 : memref<1x1x1x8x128xf32, #tpu.memory_space<hbm>> -> memref<8x128xf32, #tpu.memory_space<hbm>>
      %dma_start3A_1559 = arith.constant 16 : i32
      %dma_start3A_1560 = arith.constant 0 : i32
      %dma_start3A_1561 = tpu.memref_slice %arg7[%dma_start3A_1545, %dma_start3A_1559, %dma_start3A_1560] : memref<5x64x129xf32, #tpu.memory_space<vmem>> -> memref<1x8x128xf32, #tpu.memory_space<vmem>>
      %dma_start3A_1562 = tpu.memref_squeeze %dma_start3A_1561 : memref<1x8x128xf32, #tpu.memory_space<vmem>> -> memref<8x128xf32, #tpu.memory_space<vmem>>
      tpu.enqueue_dma source(%dma_start3A_1562 : memref<8x128xf32, #tpu.memory_space<vmem>>) target(%dma_start3A_1558 : memref<8x128xf32, #tpu.memory_space<hbm>>) target_semaphore(%arg9 : memref<!tpu.dma_semaphore, #tpu.memory_space<semaphore_mem>>)
      %dma_start3A_1563 = arith.constant 3 : i32
      %dma_start3A_1564 = arith.constant 3 : i32
      %dma_start3A_1565 = arith.constant 24 : i32
      %dma_start3A_1566 = arith.constant 0 : i32
      %dma_start3A_1567 = tpu.memref_slice %arg7[%dma_start3A_1563, %dma_start3A_1565, %dma_start3A_1566] : memref<5x64x129xf32, #tpu.memory_space<vmem>> -> memref<1x8x128xf32, #tpu.memory_space<vmem>>
      %dma_start3A_1568 = tpu.memref_squeeze %dma_start3A_1567 : memref<1x8x128xf32, #tpu.memory_space<vmem>> -> memref<8x128xf32, #tpu.memory_space<vmem>>
      %dma_start3A_1569 = arith.constant 0 : i32
      %dma_start3A_1570 = arith.constant 0 : i32
      %dma_start3A_1571 = tpu.memref_slice %arg4[%select_n3A_1506, %dma_start3A_1564, %rem3A_1508, %dma_start3A_1569, %dma_start3A_1570] : memref<50x8x32x8x128xf32, #tpu.memory_space<hbm>> -> memref<1x1x1x8x128xf32, #tpu.memory_space<hbm>>
      %dma_start3A_1572 = tpu.memref_squeeze %dma_start3A_1571 : memref<1x1x1x8x128xf32, #tpu.memory_space<hbm>> -> memref<8x128xf32, #tpu.memory_space<hbm>>
      %dma_start3A_1573 = arith.constant 0 : i32
      %dma_start3A_1574 = arith.constant 0 : i32
      %dma_start3A_1575 = tpu.memref_slice %arg4[%select_n3A_1506, %dma_start3A_1564, %rem3A_1508, %dma_start3A_1573, %dma_start3A_1574] : memref<50x8x32x8x128xf32, #tpu.memory_space<hbm>> -> memref<1x1x1x8x128xf32, #tpu.memory_space<hbm>>
      %dma_start3A_1576 = tpu.memref_squeeze %dma_start3A_1575 : memref<1x1x1x8x128xf32, #tpu.memory_space<hbm>> -> memref<8x128xf32, #tpu.memory_space<hbm>>
      %dma_start3A_1577 = arith.constant 24 : i32
      %dma_start3A_1578 = arith.constant 0 : i32
      %dma_start3A_1579 = tpu.memref_slice %arg7[%dma_start3A_1563, %dma_start3A_1577, %dma_start3A_1578] : memref<5x64x129xf32, #tpu.memory_space<vmem>> -> memref<1x8x128xf32, #tpu.memory_space<vmem>>
      %dma_start3A_1580 = tpu.memref_squeeze %dma_start3A_1579 : memref<1x8x128xf32, #tpu.memory_space<vmem>> -> memref<8x128xf32, #tpu.memory_space<vmem>>
      tpu.enqueue_dma source(%dma_start3A_1580 : memref<8x128xf32, #tpu.memory_space<vmem>>) target(%dma_start3A_1576 : memref<8x128xf32, #tpu.memory_space<hbm>>) target_semaphore(%arg9 : memref<!tpu.dma_semaphore, #tpu.memory_space<semaphore_mem>>)
      %dma_start3A_1581 = arith.constant 3 : i32
      %dma_start3A_1582 = arith.constant 4 : i32
      %dma_start3A_1583 = arith.constant 32 : i32
      %dma_start3A_1584 = arith.constant 0 : i32
      %dma_start3A_1585 = tpu.memref_slice %arg7[%dma_start3A_1581, %dma_start3A_1583, %dma_start3A_1584] : memref<5x64x129xf32, #tpu.memory_space<vmem>> -> memref<1x8x128xf32, #tpu.memory_space<vmem>>
      %dma_start3A_1586 = tpu.memref_squeeze %dma_start3A_1585 : memref<1x8x128xf32, #tpu.memory_space<vmem>> -> memref<8x128xf32, #tpu.memory_space<vmem>>
      %dma_start3A_1587 = arith.constant 0 : i32
      %dma_start3A_1588 = arith.constant 0 : i32
      %dma_start3A_1589 = tpu.memref_slice %arg4[%select_n3A_1506, %dma_start3A_1582, %rem3A_1508, %dma_start3A_1587, %dma_start3A_1588] : memref<50x8x32x8x128xf32, #tpu.memory_space<hbm>> -> memref<1x1x1x8x128xf32, #tpu.memory_space<hbm>>
      %dma_start3A_1590 = tpu.memref_squeeze %dma_start3A_1589 : memref<1x1x1x8x128xf32, #tpu.memory_space<hbm>> -> memref<8x128xf32, #tpu.memory_space<hbm>>
      %dma_start3A_1591 = arith.constant 0 : i32
      %dma_start3A_1592 = arith.constant 0 : i32
      %dma_start3A_1593 = tpu.memref_slice %arg4[%select_n3A_1506, %dma_start3A_1582, %rem3A_1508, %dma_start3A_1591, %dma_start3A_1592] : memref<50x8x32x8x128xf32, #tpu.memory_space<hbm>> -> memref<1x1x1x8x128xf32, #tpu.memory_space<hbm>>
      %dma_start3A_1594 = tpu.memref_squeeze %dma_start3A_1593 : memref<1x1x1x8x128xf32, #tpu.memory_space<hbm>> -> memref<8x128xf32, #tpu.memory_space<hbm>>
      %dma_start3A_1595 = arith.constant 32 : i32
      %dma_start3A_1596 = arith.constant 0 : i32
      %dma_start3A_1597 = tpu.memref_slice %arg7[%dma_start3A_1581, %dma_start3A_1595, %dma_start3A_1596] : memref<5x64x129xf32, #tpu.memory_space<vmem>> -> memref<1x8x128xf32, #tpu.memory_space<vmem>>
      %dma_start3A_1598 = tpu.memref_squeeze %dma_start3A_1597 : memref<1x8x128xf32, #tpu.memory_space<vmem>> -> memref<8x128xf32, #tpu.memory_space<vmem>>
      tpu.enqueue_dma source(%dma_start3A_1598 : memref<8x128xf32, #tpu.memory_space<vmem>>) target(%dma_start3A_1594 : memref<8x128xf32, #tpu.memory_space<hbm>>) target_semaphore(%arg9 : memref<!tpu.dma_semaphore, #tpu.memory_space<semaphore_mem>>)
      %dma_start3A_1599 = arith.constant 3 : i32
      %dma_start3A_1600 = arith.constant 5 : i32
      %dma_start3A_1601 = arith.constant 40 : i32
      %dma_start3A_1602 = arith.constant 0 : i32
      %dma_start3A_1603 = tpu.memref_slice %arg7[%dma_start3A_1599, %dma_start3A_1601, %dma_start3A_1602] : memref<5x64x129xf32, #tpu.memory_space<vmem>> -> memref<1x8x128xf32, #tpu.memory_space<vmem>>
      %dma_start3A_1604 = tpu.memref_squeeze %dma_start3A_1603 : memref<1x8x128xf32, #tpu.memory_space<vmem>> -> memref<8x128xf32, #tpu.memory_space<vmem>>
      %dma_start3A_1605 = arith.constant 0 : i32
      %dma_start3A_1606 = arith.constant 0 : i32
      %dma_start3A_1607 = tpu.memref_slice %arg4[%select_n3A_1506, %dma_start3A_1600, %rem3A_1508, %dma_start3A_1605, %dma_start3A_1606] : memref<50x8x32x8x128xf32, #tpu.memory_space<hbm>> -> memref<1x1x1x8x128xf32, #tpu.memory_space<hbm>>
      %dma_start3A_1608 = tpu.memref_squeeze %dma_start3A_1607 : memref<1x1x1x8x128xf32, #tpu.memory_space<hbm>> -> memref<8x128xf32, #tpu.memory_space<hbm>>
      %dma_start3A_1609 = arith.constant 0 : i32
      %dma_start3A_1610 = arith.constant 0 : i32
      %dma_start3A_1611 = tpu.memref_slice %arg4[%select_n3A_1506, %dma_start3A_1600, %rem3A_1508, %dma_start3A_1609, %dma_start3A_1610] : memref<50x8x32x8x128xf32, #tpu.memory_space<hbm>> -> memref<1x1x1x8x128xf32, #tpu.memory_space<hbm>>
      %dma_start3A_1612 = tpu.memref_squeeze %dma_start3A_1611 : memref<1x1x1x8x128xf32, #tpu.memory_space<hbm>> -> memref<8x128xf32, #tpu.memory_space<hbm>>
      %dma_start3A_1613 = arith.constant 40 : i32
      %dma_start3A_1614 = arith.constant 0 : i32
      %dma_start3A_1615 = tpu.memref_slice %arg7[%dma_start3A_1599, %dma_start3A_1613, %dma_start3A_1614] : memref<5x64x129xf32, #tpu.memory_space<vmem>> -> memref<1x8x128xf32, #tpu.memory_space<vmem>>
      %dma_start3A_1616 = tpu.memref_squeeze %dma_start3A_1615 : memref<1x8x128xf32, #tpu.memory_space<vmem>> -> memref<8x128xf32, #tpu.memory_space<vmem>>
      tpu.enqueue_dma source(%dma_start3A_1616 : memref<8x128xf32, #tpu.memory_space<vmem>>) target(%dma_start3A_1612 : memref<8x128xf32, #tpu.memory_space<hbm>>) target_semaphore(%arg9 : memref<!tpu.dma_semaphore, #tpu.memory_space<semaphore_mem>>)
      %dma_start3A_1617 = arith.constant 3 : i32
      %dma_start3A_1618 = arith.constant 6 : i32
      %dma_start3A_1619 = arith.constant 48 : i32
      %dma_start3A_1620 = arith.constant 0 : i32
      %dma_start3A_1621 = tpu.memref_slice %arg7[%dma_start3A_1617, %dma_start3A_1619, %dma_start3A_1620] : memref<5x64x129xf32, #tpu.memory_space<vmem>> -> memref<1x8x128xf32, #tpu.memory_space<vmem>>
      %dma_start3A_1622 = tpu.memref_squeeze %dma_start3A_1621 : memref<1x8x128xf32, #tpu.memory_space<vmem>> -> memref<8x128xf32, #tpu.memory_space<vmem>>
      %dma_start3A_1623 = arith.constant 0 : i32
      %dma_start3A_1624 = arith.constant 0 : i32
      %dma_start3A_1625 = tpu.memref_slice %arg4[%select_n3A_1506, %dma_start3A_1618, %rem3A_1508, %dma_start3A_1623, %dma_start3A_1624] : memref<50x8x32x8x128xf32, #tpu.memory_space<hbm>> -> memref<1x1x1x8x128xf32, #tpu.memory_space<hbm>>
      %dma_start3A_1626 = tpu.memref_squeeze %dma_start3A_1625 : memref<1x1x1x8x128xf32, #tpu.memory_space<hbm>> -> memref<8x128xf32, #tpu.memory_space<hbm>>
      %dma_start3A_1627 = arith.constant 0 : i32
      %dma_start3A_1628 = arith.constant 0 : i32
      %dma_start3A_1629 = tpu.memref_slice %arg4[%select_n3A_1506, %dma_start3A_1618, %rem3A_1508, %dma_start3A_1627, %dma_start3A_1628] : memref<50x8x32x8x128xf32, #tpu.memory_space<hbm>> -> memref<1x1x1x8x128xf32, #tpu.memory_space<hbm>>
      %dma_start3A_1630 = tpu.memref_squeeze %dma_start3A_1629 : memref<1x1x1x8x128xf32, #tpu.memory_space<hbm>> -> memref<8x128xf32, #tpu.memory_space<hbm>>
      %dma_start3A_1631 = arith.constant 48 : i32
      %dma_start3A_1632 = arith.constant 0 : i32
      %dma_start3A_1633 = tpu.memref_slice %arg7[%dma_start3A_1617, %dma_start3A_1631, %dma_start3A_1632] : memref<5x64x129xf32, #tpu.memory_space<vmem>> -> memref<1x8x128xf32, #tpu.memory_space<vmem>>
      %dma_start3A_1634 = tpu.memref_squeeze %dma_start3A_1633 : memref<1x8x128xf32, #tpu.memory_space<vmem>> -> memref<8x128xf32, #tpu.memory_space<vmem>>
      tpu.enqueue_dma source(%dma_start3A_1634 : memref<8x128xf32, #tpu.memory_space<vmem>>) target(%dma_start3A_1630 : memref<8x128xf32, #tpu.memory_space<hbm>>) target_semaphore(%arg9 : memref<!tpu.dma_semaphore, #tpu.memory_space<semaphore_mem>>)
      %dma_start3A_1635 = arith.constant 3 : i32
      %dma_start3A_1636 = arith.constant 7 : i32
      %dma_start3A_1637 = arith.constant 56 : i32
      %dma_start3A_1638 = arith.constant 0 : i32
      %dma_start3A_1639 = tpu.memref_slice %arg7[%dma_start3A_1635, %dma_start3A_1637, %dma_start3A_1638] : memref<5x64x129xf32, #tpu.memory_space<vmem>> -> memref<1x8x128xf32, #tpu.memory_space<vmem>>
      %dma_start3A_1640 = tpu.memref_squeeze %dma_start3A_1639 : memref<1x8x128xf32, #tpu.memory_space<vmem>> -> memref<8x128xf32, #tpu.memory_space<vmem>>
      %dma_start3A_1641 = arith.constant 0 : i32
      %dma_start3A_1642 = arith.constant 0 : i32
      %dma_start3A_1643 = tpu.memref_slice %arg4[%select_n3A_1506, %dma_start3A_1636, %rem3A_1508, %dma_start3A_1641, %dma_start3A_1642] : memref<50x8x32x8x128xf32, #tpu.memory_space<hbm>> -> memref<1x1x1x8x128xf32, #tpu.memory_space<hbm>>
      %dma_start3A_1644 = tpu.memref_squeeze %dma_start3A_1643 : memref<1x1x1x8x128xf32, #tpu.memory_space<hbm>> -> memref<8x128xf32, #tpu.memory_space<hbm>>
      %dma_start3A_1645 = arith.constant 0 : i32
      %dma_start3A_1646 = arith.constant 0 : i32
      %dma_start3A_1647 = tpu.memref_slice %arg4[%select_n3A_1506, %dma_start3A_1636, %rem3A_1508, %dma_start3A_1645, %dma_start3A_1646] : memref<50x8x32x8x128xf32, #tpu.memory_space<hbm>> -> memref<1x1x1x8x128xf32, #tpu.memory_space<hbm>>
      %dma_start3A_1648 = tpu.memref_squeeze %dma_start3A_1647 : memref<1x1x1x8x128xf32, #tpu.memory_space<hbm>> -> memref<8x128xf32, #tpu.memory_space<hbm>>
      %dma_start3A_1649 = arith.constant 56 : i32
      %dma_start3A_1650 = arith.constant 0 : i32
      %dma_start3A_1651 = tpu.memref_slice %arg7[%dma_start3A_1635, %dma_start3A_1649, %dma_start3A_1650] : memref<5x64x129xf32, #tpu.memory_space<vmem>> -> memref<1x8x128xf32, #tpu.memory_space<vmem>>
      %dma_start3A_1652 = tpu.memref_squeeze %dma_start3A_1651 : memref<1x8x128xf32, #tpu.memory_space<vmem>> -> memref<8x128xf32, #tpu.memory_space<vmem>>
      tpu.enqueue_dma source(%dma_start3A_1652 : memref<8x128xf32, #tpu.memory_space<vmem>>) target(%dma_start3A_1648 : memref<8x128xf32, #tpu.memory_space<hbm>>) target_semaphore(%arg9 : memref<!tpu.dma_semaphore, #tpu.memory_space<semaphore_mem>>)
      %lt3A_1653 = arith.constant 9 : i32
      %lt3A_1654 = arith.cmpi slt, %scan3A_870, %lt3A_1653 : i32
      %convert_element_type3A_1655 = arith.extui %lt3A_1654 : i1 to i32
      %cond3A_1656 = arith.constant 0 : i32
      %cond3A_1657 = arith.cmpi ne, %convert_element_type3A_1655, %cond3A_1656 : i32
      scf.if %cond3A_1657 {
        %add3A_1858 = arith.constant 5 : i32
        %add3A_1859 = arith.addi %add3A_1461, %add3A_1858 : i32
        %mul3A_1860 = arith.constant 128 : i32
        %mul3A_1861 = arith.muli %add3A_1859, %mul3A_1860 : i32
        %dma_start3A_1862 = arith.constant 3 : i32
        %dma_start3A_1863 = arith.constant 0 : i32
        %dma_start3A_1864 = arith.constant 0 : i32
        %dma_start3A_1865 = tpu.memref_slice %arg6[%dma_start3A_1862, %dma_start3A_1863, %dma_start3A_1864] : memref<5x128x64xf32, #tpu.memory_space<vmem>> -> memref<1x128x64xf32, #tpu.memory_space<vmem>>
        %dma_start3A_1866 = tpu.memref_squeeze %dma_start3A_1865 : memref<1x128x64xf32, #tpu.memory_space<vmem>> -> memref<128x64xf32, #tpu.memory_space<vmem>>
        %dma_start3A_1867 = tpu.memref_slice %arg5[%mul3A_1861] : memref<6400xi32, #tpu.memory_space<vmem>> -> memref<128xi32, #tpu.memory_space<vmem>>
        %dma_start3A_1868 = arith.constant 0 : i32
        %dma_start3A_1869 = arith.constant 0 : i32
        %dma_start3A_1870 = tpu.memref_slice %arg3[%dma_start3A_1868, %dma_start3A_1869] : memref<100000x64xf32, #tpu.memory_space<hbm>> -> memref<100000x64xf32, #tpu.memory_space<hbm>>
        tpu.enqueue_indirect_dma source(%dma_start3A_1870 : memref<100000x64xf32, #tpu.memory_space<hbm>>) target(%dma_start3A_1866 : memref<128x64xf32, #tpu.memory_space<vmem>>) offsets(%dma_start3A_1867 : memref<128xi32, #tpu.memory_space<vmem>>) semaphore(%arg8 : memref<!tpu.dma_semaphore, #tpu.memory_space<semaphore_mem>>)
      } else {
      }
      %mul3A_1658 = arith.constant 5 : i32
      %mul3A_1659 = arith.muli %scan3A_870, %mul3A_1658 : i32
      %add3A_1660 = arith.constant 4 : i32
      %add3A_1661 = arith.addi %mul3A_1659, %add3A_1660 : i32
      %dma_wait3A_1662 = arith.constant 4 : i32
      %dma_wait3A_1663 = arith.constant 0 : i32
      %dma_wait3A_1664 = arith.constant 0 : i32
      %dma_wait3A_1665 = tpu.memref_slice %arg6[%dma_wait3A_1662, %dma_wait3A_1663, %dma_wait3A_1664] : memref<5x128x64xf32, #tpu.memory_space<vmem>> -> memref<1x128x64xf32, #tpu.memory_space<vmem>>
      %dma_wait3A_1666 = tpu.memref_squeeze %dma_wait3A_1665 : memref<1x128x64xf32, #tpu.memory_space<vmem>> -> memref<128x64xf32, #tpu.memory_space<vmem>>
      %dma_wait3A_1667 = arith.constant 0 : i32
      %dma_wait3A_1668 = tpu.memref_slice %arg5[%dma_wait3A_1667] : memref<6400xi32, #tpu.memory_space<vmem>> -> memref<128xi32, #tpu.memory_space<vmem>>
      %dma_wait3A_1669 = arith.constant 0 : i32
      %dma_wait3A_1670 = arith.constant 0 : i32
      %dma_wait3A_1671 = tpu.memref_slice %arg3[%dma_wait3A_1669, %dma_wait3A_1670] : memref<100000x64xf32, #tpu.memory_space<hbm>> -> memref<100000x64xf32, #tpu.memory_space<hbm>>
      tpu.wait_indirect_dma semaphore(%arg8 : memref<!tpu.dma_semaphore, #tpu.memory_space<semaphore_mem>>) src(%dma_wait3A_1671 : memref<100000x64xf32, #tpu.memory_space<hbm>>) dst(%dma_wait3A_1666 : memref<128x64xf32, #tpu.memory_space<vmem>>)
      %gt3A_1672 = arith.constant 0 : i32
      %gt3A_1673 = arith.cmpi sgt, %scan3A_870, %gt3A_1672 : i32
      %convert_element_type3A_1674 = arith.extui %gt3A_1673 : i1 to i32
      %cond3A_1675 = arith.constant 0 : i32
      %cond3A_1676 = arith.cmpi ne, %convert_element_type3A_1674, %cond3A_1675 : i32
      scf.if %cond3A_1676 {
        %dma_wait3A_1858 = arith.constant 4 : i32
        %dma_wait3A_1859 = arith.constant 0 : i32
        %dma_wait3A_1860 = arith.constant 0 : i32
        %dma_wait3A_1861 = arith.constant 0 : i32
        %dma_wait3A_1862 = arith.constant 0 : i32
        %dma_wait3A_1863 = arith.constant 0 : i32
        %dma_wait3A_1864 = tpu.memref_slice %arg7[%dma_wait3A_1858, %dma_wait3A_1862, %dma_wait3A_1863] : memref<5x64x129xf32, #tpu.memory_space<vmem>> -> memref<1x8x128xf32, #tpu.memory_space<vmem>>
        %dma_wait3A_1865 = tpu.memref_squeeze %dma_wait3A_1864 : memref<1x8x128xf32, #tpu.memory_space<vmem>> -> memref<8x128xf32, #tpu.memory_space<vmem>>
        %dma_wait3A_1866 = arith.constant 0 : i32
        %dma_wait3A_1867 = arith.constant 0 : i32
        %dma_wait3A_1868 = tpu.memref_slice %arg4[%dma_wait3A_1859, %dma_wait3A_1860, %dma_wait3A_1861, %dma_wait3A_1866, %dma_wait3A_1867] : memref<50x8x32x8x128xf32, #tpu.memory_space<hbm>> -> memref<1x1x1x8x128xf32, #tpu.memory_space<hbm>>
        %dma_wait3A_1869 = tpu.memref_squeeze %dma_wait3A_1868 : memref<1x1x1x8x128xf32, #tpu.memory_space<hbm>> -> memref<8x128xf32, #tpu.memory_space<hbm>>
        %dma_wait3A_1870 = arith.constant 0 : i32
        %dma_wait3A_1871 = arith.constant 0 : i32
        %dma_wait3A_1872 = tpu.memref_slice %arg4[%dma_wait3A_1859, %dma_wait3A_1860, %dma_wait3A_1861, %dma_wait3A_1870, %dma_wait3A_1871] : memref<50x8x32x8x128xf32, #tpu.memory_space<hbm>> -> memref<1x1x1x8x128xf32, #tpu.memory_space<hbm>>
        %dma_wait3A_1873 = tpu.memref_squeeze %dma_wait3A_1872 : memref<1x1x1x8x128xf32, #tpu.memory_space<hbm>> -> memref<8x128xf32, #tpu.memory_space<hbm>>
        %dma_wait3A_1874 = arith.constant 0 : i32
        %dma_wait3A_1875 = arith.constant 0 : i32
        %dma_wait3A_1876 = tpu.memref_slice %arg7[%dma_wait3A_1858, %dma_wait3A_1874, %dma_wait3A_1875] : memref<5x64x129xf32, #tpu.memory_space<vmem>> -> memref<1x8x128xf32, #tpu.memory_space<vmem>>
        %dma_wait3A_1877 = tpu.memref_squeeze %dma_wait3A_1876 : memref<1x8x128xf32, #tpu.memory_space<vmem>> -> memref<8x128xf32, #tpu.memory_space<vmem>>
        tpu.wait_dma2 semaphore(%arg9 : memref<!tpu.dma_semaphore, #tpu.memory_space<semaphore_mem>>) src(%dma_wait3A_1877 : memref<8x128xf32, #tpu.memory_space<vmem>>) dst(%dma_wait3A_1873 : memref<8x128xf32, #tpu.memory_space<hbm>>)
        %dma_wait3A_1878 = arith.constant 4 : i32
        %dma_wait3A_1879 = arith.constant 0 : i32
        %dma_wait3A_1880 = arith.constant 0 : i32
        %dma_wait3A_1881 = arith.constant 0 : i32
        %dma_wait3A_1882 = arith.constant 8 : i32
        %dma_wait3A_1883 = arith.constant 0 : i32
        %dma_wait3A_1884 = tpu.memref_slice %arg7[%dma_wait3A_1878, %dma_wait3A_1882, %dma_wait3A_1883] : memref<5x64x129xf32, #tpu.memory_space<vmem>> -> memref<1x8x128xf32, #tpu.memory_space<vmem>>
        %dma_wait3A_1885 = tpu.memref_squeeze %dma_wait3A_1884 : memref<1x8x128xf32, #tpu.memory_space<vmem>> -> memref<8x128xf32, #tpu.memory_space<vmem>>
        %dma_wait3A_1886 = arith.constant 0 : i32
        %dma_wait3A_1887 = arith.constant 0 : i32
        %dma_wait3A_1888 = tpu.memref_slice %arg4[%dma_wait3A_1879, %dma_wait3A_1880, %dma_wait3A_1881, %dma_wait3A_1886, %dma_wait3A_1887] : memref<50x8x32x8x128xf32, #tpu.memory_space<hbm>> -> memref<1x1x1x8x128xf32, #tpu.memory_space<hbm>>
        %dma_wait3A_1889 = tpu.memref_squeeze %dma_wait3A_1888 : memref<1x1x1x8x128xf32, #tpu.memory_space<hbm>> -> memref<8x128xf32, #tpu.memory_space<hbm>>
        %dma_wait3A_1890 = arith.constant 0 : i32
        %dma_wait3A_1891 = arith.constant 0 : i32
        %dma_wait3A_1892 = tpu.memref_slice %arg4[%dma_wait3A_1879, %dma_wait3A_1880, %dma_wait3A_1881, %dma_wait3A_1890, %dma_wait3A_1891] : memref<50x8x32x8x128xf32, #tpu.memory_space<hbm>> -> memref<1x1x1x8x128xf32, #tpu.memory_space<hbm>>
        %dma_wait3A_1893 = tpu.memref_squeeze %dma_wait3A_1892 : memref<1x1x1x8x128xf32, #tpu.memory_space<hbm>> -> memref<8x128xf32, #tpu.memory_space<hbm>>
        %dma_wait3A_1894 = arith.constant 8 : i32
        %dma_wait3A_1895 = arith.constant 0 : i32
        %dma_wait3A_1896 = tpu.memref_slice %arg7[%dma_wait3A_1878, %dma_wait3A_1894, %dma_wait3A_1895] : memref<5x64x129xf32, #tpu.memory_space<vmem>> -> memref<1x8x128xf32, #tpu.memory_space<vmem>>
        %dma_wait3A_1897 = tpu.memref_squeeze %dma_wait3A_1896 : memref<1x8x128xf32, #tpu.memory_space<vmem>> -> memref<8x128xf32, #tpu.memory_space<vmem>>
        tpu.wait_dma2 semaphore(%arg9 : memref<!tpu.dma_semaphore, #tpu.memory_space<semaphore_mem>>) src(%dma_wait3A_1897 : memref<8x128xf32, #tpu.memory_space<vmem>>) dst(%dma_wait3A_1893 : memref<8x128xf32, #tpu.memory_space<hbm>>)
        %dma_wait3A_1898 = arith.constant 4 : i32
        %dma_wait3A_1899 = arith.constant 0 : i32
        %dma_wait3A_1900 = arith.constant 0 : i32
        %dma_wait3A_1901 = arith.constant 0 : i32
        %dma_wait3A_1902 = arith.constant 16 : i32
        %dma_wait3A_1903 = arith.constant 0 : i32
        %dma_wait3A_1904 = tpu.memref_slice %arg7[%dma_wait3A_1898, %dma_wait3A_1902, %dma_wait3A_1903] : memref<5x64x129xf32, #tpu.memory_space<vmem>> -> memref<1x8x128xf32, #tpu.memory_space<vmem>>
        %dma_wait3A_1905 = tpu.memref_squeeze %dma_wait3A_1904 : memref<1x8x128xf32, #tpu.memory_space<vmem>> -> memref<8x128xf32, #tpu.memory_space<vmem>>
        %dma_wait3A_1906 = arith.constant 0 : i32
        %dma_wait3A_1907 = arith.constant 0 : i32
        %dma_wait3A_1908 = tpu.memref_slice %arg4[%dma_wait3A_1899, %dma_wait3A_1900, %dma_wait3A_1901, %dma_wait3A_1906, %dma_wait3A_1907] : memref<50x8x32x8x128xf32, #tpu.memory_space<hbm>> -> memref<1x1x1x8x128xf32, #tpu.memory_space<hbm>>
        %dma_wait3A_1909 = tpu.memref_squeeze %dma_wait3A_1908 : memref<1x1x1x8x128xf32, #tpu.memory_space<hbm>> -> memref<8x128xf32, #tpu.memory_space<hbm>>
        %dma_wait3A_1910 = arith.constant 0 : i32
        %dma_wait3A_1911 = arith.constant 0 : i32
        %dma_wait3A_1912 = tpu.memref_slice %arg4[%dma_wait3A_1899, %dma_wait3A_1900, %dma_wait3A_1901, %dma_wait3A_1910, %dma_wait3A_1911] : memref<50x8x32x8x128xf32, #tpu.memory_space<hbm>> -> memref<1x1x1x8x128xf32, #tpu.memory_space<hbm>>
        %dma_wait3A_1913 = tpu.memref_squeeze %dma_wait3A_1912 : memref<1x1x1x8x128xf32, #tpu.memory_space<hbm>> -> memref<8x128xf32, #tpu.memory_space<hbm>>
        %dma_wait3A_1914 = arith.constant 16 : i32
        %dma_wait3A_1915 = arith.constant 0 : i32
        %dma_wait3A_1916 = tpu.memref_slice %arg7[%dma_wait3A_1898, %dma_wait3A_1914, %dma_wait3A_1915] : memref<5x64x129xf32, #tpu.memory_space<vmem>> -> memref<1x8x128xf32, #tpu.memory_space<vmem>>
        %dma_wait3A_1917 = tpu.memref_squeeze %dma_wait3A_1916 : memref<1x8x128xf32, #tpu.memory_space<vmem>> -> memref<8x128xf32, #tpu.memory_space<vmem>>
        tpu.wait_dma2 semaphore(%arg9 : memref<!tpu.dma_semaphore, #tpu.memory_space<semaphore_mem>>) src(%dma_wait3A_1917 : memref<8x128xf32, #tpu.memory_space<vmem>>) dst(%dma_wait3A_1913 : memref<8x128xf32, #tpu.memory_space<hbm>>)
        %dma_wait3A_1918 = arith.constant 4 : i32
        %dma_wait3A_1919 = arith.constant 0 : i32
        %dma_wait3A_1920 = arith.constant 0 : i32
        %dma_wait3A_1921 = arith.constant 0 : i32
        %dma_wait3A_1922 = arith.constant 24 : i32
        %dma_wait3A_1923 = arith.constant 0 : i32
        %dma_wait3A_1924 = tpu.memref_slice %arg7[%dma_wait3A_1918, %dma_wait3A_1922, %dma_wait3A_1923] : memref<5x64x129xf32, #tpu.memory_space<vmem>> -> memref<1x8x128xf32, #tpu.memory_space<vmem>>
        %dma_wait3A_1925 = tpu.memref_squeeze %dma_wait3A_1924 : memref<1x8x128xf32, #tpu.memory_space<vmem>> -> memref<8x128xf32, #tpu.memory_space<vmem>>
        %dma_wait3A_1926 = arith.constant 0 : i32
        %dma_wait3A_1927 = arith.constant 0 : i32
        %dma_wait3A_1928 = tpu.memref_slice %arg4[%dma_wait3A_1919, %dma_wait3A_1920, %dma_wait3A_1921, %dma_wait3A_1926, %dma_wait3A_1927] : memref<50x8x32x8x128xf32, #tpu.memory_space<hbm>> -> memref<1x1x1x8x128xf32, #tpu.memory_space<hbm>>
        %dma_wait3A_1929 = tpu.memref_squeeze %dma_wait3A_1928 : memref<1x1x1x8x128xf32, #tpu.memory_space<hbm>> -> memref<8x128xf32, #tpu.memory_space<hbm>>
        %dma_wait3A_1930 = arith.constant 0 : i32
        %dma_wait3A_1931 = arith.constant 0 : i32
        %dma_wait3A_1932 = tpu.memref_slice %arg4[%dma_wait3A_1919, %dma_wait3A_1920, %dma_wait3A_1921, %dma_wait3A_1930, %dma_wait3A_1931] : memref<50x8x32x8x128xf32, #tpu.memory_space<hbm>> -> memref<1x1x1x8x128xf32, #tpu.memory_space<hbm>>
        %dma_wait3A_1933 = tpu.memref_squeeze %dma_wait3A_1932 : memref<1x1x1x8x128xf32, #tpu.memory_space<hbm>> -> memref<8x128xf32, #tpu.memory_space<hbm>>
        %dma_wait3A_1934 = arith.constant 24 : i32
        %dma_wait3A_1935 = arith.constant 0 : i32
        %dma_wait3A_1936 = tpu.memref_slice %arg7[%dma_wait3A_1918, %dma_wait3A_1934, %dma_wait3A_1935] : memref<5x64x129xf32, #tpu.memory_space<vmem>> -> memref<1x8x128xf32, #tpu.memory_space<vmem>>
        %dma_wait3A_1937 = tpu.memref_squeeze %dma_wait3A_1936 : memref<1x8x128xf32, #tpu.memory_space<vmem>> -> memref<8x128xf32, #tpu.memory_space<vmem>>
        tpu.wait_dma2 semaphore(%arg9 : memref<!tpu.dma_semaphore, #tpu.memory_space<semaphore_mem>>) src(%dma_wait3A_1937 : memref<8x128xf32, #tpu.memory_space<vmem>>) dst(%dma_wait3A_1933 : memref<8x128xf32, #tpu.memory_space<hbm>>)
        %dma_wait3A_1938 = arith.constant 4 : i32
        %dma_wait3A_1939 = arith.constant 0 : i32
        %dma_wait3A_1940 = arith.constant 0 : i32
        %dma_wait3A_1941 = arith.constant 0 : i32
        %dma_wait3A_1942 = arith.constant 32 : i32
        %dma_wait3A_1943 = arith.constant 0 : i32
        %dma_wait3A_1944 = tpu.memref_slice %arg7[%dma_wait3A_1938, %dma_wait3A_1942, %dma_wait3A_1943] : memref<5x64x129xf32, #tpu.memory_space<vmem>> -> memref<1x8x128xf32, #tpu.memory_space<vmem>>
        %dma_wait3A_1945 = tpu.memref_squeeze %dma_wait3A_1944 : memref<1x8x128xf32, #tpu.memory_space<vmem>> -> memref<8x128xf32, #tpu.memory_space<vmem>>
        %dma_wait3A_1946 = arith.constant 0 : i32
        %dma_wait3A_1947 = arith.constant 0 : i32
        %dma_wait3A_1948 = tpu.memref_slice %arg4[%dma_wait3A_1939, %dma_wait3A_1940, %dma_wait3A_1941, %dma_wait3A_1946, %dma_wait3A_1947] : memref<50x8x32x8x128xf32, #tpu.memory_space<hbm>> -> memref<1x1x1x8x128xf32, #tpu.memory_space<hbm>>
        %dma_wait3A_1949 = tpu.memref_squeeze %dma_wait3A_1948 : memref<1x1x1x8x128xf32, #tpu.memory_space<hbm>> -> memref<8x128xf32, #tpu.memory_space<hbm>>
        %dma_wait3A_1950 = arith.constant 0 : i32
        %dma_wait3A_1951 = arith.constant 0 : i32
        %dma_wait3A_1952 = tpu.memref_slice %arg4[%dma_wait3A_1939, %dma_wait3A_1940, %dma_wait3A_1941, %dma_wait3A_1950, %dma_wait3A_1951] : memref<50x8x32x8x128xf32, #tpu.memory_space<hbm>> -> memref<1x1x1x8x128xf32, #tpu.memory_space<hbm>>
        %dma_wait3A_1953 = tpu.memref_squeeze %dma_wait3A_1952 : memref<1x1x1x8x128xf32, #tpu.memory_space<hbm>> -> memref<8x128xf32, #tpu.memory_space<hbm>>
        %dma_wait3A_1954 = arith.constant 32 : i32
        %dma_wait3A_1955 = arith.constant 0 : i32
        %dma_wait3A_1956 = tpu.memref_slice %arg7[%dma_wait3A_1938, %dma_wait3A_1954, %dma_wait3A_1955] : memref<5x64x129xf32, #tpu.memory_space<vmem>> -> memref<1x8x128xf32, #tpu.memory_space<vmem>>
        %dma_wait3A_1957 = tpu.memref_squeeze %dma_wait3A_1956 : memref<1x8x128xf32, #tpu.memory_space<vmem>> -> memref<8x128xf32, #tpu.memory_space<vmem>>
        tpu.wait_dma2 semaphore(%arg9 : memref<!tpu.dma_semaphore, #tpu.memory_space<semaphore_mem>>) src(%dma_wait3A_1957 : memref<8x128xf32, #tpu.memory_space<vmem>>) dst(%dma_wait3A_1953 : memref<8x128xf32, #tpu.memory_space<hbm>>)
        %dma_wait3A_1958 = arith.constant 4 : i32
        %dma_wait3A_1959 = arith.constant 0 : i32
        %dma_wait3A_1960 = arith.constant 0 : i32
        %dma_wait3A_1961 = arith.constant 0 : i32
        %dma_wait3A_1962 = arith.constant 40 : i32
        %dma_wait3A_1963 = arith.constant 0 : i32
        %dma_wait3A_1964 = tpu.memref_slice %arg7[%dma_wait3A_1958, %dma_wait3A_1962, %dma_wait3A_1963] : memref<5x64x129xf32, #tpu.memory_space<vmem>> -> memref<1x8x128xf32, #tpu.memory_space<vmem>>
        %dma_wait3A_1965 = tpu.memref_squeeze %dma_wait3A_1964 : memref<1x8x128xf32, #tpu.memory_space<vmem>> -> memref<8x128xf32, #tpu.memory_space<vmem>>
        %dma_wait3A_1966 = arith.constant 0 : i32
        %dma_wait3A_1967 = arith.constant 0 : i32
        %dma_wait3A_1968 = tpu.memref_slice %arg4[%dma_wait3A_1959, %dma_wait3A_1960, %dma_wait3A_1961, %dma_wait3A_1966, %dma_wait3A_1967] : memref<50x8x32x8x128xf32, #tpu.memory_space<hbm>> -> memref<1x1x1x8x128xf32, #tpu.memory_space<hbm>>
        %dma_wait3A_1969 = tpu.memref_squeeze %dma_wait3A_1968 : memref<1x1x1x8x128xf32, #tpu.memory_space<hbm>> -> memref<8x128xf32, #tpu.memory_space<hbm>>
        %dma_wait3A_1970 = arith.constant 0 : i32
        %dma_wait3A_1971 = arith.constant 0 : i32
        %dma_wait3A_1972 = tpu.memref_slice %arg4[%dma_wait3A_1959, %dma_wait3A_1960, %dma_wait3A_1961, %dma_wait3A_1970, %dma_wait3A_1971] : memref<50x8x32x8x128xf32, #tpu.memory_space<hbm>> -> memref<1x1x1x8x128xf32, #tpu.memory_space<hbm>>
        %dma_wait3A_1973 = tpu.memref_squeeze %dma_wait3A_1972 : memref<1x1x1x8x128xf32, #tpu.memory_space<hbm>> -> memref<8x128xf32, #tpu.memory_space<hbm>>
        %dma_wait3A_1974 = arith.constant 40 : i32
        %dma_wait3A_1975 = arith.constant 0 : i32
        %dma_wait3A_1976 = tpu.memref_slice %arg7[%dma_wait3A_1958, %dma_wait3A_1974, %dma_wait3A_1975] : memref<5x64x129xf32, #tpu.memory_space<vmem>> -> memref<1x8x128xf32, #tpu.memory_space<vmem>>
        %dma_wait3A_1977 = tpu.memref_squeeze %dma_wait3A_1976 : memref<1x8x128xf32, #tpu.memory_space<vmem>> -> memref<8x128xf32, #tpu.memory_space<vmem>>
        tpu.wait_dma2 semaphore(%arg9 : memref<!tpu.dma_semaphore, #tpu.memory_space<semaphore_mem>>) src(%dma_wait3A_1977 : memref<8x128xf32, #tpu.memory_space<vmem>>) dst(%dma_wait3A_1973 : memref<8x128xf32, #tpu.memory_space<hbm>>)
        %dma_wait3A_1978 = arith.constant 4 : i32
        %dma_wait3A_1979 = arith.constant 0 : i32
        %dma_wait3A_1980 = arith.constant 0 : i32
        %dma_wait3A_1981 = arith.constant 0 : i32
        %dma_wait3A_1982 = arith.constant 48 : i32
        %dma_wait3A_1983 = arith.constant 0 : i32
        %dma_wait3A_1984 = tpu.memref_slice %arg7[%dma_wait3A_1978, %dma_wait3A_1982, %dma_wait3A_1983] : memref<5x64x129xf32, #tpu.memory_space<vmem>> -> memref<1x8x128xf32, #tpu.memory_space<vmem>>
        %dma_wait3A_1985 = tpu.memref_squeeze %dma_wait3A_1984 : memref<1x8x128xf32, #tpu.memory_space<vmem>> -> memref<8x128xf32, #tpu.memory_space<vmem>>
        %dma_wait3A_1986 = arith.constant 0 : i32
        %dma_wait3A_1987 = arith.constant 0 : i32
        %dma_wait3A_1988 = tpu.memref_slice %arg4[%dma_wait3A_1979, %dma_wait3A_1980, %dma_wait3A_1981, %dma_wait3A_1986, %dma_wait3A_1987] : memref<50x8x32x8x128xf32, #tpu.memory_space<hbm>> -> memref<1x1x1x8x128xf32, #tpu.memory_space<hbm>>
        %dma_wait3A_1989 = tpu.memref_squeeze %dma_wait3A_1988 : memref<1x1x1x8x128xf32, #tpu.memory_space<hbm>> -> memref<8x128xf32, #tpu.memory_space<hbm>>
        %dma_wait3A_1990 = arith.constant 0 : i32
        %dma_wait3A_1991 = arith.constant 0 : i32
        %dma_wait3A_1992 = tpu.memref_slice %arg4[%dma_wait3A_1979, %dma_wait3A_1980, %dma_wait3A_1981, %dma_wait3A_1990, %dma_wait3A_1991] : memref<50x8x32x8x128xf32, #tpu.memory_space<hbm>> -> memref<1x1x1x8x128xf32, #tpu.memory_space<hbm>>
        %dma_wait3A_1993 = tpu.memref_squeeze %dma_wait3A_1992 : memref<1x1x1x8x128xf32, #tpu.memory_space<hbm>> -> memref<8x128xf32, #tpu.memory_space<hbm>>
        %dma_wait3A_1994 = arith.constant 48 : i32
        %dma_wait3A_1995 = arith.constant 0 : i32
        %dma_wait3A_1996 = tpu.memref_slice %arg7[%dma_wait3A_1978, %dma_wait3A_1994, %dma_wait3A_1995] : memref<5x64x129xf32, #tpu.memory_space<vmem>> -> memref<1x8x128xf32, #tpu.memory_space<vmem>>
        %dma_wait3A_1997 = tpu.memref_squeeze %dma_wait3A_1996 : memref<1x8x128xf32, #tpu.memory_space<vmem>> -> memref<8x128xf32, #tpu.memory_space<vmem>>
        tpu.wait_dma2 semaphore(%arg9 : memref<!tpu.dma_semaphore, #tpu.memory_space<semaphore_mem>>) src(%dma_wait3A_1997 : memref<8x128xf32, #tpu.memory_space<vmem>>) dst(%dma_wait3A_1993 : memref<8x128xf32, #tpu.memory_space<hbm>>)
        %dma_wait3A_1998 = arith.constant 4 : i32
        %dma_wait3A_1999 = arith.constant 0 : i32
        %dma_wait3A_2000 = arith.constant 0 : i32
        %dma_wait3A_2001 = arith.constant 0 : i32
        %dma_wait3A_2002 = arith.constant 56 : i32
        %dma_wait3A_2003 = arith.constant 0 : i32
        %dma_wait3A_2004 = tpu.memref_slice %arg7[%dma_wait3A_1998, %dma_wait3A_2002, %dma_wait3A_2003] : memref<5x64x129xf32, #tpu.memory_space<vmem>> -> memref<1x8x128xf32, #tpu.memory_space<vmem>>
        %dma_wait3A_2005 = tpu.memref_squeeze %dma_wait3A_2004 : memref<1x8x128xf32, #tpu.memory_space<vmem>> -> memref<8x128xf32, #tpu.memory_space<vmem>>
        %dma_wait3A_2006 = arith.constant 0 : i32
        %dma_wait3A_2007 = arith.constant 0 : i32
        %dma_wait3A_2008 = tpu.memref_slice %arg4[%dma_wait3A_1999, %dma_wait3A_2000, %dma_wait3A_2001, %dma_wait3A_2006, %dma_wait3A_2007] : memref<50x8x32x8x128xf32, #tpu.memory_space<hbm>> -> memref<1x1x1x8x128xf32, #tpu.memory_space<hbm>>
        %dma_wait3A_2009 = tpu.memref_squeeze %dma_wait3A_2008 : memref<1x1x1x8x128xf32, #tpu.memory_space<hbm>> -> memref<8x128xf32, #tpu.memory_space<hbm>>
        %dma_wait3A_2010 = arith.constant 0 : i32
        %dma_wait3A_2011 = arith.constant 0 : i32
        %dma_wait3A_2012 = tpu.memref_slice %arg4[%dma_wait3A_1999, %dma_wait3A_2000, %dma_wait3A_2001, %dma_wait3A_2010, %dma_wait3A_2011] : memref<50x8x32x8x128xf32, #tpu.memory_space<hbm>> -> memref<1x1x1x8x128xf32, #tpu.memory_space<hbm>>
        %dma_wait3A_2013 = tpu.memref_squeeze %dma_wait3A_2012 : memref<1x1x1x8x128xf32, #tpu.memory_space<hbm>> -> memref<8x128xf32, #tpu.memory_space<hbm>>
        %dma_wait3A_2014 = arith.constant 56 : i32
        %dma_wait3A_2015 = arith.constant 0 : i32
        %dma_wait3A_2016 = tpu.memref_slice %arg7[%dma_wait3A_1998, %dma_wait3A_2014, %dma_wait3A_2015] : memref<5x64x129xf32, #tpu.memory_space<vmem>> -> memref<1x8x128xf32, #tpu.memory_space<vmem>>
        %dma_wait3A_2017 = tpu.memref_squeeze %dma_wait3A_2016 : memref<1x8x128xf32, #tpu.memory_space<vmem>> -> memref<8x128xf32, #tpu.memory_space<vmem>>
        tpu.wait_dma2 semaphore(%arg9 : memref<!tpu.dma_semaphore, #tpu.memory_space<semaphore_mem>>) src(%dma_wait3A_2017 : memref<8x128xf32, #tpu.memory_space<vmem>>) dst(%dma_wait3A_2013 : memref<8x128xf32, #tpu.memory_space<hbm>>)
      } else {
      }
      %parallel_loop3A_1677 = arith.constant 0 : i32
      %parallel_loop3A_1678 = arith.constant 128 : i32
      %parallel_loop3A_1679 = arith.constant 1 : i32
      %parallel_loop3A_1680 = arith.constant 4 : i32
      %parallel_loop3A_1681 = arith.constant 4 : i32
      scf.for %parallel_loop3A_1858 = %parallel_loop3A_1677 to %parallel_loop3A_1678 step %parallel_loop3A_1679  : i32 {
        %parallel_loop3A_1859 = vector.broadcast %parallel_loop3A_1858 : i32 to vector<16xi32>
        %parallel_loop3A_1860 = arith.constant 0 : i32
        %parallel_loop3A_1861 = arith.constant 0 : i32
        %parallel_loop3A_1862 = tpu.memref_slice %arg6[%parallel_loop3A_1680, %parallel_loop3A_1860, %parallel_loop3A_1861] : memref<5x128x64xf32, #tpu.memory_space<vmem>> -> memref<1x128x64xf32, #tpu.memory_space<vmem>>
        %parallel_loop3A_1863 = tpu.memref_squeeze %parallel_loop3A_1862 : memref<1x128x64xf32, #tpu.memory_space<vmem>> -> memref<128x64xf32, #tpu.memory_space<vmem>>
        %parallel_loop3A_1864 = arith.index_cast %parallel_loop3A_1858 : i32 to index
        %parallel_loop3A_1865 = arith.constant 0 : index
        %parallel_loop3A_1866 = tpu.vector_load %parallel_loop3A_1863[%parallel_loop3A_1864, %parallel_loop3A_1865] {strides = array<i32>} : memref<128x64xf32, #tpu.memory_space<vmem>>, vector<16xf32>,
        %parallel_loop3A_1867 = arith.constant 0 : i32
        %parallel_loop3A_1868 = arith.constant 0 : i32
        %parallel_loop3A_1869 = tpu.memref_slice %arg7[%parallel_loop3A_1681, %parallel_loop3A_1867, %parallel_loop3A_1868] : memref<5x64x129xf32, #tpu.memory_space<vmem>> -> memref<1x64x129xf32, #tpu.memory_space<vmem>>
        %parallel_loop3A_1870 = tpu.memref_squeeze %parallel_loop3A_1869 : memref<1x64x129xf32, #tpu.memory_space<vmem>> -> memref<64x129xf32, #tpu.memory_space<vmem>>
        tpu.vector_store_idx %parallel_loop3A_1870[%add3A_7, %parallel_loop3A_1859], %parallel_loop3A_1866 : memref<64x129xf32, #tpu.memory_space<vmem>>[vector<16xi32>, vector<16xi32>], vector<16xf32>,
        %parallel_loop3A_1871 = arith.constant 0 : i32
        %parallel_loop3A_1872 = arith.constant 0 : i32
        %parallel_loop3A_1873 = tpu.memref_slice %arg6[%parallel_loop3A_1680, %parallel_loop3A_1871, %parallel_loop3A_1872] : memref<5x128x64xf32, #tpu.memory_space<vmem>> -> memref<1x128x64xf32, #tpu.memory_space<vmem>>
        %parallel_loop3A_1874 = tpu.memref_squeeze %parallel_loop3A_1873 : memref<1x128x64xf32, #tpu.memory_space<vmem>> -> memref<128x64xf32, #tpu.memory_space<vmem>>
        %parallel_loop3A_1875 = arith.index_cast %parallel_loop3A_1858 : i32 to index
        %parallel_loop3A_1876 = arith.constant 16 : index
        %parallel_loop3A_1877 = tpu.vector_load %parallel_loop3A_1874[%parallel_loop3A_1875, %parallel_loop3A_1876] {strides = array<i32>} : memref<128x64xf32, #tpu.memory_space<vmem>>, vector<16xf32>,
        %parallel_loop3A_1878 = arith.constant 0 : i32
        %parallel_loop3A_1879 = arith.constant 0 : i32
        %parallel_loop3A_1880 = tpu.memref_slice %arg7[%parallel_loop3A_1681, %parallel_loop3A_1878, %parallel_loop3A_1879] : memref<5x64x129xf32, #tpu.memory_space<vmem>> -> memref<1x64x129xf32, #tpu.memory_space<vmem>>
        %parallel_loop3A_1881 = tpu.memref_squeeze %parallel_loop3A_1880 : memref<1x64x129xf32, #tpu.memory_space<vmem>> -> memref<64x129xf32, #tpu.memory_space<vmem>>
        tpu.vector_store_idx %parallel_loop3A_1881[%add3A_10, %parallel_loop3A_1859], %parallel_loop3A_1877 : memref<64x129xf32, #tpu.memory_space<vmem>>[vector<16xi32>, vector<16xi32>], vector<16xf32>,
        %parallel_loop3A_1882 = arith.constant 0 : i32
        %parallel_loop3A_1883 = arith.constant 0 : i32
        %parallel_loop3A_1884 = tpu.memref_slice %arg6[%parallel_loop3A_1680, %parallel_loop3A_1882, %parallel_loop3A_1883] : memref<5x128x64xf32, #tpu.memory_space<vmem>> -> memref<1x128x64xf32, #tpu.memory_space<vmem>>
        %parallel_loop3A_1885 = tpu.memref_squeeze %parallel_loop3A_1884 : memref<1x128x64xf32, #tpu.memory_space<vmem>> -> memref<128x64xf32, #tpu.memory_space<vmem>>
        %parallel_loop3A_1886 = arith.index_cast %parallel_loop3A_1858 : i32 to index
        %parallel_loop3A_1887 = arith.constant 32 : index
        %parallel_loop3A_1888 = tpu.vector_load %parallel_loop3A_1885[%parallel_loop3A_1886, %parallel_loop3A_1887] {strides = array<i32>} : memref<128x64xf32, #tpu.memory_space<vmem>>, vector<16xf32>,
        %parallel_loop3A_1889 = arith.constant 0 : i32
        %parallel_loop3A_1890 = arith.constant 0 : i32
        %parallel_loop3A_1891 = tpu.memref_slice %arg7[%parallel_loop3A_1681, %parallel_loop3A_1889, %parallel_loop3A_1890] : memref<5x64x129xf32, #tpu.memory_space<vmem>> -> memref<1x64x129xf32, #tpu.memory_space<vmem>>
        %parallel_loop3A_1892 = tpu.memref_squeeze %parallel_loop3A_1891 : memref<1x64x129xf32, #tpu.memory_space<vmem>> -> memref<64x129xf32, #tpu.memory_space<vmem>>
        tpu.vector_store_idx %parallel_loop3A_1892[%add3A_13, %parallel_loop3A_1859], %parallel_loop3A_1888 : memref<64x129xf32, #tpu.memory_space<vmem>>[vector<16xi32>, vector<16xi32>], vector<16xf32>,
        %parallel_loop3A_1893 = arith.constant 0 : i32
        %parallel_loop3A_1894 = arith.constant 0 : i32
        %parallel_loop3A_1895 = tpu.memref_slice %arg6[%parallel_loop3A_1680, %parallel_loop3A_1893, %parallel_loop3A_1894] : memref<5x128x64xf32, #tpu.memory_space<vmem>> -> memref<1x128x64xf32, #tpu.memory_space<vmem>>
        %parallel_loop3A_1896 = tpu.memref_squeeze %parallel_loop3A_1895 : memref<1x128x64xf32, #tpu.memory_space<vmem>> -> memref<128x64xf32, #tpu.memory_space<vmem>>
        %parallel_loop3A_1897 = arith.index_cast %parallel_loop3A_1858 : i32 to index
        %parallel_loop3A_1898 = arith.constant 48 : index
        %parallel_loop3A_1899 = tpu.vector_load %parallel_loop3A_1896[%parallel_loop3A_1897, %parallel_loop3A_1898] {strides = array<i32>} : memref<128x64xf32, #tpu.memory_space<vmem>>, vector<16xf32>,
        %parallel_loop3A_1900 = arith.constant 0 : i32
        %parallel_loop3A_1901 = arith.constant 0 : i32
        %parallel_loop3A_1902 = tpu.memref_slice %arg7[%parallel_loop3A_1681, %parallel_loop3A_1900, %parallel_loop3A_1901] : memref<5x64x129xf32, #tpu.memory_space<vmem>> -> memref<1x64x129xf32, #tpu.memory_space<vmem>>
        %parallel_loop3A_1903 = tpu.memref_squeeze %parallel_loop3A_1902 : memref<1x64x129xf32, #tpu.memory_space<vmem>> -> memref<64x129xf32, #tpu.memory_space<vmem>>
        tpu.vector_store_idx %parallel_loop3A_1903[%add3A_16, %parallel_loop3A_1859], %parallel_loop3A_1899 : memref<64x129xf32, #tpu.memory_space<vmem>>[vector<16xi32>, vector<16xi32>], vector<16xf32>,
      } {sc.loop_unroll_factor = 4 : i64, sc.parallel_access}
      %add3A_1682 = arith.addi %mul3A_2, %add3A_1661 : i32
      %jit3A_1683 = arith.constant 32 : i32
      %div3A_1684 = arith.divsi %add3A_1682, %jit3A_1683 : i32
      %sign3A_1685 = arith.constant 0 : i32
      %sign3A_1686 = arith.cmpi sgt, %add3A_1682, %sign3A_1685 : i32
      %sign3A_1687 = arith.extui %sign3A_1686 : i1 to i32
      %sign3A_1688 = arith.constant 0 : i32
      %sign3A_1689 = arith.cmpi slt, %add3A_1682, %sign3A_1688 : i32
      %sign3A_1690 = arith.extui %sign3A_1689 : i1 to i32
      %sign3A_1691 = arith.subi %sign3A_1687, %sign3A_1690 : i32
      %sign3A_1692 = arith.constant 0 : i32
      %sign3A_1693 = arith.cmpi sgt, %jit3A_1683, %sign3A_1692 : i32
      %sign3A_1694 = arith.extui %sign3A_1693 : i1 to i32
      %sign3A_1695 = arith.constant 0 : i32
      %sign3A_1696 = arith.cmpi slt, %jit3A_1683, %sign3A_1695 : i32
      %sign3A_1697 = arith.extui %sign3A_1696 : i1 to i32
      %sign3A_1698 = arith.subi %sign3A_1694, %sign3A_1697 : i32
      %ne3A_1699 = arith.cmpi ne, %sign3A_1691, %sign3A_1698 : i32
      %rem3A_1700 = arith.remsi %add3A_1682, %jit3A_1683 : i32
      %ne3A_1701 = arith.constant 0 : i32
      %ne3A_1702 = arith.cmpi ne, %rem3A_1700, %ne3A_1701 : i32
      %and3A_1703 = arith.andi %ne3A_1699, %ne3A_1702 : i1
      %sub3A_1704 = arith.constant 1 : i32
      %sub3A_1705 = arith.subi %div3A_1684, %sub3A_1704 : i32
      %select_n3A_1706 = arith.select %and3A_1703, %sub3A_1705, %div3A_1684 : i32
      %rem3A_1707 = arith.constant 32 : i32
      %rem3A_1708 = arith.remsi %add3A_1682, %rem3A_1707 : i32
      %dma_start3A_1709 = arith.constant 4 : i32
      %dma_start3A_1710 = arith.constant 0 : i32
      %dma_start3A_1711 = arith.constant 0 : i32
      %dma_start3A_1712 = arith.constant 0 : i32
      %dma_start3A_1713 = tpu.memref_slice %arg7[%dma_start3A_1709, %dma_start3A_1711, %dma_start3A_1712] : memref<5x64x129xf32, #tpu.memory_space<vmem>> -> memref<1x8x128xf32, #tpu.memory_space<vmem>>
      %dma_start3A_1714 = tpu.memref_squeeze %dma_start3A_1713 : memref<1x8x128xf32, #tpu.memory_space<vmem>> -> memref<8x128xf32, #tpu.memory_space<vmem>>
      %dma_start3A_1715 = arith.constant 0 : i32
      %dma_start3A_1716 = arith.constant 0 : i32
      %dma_start3A_1717 = tpu.memref_slice %arg4[%select_n3A_1706, %dma_start3A_1710, %rem3A_1708, %dma_start3A_1715, %dma_start3A_1716] : memref<50x8x32x8x128xf32, #tpu.memory_space<hbm>> -> memref<1x1x1x8x128xf32, #tpu.memory_space<hbm>>
      %dma_start3A_1718 = tpu.memref_squeeze %dma_start3A_1717 : memref<1x1x1x8x128xf32, #tpu.memory_space<hbm>> -> memref<8x128xf32, #tpu.memory_space<hbm>>
      %dma_start3A_1719 = arith.constant 0 : i32
      %dma_start3A_1720 = arith.constant 0 : i32
      %dma_start3A_1721 = tpu.memref_slice %arg4[%select_n3A_1706, %dma_start3A_1710, %rem3A_1708, %dma_start3A_1719, %dma_start3A_1720] : memref<50x8x32x8x128xf32, #tpu.memory_space<hbm>> -> memref<1x1x1x8x128xf32, #tpu.memory_space<hbm>>
      %dma_start3A_1722 = tpu.memref_squeeze %dma_start3A_1721 : memref<1x1x1x8x128xf32, #tpu.memory_space<hbm>> -> memref<8x128xf32, #tpu.memory_space<hbm>>
      %dma_start3A_1723 = arith.constant 0 : i32
      %dma_start3A_1724 = arith.constant 0 : i32
      %dma_start3A_1725 = tpu.memref_slice %arg7[%dma_start3A_1709, %dma_start3A_1723, %dma_start3A_1724] : memref<5x64x129xf32, #tpu.memory_space<vmem>> -> memref<1x8x128xf32, #tpu.memory_space<vmem>>
      %dma_start3A_1726 = tpu.memref_squeeze %dma_start3A_1725 : memref<1x8x128xf32, #tpu.memory_space<vmem>> -> memref<8x128xf32, #tpu.memory_space<vmem>>
      tpu.enqueue_dma source(%dma_start3A_1726 : memref<8x128xf32, #tpu.memory_space<vmem>>) target(%dma_start3A_1722 : memref<8x128xf32, #tpu.memory_space<hbm>>) target_semaphore(%arg9 : memref<!tpu.dma_semaphore, #tpu.memory_space<semaphore_mem>>)
      %dma_start3A_1727 = arith.constant 4 : i32
      %dma_start3A_1728 = arith.constant 1 : i32
      %dma_start3A_1729 = arith.constant 8 : i32
      %dma_start3A_1730 = arith.constant 0 : i32
      %dma_start3A_1731 = tpu.memref_slice %arg7[%dma_start3A_1727, %dma_start3A_1729, %dma_start3A_1730] : memref<5x64x129xf32, #tpu.memory_space<vmem>> -> memref<1x8x128xf32, #tpu.memory_space<vmem>>
      %dma_start3A_1732 = tpu.memref_squeeze %dma_start3A_1731 : memref<1x8x128xf32, #tpu.memory_space<vmem>> -> memref<8x128xf32, #tpu.memory_space<vmem>>
      %dma_start3A_1733 = arith.constant 0 : i32
      %dma_start3A_1734 = arith.constant 0 : i32
      %dma_start3A_1735 = tpu.memref_slice %arg4[%select_n3A_1706, %dma_start3A_1728, %rem3A_1708, %dma_start3A_1733, %dma_start3A_1734] : memref<50x8x32x8x128xf32, #tpu.memory_space<hbm>> -> memref<1x1x1x8x128xf32, #tpu.memory_space<hbm>>
      %dma_start3A_1736 = tpu.memref_squeeze %dma_start3A_1735 : memref<1x1x1x8x128xf32, #tpu.memory_space<hbm>> -> memref<8x128xf32, #tpu.memory_space<hbm>>
      %dma_start3A_1737 = arith.constant 0 : i32
      %dma_start3A_1738 = arith.constant 0 : i32
      %dma_start3A_1739 = tpu.memref_slice %arg4[%select_n3A_1706, %dma_start3A_1728, %rem3A_1708, %dma_start3A_1737, %dma_start3A_1738] : memref<50x8x32x8x128xf32, #tpu.memory_space<hbm>> -> memref<1x1x1x8x128xf32, #tpu.memory_space<hbm>>
      %dma_start3A_1740 = tpu.memref_squeeze %dma_start3A_1739 : memref<1x1x1x8x128xf32, #tpu.memory_space<hbm>> -> memref<8x128xf32, #tpu.memory_space<hbm>>
      %dma_start3A_1741 = arith.constant 8 : i32
      %dma_start3A_1742 = arith.constant 0 : i32
      %dma_start3A_1743 = tpu.memref_slice %arg7[%dma_start3A_1727, %dma_start3A_1741, %dma_start3A_1742] : memref<5x64x129xf32, #tpu.memory_space<vmem>> -> memref<1x8x128xf32, #tpu.memory_space<vmem>>
      %dma_start3A_1744 = tpu.memref_squeeze %dma_start3A_1743 : memref<1x8x128xf32, #tpu.memory_space<vmem>> -> memref<8x128xf32, #tpu.memory_space<vmem>>
      tpu.enqueue_dma source(%dma_start3A_1744 : memref<8x128xf32, #tpu.memory_space<vmem>>) target(%dma_start3A_1740 : memref<8x128xf32, #tpu.memory_space<hbm>>) target_semaphore(%arg9 : memref<!tpu.dma_semaphore, #tpu.memory_space<semaphore_mem>>)
      %dma_start3A_1745 = arith.constant 4 : i32
      %dma_start3A_1746 = arith.constant 2 : i32
      %dma_start3A_1747 = arith.constant 16 : i32
      %dma_start3A_1748 = arith.constant 0 : i32
      %dma_start3A_1749 = tpu.memref_slice %arg7[%dma_start3A_1745, %dma_start3A_1747, %dma_start3A_1748] : memref<5x64x129xf32, #tpu.memory_space<vmem>> -> memref<1x8x128xf32, #tpu.memory_space<vmem>>
      %dma_start3A_1750 = tpu.memref_squeeze %dma_start3A_1749 : memref<1x8x128xf32, #tpu.memory_space<vmem>> -> memref<8x128xf32, #tpu.memory_space<vmem>>
      %dma_start3A_1751 = arith.constant 0 : i32
      %dma_start3A_1752 = arith.constant 0 : i32
      %dma_start3A_1753 = tpu.memref_slice %arg4[%select_n3A_1706, %dma_start3A_1746, %rem3A_1708, %dma_start3A_1751, %dma_start3A_1752] : memref<50x8x32x8x128xf32, #tpu.memory_space<hbm>> -> memref<1x1x1x8x128xf32, #tpu.memory_space<hbm>>
      %dma_start3A_1754 = tpu.memref_squeeze %dma_start3A_1753 : memref<1x1x1x8x128xf32, #tpu.memory_space<hbm>> -> memref<8x128xf32, #tpu.memory_space<hbm>>
      %dma_start3A_1755 = arith.constant 0 : i32
      %dma_start3A_1756 = arith.constant 0 : i32
      %dma_start3A_1757 = tpu.memref_slice %arg4[%select_n3A_1706, %dma_start3A_1746, %rem3A_1708, %dma_start3A_1755, %dma_start3A_1756] : memref<50x8x32x8x128xf32, #tpu.memory_space<hbm>> -> memref<1x1x1x8x128xf32, #tpu.memory_space<hbm>>
      %dma_start3A_1758 = tpu.memref_squeeze %dma_start3A_1757 : memref<1x1x1x8x128xf32, #tpu.memory_space<hbm>> -> memref<8x128xf32, #tpu.memory_space<hbm>>
      %dma_start3A_1759 = arith.constant 16 : i32
      %dma_start3A_1760 = arith.constant 0 : i32
      %dma_start3A_1761 = tpu.memref_slice %arg7[%dma_start3A_1745, %dma_start3A_1759, %dma_start3A_1760] : memref<5x64x129xf32, #tpu.memory_space<vmem>> -> memref<1x8x128xf32, #tpu.memory_space<vmem>>
      %dma_start3A_1762 = tpu.memref_squeeze %dma_start3A_1761 : memref<1x8x128xf32, #tpu.memory_space<vmem>> -> memref<8x128xf32, #tpu.memory_space<vmem>>
      tpu.enqueue_dma source(%dma_start3A_1762 : memref<8x128xf32, #tpu.memory_space<vmem>>) target(%dma_start3A_1758 : memref<8x128xf32, #tpu.memory_space<hbm>>) target_semaphore(%arg9 : memref<!tpu.dma_semaphore, #tpu.memory_space<semaphore_mem>>)
      %dma_start3A_1763 = arith.constant 4 : i32
      %dma_start3A_1764 = arith.constant 3 : i32
      %dma_start3A_1765 = arith.constant 24 : i32
      %dma_start3A_1766 = arith.constant 0 : i32
      %dma_start3A_1767 = tpu.memref_slice %arg7[%dma_start3A_1763, %dma_start3A_1765, %dma_start3A_1766] : memref<5x64x129xf32, #tpu.memory_space<vmem>> -> memref<1x8x128xf32, #tpu.memory_space<vmem>>
      %dma_start3A_1768 = tpu.memref_squeeze %dma_start3A_1767 : memref<1x8x128xf32, #tpu.memory_space<vmem>> -> memref<8x128xf32, #tpu.memory_space<vmem>>
      %dma_start3A_1769 = arith.constant 0 : i32
      %dma_start3A_1770 = arith.constant 0 : i32
      %dma_start3A_1771 = tpu.memref_slice %arg4[%select_n3A_1706, %dma_start3A_1764, %rem3A_1708, %dma_start3A_1769, %dma_start3A_1770] : memref<50x8x32x8x128xf32, #tpu.memory_space<hbm>> -> memref<1x1x1x8x128xf32, #tpu.memory_space<hbm>>
      %dma_start3A_1772 = tpu.memref_squeeze %dma_start3A_1771 : memref<1x1x1x8x128xf32, #tpu.memory_space<hbm>> -> memref<8x128xf32, #tpu.memory_space<hbm>>
      %dma_start3A_1773 = arith.constant 0 : i32
      %dma_start3A_1774 = arith.constant 0 : i32
      %dma_start3A_1775 = tpu.memref_slice %arg4[%select_n3A_1706, %dma_start3A_1764, %rem3A_1708, %dma_start3A_1773, %dma_start3A_1774] : memref<50x8x32x8x128xf32, #tpu.memory_space<hbm>> -> memref<1x1x1x8x128xf32, #tpu.memory_space<hbm>>
      %dma_start3A_1776 = tpu.memref_squeeze %dma_start3A_1775 : memref<1x1x1x8x128xf32, #tpu.memory_space<hbm>> -> memref<8x128xf32, #tpu.memory_space<hbm>>
      %dma_start3A_1777 = arith.constant 24 : i32
      %dma_start3A_1778 = arith.constant 0 : i32
      %dma_start3A_1779 = tpu.memref_slice %arg7[%dma_start3A_1763, %dma_start3A_1777, %dma_start3A_1778] : memref<5x64x129xf32, #tpu.memory_space<vmem>> -> memref<1x8x128xf32, #tpu.memory_space<vmem>>
      %dma_start3A_1780 = tpu.memref_squeeze %dma_start3A_1779 : memref<1x8x128xf32, #tpu.memory_space<vmem>> -> memref<8x128xf32, #tpu.memory_space<vmem>>
      tpu.enqueue_dma source(%dma_start3A_1780 : memref<8x128xf32, #tpu.memory_space<vmem>>) target(%dma_start3A_1776 : memref<8x128xf32, #tpu.memory_space<hbm>>) target_semaphore(%arg9 : memref<!tpu.dma_semaphore, #tpu.memory_space<semaphore_mem>>)
      %dma_start3A_1781 = arith.constant 4 : i32
      %dma_start3A_1782 = arith.constant 4 : i32
      %dma_start3A_1783 = arith.constant 32 : i32
      %dma_start3A_1784 = arith.constant 0 : i32
      %dma_start3A_1785 = tpu.memref_slice %arg7[%dma_start3A_1781, %dma_start3A_1783, %dma_start3A_1784] : memref<5x64x129xf32, #tpu.memory_space<vmem>> -> memref<1x8x128xf32, #tpu.memory_space<vmem>>
      %dma_start3A_1786 = tpu.memref_squeeze %dma_start3A_1785 : memref<1x8x128xf32, #tpu.memory_space<vmem>> -> memref<8x128xf32, #tpu.memory_space<vmem>>
      %dma_start3A_1787 = arith.constant 0 : i32
      %dma_start3A_1788 = arith.constant 0 : i32
      %dma_start3A_1789 = tpu.memref_slice %arg4[%select_n3A_1706, %dma_start3A_1782, %rem3A_1708, %dma_start3A_1787, %dma_start3A_1788] : memref<50x8x32x8x128xf32, #tpu.memory_space<hbm>> -> memref<1x1x1x8x128xf32, #tpu.memory_space<hbm>>
      %dma_start3A_1790 = tpu.memref_squeeze %dma_start3A_1789 : memref<1x1x1x8x128xf32, #tpu.memory_space<hbm>> -> memref<8x128xf32, #tpu.memory_space<hbm>>
      %dma_start3A_1791 = arith.constant 0 : i32
      %dma_start3A_1792 = arith.constant 0 : i32
      %dma_start3A_1793 = tpu.memref_slice %arg4[%select_n3A_1706, %dma_start3A_1782, %rem3A_1708, %dma_start3A_1791, %dma_start3A_1792] : memref<50x8x32x8x128xf32, #tpu.memory_space<hbm>> -> memref<1x1x1x8x128xf32, #tpu.memory_space<hbm>>
      %dma_start3A_1794 = tpu.memref_squeeze %dma_start3A_1793 : memref<1x1x1x8x128xf32, #tpu.memory_space<hbm>> -> memref<8x128xf32, #tpu.memory_space<hbm>>
      %dma_start3A_1795 = arith.constant 32 : i32
      %dma_start3A_1796 = arith.constant 0 : i32
      %dma_start3A_1797 = tpu.memref_slice %arg7[%dma_start3A_1781, %dma_start3A_1795, %dma_start3A_1796] : memref<5x64x129xf32, #tpu.memory_space<vmem>> -> memref<1x8x128xf32, #tpu.memory_space<vmem>>
      %dma_start3A_1798 = tpu.memref_squeeze %dma_start3A_1797 : memref<1x8x128xf32, #tpu.memory_space<vmem>> -> memref<8x128xf32, #tpu.memory_space<vmem>>
      tpu.enqueue_dma source(%dma_start3A_1798 : memref<8x128xf32, #tpu.memory_space<vmem>>) target(%dma_start3A_1794 : memref<8x128xf32, #tpu.memory_space<hbm>>) target_semaphore(%arg9 : memref<!tpu.dma_semaphore, #tpu.memory_space<semaphore_mem>>)
      %dma_start3A_1799 = arith.constant 4 : i32
      %dma_start3A_1800 = arith.constant 5 : i32
      %dma_start3A_1801 = arith.constant 40 : i32
      %dma_start3A_1802 = arith.constant 0 : i32
      %dma_start3A_1803 = tpu.memref_slice %arg7[%dma_start3A_1799, %dma_start3A_1801, %dma_start3A_1802] : memref<5x64x129xf32, #tpu.memory_space<vmem>> -> memref<1x8x128xf32, #tpu.memory_space<vmem>>
      %dma_start3A_1804 = tpu.memref_squeeze %dma_start3A_1803 : memref<1x8x128xf32, #tpu.memory_space<vmem>> -> memref<8x128xf32, #tpu.memory_space<vmem>>
      %dma_start3A_1805 = arith.constant 0 : i32
      %dma_start3A_1806 = arith.constant 0 : i32
      %dma_start3A_1807 = tpu.memref_slice %arg4[%select_n3A_1706, %dma_start3A_1800, %rem3A_1708, %dma_start3A_1805, %dma_start3A_1806] : memref<50x8x32x8x128xf32, #tpu.memory_space<hbm>> -> memref<1x1x1x8x128xf32, #tpu.memory_space<hbm>>
      %dma_start3A_1808 = tpu.memref_squeeze %dma_start3A_1807 : memref<1x1x1x8x128xf32, #tpu.memory_space<hbm>> -> memref<8x128xf32, #tpu.memory_space<hbm>>
      %dma_start3A_1809 = arith.constant 0 : i32
      %dma_start3A_1810 = arith.constant 0 : i32
      %dma_start3A_1811 = tpu.memref_slice %arg4[%select_n3A_1706, %dma_start3A_1800, %rem3A_1708, %dma_start3A_1809, %dma_start3A_1810] : memref<50x8x32x8x128xf32, #tpu.memory_space<hbm>> -> memref<1x1x1x8x128xf32, #tpu.memory_space<hbm>>
      %dma_start3A_1812 = tpu.memref_squeeze %dma_start3A_1811 : memref<1x1x1x8x128xf32, #tpu.memory_space<hbm>> -> memref<8x128xf32, #tpu.memory_space<hbm>>
      %dma_start3A_1813 = arith.constant 40 : i32
      %dma_start3A_1814 = arith.constant 0 : i32
      %dma_start3A_1815 = tpu.memref_slice %arg7[%dma_start3A_1799, %dma_start3A_1813, %dma_start3A_1814] : memref<5x64x129xf32, #tpu.memory_space<vmem>> -> memref<1x8x128xf32, #tpu.memory_space<vmem>>
      %dma_start3A_1816 = tpu.memref_squeeze %dma_start3A_1815 : memref<1x8x128xf32, #tpu.memory_space<vmem>> -> memref<8x128xf32, #tpu.memory_space<vmem>>
      tpu.enqueue_dma source(%dma_start3A_1816 : memref<8x128xf32, #tpu.memory_space<vmem>>) target(%dma_start3A_1812 : memref<8x128xf32, #tpu.memory_space<hbm>>) target_semaphore(%arg9 : memref<!tpu.dma_semaphore, #tpu.memory_space<semaphore_mem>>)
      %dma_start3A_1817 = arith.constant 4 : i32
      %dma_start3A_1818 = arith.constant 6 : i32
      %dma_start3A_1819 = arith.constant 48 : i32
      %dma_start3A_1820 = arith.constant 0 : i32
      %dma_start3A_1821 = tpu.memref_slice %arg7[%dma_start3A_1817, %dma_start3A_1819, %dma_start3A_1820] : memref<5x64x129xf32, #tpu.memory_space<vmem>> -> memref<1x8x128xf32, #tpu.memory_space<vmem>>
      %dma_start3A_1822 = tpu.memref_squeeze %dma_start3A_1821 : memref<1x8x128xf32, #tpu.memory_space<vmem>> -> memref<8x128xf32, #tpu.memory_space<vmem>>
      %dma_start3A_1823 = arith.constant 0 : i32
      %dma_start3A_1824 = arith.constant 0 : i32
      %dma_start3A_1825 = tpu.memref_slice %arg4[%select_n3A_1706, %dma_start3A_1818, %rem3A_1708, %dma_start3A_1823, %dma_start3A_1824] : memref<50x8x32x8x128xf32, #tpu.memory_space<hbm>> -> memref<1x1x1x8x128xf32, #tpu.memory_space<hbm>>
      %dma_start3A_1826 = tpu.memref_squeeze %dma_start3A_1825 : memref<1x1x1x8x128xf32, #tpu.memory_space<hbm>> -> memref<8x128xf32, #tpu.memory_space<hbm>>
      %dma_start3A_1827 = arith.constant 0 : i32
      %dma_start3A_1828 = arith.constant 0 : i32
      %dma_start3A_1829 = tpu.memref_slice %arg4[%select_n3A_1706, %dma_start3A_1818, %rem3A_1708, %dma_start3A_1827, %dma_start3A_1828] : memref<50x8x32x8x128xf32, #tpu.memory_space<hbm>> -> memref<1x1x1x8x128xf32, #tpu.memory_space<hbm>>
      %dma_start3A_1830 = tpu.memref_squeeze %dma_start3A_1829 : memref<1x1x1x8x128xf32, #tpu.memory_space<hbm>> -> memref<8x128xf32, #tpu.memory_space<hbm>>
      %dma_start3A_1831 = arith.constant 48 : i32
      %dma_start3A_1832 = arith.constant 0 : i32
      %dma_start3A_1833 = tpu.memref_slice %arg7[%dma_start3A_1817, %dma_start3A_1831, %dma_start3A_1832] : memref<5x64x129xf32, #tpu.memory_space<vmem>> -> memref<1x8x128xf32, #tpu.memory_space<vmem>>
      %dma_start3A_1834 = tpu.memref_squeeze %dma_start3A_1833 : memref<1x8x128xf32, #tpu.memory_space<vmem>> -> memref<8x128xf32, #tpu.memory_space<vmem>>
      tpu.enqueue_dma source(%dma_start3A_1834 : memref<8x128xf32, #tpu.memory_space<vmem>>) target(%dma_start3A_1830 : memref<8x128xf32, #tpu.memory_space<hbm>>) target_semaphore(%arg9 : memref<!tpu.dma_semaphore, #tpu.memory_space<semaphore_mem>>)
      %dma_start3A_1835 = arith.constant 4 : i32
      %dma_start3A_1836 = arith.constant 7 : i32
      %dma_start3A_1837 = arith.constant 56 : i32
      %dma_start3A_1838 = arith.constant 0 : i32
      %dma_start3A_1839 = tpu.memref_slice %arg7[%dma_start3A_1835, %dma_start3A_1837, %dma_start3A_1838] : memref<5x64x129xf32, #tpu.memory_space<vmem>> -> memref<1x8x128xf32, #tpu.memory_space<vmem>>
      %dma_start3A_1840 = tpu.memref_squeeze %dma_start3A_1839 : memref<1x8x128xf32, #tpu.memory_space<vmem>> -> memref<8x128xf32, #tpu.memory_space<vmem>>
      %dma_start3A_1841 = arith.constant 0 : i32
      %dma_start3A_1842 = arith.constant 0 : i32
      %dma_start3A_1843 = tpu.memref_slice %arg4[%select_n3A_1706, %dma_start3A_1836, %rem3A_1708, %dma_start3A_1841, %dma_start3A_1842] : memref<50x8x32x8x128xf32, #tpu.memory_space<hbm>> -> memref<1x1x1x8x128xf32, #tpu.memory_space<hbm>>
      %dma_start3A_1844 = tpu.memref_squeeze %dma_start3A_1843 : memref<1x1x1x8x128xf32, #tpu.memory_space<hbm>> -> memref<8x128xf32, #tpu.memory_space<hbm>>
      %dma_start3A_1845 = arith.constant 0 : i32
      %dma_start3A_1846 = arith.constant 0 : i32
      %dma_start3A_1847 = tpu.memref_slice %arg4[%select_n3A_1706, %dma_start3A_1836, %rem3A_1708, %dma_start3A_1845, %dma_start3A_1846] : memref<50x8x32x8x128xf32, #tpu.memory_space<hbm>> -> memref<1x1x1x8x128xf32, #tpu.memory_space<hbm>>
      %dma_start3A_1848 = tpu.memref_squeeze %dma_start3A_1847 : memref<1x1x1x8x128xf32, #tpu.memory_space<hbm>> -> memref<8x128xf32, #tpu.memory_space<hbm>>
      %dma_start3A_1849 = arith.constant 56 : i32
      %dma_start3A_1850 = arith.constant 0 : i32
      %dma_start3A_1851 = tpu.memref_slice %arg7[%dma_start3A_1835, %dma_start3A_1849, %dma_start3A_1850] : memref<5x64x129xf32, #tpu.memory_space<vmem>> -> memref<1x8x128xf32, #tpu.memory_space<vmem>>
      %dma_start3A_1852 = tpu.memref_squeeze %dma_start3A_1851 : memref<1x8x128xf32, #tpu.memory_space<vmem>> -> memref<8x128xf32, #tpu.memory_space<vmem>>
      tpu.enqueue_dma source(%dma_start3A_1852 : memref<8x128xf32, #tpu.memory_space<vmem>>) target(%dma_start3A_1848 : memref<8x128xf32, #tpu.memory_space<hbm>>) target_semaphore(%arg9 : memref<!tpu.dma_semaphore, #tpu.memory_space<semaphore_mem>>)
      %lt3A_1853 = arith.constant 9 : i32
      %lt3A_1854 = arith.cmpi slt, %scan3A_870, %lt3A_1853 : i32
      %convert_element_type3A_1855 = arith.extui %lt3A_1854 : i1 to i32
      %cond3A_1856 = arith.constant 0 : i32
      %cond3A_1857 = arith.cmpi ne, %convert_element_type3A_1855, %cond3A_1856 : i32
      scf.if %cond3A_1857 {
        %add3A_1858 = arith.constant 5 : i32
        %add3A_1859 = arith.addi %add3A_1661, %add3A_1858 : i32
        %mul3A_1860 = arith.constant 128 : i32
        %mul3A_1861 = arith.muli %add3A_1859, %mul3A_1860 : i32
        %dma_start3A_1862 = arith.constant 4 : i32
        %dma_start3A_1863 = arith.constant 0 : i32
        %dma_start3A_1864 = arith.constant 0 : i32
        %dma_start3A_1865 = tpu.memref_slice %arg6[%dma_start3A_1862, %dma_start3A_1863, %dma_start3A_1864] : memref<5x128x64xf32, #tpu.memory_space<vmem>> -> memref<1x128x64xf32, #tpu.memory_space<vmem>>
        %dma_start3A_1866 = tpu.memref_squeeze %dma_start3A_1865 : memref<1x128x64xf32, #tpu.memory_space<vmem>> -> memref<128x64xf32, #tpu.memory_space<vmem>>
        %dma_start3A_1867 = tpu.memref_slice %arg5[%mul3A_1861] : memref<6400xi32, #tpu.memory_space<vmem>> -> memref<128xi32, #tpu.memory_space<vmem>>
        %dma_start3A_1868 = arith.constant 0 : i32
        %dma_start3A_1869 = arith.constant 0 : i32
        %dma_start3A_1870 = tpu.memref_slice %arg3[%dma_start3A_1868, %dma_start3A_1869] : memref<100000x64xf32, #tpu.memory_space<hbm>> -> memref<100000x64xf32, #tpu.memory_space<hbm>>
        tpu.enqueue_indirect_dma source(%dma_start3A_1870 : memref<100000x64xf32, #tpu.memory_space<hbm>>) target(%dma_start3A_1866 : memref<128x64xf32, #tpu.memory_space<vmem>>) offsets(%dma_start3A_1867 : memref<128xi32, #tpu.memory_space<vmem>>) semaphore(%arg8 : memref<!tpu.dma_semaphore, #tpu.memory_space<semaphore_mem>>)
      } else {
      }
    }
    %scan3A_70 = arith.constant 10 : i32
    %dma_wait3A = arith.constant 0 : i32
    %dma_wait3A_71 = arith.constant 0 : i32
    %dma_wait3A_72 = arith.constant 0 : i32
    %dma_wait3A_73 = arith.constant 0 : i32
    %dma_wait3A_74 = arith.constant 0 : i32
    %dma_wait3A_75 = arith.constant 0 : i32
    %dma_wait3A_76 = tpu.memref_slice %arg7[%dma_wait3A, %dma_wait3A_74, %dma_wait3A_75] : memref<5x64x129xf32, #tpu.memory_space<vmem>> -> memref<1x8x128xf32, #tpu.memory_space<vmem>>
    %dma_wait3A_77 = tpu.memref_squeeze %dma_wait3A_76 : memref<1x8x128xf32, #tpu.memory_space<vmem>> -> memref<8x128xf32, #tpu.memory_space<vmem>>
    %dma_wait3A_78 = arith.constant 0 : i32
    %dma_wait3A_79 = arith.constant 0 : i32
    %dma_wait3A_80 = tpu.memref_slice %arg4[%dma_wait3A_71, %dma_wait3A_72, %dma_wait3A_73, %dma_wait3A_78, %dma_wait3A_79] : memref<50x8x32x8x128xf32, #tpu.memory_space<hbm>> -> memref<1x1x1x8x128xf32, #tpu.memory_space<hbm>>
    %dma_wait3A_81 = tpu.memref_squeeze %dma_wait3A_80 : memref<1x1x1x8x128xf32, #tpu.memory_space<hbm>> -> memref<8x128xf32, #tpu.memory_space<hbm>>
    %dma_wait3A_82 = arith.constant 0 : i32
    %dma_wait3A_83 = arith.constant 0 : i32
    %dma_wait3A_84 = tpu.memref_slice %arg4[%dma_wait3A_71, %dma_wait3A_72, %dma_wait3A_73, %dma_wait3A_82, %dma_wait3A_83] : memref<50x8x32x8x128xf32, #tpu.memory_space<hbm>> -> memref<1x1x1x8x128xf32, #tpu.memory_space<hbm>>
    %dma_wait3A_85 = tpu.memref_squeeze %dma_wait3A_84 : memref<1x1x1x8x128xf32, #tpu.memory_space<hbm>> -> memref<8x128xf32, #tpu.memory_space<hbm>>
    %dma_wait3A_86 = arith.constant 0 : i32
    %dma_wait3A_87 = arith.constant 0 : i32
    %dma_wait3A_88 = tpu.memref_slice %arg7[%dma_wait3A, %dma_wait3A_86, %dma_wait3A_87] : memref<5x64x129xf32, #tpu.memory_space<vmem>> -> memref<1x8x128xf32, #tpu.memory_space<vmem>>
    %dma_wait3A_89 = tpu.memref_squeeze %dma_wait3A_88 : memref<1x8x128xf32, #tpu.memory_space<vmem>> -> memref<8x128xf32, #tpu.memory_space<vmem>>
    tpu.wait_dma2 semaphore(%arg9 : memref<!tpu.dma_semaphore, #tpu.memory_space<semaphore_mem>>) src(%dma_wait3A_89 : memref<8x128xf32, #tpu.memory_space<vmem>>) dst(%dma_wait3A_85 : memref<8x128xf32, #tpu.memory_space<hbm>>)
    %dma_wait3A_90 = arith.constant 0 : i32
    %dma_wait3A_91 = arith.constant 0 : i32
    %dma_wait3A_92 = arith.constant 0 : i32
    %dma_wait3A_93 = arith.constant 0 : i32
    %dma_wait3A_94 = arith.constant 8 : i32
    %dma_wait3A_95 = arith.constant 0 : i32
    %dma_wait3A_96 = tpu.memref_slice %arg7[%dma_wait3A_90, %dma_wait3A_94, %dma_wait3A_95] : memref<5x64x129xf32, #tpu.memory_space<vmem>> -> memref<1x8x128xf32, #tpu.memory_space<vmem>>
    %dma_wait3A_97 = tpu.memref_squeeze %dma_wait3A_96 : memref<1x8x128xf32, #tpu.memory_space<vmem>> -> memref<8x128xf32, #tpu.memory_space<vmem>>
    %dma_wait3A_98 = arith.constant 0 : i32
    %dma_wait3A_99 = arith.constant 0 : i32
    %dma_wait3A_100 = tpu.memref_slice %arg4[%dma_wait3A_91, %dma_wait3A_92, %dma_wait3A_93, %dma_wait3A_98, %dma_wait3A_99] : memref<50x8x32x8x128xf32, #tpu.memory_space<hbm>> -> memref<1x1x1x8x128xf32, #tpu.memory_space<hbm>>
    %dma_wait3A_101 = tpu.memref_squeeze %dma_wait3A_100 : memref<1x1x1x8x128xf32, #tpu.memory_space<hbm>> -> memref<8x128xf32, #tpu.memory_space<hbm>>
    %dma_wait3A_102 = arith.constant 0 : i32
    %dma_wait3A_103 = arith.constant 0 : i32
    %dma_wait3A_104 = tpu.memref_slice %arg4[%dma_wait3A_91, %dma_wait3A_92, %dma_wait3A_93, %dma_wait3A_102, %dma_wait3A_103] : memref<50x8x32x8x128xf32, #tpu.memory_space<hbm>> -> memref<1x1x1x8x128xf32, #tpu.memory_space<hbm>>
    %dma_wait3A_105 = tpu.memref_squeeze %dma_wait3A_104 : memref<1x1x1x8x128xf32, #tpu.memory_space<hbm>> -> memref<8x128xf32, #tpu.memory_space<hbm>>
    %dma_wait3A_106 = arith.constant 8 : i32
    %dma_wait3A_107 = arith.constant 0 : i32
    %dma_wait3A_108 = tpu.memref_slice %arg7[%dma_wait3A_90, %dma_wait3A_106, %dma_wait3A_107] : memref<5x64x129xf32, #tpu.memory_space<vmem>> -> memref<1x8x128xf32, #tpu.memory_space<vmem>>
    %dma_wait3A_109 = tpu.memref_squeeze %dma_wait3A_108 : memref<1x8x128xf32, #tpu.memory_space<vmem>> -> memref<8x128xf32, #tpu.memory_space<vmem>>
    tpu.wait_dma2 semaphore(%arg9 : memref<!tpu.dma_semaphore, #tpu.memory_space<semaphore_mem>>) src(%dma_wait3A_109 : memref<8x128xf32, #tpu.memory_space<vmem>>) dst(%dma_wait3A_105 : memref<8x128xf32, #tpu.memory_space<hbm>>)
    %dma_wait3A_110 = arith.constant 0 : i32
    %dma_wait3A_111 = arith.constant 0 : i32
    %dma_wait3A_112 = arith.constant 0 : i32
    %dma_wait3A_113 = arith.constant 0 : i32
    %dma_wait3A_114 = arith.constant 16 : i32
    %dma_wait3A_115 = arith.constant 0 : i32
    %dma_wait3A_116 = tpu.memref_slice %arg7[%dma_wait3A_110, %dma_wait3A_114, %dma_wait3A_115] : memref<5x64x129xf32, #tpu.memory_space<vmem>> -> memref<1x8x128xf32, #tpu.memory_space<vmem>>
    %dma_wait3A_117 = tpu.memref_squeeze %dma_wait3A_116 : memref<1x8x128xf32, #tpu.memory_space<vmem>> -> memref<8x128xf32, #tpu.memory_space<vmem>>
    %dma_wait3A_118 = arith.constant 0 : i32
    %dma_wait3A_119 = arith.constant 0 : i32
    %dma_wait3A_120 = tpu.memref_slice %arg4[%dma_wait3A_111, %dma_wait3A_112, %dma_wait3A_113, %dma_wait3A_118, %dma_wait3A_119] : memref<50x8x32x8x128xf32, #tpu.memory_space<hbm>> -> memref<1x1x1x8x128xf32, #tpu.memory_space<hbm>>
    %dma_wait3A_121 = tpu.memref_squeeze %dma_wait3A_120 : memref<1x1x1x8x128xf32, #tpu.memory_space<hbm>> -> memref<8x128xf32, #tpu.memory_space<hbm>>
    %dma_wait3A_122 = arith.constant 0 : i32
    %dma_wait3A_123 = arith.constant 0 : i32
    %dma_wait3A_124 = tpu.memref_slice %arg4[%dma_wait3A_111, %dma_wait3A_112, %dma_wait3A_113, %dma_wait3A_122, %dma_wait3A_123] : memref<50x8x32x8x128xf32, #tpu.memory_space<hbm>> -> memref<1x1x1x8x128xf32, #tpu.memory_space<hbm>>
    %dma_wait3A_125 = tpu.memref_squeeze %dma_wait3A_124 : memref<1x1x1x8x128xf32, #tpu.memory_space<hbm>> -> memref<8x128xf32, #tpu.memory_space<hbm>>
    %dma_wait3A_126 = arith.constant 16 : i32
    %dma_wait3A_127 = arith.constant 0 : i32
    %dma_wait3A_128 = tpu.memref_slice %arg7[%dma_wait3A_110, %dma_wait3A_126, %dma_wait3A_127] : memref<5x64x129xf32, #tpu.memory_space<vmem>> -> memref<1x8x128xf32, #tpu.memory_space<vmem>>
    %dma_wait3A_129 = tpu.memref_squeeze %dma_wait3A_128 : memref<1x8x128xf32, #tpu.memory_space<vmem>> -> memref<8x128xf32, #tpu.memory_space<vmem>>
    tpu.wait_dma2 semaphore(%arg9 : memref<!tpu.dma_semaphore, #tpu.memory_space<semaphore_mem>>) src(%dma_wait3A_129 : memref<8x128xf32, #tpu.memory_space<vmem>>) dst(%dma_wait3A_125 : memref<8x128xf32, #tpu.memory_space<hbm>>)
    %dma_wait3A_130 = arith.constant 0 : i32
    %dma_wait3A_131 = arith.constant 0 : i32
    %dma_wait3A_132 = arith.constant 0 : i32
    %dma_wait3A_133 = arith.constant 0 : i32
    %dma_wait3A_134 = arith.constant 24 : i32
    %dma_wait3A_135 = arith.constant 0 : i32
    %dma_wait3A_136 = tpu.memref_slice %arg7[%dma_wait3A_130, %dma_wait3A_134, %dma_wait3A_135] : memref<5x64x129xf32, #tpu.memory_space<vmem>> -> memref<1x8x128xf32, #tpu.memory_space<vmem>>
    %dma_wait3A_137 = tpu.memref_squeeze %dma_wait3A_136 : memref<1x8x128xf32, #tpu.memory_space<vmem>> -> memref<8x128xf32, #tpu.memory_space<vmem>>
    %dma_wait3A_138 = arith.constant 0 : i32
    %dma_wait3A_139 = arith.constant 0 : i32
    %dma_wait3A_140 = tpu.memref_slice %arg4[%dma_wait3A_131, %dma_wait3A_132, %dma_wait3A_133, %dma_wait3A_138, %dma_wait3A_139] : memref<50x8x32x8x128xf32, #tpu.memory_space<hbm>> -> memref<1x1x1x8x128xf32, #tpu.memory_space<hbm>>
    %dma_wait3A_141 = tpu.memref_squeeze %dma_wait3A_140 : memref<1x1x1x8x128xf32, #tpu.memory_space<hbm>> -> memref<8x128xf32, #tpu.memory_space<hbm>>
    %dma_wait3A_142 = arith.constant 0 : i32
    %dma_wait3A_143 = arith.constant 0 : i32
    %dma_wait3A_144 = tpu.memref_slice %arg4[%dma_wait3A_131, %dma_wait3A_132, %dma_wait3A_133, %dma_wait3A_142, %dma_wait3A_143] : memref<50x8x32x8x128xf32, #tpu.memory_space<hbm>> -> memref<1x1x1x8x128xf32, #tpu.memory_space<hbm>>
    %dma_wait3A_145 = tpu.memref_squeeze %dma_wait3A_144 : memref<1x1x1x8x128xf32, #tpu.memory_space<hbm>> -> memref<8x128xf32, #tpu.memory_space<hbm>>
    %dma_wait3A_146 = arith.constant 24 : i32
    %dma_wait3A_147 = arith.constant 0 : i32
    %dma_wait3A_148 = tpu.memref_slice %arg7[%dma_wait3A_130, %dma_wait3A_146, %dma_wait3A_147] : memref<5x64x129xf32, #tpu.memory_space<vmem>> -> memref<1x8x128xf32, #tpu.memory_space<vmem>>
    %dma_wait3A_149 = tpu.memref_squeeze %dma_wait3A_148 : memref<1x8x128xf32, #tpu.memory_space<vmem>> -> memref<8x128xf32, #tpu.memory_space<vmem>>
    tpu.wait_dma2 semaphore(%arg9 : memref<!tpu.dma_semaphore, #tpu.memory_space<semaphore_mem>>) src(%dma_wait3A_149 : memref<8x128xf32, #tpu.memory_space<vmem>>) dst(%dma_wait3A_145 : memref<8x128xf32, #tpu.memory_space<hbm>>)
    %dma_wait3A_150 = arith.constant 0 : i32
    %dma_wait3A_151 = arith.constant 0 : i32
    %dma_wait3A_152 = arith.constant 0 : i32
    %dma_wait3A_153 = arith.constant 0 : i32
    %dma_wait3A_154 = arith.constant 32 : i32
    %dma_wait3A_155 = arith.constant 0 : i32
    %dma_wait3A_156 = tpu.memref_slice %arg7[%dma_wait3A_150, %dma_wait3A_154, %dma_wait3A_155] : memref<5x64x129xf32, #tpu.memory_space<vmem>> -> memref<1x8x128xf32, #tpu.memory_space<vmem>>
    %dma_wait3A_157 = tpu.memref_squeeze %dma_wait3A_156 : memref<1x8x128xf32, #tpu.memory_space<vmem>> -> memref<8x128xf32, #tpu.memory_space<vmem>>
    %dma_wait3A_158 = arith.constant 0 : i32
    %dma_wait3A_159 = arith.constant 0 : i32
    %dma_wait3A_160 = tpu.memref_slice %arg4[%dma_wait3A_151, %dma_wait3A_152, %dma_wait3A_153, %dma_wait3A_158, %dma_wait3A_159] : memref<50x8x32x8x128xf32, #tpu.memory_space<hbm>> -> memref<1x1x1x8x128xf32, #tpu.memory_space<hbm>>
    %dma_wait3A_161 = tpu.memref_squeeze %dma_wait3A_160 : memref<1x1x1x8x128xf32, #tpu.memory_space<hbm>> -> memref<8x128xf32, #tpu.memory_space<hbm>>
    %dma_wait3A_162 = arith.constant 0 : i32
    %dma_wait3A_163 = arith.constant 0 : i32
    %dma_wait3A_164 = tpu.memref_slice %arg4[%dma_wait3A_151, %dma_wait3A_152, %dma_wait3A_153, %dma_wait3A_162, %dma_wait3A_163] : memref<50x8x32x8x128xf32, #tpu.memory_space<hbm>> -> memref<1x1x1x8x128xf32, #tpu.memory_space<hbm>>
    %dma_wait3A_165 = tpu.memref_squeeze %dma_wait3A_164 : memref<1x1x1x8x128xf32, #tpu.memory_space<hbm>> -> memref<8x128xf32, #tpu.memory_space<hbm>>
    %dma_wait3A_166 = arith.constant 32 : i32
    %dma_wait3A_167 = arith.constant 0 : i32
    %dma_wait3A_168 = tpu.memref_slice %arg7[%dma_wait3A_150, %dma_wait3A_166, %dma_wait3A_167] : memref<5x64x129xf32, #tpu.memory_space<vmem>> -> memref<1x8x128xf32, #tpu.memory_space<vmem>>
    %dma_wait3A_169 = tpu.memref_squeeze %dma_wait3A_168 : memref<1x8x128xf32, #tpu.memory_space<vmem>> -> memref<8x128xf32, #tpu.memory_space<vmem>>
    tpu.wait_dma2 semaphore(%arg9 : memref<!tpu.dma_semaphore, #tpu.memory_space<semaphore_mem>>) src(%dma_wait3A_169 : memref<8x128xf32, #tpu.memory_space<vmem>>) dst(%dma_wait3A_165 : memref<8x128xf32, #tpu.memory_space<hbm>>)
    %dma_wait3A_170 = arith.constant 0 : i32
    %dma_wait3A_171 = arith.constant 0 : i32
    %dma_wait3A_172 = arith.constant 0 : i32
    %dma_wait3A_173 = arith.constant 0 : i32
    %dma_wait3A_174 = arith.constant 40 : i32
    %dma_wait3A_175 = arith.constant 0 : i32
    %dma_wait3A_176 = tpu.memref_slice %arg7[%dma_wait3A_170, %dma_wait3A_174, %dma_wait3A_175] : memref<5x64x129xf32, #tpu.memory_space<vmem>> -> memref<1x8x128xf32, #tpu.memory_space<vmem>>
    %dma_wait3A_177 = tpu.memref_squeeze %dma_wait3A_176 : memref<1x8x128xf32, #tpu.memory_space<vmem>> -> memref<8x128xf32, #tpu.memory_space<vmem>>
    %dma_wait3A_178 = arith.constant 0 : i32
    %dma_wait3A_179 = arith.constant 0 : i32
    %dma_wait3A_180 = tpu.memref_slice %arg4[%dma_wait3A_171, %dma_wait3A_172, %dma_wait3A_173, %dma_wait3A_178, %dma_wait3A_179] : memref<50x8x32x8x128xf32, #tpu.memory_space<hbm>> -> memref<1x1x1x8x128xf32, #tpu.memory_space<hbm>>
    %dma_wait3A_181 = tpu.memref_squeeze %dma_wait3A_180 : memref<1x1x1x8x128xf32, #tpu.memory_space<hbm>> -> memref<8x128xf32, #tpu.memory_space<hbm>>
    %dma_wait3A_182 = arith.constant 0 : i32
    %dma_wait3A_183 = arith.constant 0 : i32
    %dma_wait3A_184 = tpu.memref_slice %arg4[%dma_wait3A_171, %dma_wait3A_172, %dma_wait3A_173, %dma_wait3A_182, %dma_wait3A_183] : memref<50x8x32x8x128xf32, #tpu.memory_space<hbm>> -> memref<1x1x1x8x128xf32, #tpu.memory_space<hbm>>
    %dma_wait3A_185 = tpu.memref_squeeze %dma_wait3A_184 : memref<1x1x1x8x128xf32, #tpu.memory_space<hbm>> -> memref<8x128xf32, #tpu.memory_space<hbm>>
    %dma_wait3A_186 = arith.constant 40 : i32
    %dma_wait3A_187 = arith.constant 0 : i32
    %dma_wait3A_188 = tpu.memref_slice %arg7[%dma_wait3A_170, %dma_wait3A_186, %dma_wait3A_187] : memref<5x64x129xf32, #tpu.memory_space<vmem>> -> memref<1x8x128xf32, #tpu.memory_space<vmem>>
    %dma_wait3A_189 = tpu.memref_squeeze %dma_wait3A_188 : memref<1x8x128xf32, #tpu.memory_space<vmem>> -> memref<8x128xf32, #tpu.memory_space<vmem>>
    tpu.wait_dma2 semaphore(%arg9 : memref<!tpu.dma_semaphore, #tpu.memory_space<semaphore_mem>>) src(%dma_wait3A_189 : memref<8x128xf32, #tpu.memory_space<vmem>>) dst(%dma_wait3A_185 : memref<8x128xf32, #tpu.memory_space<hbm>>)
    %dma_wait3A_190 = arith.constant 0 : i32
    %dma_wait3A_191 = arith.constant 0 : i32
    %dma_wait3A_192 = arith.constant 0 : i32
    %dma_wait3A_193 = arith.constant 0 : i32
    %dma_wait3A_194 = arith.constant 48 : i32
    %dma_wait3A_195 = arith.constant 0 : i32
    %dma_wait3A_196 = tpu.memref_slice %arg7[%dma_wait3A_190, %dma_wait3A_194, %dma_wait3A_195] : memref<5x64x129xf32, #tpu.memory_space<vmem>> -> memref<1x8x128xf32, #tpu.memory_space<vmem>>
    %dma_wait3A_197 = tpu.memref_squeeze %dma_wait3A_196 : memref<1x8x128xf32, #tpu.memory_space<vmem>> -> memref<8x128xf32, #tpu.memory_space<vmem>>
    %dma_wait3A_198 = arith.constant 0 : i32
    %dma_wait3A_199 = arith.constant 0 : i32
    %dma_wait3A_200 = tpu.memref_slice %arg4[%dma_wait3A_191, %dma_wait3A_192, %dma_wait3A_193, %dma_wait3A_198, %dma_wait3A_199] : memref<50x8x32x8x128xf32, #tpu.memory_space<hbm>> -> memref<1x1x1x8x128xf32, #tpu.memory_space<hbm>>
    %dma_wait3A_201 = tpu.memref_squeeze %dma_wait3A_200 : memref<1x1x1x8x128xf32, #tpu.memory_space<hbm>> -> memref<8x128xf32, #tpu.memory_space<hbm>>
    %dma_wait3A_202 = arith.constant 0 : i32
    %dma_wait3A_203 = arith.constant 0 : i32
    %dma_wait3A_204 = tpu.memref_slice %arg4[%dma_wait3A_191, %dma_wait3A_192, %dma_wait3A_193, %dma_wait3A_202, %dma_wait3A_203] : memref<50x8x32x8x128xf32, #tpu.memory_space<hbm>> -> memref<1x1x1x8x128xf32, #tpu.memory_space<hbm>>
    %dma_wait3A_205 = tpu.memref_squeeze %dma_wait3A_204 : memref<1x1x1x8x128xf32, #tpu.memory_space<hbm>> -> memref<8x128xf32, #tpu.memory_space<hbm>>
    %dma_wait3A_206 = arith.constant 48 : i32
    %dma_wait3A_207 = arith.constant 0 : i32
    %dma_wait3A_208 = tpu.memref_slice %arg7[%dma_wait3A_190, %dma_wait3A_206, %dma_wait3A_207] : memref<5x64x129xf32, #tpu.memory_space<vmem>> -> memref<1x8x128xf32, #tpu.memory_space<vmem>>
    %dma_wait3A_209 = tpu.memref_squeeze %dma_wait3A_208 : memref<1x8x128xf32, #tpu.memory_space<vmem>> -> memref<8x128xf32, #tpu.memory_space<vmem>>
    tpu.wait_dma2 semaphore(%arg9 : memref<!tpu.dma_semaphore, #tpu.memory_space<semaphore_mem>>) src(%dma_wait3A_209 : memref<8x128xf32, #tpu.memory_space<vmem>>) dst(%dma_wait3A_205 : memref<8x128xf32, #tpu.memory_space<hbm>>)
    %dma_wait3A_210 = arith.constant 0 : i32
    %dma_wait3A_211 = arith.constant 0 : i32
    %dma_wait3A_212 = arith.constant 0 : i32
    %dma_wait3A_213 = arith.constant 0 : i32
    %dma_wait3A_214 = arith.constant 56 : i32
    %dma_wait3A_215 = arith.constant 0 : i32
    %dma_wait3A_216 = tpu.memref_slice %arg7[%dma_wait3A_210, %dma_wait3A_214, %dma_wait3A_215] : memref<5x64x129xf32, #tpu.memory_space<vmem>> -> memref<1x8x128xf32, #tpu.memory_space<vmem>>
    %dma_wait3A_217 = tpu.memref_squeeze %dma_wait3A_216 : memref<1x8x128xf32, #tpu.memory_space<vmem>> -> memref<8x128xf32, #tpu.memory_space<vmem>>
    %dma_wait3A_218 = arith.constant 0 : i32
    %dma_wait3A_219 = arith.constant 0 : i32
    %dma_wait3A_220 = tpu.memref_slice %arg4[%dma_wait3A_211, %dma_wait3A_212, %dma_wait3A_213, %dma_wait3A_218, %dma_wait3A_219] : memref<50x8x32x8x128xf32, #tpu.memory_space<hbm>> -> memref<1x1x1x8x128xf32, #tpu.memory_space<hbm>>
    %dma_wait3A_221 = tpu.memref_squeeze %dma_wait3A_220 : memref<1x1x1x8x128xf32, #tpu.memory_space<hbm>> -> memref<8x128xf32, #tpu.memory_space<hbm>>
    %dma_wait3A_222 = arith.constant 0 : i32
    %dma_wait3A_223 = arith.constant 0 : i32
    %dma_wait3A_224 = tpu.memref_slice %arg4[%dma_wait3A_211, %dma_wait3A_212, %dma_wait3A_213, %dma_wait3A_222, %dma_wait3A_223] : memref<50x8x32x8x128xf32, #tpu.memory_space<hbm>> -> memref<1x1x1x8x128xf32, #tpu.memory_space<hbm>>
    %dma_wait3A_225 = tpu.memref_squeeze %dma_wait3A_224 : memref<1x1x1x8x128xf32, #tpu.memory_space<hbm>> -> memref<8x128xf32, #tpu.memory_space<hbm>>
    %dma_wait3A_226 = arith.constant 56 : i32
    %dma_wait3A_227 = arith.constant 0 : i32
    %dma_wait3A_228 = tpu.memref_slice %arg7[%dma_wait3A_210, %dma_wait3A_226, %dma_wait3A_227] : memref<5x64x129xf32, #tpu.memory_space<vmem>> -> memref<1x8x128xf32, #tpu.memory_space<vmem>>
    %dma_wait3A_229 = tpu.memref_squeeze %dma_wait3A_228 : memref<1x8x128xf32, #tpu.memory_space<vmem>> -> memref<8x128xf32, #tpu.memory_space<vmem>>
    tpu.wait_dma2 semaphore(%arg9 : memref<!tpu.dma_semaphore, #tpu.memory_space<semaphore_mem>>) src(%dma_wait3A_229 : memref<8x128xf32, #tpu.memory_space<vmem>>) dst(%dma_wait3A_225 : memref<8x128xf32, #tpu.memory_space<hbm>>)
    %dma_wait3A_230 = arith.constant 1 : i32
    %dma_wait3A_231 = arith.constant 0 : i32
    %dma_wait3A_232 = arith.constant 0 : i32
    %dma_wait3A_233 = arith.constant 0 : i32
    %dma_wait3A_234 = arith.constant 0 : i32
    %dma_wait3A_235 = arith.constant 0 : i32
    %dma_wait3A_236 = tpu.memref_slice %arg7[%dma_wait3A_230, %dma_wait3A_234, %dma_wait3A_235] : memref<5x64x129xf32, #tpu.memory_space<vmem>> -> memref<1x8x128xf32, #tpu.memory_space<vmem>>
    %dma_wait3A_237 = tpu.memref_squeeze %dma_wait3A_236 : memref<1x8x128xf32, #tpu.memory_space<vmem>> -> memref<8x128xf32, #tpu.memory_space<vmem>>
    %dma_wait3A_238 = arith.constant 0 : i32
    %dma_wait3A_239 = arith.constant 0 : i32
    %dma_wait3A_240 = tpu.memref_slice %arg4[%dma_wait3A_231, %dma_wait3A_232, %dma_wait3A_233, %dma_wait3A_238, %dma_wait3A_239] : memref<50x8x32x8x128xf32, #tpu.memory_space<hbm>> -> memref<1x1x1x8x128xf32, #tpu.memory_space<hbm>>
    %dma_wait3A_241 = tpu.memref_squeeze %dma_wait3A_240 : memref<1x1x1x8x128xf32, #tpu.memory_space<hbm>> -> memref<8x128xf32, #tpu.memory_space<hbm>>
    %dma_wait3A_242 = arith.constant 0 : i32
    %dma_wait3A_243 = arith.constant 0 : i32
    %dma_wait3A_244 = tpu.memref_slice %arg4[%dma_wait3A_231, %dma_wait3A_232, %dma_wait3A_233, %dma_wait3A_242, %dma_wait3A_243] : memref<50x8x32x8x128xf32, #tpu.memory_space<hbm>> -> memref<1x1x1x8x128xf32, #tpu.memory_space<hbm>>
    %dma_wait3A_245 = tpu.memref_squeeze %dma_wait3A_244 : memref<1x1x1x8x128xf32, #tpu.memory_space<hbm>> -> memref<8x128xf32, #tpu.memory_space<hbm>>
    %dma_wait3A_246 = arith.constant 0 : i32
    %dma_wait3A_247 = arith.constant 0 : i32
    %dma_wait3A_248 = tpu.memref_slice %arg7[%dma_wait3A_230, %dma_wait3A_246, %dma_wait3A_247] : memref<5x64x129xf32, #tpu.memory_space<vmem>> -> memref<1x8x128xf32, #tpu.memory_space<vmem>>
    %dma_wait3A_249 = tpu.memref_squeeze %dma_wait3A_248 : memref<1x8x128xf32, #tpu.memory_space<vmem>> -> memref<8x128xf32, #tpu.memory_space<vmem>>
    tpu.wait_dma2 semaphore(%arg9 : memref<!tpu.dma_semaphore, #tpu.memory_space<semaphore_mem>>) src(%dma_wait3A_249 : memref<8x128xf32, #tpu.memory_space<vmem>>) dst(%dma_wait3A_245 : memref<8x128xf32, #tpu.memory_space<hbm>>)
    %dma_wait3A_250 = arith.constant 1 : i32
    %dma_wait3A_251 = arith.constant 0 : i32
    %dma_wait3A_252 = arith.constant 0 : i32
    %dma_wait3A_253 = arith.constant 0 : i32
    %dma_wait3A_254 = arith.constant 8 : i32
    %dma_wait3A_255 = arith.constant 0 : i32
    %dma_wait3A_256 = tpu.memref_slice %arg7[%dma_wait3A_250, %dma_wait3A_254, %dma_wait3A_255] : memref<5x64x129xf32, #tpu.memory_space<vmem>> -> memref<1x8x128xf32, #tpu.memory_space<vmem>>
    %dma_wait3A_257 = tpu.memref_squeeze %dma_wait3A_256 : memref<1x8x128xf32, #tpu.memory_space<vmem>> -> memref<8x128xf32, #tpu.memory_space<vmem>>
    %dma_wait3A_258 = arith.constant 0 : i32
    %dma_wait3A_259 = arith.constant 0 : i32
    %dma_wait3A_260 = tpu.memref_slice %arg4[%dma_wait3A_251, %dma_wait3A_252, %dma_wait3A_253, %dma_wait3A_258, %dma_wait3A_259] : memref<50x8x32x8x128xf32, #tpu.memory_space<hbm>> -> memref<1x1x1x8x128xf32, #tpu.memory_space<hbm>>
    %dma_wait3A_261 = tpu.memref_squeeze %dma_wait3A_260 : memref<1x1x1x8x128xf32, #tpu.memory_space<hbm>> -> memref<8x128xf32, #tpu.memory_space<hbm>>
    %dma_wait3A_262 = arith.constant 0 : i32
    %dma_wait3A_263 = arith.constant 0 : i32
    %dma_wait3A_264 = tpu.memref_slice %arg4[%dma_wait3A_251, %dma_wait3A_252, %dma_wait3A_253, %dma_wait3A_262, %dma_wait3A_263] : memref<50x8x32x8x128xf32, #tpu.memory_space<hbm>> -> memref<1x1x1x8x128xf32, #tpu.memory_space<hbm>>
    %dma_wait3A_265 = tpu.memref_squeeze %dma_wait3A_264 : memref<1x1x1x8x128xf32, #tpu.memory_space<hbm>> -> memref<8x128xf32, #tpu.memory_space<hbm>>
    %dma_wait3A_266 = arith.constant 8 : i32
    %dma_wait3A_267 = arith.constant 0 : i32
    %dma_wait3A_268 = tpu.memref_slice %arg7[%dma_wait3A_250, %dma_wait3A_266, %dma_wait3A_267] : memref<5x64x129xf32, #tpu.memory_space<vmem>> -> memref<1x8x128xf32, #tpu.memory_space<vmem>>
    %dma_wait3A_269 = tpu.memref_squeeze %dma_wait3A_268 : memref<1x8x128xf32, #tpu.memory_space<vmem>> -> memref<8x128xf32, #tpu.memory_space<vmem>>
    tpu.wait_dma2 semaphore(%arg9 : memref<!tpu.dma_semaphore, #tpu.memory_space<semaphore_mem>>) src(%dma_wait3A_269 : memref<8x128xf32, #tpu.memory_space<vmem>>) dst(%dma_wait3A_265 : memref<8x128xf32, #tpu.memory_space<hbm>>)
    %dma_wait3A_270 = arith.constant 1 : i32
    %dma_wait3A_271 = arith.constant 0 : i32
    %dma_wait3A_272 = arith.constant 0 : i32
    %dma_wait3A_273 = arith.constant 0 : i32
    %dma_wait3A_274 = arith.constant 16 : i32
    %dma_wait3A_275 = arith.constant 0 : i32
    %dma_wait3A_276 = tpu.memref_slice %arg7[%dma_wait3A_270, %dma_wait3A_274, %dma_wait3A_275] : memref<5x64x129xf32, #tpu.memory_space<vmem>> -> memref<1x8x128xf32, #tpu.memory_space<vmem>>
    %dma_wait3A_277 = tpu.memref_squeeze %dma_wait3A_276 : memref<1x8x128xf32, #tpu.memory_space<vmem>> -> memref<8x128xf32, #tpu.memory_space<vmem>>
    %dma_wait3A_278 = arith.constant 0 : i32
    %dma_wait3A_279 = arith.constant 0 : i32
    %dma_wait3A_280 = tpu.memref_slice %arg4[%dma_wait3A_271, %dma_wait3A_272, %dma_wait3A_273, %dma_wait3A_278, %dma_wait3A_279] : memref<50x8x32x8x128xf32, #tpu.memory_space<hbm>> -> memref<1x1x1x8x128xf32, #tpu.memory_space<hbm>>
    %dma_wait3A_281 = tpu.memref_squeeze %dma_wait3A_280 : memref<1x1x1x8x128xf32, #tpu.memory_space<hbm>> -> memref<8x128xf32, #tpu.memory_space<hbm>>
    %dma_wait3A_282 = arith.constant 0 : i32
    %dma_wait3A_283 = arith.constant 0 : i32
    %dma_wait3A_284 = tpu.memref_slice %arg4[%dma_wait3A_271, %dma_wait3A_272, %dma_wait3A_273, %dma_wait3A_282, %dma_wait3A_283] : memref<50x8x32x8x128xf32, #tpu.memory_space<hbm>> -> memref<1x1x1x8x128xf32, #tpu.memory_space<hbm>>
    %dma_wait3A_285 = tpu.memref_squeeze %dma_wait3A_284 : memref<1x1x1x8x128xf32, #tpu.memory_space<hbm>> -> memref<8x128xf32, #tpu.memory_space<hbm>>
    %dma_wait3A_286 = arith.constant 16 : i32
    %dma_wait3A_287 = arith.constant 0 : i32
    %dma_wait3A_288 = tpu.memref_slice %arg7[%dma_wait3A_270, %dma_wait3A_286, %dma_wait3A_287] : memref<5x64x129xf32, #tpu.memory_space<vmem>> -> memref<1x8x128xf32, #tpu.memory_space<vmem>>
    %dma_wait3A_289 = tpu.memref_squeeze %dma_wait3A_288 : memref<1x8x128xf32, #tpu.memory_space<vmem>> -> memref<8x128xf32, #tpu.memory_space<vmem>>
    tpu.wait_dma2 semaphore(%arg9 : memref<!tpu.dma_semaphore, #tpu.memory_space<semaphore_mem>>) src(%dma_wait3A_289 : memref<8x128xf32, #tpu.memory_space<vmem>>) dst(%dma_wait3A_285 : memref<8x128xf32, #tpu.memory_space<hbm>>)
    %dma_wait3A_290 = arith.constant 1 : i32
    %dma_wait3A_291 = arith.constant 0 : i32
    %dma_wait3A_292 = arith.constant 0 : i32
    %dma_wait3A_293 = arith.constant 0 : i32
    %dma_wait3A_294 = arith.constant 24 : i32
    %dma_wait3A_295 = arith.constant 0 : i32
    %dma_wait3A_296 = tpu.memref_slice %arg7[%dma_wait3A_290, %dma_wait3A_294, %dma_wait3A_295] : memref<5x64x129xf32, #tpu.memory_space<vmem>> -> memref<1x8x128xf32, #tpu.memory_space<vmem>>
    %dma_wait3A_297 = tpu.memref_squeeze %dma_wait3A_296 : memref<1x8x128xf32, #tpu.memory_space<vmem>> -> memref<8x128xf32, #tpu.memory_space<vmem>>
    %dma_wait3A_298 = arith.constant 0 : i32
    %dma_wait3A_299 = arith.constant 0 : i32
    %dma_wait3A_300 = tpu.memref_slice %arg4[%dma_wait3A_291, %dma_wait3A_292, %dma_wait3A_293, %dma_wait3A_298, %dma_wait3A_299] : memref<50x8x32x8x128xf32, #tpu.memory_space<hbm>> -> memref<1x1x1x8x128xf32, #tpu.memory_space<hbm>>
    %dma_wait3A_301 = tpu.memref_squeeze %dma_wait3A_300 : memref<1x1x1x8x128xf32, #tpu.memory_space<hbm>> -> memref<8x128xf32, #tpu.memory_space<hbm>>
    %dma_wait3A_302 = arith.constant 0 : i32
    %dma_wait3A_303 = arith.constant 0 : i32
    %dma_wait3A_304 = tpu.memref_slice %arg4[%dma_wait3A_291, %dma_wait3A_292, %dma_wait3A_293, %dma_wait3A_302, %dma_wait3A_303] : memref<50x8x32x8x128xf32, #tpu.memory_space<hbm>> -> memref<1x1x1x8x128xf32, #tpu.memory_space<hbm>>
    %dma_wait3A_305 = tpu.memref_squeeze %dma_wait3A_304 : memref<1x1x1x8x128xf32, #tpu.memory_space<hbm>> -> memref<8x128xf32, #tpu.memory_space<hbm>>
    %dma_wait3A_306 = arith.constant 24 : i32
    %dma_wait3A_307 = arith.constant 0 : i32
    %dma_wait3A_308 = tpu.memref_slice %arg7[%dma_wait3A_290, %dma_wait3A_306, %dma_wait3A_307] : memref<5x64x129xf32, #tpu.memory_space<vmem>> -> memref<1x8x128xf32, #tpu.memory_space<vmem>>
    %dma_wait3A_309 = tpu.memref_squeeze %dma_wait3A_308 : memref<1x8x128xf32, #tpu.memory_space<vmem>> -> memref<8x128xf32, #tpu.memory_space<vmem>>
    tpu.wait_dma2 semaphore(%arg9 : memref<!tpu.dma_semaphore, #tpu.memory_space<semaphore_mem>>) src(%dma_wait3A_309 : memref<8x128xf32, #tpu.memory_space<vmem>>) dst(%dma_wait3A_305 : memref<8x128xf32, #tpu.memory_space<hbm>>)
    %dma_wait3A_310 = arith.constant 1 : i32
    %dma_wait3A_311 = arith.constant 0 : i32
    %dma_wait3A_312 = arith.constant 0 : i32
    %dma_wait3A_313 = arith.constant 0 : i32
    %dma_wait3A_314 = arith.constant 32 : i32
    %dma_wait3A_315 = arith.constant 0 : i32
    %dma_wait3A_316 = tpu.memref_slice %arg7[%dma_wait3A_310, %dma_wait3A_314, %dma_wait3A_315] : memref<5x64x129xf32, #tpu.memory_space<vmem>> -> memref<1x8x128xf32, #tpu.memory_space<vmem>>
    %dma_wait3A_317 = tpu.memref_squeeze %dma_wait3A_316 : memref<1x8x128xf32, #tpu.memory_space<vmem>> -> memref<8x128xf32, #tpu.memory_space<vmem>>
    %dma_wait3A_318 = arith.constant 0 : i32
    %dma_wait3A_319 = arith.constant 0 : i32
    %dma_wait3A_320 = tpu.memref_slice %arg4[%dma_wait3A_311, %dma_wait3A_312, %dma_wait3A_313, %dma_wait3A_318, %dma_wait3A_319] : memref<50x8x32x8x128xf32, #tpu.memory_space<hbm>> -> memref<1x1x1x8x128xf32, #tpu.memory_space<hbm>>
    %dma_wait3A_321 = tpu.memref_squeeze %dma_wait3A_320 : memref<1x1x1x8x128xf32, #tpu.memory_space<hbm>> -> memref<8x128xf32, #tpu.memory_space<hbm>>
    %dma_wait3A_322 = arith.constant 0 : i32
    %dma_wait3A_323 = arith.constant 0 : i32
    %dma_wait3A_324 = tpu.memref_slice %arg4[%dma_wait3A_311, %dma_wait3A_312, %dma_wait3A_313, %dma_wait3A_322, %dma_wait3A_323] : memref<50x8x32x8x128xf32, #tpu.memory_space<hbm>> -> memref<1x1x1x8x128xf32, #tpu.memory_space<hbm>>
    %dma_wait3A_325 = tpu.memref_squeeze %dma_wait3A_324 : memref<1x1x1x8x128xf32, #tpu.memory_space<hbm>> -> memref<8x128xf32, #tpu.memory_space<hbm>>
    %dma_wait3A_326 = arith.constant 32 : i32
    %dma_wait3A_327 = arith.constant 0 : i32
    %dma_wait3A_328 = tpu.memref_slice %arg7[%dma_wait3A_310, %dma_wait3A_326, %dma_wait3A_327] : memref<5x64x129xf32, #tpu.memory_space<vmem>> -> memref<1x8x128xf32, #tpu.memory_space<vmem>>
    %dma_wait3A_329 = tpu.memref_squeeze %dma_wait3A_328 : memref<1x8x128xf32, #tpu.memory_space<vmem>> -> memref<8x128xf32, #tpu.memory_space<vmem>>
    tpu.wait_dma2 semaphore(%arg9 : memref<!tpu.dma_semaphore, #tpu.memory_space<semaphore_mem>>) src(%dma_wait3A_329 : memref<8x128xf32, #tpu.memory_space<vmem>>) dst(%dma_wait3A_325 : memref<8x128xf32, #tpu.memory_space<hbm>>)
    %dma_wait3A_330 = arith.constant 1 : i32
    %dma_wait3A_331 = arith.constant 0 : i32
    %dma_wait3A_332 = arith.constant 0 : i32
    %dma_wait3A_333 = arith.constant 0 : i32
    %dma_wait3A_334 = arith.constant 40 : i32
    %dma_wait3A_335 = arith.constant 0 : i32
    %dma_wait3A_336 = tpu.memref_slice %arg7[%dma_wait3A_330, %dma_wait3A_334, %dma_wait3A_335] : memref<5x64x129xf32, #tpu.memory_space<vmem>> -> memref<1x8x128xf32, #tpu.memory_space<vmem>>
    %dma_wait3A_337 = tpu.memref_squeeze %dma_wait3A_336 : memref<1x8x128xf32, #tpu.memory_space<vmem>> -> memref<8x128xf32, #tpu.memory_space<vmem>>
    %dma_wait3A_338 = arith.constant 0 : i32
    %dma_wait3A_339 = arith.constant 0 : i32
    %dma_wait3A_340 = tpu.memref_slice %arg4[%dma_wait3A_331, %dma_wait3A_332, %dma_wait3A_333, %dma_wait3A_338, %dma_wait3A_339] : memref<50x8x32x8x128xf32, #tpu.memory_space<hbm>> -> memref<1x1x1x8x128xf32, #tpu.memory_space<hbm>>
    %dma_wait3A_341 = tpu.memref_squeeze %dma_wait3A_340 : memref<1x1x1x8x128xf32, #tpu.memory_space<hbm>> -> memref<8x128xf32, #tpu.memory_space<hbm>>
    %dma_wait3A_342 = arith.constant 0 : i32
    %dma_wait3A_343 = arith.constant 0 : i32
    %dma_wait3A_344 = tpu.memref_slice %arg4[%dma_wait3A_331, %dma_wait3A_332, %dma_wait3A_333, %dma_wait3A_342, %dma_wait3A_343] : memref<50x8x32x8x128xf32, #tpu.memory_space<hbm>> -> memref<1x1x1x8x128xf32, #tpu.memory_space<hbm>>
    %dma_wait3A_345 = tpu.memref_squeeze %dma_wait3A_344 : memref<1x1x1x8x128xf32, #tpu.memory_space<hbm>> -> memref<8x128xf32, #tpu.memory_space<hbm>>
    %dma_wait3A_346 = arith.constant 40 : i32
    %dma_wait3A_347 = arith.constant 0 : i32
    %dma_wait3A_348 = tpu.memref_slice %arg7[%dma_wait3A_330, %dma_wait3A_346, %dma_wait3A_347] : memref<5x64x129xf32, #tpu.memory_space<vmem>> -> memref<1x8x128xf32, #tpu.memory_space<vmem>>
    %dma_wait3A_349 = tpu.memref_squeeze %dma_wait3A_348 : memref<1x8x128xf32, #tpu.memory_space<vmem>> -> memref<8x128xf32, #tpu.memory_space<vmem>>
    tpu.wait_dma2 semaphore(%arg9 : memref<!tpu.dma_semaphore, #tpu.memory_space<semaphore_mem>>) src(%dma_wait3A_349 : memref<8x128xf32, #tpu.memory_space<vmem>>) dst(%dma_wait3A_345 : memref<8x128xf32, #tpu.memory_space<hbm>>)
    %dma_wait3A_350 = arith.constant 1 : i32
    %dma_wait3A_351 = arith.constant 0 : i32
    %dma_wait3A_352 = arith.constant 0 : i32
    %dma_wait3A_353 = arith.constant 0 : i32
    %dma_wait3A_354 = arith.constant 48 : i32
    %dma_wait3A_355 = arith.constant 0 : i32
    %dma_wait3A_356 = tpu.memref_slice %arg7[%dma_wait3A_350, %dma_wait3A_354, %dma_wait3A_355] : memref<5x64x129xf32, #tpu.memory_space<vmem>> -> memref<1x8x128xf32, #tpu.memory_space<vmem>>
    %dma_wait3A_357 = tpu.memref_squeeze %dma_wait3A_356 : memref<1x8x128xf32, #tpu.memory_space<vmem>> -> memref<8x128xf32, #tpu.memory_space<vmem>>
    %dma_wait3A_358 = arith.constant 0 : i32
    %dma_wait3A_359 = arith.constant 0 : i32
    %dma_wait3A_360 = tpu.memref_slice %arg4[%dma_wait3A_351, %dma_wait3A_352, %dma_wait3A_353, %dma_wait3A_358, %dma_wait3A_359] : memref<50x8x32x8x128xf32, #tpu.memory_space<hbm>> -> memref<1x1x1x8x128xf32, #tpu.memory_space<hbm>>
    %dma_wait3A_361 = tpu.memref_squeeze %dma_wait3A_360 : memref<1x1x1x8x128xf32, #tpu.memory_space<hbm>> -> memref<8x128xf32, #tpu.memory_space<hbm>>
    %dma_wait3A_362 = arith.constant 0 : i32
    %dma_wait3A_363 = arith.constant 0 : i32
    %dma_wait3A_364 = tpu.memref_slice %arg4[%dma_wait3A_351, %dma_wait3A_352, %dma_wait3A_353, %dma_wait3A_362, %dma_wait3A_363] : memref<50x8x32x8x128xf32, #tpu.memory_space<hbm>> -> memref<1x1x1x8x128xf32, #tpu.memory_space<hbm>>
    %dma_wait3A_365 = tpu.memref_squeeze %dma_wait3A_364 : memref<1x1x1x8x128xf32, #tpu.memory_space<hbm>> -> memref<8x128xf32, #tpu.memory_space<hbm>>
    %dma_wait3A_366 = arith.constant 48 : i32
    %dma_wait3A_367 = arith.constant 0 : i32
    %dma_wait3A_368 = tpu.memref_slice %arg7[%dma_wait3A_350, %dma_wait3A_366, %dma_wait3A_367] : memref<5x64x129xf32, #tpu.memory_space<vmem>> -> memref<1x8x128xf32, #tpu.memory_space<vmem>>
    %dma_wait3A_369 = tpu.memref_squeeze %dma_wait3A_368 : memref<1x8x128xf32, #tpu.memory_space<vmem>> -> memref<8x128xf32, #tpu.memory_space<vmem>>
    tpu.wait_dma2 semaphore(%arg9 : memref<!tpu.dma_semaphore, #tpu.memory_space<semaphore_mem>>) src(%dma_wait3A_369 : memref<8x128xf32, #tpu.memory_space<vmem>>) dst(%dma_wait3A_365 : memref<8x128xf32, #tpu.memory_space<hbm>>)
    %dma_wait3A_370 = arith.constant 1 : i32
    %dma_wait3A_371 = arith.constant 0 : i32
    %dma_wait3A_372 = arith.constant 0 : i32
    %dma_wait3A_373 = arith.constant 0 : i32
    %dma_wait3A_374 = arith.constant 56 : i32
    %dma_wait3A_375 = arith.constant 0 : i32
    %dma_wait3A_376 = tpu.memref_slice %arg7[%dma_wait3A_370, %dma_wait3A_374, %dma_wait3A_375] : memref<5x64x129xf32, #tpu.memory_space<vmem>> -> memref<1x8x128xf32, #tpu.memory_space<vmem>>
    %dma_wait3A_377 = tpu.memref_squeeze %dma_wait3A_376 : memref<1x8x128xf32, #tpu.memory_space<vmem>> -> memref<8x128xf32, #tpu.memory_space<vmem>>
    %dma_wait3A_378 = arith.constant 0 : i32
    %dma_wait3A_379 = arith.constant 0 : i32
    %dma_wait3A_380 = tpu.memref_slice %arg4[%dma_wait3A_371, %dma_wait3A_372, %dma_wait3A_373, %dma_wait3A_378, %dma_wait3A_379] : memref<50x8x32x8x128xf32, #tpu.memory_space<hbm>> -> memref<1x1x1x8x128xf32, #tpu.memory_space<hbm>>
    %dma_wait3A_381 = tpu.memref_squeeze %dma_wait3A_380 : memref<1x1x1x8x128xf32, #tpu.memory_space<hbm>> -> memref<8x128xf32, #tpu.memory_space<hbm>>
    %dma_wait3A_382 = arith.constant 0 : i32
    %dma_wait3A_383 = arith.constant 0 : i32
    %dma_wait3A_384 = tpu.memref_slice %arg4[%dma_wait3A_371, %dma_wait3A_372, %dma_wait3A_373, %dma_wait3A_382, %dma_wait3A_383] : memref<50x8x32x8x128xf32, #tpu.memory_space<hbm>> -> memref<1x1x1x8x128xf32, #tpu.memory_space<hbm>>
    %dma_wait3A_385 = tpu.memref_squeeze %dma_wait3A_384 : memref<1x1x1x8x128xf32, #tpu.memory_space<hbm>> -> memref<8x128xf32, #tpu.memory_space<hbm>>
    %dma_wait3A_386 = arith.constant 56 : i32
    %dma_wait3A_387 = arith.constant 0 : i32
    %dma_wait3A_388 = tpu.memref_slice %arg7[%dma_wait3A_370, %dma_wait3A_386, %dma_wait3A_387] : memref<5x64x129xf32, #tpu.memory_space<vmem>> -> memref<1x8x128xf32, #tpu.memory_space<vmem>>
    %dma_wait3A_389 = tpu.memref_squeeze %dma_wait3A_388 : memref<1x8x128xf32, #tpu.memory_space<vmem>> -> memref<8x128xf32, #tpu.memory_space<vmem>>
    tpu.wait_dma2 semaphore(%arg9 : memref<!tpu.dma_semaphore, #tpu.memory_space<semaphore_mem>>) src(%dma_wait3A_389 : memref<8x128xf32, #tpu.memory_space<vmem>>) dst(%dma_wait3A_385 : memref<8x128xf32, #tpu.memory_space<hbm>>)
    %dma_wait3A_390 = arith.constant 2 : i32
    %dma_wait3A_391 = arith.constant 0 : i32
    %dma_wait3A_392 = arith.constant 0 : i32
    %dma_wait3A_393 = arith.constant 0 : i32
    %dma_wait3A_394 = arith.constant 0 : i32
    %dma_wait3A_395 = arith.constant 0 : i32
    %dma_wait3A_396 = tpu.memref_slice %arg7[%dma_wait3A_390, %dma_wait3A_394, %dma_wait3A_395] : memref<5x64x129xf32, #tpu.memory_space<vmem>> -> memref<1x8x128xf32, #tpu.memory_space<vmem>>
    %dma_wait3A_397 = tpu.memref_squeeze %dma_wait3A_396 : memref<1x8x128xf32, #tpu.memory_space<vmem>> -> memref<8x128xf32, #tpu.memory_space<vmem>>
    %dma_wait3A_398 = arith.constant 0 : i32
    %dma_wait3A_399 = arith.constant 0 : i32
    %dma_wait3A_400 = tpu.memref_slice %arg4[%dma_wait3A_391, %dma_wait3A_392, %dma_wait3A_393, %dma_wait3A_398, %dma_wait3A_399] : memref<50x8x32x8x128xf32, #tpu.memory_space<hbm>> -> memref<1x1x1x8x128xf32, #tpu.memory_space<hbm>>
    %dma_wait3A_401 = tpu.memref_squeeze %dma_wait3A_400 : memref<1x1x1x8x128xf32, #tpu.memory_space<hbm>> -> memref<8x128xf32, #tpu.memory_space<hbm>>
    %dma_wait3A_402 = arith.constant 0 : i32
    %dma_wait3A_403 = arith.constant 0 : i32
    %dma_wait3A_404 = tpu.memref_slice %arg4[%dma_wait3A_391, %dma_wait3A_392, %dma_wait3A_393, %dma_wait3A_402, %dma_wait3A_403] : memref<50x8x32x8x128xf32, #tpu.memory_space<hbm>> -> memref<1x1x1x8x128xf32, #tpu.memory_space<hbm>>
    %dma_wait3A_405 = tpu.memref_squeeze %dma_wait3A_404 : memref<1x1x1x8x128xf32, #tpu.memory_space<hbm>> -> memref<8x128xf32, #tpu.memory_space<hbm>>
    %dma_wait3A_406 = arith.constant 0 : i32
    %dma_wait3A_407 = arith.constant 0 : i32
    %dma_wait3A_408 = tpu.memref_slice %arg7[%dma_wait3A_390, %dma_wait3A_406, %dma_wait3A_407] : memref<5x64x129xf32, #tpu.memory_space<vmem>> -> memref<1x8x128xf32, #tpu.memory_space<vmem>>
    %dma_wait3A_409 = tpu.memref_squeeze %dma_wait3A_408 : memref<1x8x128xf32, #tpu.memory_space<vmem>> -> memref<8x128xf32, #tpu.memory_space<vmem>>
    tpu.wait_dma2 semaphore(%arg9 : memref<!tpu.dma_semaphore, #tpu.memory_space<semaphore_mem>>) src(%dma_wait3A_409 : memref<8x128xf32, #tpu.memory_space<vmem>>) dst(%dma_wait3A_405 : memref<8x128xf32, #tpu.memory_space<hbm>>)
    %dma_wait3A_410 = arith.constant 2 : i32
    %dma_wait3A_411 = arith.constant 0 : i32
    %dma_wait3A_412 = arith.constant 0 : i32
    %dma_wait3A_413 = arith.constant 0 : i32
    %dma_wait3A_414 = arith.constant 8 : i32
    %dma_wait3A_415 = arith.constant 0 : i32
    %dma_wait3A_416 = tpu.memref_slice %arg7[%dma_wait3A_410, %dma_wait3A_414, %dma_wait3A_415] : memref<5x64x129xf32, #tpu.memory_space<vmem>> -> memref<1x8x128xf32, #tpu.memory_space<vmem>>
    %dma_wait3A_417 = tpu.memref_squeeze %dma_wait3A_416 : memref<1x8x128xf32, #tpu.memory_space<vmem>> -> memref<8x128xf32, #tpu.memory_space<vmem>>
    %dma_wait3A_418 = arith.constant 0 : i32
    %dma_wait3A_419 = arith.constant 0 : i32
    %dma_wait3A_420 = tpu.memref_slice %arg4[%dma_wait3A_411, %dma_wait3A_412, %dma_wait3A_413, %dma_wait3A_418, %dma_wait3A_419] : memref<50x8x32x8x128xf32, #tpu.memory_space<hbm>> -> memref<1x1x1x8x128xf32, #tpu.memory_space<hbm>>
    %dma_wait3A_421 = tpu.memref_squeeze %dma_wait3A_420 : memref<1x1x1x8x128xf32, #tpu.memory_space<hbm>> -> memref<8x128xf32, #tpu.memory_space<hbm>>
    %dma_wait3A_422 = arith.constant 0 : i32
    %dma_wait3A_423 = arith.constant 0 : i32
    %dma_wait3A_424 = tpu.memref_slice %arg4[%dma_wait3A_411, %dma_wait3A_412, %dma_wait3A_413, %dma_wait3A_422, %dma_wait3A_423] : memref<50x8x32x8x128xf32, #tpu.memory_space<hbm>> -> memref<1x1x1x8x128xf32, #tpu.memory_space<hbm>>
    %dma_wait3A_425 = tpu.memref_squeeze %dma_wait3A_424 : memref<1x1x1x8x128xf32, #tpu.memory_space<hbm>> -> memref<8x128xf32, #tpu.memory_space<hbm>>
    %dma_wait3A_426 = arith.constant 8 : i32
    %dma_wait3A_427 = arith.constant 0 : i32
    %dma_wait3A_428 = tpu.memref_slice %arg7[%dma_wait3A_410, %dma_wait3A_426, %dma_wait3A_427] : memref<5x64x129xf32, #tpu.memory_space<vmem>> -> memref<1x8x128xf32, #tpu.memory_space<vmem>>
    %dma_wait3A_429 = tpu.memref_squeeze %dma_wait3A_428 : memref<1x8x128xf32, #tpu.memory_space<vmem>> -> memref<8x128xf32, #tpu.memory_space<vmem>>
    tpu.wait_dma2 semaphore(%arg9 : memref<!tpu.dma_semaphore, #tpu.memory_space<semaphore_mem>>) src(%dma_wait3A_429 : memref<8x128xf32, #tpu.memory_space<vmem>>) dst(%dma_wait3A_425 : memref<8x128xf32, #tpu.memory_space<hbm>>)
    %dma_wait3A_430 = arith.constant 2 : i32
    %dma_wait3A_431 = arith.constant 0 : i32
    %dma_wait3A_432 = arith.constant 0 : i32
    %dma_wait3A_433 = arith.constant 0 : i32
    %dma_wait3A_434 = arith.constant 16 : i32
    %dma_wait3A_435 = arith.constant 0 : i32
    %dma_wait3A_436 = tpu.memref_slice %arg7[%dma_wait3A_430, %dma_wait3A_434, %dma_wait3A_435] : memref<5x64x129xf32, #tpu.memory_space<vmem>> -> memref<1x8x128xf32, #tpu.memory_space<vmem>>
    %dma_wait3A_437 = tpu.memref_squeeze %dma_wait3A_436 : memref<1x8x128xf32, #tpu.memory_space<vmem>> -> memref<8x128xf32, #tpu.memory_space<vmem>>
    %dma_wait3A_438 = arith.constant 0 : i32
    %dma_wait3A_439 = arith.constant 0 : i32
    %dma_wait3A_440 = tpu.memref_slice %arg4[%dma_wait3A_431, %dma_wait3A_432, %dma_wait3A_433, %dma_wait3A_438, %dma_wait3A_439] : memref<50x8x32x8x128xf32, #tpu.memory_space<hbm>> -> memref<1x1x1x8x128xf32, #tpu.memory_space<hbm>>
    %dma_wait3A_441 = tpu.memref_squeeze %dma_wait3A_440 : memref<1x1x1x8x128xf32, #tpu.memory_space<hbm>> -> memref<8x128xf32, #tpu.memory_space<hbm>>
    %dma_wait3A_442 = arith.constant 0 : i32
    %dma_wait3A_443 = arith.constant 0 : i32
    %dma_wait3A_444 = tpu.memref_slice %arg4[%dma_wait3A_431, %dma_wait3A_432, %dma_wait3A_433, %dma_wait3A_442, %dma_wait3A_443] : memref<50x8x32x8x128xf32, #tpu.memory_space<hbm>> -> memref<1x1x1x8x128xf32, #tpu.memory_space<hbm>>
    %dma_wait3A_445 = tpu.memref_squeeze %dma_wait3A_444 : memref<1x1x1x8x128xf32, #tpu.memory_space<hbm>> -> memref<8x128xf32, #tpu.memory_space<hbm>>
    %dma_wait3A_446 = arith.constant 16 : i32
    %dma_wait3A_447 = arith.constant 0 : i32
    %dma_wait3A_448 = tpu.memref_slice %arg7[%dma_wait3A_430, %dma_wait3A_446, %dma_wait3A_447] : memref<5x64x129xf32, #tpu.memory_space<vmem>> -> memref<1x8x128xf32, #tpu.memory_space<vmem>>
    %dma_wait3A_449 = tpu.memref_squeeze %dma_wait3A_448 : memref<1x8x128xf32, #tpu.memory_space<vmem>> -> memref<8x128xf32, #tpu.memory_space<vmem>>
    tpu.wait_dma2 semaphore(%arg9 : memref<!tpu.dma_semaphore, #tpu.memory_space<semaphore_mem>>) src(%dma_wait3A_449 : memref<8x128xf32, #tpu.memory_space<vmem>>) dst(%dma_wait3A_445 : memref<8x128xf32, #tpu.memory_space<hbm>>)
    %dma_wait3A_450 = arith.constant 2 : i32
    %dma_wait3A_451 = arith.constant 0 : i32
    %dma_wait3A_452 = arith.constant 0 : i32
    %dma_wait3A_453 = arith.constant 0 : i32
    %dma_wait3A_454 = arith.constant 24 : i32
    %dma_wait3A_455 = arith.constant 0 : i32
    %dma_wait3A_456 = tpu.memref_slice %arg7[%dma_wait3A_450, %dma_wait3A_454, %dma_wait3A_455] : memref<5x64x129xf32, #tpu.memory_space<vmem>> -> memref<1x8x128xf32, #tpu.memory_space<vmem>>
    %dma_wait3A_457 = tpu.memref_squeeze %dma_wait3A_456 : memref<1x8x128xf32, #tpu.memory_space<vmem>> -> memref<8x128xf32, #tpu.memory_space<vmem>>
    %dma_wait3A_458 = arith.constant 0 : i32
    %dma_wait3A_459 = arith.constant 0 : i32
    %dma_wait3A_460 = tpu.memref_slice %arg4[%dma_wait3A_451, %dma_wait3A_452, %dma_wait3A_453, %dma_wait3A_458, %dma_wait3A_459] : memref<50x8x32x8x128xf32, #tpu.memory_space<hbm>> -> memref<1x1x1x8x128xf32, #tpu.memory_space<hbm>>
    %dma_wait3A_461 = tpu.memref_squeeze %dma_wait3A_460 : memref<1x1x1x8x128xf32, #tpu.memory_space<hbm>> -> memref<8x128xf32, #tpu.memory_space<hbm>>
    %dma_wait3A_462 = arith.constant 0 : i32
    %dma_wait3A_463 = arith.constant 0 : i32
    %dma_wait3A_464 = tpu.memref_slice %arg4[%dma_wait3A_451, %dma_wait3A_452, %dma_wait3A_453, %dma_wait3A_462, %dma_wait3A_463] : memref<50x8x32x8x128xf32, #tpu.memory_space<hbm>> -> memref<1x1x1x8x128xf32, #tpu.memory_space<hbm>>
    %dma_wait3A_465 = tpu.memref_squeeze %dma_wait3A_464 : memref<1x1x1x8x128xf32, #tpu.memory_space<hbm>> -> memref<8x128xf32, #tpu.memory_space<hbm>>
    %dma_wait3A_466 = arith.constant 24 : i32
    %dma_wait3A_467 = arith.constant 0 : i32
    %dma_wait3A_468 = tpu.memref_slice %arg7[%dma_wait3A_450, %dma_wait3A_466, %dma_wait3A_467] : memref<5x64x129xf32, #tpu.memory_space<vmem>> -> memref<1x8x128xf32, #tpu.memory_space<vmem>>
    %dma_wait3A_469 = tpu.memref_squeeze %dma_wait3A_468 : memref<1x8x128xf32, #tpu.memory_space<vmem>> -> memref<8x128xf32, #tpu.memory_space<vmem>>
    tpu.wait_dma2 semaphore(%arg9 : memref<!tpu.dma_semaphore, #tpu.memory_space<semaphore_mem>>) src(%dma_wait3A_469 : memref<8x128xf32, #tpu.memory_space<vmem>>) dst(%dma_wait3A_465 : memref<8x128xf32, #tpu.memory_space<hbm>>)
    %dma_wait3A_470 = arith.constant 2 : i32
    %dma_wait3A_471 = arith.constant 0 : i32
    %dma_wait3A_472 = arith.constant 0 : i32
    %dma_wait3A_473 = arith.constant 0 : i32
    %dma_wait3A_474 = arith.constant 32 : i32
    %dma_wait3A_475 = arith.constant 0 : i32
    %dma_wait3A_476 = tpu.memref_slice %arg7[%dma_wait3A_470, %dma_wait3A_474, %dma_wait3A_475] : memref<5x64x129xf32, #tpu.memory_space<vmem>> -> memref<1x8x128xf32, #tpu.memory_space<vmem>>
    %dma_wait3A_477 = tpu.memref_squeeze %dma_wait3A_476 : memref<1x8x128xf32, #tpu.memory_space<vmem>> -> memref<8x128xf32, #tpu.memory_space<vmem>>
    %dma_wait3A_478 = arith.constant 0 : i32
    %dma_wait3A_479 = arith.constant 0 : i32
    %dma_wait3A_480 = tpu.memref_slice %arg4[%dma_wait3A_471, %dma_wait3A_472, %dma_wait3A_473, %dma_wait3A_478, %dma_wait3A_479] : memref<50x8x32x8x128xf32, #tpu.memory_space<hbm>> -> memref<1x1x1x8x128xf32, #tpu.memory_space<hbm>>
    %dma_wait3A_481 = tpu.memref_squeeze %dma_wait3A_480 : memref<1x1x1x8x128xf32, #tpu.memory_space<hbm>> -> memref<8x128xf32, #tpu.memory_space<hbm>>
    %dma_wait3A_482 = arith.constant 0 : i32
    %dma_wait3A_483 = arith.constant 0 : i32
    %dma_wait3A_484 = tpu.memref_slice %arg4[%dma_wait3A_471, %dma_wait3A_472, %dma_wait3A_473, %dma_wait3A_482, %dma_wait3A_483] : memref<50x8x32x8x128xf32, #tpu.memory_space<hbm>> -> memref<1x1x1x8x128xf32, #tpu.memory_space<hbm>>
    %dma_wait3A_485 = tpu.memref_squeeze %dma_wait3A_484 : memref<1x1x1x8x128xf32, #tpu.memory_space<hbm>> -> memref<8x128xf32, #tpu.memory_space<hbm>>
    %dma_wait3A_486 = arith.constant 32 : i32
    %dma_wait3A_487 = arith.constant 0 : i32
    %dma_wait3A_488 = tpu.memref_slice %arg7[%dma_wait3A_470, %dma_wait3A_486, %dma_wait3A_487] : memref<5x64x129xf32, #tpu.memory_space<vmem>> -> memref<1x8x128xf32, #tpu.memory_space<vmem>>
    %dma_wait3A_489 = tpu.memref_squeeze %dma_wait3A_488 : memref<1x8x128xf32, #tpu.memory_space<vmem>> -> memref<8x128xf32, #tpu.memory_space<vmem>>
    tpu.wait_dma2 semaphore(%arg9 : memref<!tpu.dma_semaphore, #tpu.memory_space<semaphore_mem>>) src(%dma_wait3A_489 : memref<8x128xf32, #tpu.memory_space<vmem>>) dst(%dma_wait3A_485 : memref<8x128xf32, #tpu.memory_space<hbm>>)
    %dma_wait3A_490 = arith.constant 2 : i32
    %dma_wait3A_491 = arith.constant 0 : i32
    %dma_wait3A_492 = arith.constant 0 : i32
    %dma_wait3A_493 = arith.constant 0 : i32
    %dma_wait3A_494 = arith.constant 40 : i32
    %dma_wait3A_495 = arith.constant 0 : i32
    %dma_wait3A_496 = tpu.memref_slice %arg7[%dma_wait3A_490, %dma_wait3A_494, %dma_wait3A_495] : memref<5x64x129xf32, #tpu.memory_space<vmem>> -> memref<1x8x128xf32, #tpu.memory_space<vmem>>
    %dma_wait3A_497 = tpu.memref_squeeze %dma_wait3A_496 : memref<1x8x128xf32, #tpu.memory_space<vmem>> -> memref<8x128xf32, #tpu.memory_space<vmem>>
    %dma_wait3A_498 = arith.constant 0 : i32
    %dma_wait3A_499 = arith.constant 0 : i32
    %dma_wait3A_500 = tpu.memref_slice %arg4[%dma_wait3A_491, %dma_wait3A_492, %dma_wait3A_493, %dma_wait3A_498, %dma_wait3A_499] : memref<50x8x32x8x128xf32, #tpu.memory_space<hbm>> -> memref<1x1x1x8x128xf32, #tpu.memory_space<hbm>>
    %dma_wait3A_501 = tpu.memref_squeeze %dma_wait3A_500 : memref<1x1x1x8x128xf32, #tpu.memory_space<hbm>> -> memref<8x128xf32, #tpu.memory_space<hbm>>
    %dma_wait3A_502 = arith.constant 0 : i32
    %dma_wait3A_503 = arith.constant 0 : i32
    %dma_wait3A_504 = tpu.memref_slice %arg4[%dma_wait3A_491, %dma_wait3A_492, %dma_wait3A_493, %dma_wait3A_502, %dma_wait3A_503] : memref<50x8x32x8x128xf32, #tpu.memory_space<hbm>> -> memref<1x1x1x8x128xf32, #tpu.memory_space<hbm>>
    %dma_wait3A_505 = tpu.memref_squeeze %dma_wait3A_504 : memref<1x1x1x8x128xf32, #tpu.memory_space<hbm>> -> memref<8x128xf32, #tpu.memory_space<hbm>>
    %dma_wait3A_506 = arith.constant 40 : i32
    %dma_wait3A_507 = arith.constant 0 : i32
    %dma_wait3A_508 = tpu.memref_slice %arg7[%dma_wait3A_490, %dma_wait3A_506, %dma_wait3A_507] : memref<5x64x129xf32, #tpu.memory_space<vmem>> -> memref<1x8x128xf32, #tpu.memory_space<vmem>>
    %dma_wait3A_509 = tpu.memref_squeeze %dma_wait3A_508 : memref<1x8x128xf32, #tpu.memory_space<vmem>> -> memref<8x128xf32, #tpu.memory_space<vmem>>
    tpu.wait_dma2 semaphore(%arg9 : memref<!tpu.dma_semaphore, #tpu.memory_space<semaphore_mem>>) src(%dma_wait3A_509 : memref<8x128xf32, #tpu.memory_space<vmem>>) dst(%dma_wait3A_505 : memref<8x128xf32, #tpu.memory_space<hbm>>)
    %dma_wait3A_510 = arith.constant 2 : i32
    %dma_wait3A_511 = arith.constant 0 : i32
    %dma_wait3A_512 = arith.constant 0 : i32
    %dma_wait3A_513 = arith.constant 0 : i32
    %dma_wait3A_514 = arith.constant 48 : i32
    %dma_wait3A_515 = arith.constant 0 : i32
    %dma_wait3A_516 = tpu.memref_slice %arg7[%dma_wait3A_510, %dma_wait3A_514, %dma_wait3A_515] : memref<5x64x129xf32, #tpu.memory_space<vmem>> -> memref<1x8x128xf32, #tpu.memory_space<vmem>>
    %dma_wait3A_517 = tpu.memref_squeeze %dma_wait3A_516 : memref<1x8x128xf32, #tpu.memory_space<vmem>> -> memref<8x128xf32, #tpu.memory_space<vmem>>
    %dma_wait3A_518 = arith.constant 0 : i32
    %dma_wait3A_519 = arith.constant 0 : i32
    %dma_wait3A_520 = tpu.memref_slice %arg4[%dma_wait3A_511, %dma_wait3A_512, %dma_wait3A_513, %dma_wait3A_518, %dma_wait3A_519] : memref<50x8x32x8x128xf32, #tpu.memory_space<hbm>> -> memref<1x1x1x8x128xf32, #tpu.memory_space<hbm>>
    %dma_wait3A_521 = tpu.memref_squeeze %dma_wait3A_520 : memref<1x1x1x8x128xf32, #tpu.memory_space<hbm>> -> memref<8x128xf32, #tpu.memory_space<hbm>>
    %dma_wait3A_522 = arith.constant 0 : i32
    %dma_wait3A_523 = arith.constant 0 : i32
    %dma_wait3A_524 = tpu.memref_slice %arg4[%dma_wait3A_511, %dma_wait3A_512, %dma_wait3A_513, %dma_wait3A_522, %dma_wait3A_523] : memref<50x8x32x8x128xf32, #tpu.memory_space<hbm>> -> memref<1x1x1x8x128xf32, #tpu.memory_space<hbm>>
    %dma_wait3A_525 = tpu.memref_squeeze %dma_wait3A_524 : memref<1x1x1x8x128xf32, #tpu.memory_space<hbm>> -> memref<8x128xf32, #tpu.memory_space<hbm>>
    %dma_wait3A_526 = arith.constant 48 : i32
    %dma_wait3A_527 = arith.constant 0 : i32
    %dma_wait3A_528 = tpu.memref_slice %arg7[%dma_wait3A_510, %dma_wait3A_526, %dma_wait3A_527] : memref<5x64x129xf32, #tpu.memory_space<vmem>> -> memref<1x8x128xf32, #tpu.memory_space<vmem>>
    %dma_wait3A_529 = tpu.memref_squeeze %dma_wait3A_528 : memref<1x8x128xf32, #tpu.memory_space<vmem>> -> memref<8x128xf32, #tpu.memory_space<vmem>>
    tpu.wait_dma2 semaphore(%arg9 : memref<!tpu.dma_semaphore, #tpu.memory_space<semaphore_mem>>) src(%dma_wait3A_529 : memref<8x128xf32, #tpu.memory_space<vmem>>) dst(%dma_wait3A_525 : memref<8x128xf32, #tpu.memory_space<hbm>>)
    %dma_wait3A_530 = arith.constant 2 : i32
    %dma_wait3A_531 = arith.constant 0 : i32
    %dma_wait3A_532 = arith.constant 0 : i32
    %dma_wait3A_533 = arith.constant 0 : i32
    %dma_wait3A_534 = arith.constant 56 : i32
    %dma_wait3A_535 = arith.constant 0 : i32
    %dma_wait3A_536 = tpu.memref_slice %arg7[%dma_wait3A_530, %dma_wait3A_534, %dma_wait3A_535] : memref<5x64x129xf32, #tpu.memory_space<vmem>> -> memref<1x8x128xf32, #tpu.memory_space<vmem>>
    %dma_wait3A_537 = tpu.memref_squeeze %dma_wait3A_536 : memref<1x8x128xf32, #tpu.memory_space<vmem>> -> memref<8x128xf32, #tpu.memory_space<vmem>>
    %dma_wait3A_538 = arith.constant 0 : i32
    %dma_wait3A_539 = arith.constant 0 : i32
    %dma_wait3A_540 = tpu.memref_slice %arg4[%dma_wait3A_531, %dma_wait3A_532, %dma_wait3A_533, %dma_wait3A_538, %dma_wait3A_539] : memref<50x8x32x8x128xf32, #tpu.memory_space<hbm>> -> memref<1x1x1x8x128xf32, #tpu.memory_space<hbm>>
    %dma_wait3A_541 = tpu.memref_squeeze %dma_wait3A_540 : memref<1x1x1x8x128xf32, #tpu.memory_space<hbm>> -> memref<8x128xf32, #tpu.memory_space<hbm>>
    %dma_wait3A_542 = arith.constant 0 : i32
    %dma_wait3A_543 = arith.constant 0 : i32
    %dma_wait3A_544 = tpu.memref_slice %arg4[%dma_wait3A_531, %dma_wait3A_532, %dma_wait3A_533, %dma_wait3A_542, %dma_wait3A_543] : memref<50x8x32x8x128xf32, #tpu.memory_space<hbm>> -> memref<1x1x1x8x128xf32, #tpu.memory_space<hbm>>
    %dma_wait3A_545 = tpu.memref_squeeze %dma_wait3A_544 : memref<1x1x1x8x128xf32, #tpu.memory_space<hbm>> -> memref<8x128xf32, #tpu.memory_space<hbm>>
    %dma_wait3A_546 = arith.constant 56 : i32
    %dma_wait3A_547 = arith.constant 0 : i32
    %dma_wait3A_548 = tpu.memref_slice %arg7[%dma_wait3A_530, %dma_wait3A_546, %dma_wait3A_547] : memref<5x64x129xf32, #tpu.memory_space<vmem>> -> memref<1x8x128xf32, #tpu.memory_space<vmem>>
    %dma_wait3A_549 = tpu.memref_squeeze %dma_wait3A_548 : memref<1x8x128xf32, #tpu.memory_space<vmem>> -> memref<8x128xf32, #tpu.memory_space<vmem>>
    tpu.wait_dma2 semaphore(%arg9 : memref<!tpu.dma_semaphore, #tpu.memory_space<semaphore_mem>>) src(%dma_wait3A_549 : memref<8x128xf32, #tpu.memory_space<vmem>>) dst(%dma_wait3A_545 : memref<8x128xf32, #tpu.memory_space<hbm>>)
    %dma_wait3A_550 = arith.constant 3 : i32
    %dma_wait3A_551 = arith.constant 0 : i32
    %dma_wait3A_552 = arith.constant 0 : i32
    %dma_wait3A_553 = arith.constant 0 : i32
    %dma_wait3A_554 = arith.constant 0 : i32
    %dma_wait3A_555 = arith.constant 0 : i32
    %dma_wait3A_556 = tpu.memref_slice %arg7[%dma_wait3A_550, %dma_wait3A_554, %dma_wait3A_555] : memref<5x64x129xf32, #tpu.memory_space<vmem>> -> memref<1x8x128xf32, #tpu.memory_space<vmem>>
    %dma_wait3A_557 = tpu.memref_squeeze %dma_wait3A_556 : memref<1x8x128xf32, #tpu.memory_space<vmem>> -> memref<8x128xf32, #tpu.memory_space<vmem>>
    %dma_wait3A_558 = arith.constant 0 : i32
    %dma_wait3A_559 = arith.constant 0 : i32
    %dma_wait3A_560 = tpu.memref_slice %arg4[%dma_wait3A_551, %dma_wait3A_552, %dma_wait3A_553, %dma_wait3A_558, %dma_wait3A_559] : memref<50x8x32x8x128xf32, #tpu.memory_space<hbm>> -> memref<1x1x1x8x128xf32, #tpu.memory_space<hbm>>
    %dma_wait3A_561 = tpu.memref_squeeze %dma_wait3A_560 : memref<1x1x1x8x128xf32, #tpu.memory_space<hbm>> -> memref<8x128xf32, #tpu.memory_space<hbm>>
    %dma_wait3A_562 = arith.constant 0 : i32
    %dma_wait3A_563 = arith.constant 0 : i32
    %dma_wait3A_564 = tpu.memref_slice %arg4[%dma_wait3A_551, %dma_wait3A_552, %dma_wait3A_553, %dma_wait3A_562, %dma_wait3A_563] : memref<50x8x32x8x128xf32, #tpu.memory_space<hbm>> -> memref<1x1x1x8x128xf32, #tpu.memory_space<hbm>>
    %dma_wait3A_565 = tpu.memref_squeeze %dma_wait3A_564 : memref<1x1x1x8x128xf32, #tpu.memory_space<hbm>> -> memref<8x128xf32, #tpu.memory_space<hbm>>
    %dma_wait3A_566 = arith.constant 0 : i32
    %dma_wait3A_567 = arith.constant 0 : i32
    %dma_wait3A_568 = tpu.memref_slice %arg7[%dma_wait3A_550, %dma_wait3A_566, %dma_wait3A_567] : memref<5x64x129xf32, #tpu.memory_space<vmem>> -> memref<1x8x128xf32, #tpu.memory_space<vmem>>
    %dma_wait3A_569 = tpu.memref_squeeze %dma_wait3A_568 : memref<1x8x128xf32, #tpu.memory_space<vmem>> -> memref<8x128xf32, #tpu.memory_space<vmem>>
    tpu.wait_dma2 semaphore(%arg9 : memref<!tpu.dma_semaphore, #tpu.memory_space<semaphore_mem>>) src(%dma_wait3A_569 : memref<8x128xf32, #tpu.memory_space<vmem>>) dst(%dma_wait3A_565 : memref<8x128xf32, #tpu.memory_space<hbm>>)
    %dma_wait3A_570 = arith.constant 3 : i32
    %dma_wait3A_571 = arith.constant 0 : i32
    %dma_wait3A_572 = arith.constant 0 : i32
    %dma_wait3A_573 = arith.constant 0 : i32
    %dma_wait3A_574 = arith.constant 8 : i32
    %dma_wait3A_575 = arith.constant 0 : i32
    %dma_wait3A_576 = tpu.memref_slice %arg7[%dma_wait3A_570, %dma_wait3A_574, %dma_wait3A_575] : memref<5x64x129xf32, #tpu.memory_space<vmem>> -> memref<1x8x128xf32, #tpu.memory_space<vmem>>
    %dma_wait3A_577 = tpu.memref_squeeze %dma_wait3A_576 : memref<1x8x128xf32, #tpu.memory_space<vmem>> -> memref<8x128xf32, #tpu.memory_space<vmem>>
    %dma_wait3A_578 = arith.constant 0 : i32
    %dma_wait3A_579 = arith.constant 0 : i32
    %dma_wait3A_580 = tpu.memref_slice %arg4[%dma_wait3A_571, %dma_wait3A_572, %dma_wait3A_573, %dma_wait3A_578, %dma_wait3A_579] : memref<50x8x32x8x128xf32, #tpu.memory_space<hbm>> -> memref<1x1x1x8x128xf32, #tpu.memory_space<hbm>>
    %dma_wait3A_581 = tpu.memref_squeeze %dma_wait3A_580 : memref<1x1x1x8x128xf32, #tpu.memory_space<hbm>> -> memref<8x128xf32, #tpu.memory_space<hbm>>
    %dma_wait3A_582 = arith.constant 0 : i32
    %dma_wait3A_583 = arith.constant 0 : i32
    %dma_wait3A_584 = tpu.memref_slice %arg4[%dma_wait3A_571, %dma_wait3A_572, %dma_wait3A_573, %dma_wait3A_582, %dma_wait3A_583] : memref<50x8x32x8x128xf32, #tpu.memory_space<hbm>> -> memref<1x1x1x8x128xf32, #tpu.memory_space<hbm>>
    %dma_wait3A_585 = tpu.memref_squeeze %dma_wait3A_584 : memref<1x1x1x8x128xf32, #tpu.memory_space<hbm>> -> memref<8x128xf32, #tpu.memory_space<hbm>>
    %dma_wait3A_586 = arith.constant 8 : i32
    %dma_wait3A_587 = arith.constant 0 : i32
    %dma_wait3A_588 = tpu.memref_slice %arg7[%dma_wait3A_570, %dma_wait3A_586, %dma_wait3A_587] : memref<5x64x129xf32, #tpu.memory_space<vmem>> -> memref<1x8x128xf32, #tpu.memory_space<vmem>>
    %dma_wait3A_589 = tpu.memref_squeeze %dma_wait3A_588 : memref<1x8x128xf32, #tpu.memory_space<vmem>> -> memref<8x128xf32, #tpu.memory_space<vmem>>
    tpu.wait_dma2 semaphore(%arg9 : memref<!tpu.dma_semaphore, #tpu.memory_space<semaphore_mem>>) src(%dma_wait3A_589 : memref<8x128xf32, #tpu.memory_space<vmem>>) dst(%dma_wait3A_585 : memref<8x128xf32, #tpu.memory_space<hbm>>)
    %dma_wait3A_590 = arith.constant 3 : i32
    %dma_wait3A_591 = arith.constant 0 : i32
    %dma_wait3A_592 = arith.constant 0 : i32
    %dma_wait3A_593 = arith.constant 0 : i32
    %dma_wait3A_594 = arith.constant 16 : i32
    %dma_wait3A_595 = arith.constant 0 : i32
    %dma_wait3A_596 = tpu.memref_slice %arg7[%dma_wait3A_590, %dma_wait3A_594, %dma_wait3A_595] : memref<5x64x129xf32, #tpu.memory_space<vmem>> -> memref<1x8x128xf32, #tpu.memory_space<vmem>>
    %dma_wait3A_597 = tpu.memref_squeeze %dma_wait3A_596 : memref<1x8x128xf32, #tpu.memory_space<vmem>> -> memref<8x128xf32, #tpu.memory_space<vmem>>
    %dma_wait3A_598 = arith.constant 0 : i32
    %dma_wait3A_599 = arith.constant 0 : i32
    %dma_wait3A_600 = tpu.memref_slice %arg4[%dma_wait3A_591, %dma_wait3A_592, %dma_wait3A_593, %dma_wait3A_598, %dma_wait3A_599] : memref<50x8x32x8x128xf32, #tpu.memory_space<hbm>> -> memref<1x1x1x8x128xf32, #tpu.memory_space<hbm>>
    %dma_wait3A_601 = tpu.memref_squeeze %dma_wait3A_600 : memref<1x1x1x8x128xf32, #tpu.memory_space<hbm>> -> memref<8x128xf32, #tpu.memory_space<hbm>>
    %dma_wait3A_602 = arith.constant 0 : i32
    %dma_wait3A_603 = arith.constant 0 : i32
    %dma_wait3A_604 = tpu.memref_slice %arg4[%dma_wait3A_591, %dma_wait3A_592, %dma_wait3A_593, %dma_wait3A_602, %dma_wait3A_603] : memref<50x8x32x8x128xf32, #tpu.memory_space<hbm>> -> memref<1x1x1x8x128xf32, #tpu.memory_space<hbm>>
    %dma_wait3A_605 = tpu.memref_squeeze %dma_wait3A_604 : memref<1x1x1x8x128xf32, #tpu.memory_space<hbm>> -> memref<8x128xf32, #tpu.memory_space<hbm>>
    %dma_wait3A_606 = arith.constant 16 : i32
    %dma_wait3A_607 = arith.constant 0 : i32
    %dma_wait3A_608 = tpu.memref_slice %arg7[%dma_wait3A_590, %dma_wait3A_606, %dma_wait3A_607] : memref<5x64x129xf32, #tpu.memory_space<vmem>> -> memref<1x8x128xf32, #tpu.memory_space<vmem>>
    %dma_wait3A_609 = tpu.memref_squeeze %dma_wait3A_608 : memref<1x8x128xf32, #tpu.memory_space<vmem>> -> memref<8x128xf32, #tpu.memory_space<vmem>>
    tpu.wait_dma2 semaphore(%arg9 : memref<!tpu.dma_semaphore, #tpu.memory_space<semaphore_mem>>) src(%dma_wait3A_609 : memref<8x128xf32, #tpu.memory_space<vmem>>) dst(%dma_wait3A_605 : memref<8x128xf32, #tpu.memory_space<hbm>>)
    %dma_wait3A_610 = arith.constant 3 : i32
    %dma_wait3A_611 = arith.constant 0 : i32
    %dma_wait3A_612 = arith.constant 0 : i32
    %dma_wait3A_613 = arith.constant 0 : i32
    %dma_wait3A_614 = arith.constant 24 : i32
    %dma_wait3A_615 = arith.constant 0 : i32
    %dma_wait3A_616 = tpu.memref_slice %arg7[%dma_wait3A_610, %dma_wait3A_614, %dma_wait3A_615] : memref<5x64x129xf32, #tpu.memory_space<vmem>> -> memref<1x8x128xf32, #tpu.memory_space<vmem>>
    %dma_wait3A_617 = tpu.memref_squeeze %dma_wait3A_616 : memref<1x8x128xf32, #tpu.memory_space<vmem>> -> memref<8x128xf32, #tpu.memory_space<vmem>>
    %dma_wait3A_618 = arith.constant 0 : i32
    %dma_wait3A_619 = arith.constant 0 : i32
    %dma_wait3A_620 = tpu.memref_slice %arg4[%dma_wait3A_611, %dma_wait3A_612, %dma_wait3A_613, %dma_wait3A_618, %dma_wait3A_619] : memref<50x8x32x8x128xf32, #tpu.memory_space<hbm>> -> memref<1x1x1x8x128xf32, #tpu.memory_space<hbm>>
    %dma_wait3A_621 = tpu.memref_squeeze %dma_wait3A_620 : memref<1x1x1x8x128xf32, #tpu.memory_space<hbm>> -> memref<8x128xf32, #tpu.memory_space<hbm>>
    %dma_wait3A_622 = arith.constant 0 : i32
    %dma_wait3A_623 = arith.constant 0 : i32
    %dma_wait3A_624 = tpu.memref_slice %arg4[%dma_wait3A_611, %dma_wait3A_612, %dma_wait3A_613, %dma_wait3A_622, %dma_wait3A_623] : memref<50x8x32x8x128xf32, #tpu.memory_space<hbm>> -> memref<1x1x1x8x128xf32, #tpu.memory_space<hbm>>
    %dma_wait3A_625 = tpu.memref_squeeze %dma_wait3A_624 : memref<1x1x1x8x128xf32, #tpu.memory_space<hbm>> -> memref<8x128xf32, #tpu.memory_space<hbm>>
    %dma_wait3A_626 = arith.constant 24 : i32
    %dma_wait3A_627 = arith.constant 0 : i32
    %dma_wait3A_628 = tpu.memref_slice %arg7[%dma_wait3A_610, %dma_wait3A_626, %dma_wait3A_627] : memref<5x64x129xf32, #tpu.memory_space<vmem>> -> memref<1x8x128xf32, #tpu.memory_space<vmem>>
    %dma_wait3A_629 = tpu.memref_squeeze %dma_wait3A_628 : memref<1x8x128xf32, #tpu.memory_space<vmem>> -> memref<8x128xf32, #tpu.memory_space<vmem>>
    tpu.wait_dma2 semaphore(%arg9 : memref<!tpu.dma_semaphore, #tpu.memory_space<semaphore_mem>>) src(%dma_wait3A_629 : memref<8x128xf32, #tpu.memory_space<vmem>>) dst(%dma_wait3A_625 : memref<8x128xf32, #tpu.memory_space<hbm>>)
    %dma_wait3A_630 = arith.constant 3 : i32
    %dma_wait3A_631 = arith.constant 0 : i32
    %dma_wait3A_632 = arith.constant 0 : i32
    %dma_wait3A_633 = arith.constant 0 : i32
    %dma_wait3A_634 = arith.constant 32 : i32
    %dma_wait3A_635 = arith.constant 0 : i32
    %dma_wait3A_636 = tpu.memref_slice %arg7[%dma_wait3A_630, %dma_wait3A_634, %dma_wait3A_635] : memref<5x64x129xf32, #tpu.memory_space<vmem>> -> memref<1x8x128xf32, #tpu.memory_space<vmem>>
    %dma_wait3A_637 = tpu.memref_squeeze %dma_wait3A_636 : memref<1x8x128xf32, #tpu.memory_space<vmem>> -> memref<8x128xf32, #tpu.memory_space<vmem>>
    %dma_wait3A_638 = arith.constant 0 : i32
    %dma_wait3A_639 = arith.constant 0 : i32
    %dma_wait3A_640 = tpu.memref_slice %arg4[%dma_wait3A_631, %dma_wait3A_632, %dma_wait3A_633, %dma_wait3A_638, %dma_wait3A_639] : memref<50x8x32x8x128xf32, #tpu.memory_space<hbm>> -> memref<1x1x1x8x128xf32, #tpu.memory_space<hbm>>
    %dma_wait3A_641 = tpu.memref_squeeze %dma_wait3A_640 : memref<1x1x1x8x128xf32, #tpu.memory_space<hbm>> -> memref<8x128xf32, #tpu.memory_space<hbm>>
    %dma_wait3A_642 = arith.constant 0 : i32
    %dma_wait3A_643 = arith.constant 0 : i32
    %dma_wait3A_644 = tpu.memref_slice %arg4[%dma_wait3A_631, %dma_wait3A_632, %dma_wait3A_633, %dma_wait3A_642, %dma_wait3A_643] : memref<50x8x32x8x128xf32, #tpu.memory_space<hbm>> -> memref<1x1x1x8x128xf32, #tpu.memory_space<hbm>>
    %dma_wait3A_645 = tpu.memref_squeeze %dma_wait3A_644 : memref<1x1x1x8x128xf32, #tpu.memory_space<hbm>> -> memref<8x128xf32, #tpu.memory_space<hbm>>
    %dma_wait3A_646 = arith.constant 32 : i32
    %dma_wait3A_647 = arith.constant 0 : i32
    %dma_wait3A_648 = tpu.memref_slice %arg7[%dma_wait3A_630, %dma_wait3A_646, %dma_wait3A_647] : memref<5x64x129xf32, #tpu.memory_space<vmem>> -> memref<1x8x128xf32, #tpu.memory_space<vmem>>
    %dma_wait3A_649 = tpu.memref_squeeze %dma_wait3A_648 : memref<1x8x128xf32, #tpu.memory_space<vmem>> -> memref<8x128xf32, #tpu.memory_space<vmem>>
    tpu.wait_dma2 semaphore(%arg9 : memref<!tpu.dma_semaphore, #tpu.memory_space<semaphore_mem>>) src(%dma_wait3A_649 : memref<8x128xf32, #tpu.memory_space<vmem>>) dst(%dma_wait3A_645 : memref<8x128xf32, #tpu.memory_space<hbm>>)
    %dma_wait3A_650 = arith.constant 3 : i32
    %dma_wait3A_651 = arith.constant 0 : i32
    %dma_wait3A_652 = arith.constant 0 : i32
    %dma_wait3A_653 = arith.constant 0 : i32
    %dma_wait3A_654 = arith.constant 40 : i32
    %dma_wait3A_655 = arith.constant 0 : i32
    %dma_wait3A_656 = tpu.memref_slice %arg7[%dma_wait3A_650, %dma_wait3A_654, %dma_wait3A_655] : memref<5x64x129xf32, #tpu.memory_space<vmem>> -> memref<1x8x128xf32, #tpu.memory_space<vmem>>
    %dma_wait3A_657 = tpu.memref_squeeze %dma_wait3A_656 : memref<1x8x128xf32, #tpu.memory_space<vmem>> -> memref<8x128xf32, #tpu.memory_space<vmem>>
    %dma_wait3A_658 = arith.constant 0 : i32
    %dma_wait3A_659 = arith.constant 0 : i32
    %dma_wait3A_660 = tpu.memref_slice %arg4[%dma_wait3A_651, %dma_wait3A_652, %dma_wait3A_653, %dma_wait3A_658, %dma_wait3A_659] : memref<50x8x32x8x128xf32, #tpu.memory_space<hbm>> -> memref<1x1x1x8x128xf32, #tpu.memory_space<hbm>>
    %dma_wait3A_661 = tpu.memref_squeeze %dma_wait3A_660 : memref<1x1x1x8x128xf32, #tpu.memory_space<hbm>> -> memref<8x128xf32, #tpu.memory_space<hbm>>
    %dma_wait3A_662 = arith.constant 0 : i32
    %dma_wait3A_663 = arith.constant 0 : i32
    %dma_wait3A_664 = tpu.memref_slice %arg4[%dma_wait3A_651, %dma_wait3A_652, %dma_wait3A_653, %dma_wait3A_662, %dma_wait3A_663] : memref<50x8x32x8x128xf32, #tpu.memory_space<hbm>> -> memref<1x1x1x8x128xf32, #tpu.memory_space<hbm>>
    %dma_wait3A_665 = tpu.memref_squeeze %dma_wait3A_664 : memref<1x1x1x8x128xf32, #tpu.memory_space<hbm>> -> memref<8x128xf32, #tpu.memory_space<hbm>>
    %dma_wait3A_666 = arith.constant 40 : i32
    %dma_wait3A_667 = arith.constant 0 : i32
    %dma_wait3A_668 = tpu.memref_slice %arg7[%dma_wait3A_650, %dma_wait3A_666, %dma_wait3A_667] : memref<5x64x129xf32, #tpu.memory_space<vmem>> -> memref<1x8x128xf32, #tpu.memory_space<vmem>>
    %dma_wait3A_669 = tpu.memref_squeeze %dma_wait3A_668 : memref<1x8x128xf32, #tpu.memory_space<vmem>> -> memref<8x128xf32, #tpu.memory_space<vmem>>
    tpu.wait_dma2 semaphore(%arg9 : memref<!tpu.dma_semaphore, #tpu.memory_space<semaphore_mem>>) src(%dma_wait3A_669 : memref<8x128xf32, #tpu.memory_space<vmem>>) dst(%dma_wait3A_665 : memref<8x128xf32, #tpu.memory_space<hbm>>)
    %dma_wait3A_670 = arith.constant 3 : i32
    %dma_wait3A_671 = arith.constant 0 : i32
    %dma_wait3A_672 = arith.constant 0 : i32
    %dma_wait3A_673 = arith.constant 0 : i32
    %dma_wait3A_674 = arith.constant 48 : i32
    %dma_wait3A_675 = arith.constant 0 : i32
    %dma_wait3A_676 = tpu.memref_slice %arg7[%dma_wait3A_670, %dma_wait3A_674, %dma_wait3A_675] : memref<5x64x129xf32, #tpu.memory_space<vmem>> -> memref<1x8x128xf32, #tpu.memory_space<vmem>>
    %dma_wait3A_677 = tpu.memref_squeeze %dma_wait3A_676 : memref<1x8x128xf32, #tpu.memory_space<vmem>> -> memref<8x128xf32, #tpu.memory_space<vmem>>
    %dma_wait3A_678 = arith.constant 0 : i32
    %dma_wait3A_679 = arith.constant 0 : i32
    %dma_wait3A_680 = tpu.memref_slice %arg4[%dma_wait3A_671, %dma_wait3A_672, %dma_wait3A_673, %dma_wait3A_678, %dma_wait3A_679] : memref<50x8x32x8x128xf32, #tpu.memory_space<hbm>> -> memref<1x1x1x8x128xf32, #tpu.memory_space<hbm>>
    %dma_wait3A_681 = tpu.memref_squeeze %dma_wait3A_680 : memref<1x1x1x8x128xf32, #tpu.memory_space<hbm>> -> memref<8x128xf32, #tpu.memory_space<hbm>>
    %dma_wait3A_682 = arith.constant 0 : i32
    %dma_wait3A_683 = arith.constant 0 : i32
    %dma_wait3A_684 = tpu.memref_slice %arg4[%dma_wait3A_671, %dma_wait3A_672, %dma_wait3A_673, %dma_wait3A_682, %dma_wait3A_683] : memref<50x8x32x8x128xf32, #tpu.memory_space<hbm>> -> memref<1x1x1x8x128xf32, #tpu.memory_space<hbm>>
    %dma_wait3A_685 = tpu.memref_squeeze %dma_wait3A_684 : memref<1x1x1x8x128xf32, #tpu.memory_space<hbm>> -> memref<8x128xf32, #tpu.memory_space<hbm>>
    %dma_wait3A_686 = arith.constant 48 : i32
    %dma_wait3A_687 = arith.constant 0 : i32
    %dma_wait3A_688 = tpu.memref_slice %arg7[%dma_wait3A_670, %dma_wait3A_686, %dma_wait3A_687] : memref<5x64x129xf32, #tpu.memory_space<vmem>> -> memref<1x8x128xf32, #tpu.memory_space<vmem>>
    %dma_wait3A_689 = tpu.memref_squeeze %dma_wait3A_688 : memref<1x8x128xf32, #tpu.memory_space<vmem>> -> memref<8x128xf32, #tpu.memory_space<vmem>>
    tpu.wait_dma2 semaphore(%arg9 : memref<!tpu.dma_semaphore, #tpu.memory_space<semaphore_mem>>) src(%dma_wait3A_689 : memref<8x128xf32, #tpu.memory_space<vmem>>) dst(%dma_wait3A_685 : memref<8x128xf32, #tpu.memory_space<hbm>>)
    %dma_wait3A_690 = arith.constant 3 : i32
    %dma_wait3A_691 = arith.constant 0 : i32
    %dma_wait3A_692 = arith.constant 0 : i32
    %dma_wait3A_693 = arith.constant 0 : i32
    %dma_wait3A_694 = arith.constant 56 : i32
    %dma_wait3A_695 = arith.constant 0 : i32
    %dma_wait3A_696 = tpu.memref_slice %arg7[%dma_wait3A_690, %dma_wait3A_694, %dma_wait3A_695] : memref<5x64x129xf32, #tpu.memory_space<vmem>> -> memref<1x8x128xf32, #tpu.memory_space<vmem>>
    %dma_wait3A_697 = tpu.memref_squeeze %dma_wait3A_696 : memref<1x8x128xf32, #tpu.memory_space<vmem>> -> memref<8x128xf32, #tpu.memory_space<vmem>>
    %dma_wait3A_698 = arith.constant 0 : i32
    %dma_wait3A_699 = arith.constant 0 : i32
    %dma_wait3A_700 = tpu.memref_slice %arg4[%dma_wait3A_691, %dma_wait3A_692, %dma_wait3A_693, %dma_wait3A_698, %dma_wait3A_699] : memref<50x8x32x8x128xf32, #tpu.memory_space<hbm>> -> memref<1x1x1x8x128xf32, #tpu.memory_space<hbm>>
    %dma_wait3A_701 = tpu.memref_squeeze %dma_wait3A_700 : memref<1x1x1x8x128xf32, #tpu.memory_space<hbm>> -> memref<8x128xf32, #tpu.memory_space<hbm>>
    %dma_wait3A_702 = arith.constant 0 : i32
    %dma_wait3A_703 = arith.constant 0 : i32
    %dma_wait3A_704 = tpu.memref_slice %arg4[%dma_wait3A_691, %dma_wait3A_692, %dma_wait3A_693, %dma_wait3A_702, %dma_wait3A_703] : memref<50x8x32x8x128xf32, #tpu.memory_space<hbm>> -> memref<1x1x1x8x128xf32, #tpu.memory_space<hbm>>
    %dma_wait3A_705 = tpu.memref_squeeze %dma_wait3A_704 : memref<1x1x1x8x128xf32, #tpu.memory_space<hbm>> -> memref<8x128xf32, #tpu.memory_space<hbm>>
    %dma_wait3A_706 = arith.constant 56 : i32
    %dma_wait3A_707 = arith.constant 0 : i32
    %dma_wait3A_708 = tpu.memref_slice %arg7[%dma_wait3A_690, %dma_wait3A_706, %dma_wait3A_707] : memref<5x64x129xf32, #tpu.memory_space<vmem>> -> memref<1x8x128xf32, #tpu.memory_space<vmem>>
    %dma_wait3A_709 = tpu.memref_squeeze %dma_wait3A_708 : memref<1x8x128xf32, #tpu.memory_space<vmem>> -> memref<8x128xf32, #tpu.memory_space<vmem>>
    tpu.wait_dma2 semaphore(%arg9 : memref<!tpu.dma_semaphore, #tpu.memory_space<semaphore_mem>>) src(%dma_wait3A_709 : memref<8x128xf32, #tpu.memory_space<vmem>>) dst(%dma_wait3A_705 : memref<8x128xf32, #tpu.memory_space<hbm>>)
    %dma_wait3A_710 = arith.constant 4 : i32
    %dma_wait3A_711 = arith.constant 0 : i32
    %dma_wait3A_712 = arith.constant 0 : i32
    %dma_wait3A_713 = arith.constant 0 : i32
    %dma_wait3A_714 = arith.constant 0 : i32
    %dma_wait3A_715 = arith.constant 0 : i32
    %dma_wait3A_716 = tpu.memref_slice %arg7[%dma_wait3A_710, %dma_wait3A_714, %dma_wait3A_715] : memref<5x64x129xf32, #tpu.memory_space<vmem>> -> memref<1x8x128xf32, #tpu.memory_space<vmem>>
    %dma_wait3A_717 = tpu.memref_squeeze %dma_wait3A_716 : memref<1x8x128xf32, #tpu.memory_space<vmem>> -> memref<8x128xf32, #tpu.memory_space<vmem>>
    %dma_wait3A_718 = arith.constant 0 : i32
    %dma_wait3A_719 = arith.constant 0 : i32
    %dma_wait3A_720 = tpu.memref_slice %arg4[%dma_wait3A_711, %dma_wait3A_712, %dma_wait3A_713, %dma_wait3A_718, %dma_wait3A_719] : memref<50x8x32x8x128xf32, #tpu.memory_space<hbm>> -> memref<1x1x1x8x128xf32, #tpu.memory_space<hbm>>
    %dma_wait3A_721 = tpu.memref_squeeze %dma_wait3A_720 : memref<1x1x1x8x128xf32, #tpu.memory_space<hbm>> -> memref<8x128xf32, #tpu.memory_space<hbm>>
    %dma_wait3A_722 = arith.constant 0 : i32
    %dma_wait3A_723 = arith.constant 0 : i32
    %dma_wait3A_724 = tpu.memref_slice %arg4[%dma_wait3A_711, %dma_wait3A_712, %dma_wait3A_713, %dma_wait3A_722, %dma_wait3A_723] : memref<50x8x32x8x128xf32, #tpu.memory_space<hbm>> -> memref<1x1x1x8x128xf32, #tpu.memory_space<hbm>>
    %dma_wait3A_725 = tpu.memref_squeeze %dma_wait3A_724 : memref<1x1x1x8x128xf32, #tpu.memory_space<hbm>> -> memref<8x128xf32, #tpu.memory_space<hbm>>
    %dma_wait3A_726 = arith.constant 0 : i32
    %dma_wait3A_727 = arith.constant 0 : i32
    %dma_wait3A_728 = tpu.memref_slice %arg7[%dma_wait3A_710, %dma_wait3A_726, %dma_wait3A_727] : memref<5x64x129xf32, #tpu.memory_space<vmem>> -> memref<1x8x128xf32, #tpu.memory_space<vmem>>
    %dma_wait3A_729 = tpu.memref_squeeze %dma_wait3A_728 : memref<1x8x128xf32, #tpu.memory_space<vmem>> -> memref<8x128xf32, #tpu.memory_space<vmem>>
    tpu.wait_dma2 semaphore(%arg9 : memref<!tpu.dma_semaphore, #tpu.memory_space<semaphore_mem>>) src(%dma_wait3A_729 : memref<8x128xf32, #tpu.memory_space<vmem>>) dst(%dma_wait3A_725 : memref<8x128xf32, #tpu.memory_space<hbm>>)
    %dma_wait3A_730 = arith.constant 4 : i32
    %dma_wait3A_731 = arith.constant 0 : i32
    %dma_wait3A_732 = arith.constant 0 : i32
    %dma_wait3A_733 = arith.constant 0 : i32
    %dma_wait3A_734 = arith.constant 8 : i32
    %dma_wait3A_735 = arith.constant 0 : i32
    %dma_wait3A_736 = tpu.memref_slice %arg7[%dma_wait3A_730, %dma_wait3A_734, %dma_wait3A_735] : memref<5x64x129xf32, #tpu.memory_space<vmem>> -> memref<1x8x128xf32, #tpu.memory_space<vmem>>
    %dma_wait3A_737 = tpu.memref_squeeze %dma_wait3A_736 : memref<1x8x128xf32, #tpu.memory_space<vmem>> -> memref<8x128xf32, #tpu.memory_space<vmem>>
    %dma_wait3A_738 = arith.constant 0 : i32
    %dma_wait3A_739 = arith.constant 0 : i32
    %dma_wait3A_740 = tpu.memref_slice %arg4[%dma_wait3A_731, %dma_wait3A_732, %dma_wait3A_733, %dma_wait3A_738, %dma_wait3A_739] : memref<50x8x32x8x128xf32, #tpu.memory_space<hbm>> -> memref<1x1x1x8x128xf32, #tpu.memory_space<hbm>>
    %dma_wait3A_741 = tpu.memref_squeeze %dma_wait3A_740 : memref<1x1x1x8x128xf32, #tpu.memory_space<hbm>> -> memref<8x128xf32, #tpu.memory_space<hbm>>
    %dma_wait3A_742 = arith.constant 0 : i32
    %dma_wait3A_743 = arith.constant 0 : i32
    %dma_wait3A_744 = tpu.memref_slice %arg4[%dma_wait3A_731, %dma_wait3A_732, %dma_wait3A_733, %dma_wait3A_742, %dma_wait3A_743] : memref<50x8x32x8x128xf32, #tpu.memory_space<hbm>> -> memref<1x1x1x8x128xf32, #tpu.memory_space<hbm>>
    %dma_wait3A_745 = tpu.memref_squeeze %dma_wait3A_744 : memref<1x1x1x8x128xf32, #tpu.memory_space<hbm>> -> memref<8x128xf32, #tpu.memory_space<hbm>>
    %dma_wait3A_746 = arith.constant 8 : i32
    %dma_wait3A_747 = arith.constant 0 : i32
    %dma_wait3A_748 = tpu.memref_slice %arg7[%dma_wait3A_730, %dma_wait3A_746, %dma_wait3A_747] : memref<5x64x129xf32, #tpu.memory_space<vmem>> -> memref<1x8x128xf32, #tpu.memory_space<vmem>>
    %dma_wait3A_749 = tpu.memref_squeeze %dma_wait3A_748 : memref<1x8x128xf32, #tpu.memory_space<vmem>> -> memref<8x128xf32, #tpu.memory_space<vmem>>
    tpu.wait_dma2 semaphore(%arg9 : memref<!tpu.dma_semaphore, #tpu.memory_space<semaphore_mem>>) src(%dma_wait3A_749 : memref<8x128xf32, #tpu.memory_space<vmem>>) dst(%dma_wait3A_745 : memref<8x128xf32, #tpu.memory_space<hbm>>)
    %dma_wait3A_750 = arith.constant 4 : i32
    %dma_wait3A_751 = arith.constant 0 : i32
    %dma_wait3A_752 = arith.constant 0 : i32
    %dma_wait3A_753 = arith.constant 0 : i32
    %dma_wait3A_754 = arith.constant 16 : i32
    %dma_wait3A_755 = arith.constant 0 : i32
    %dma_wait3A_756 = tpu.memref_slice %arg7[%dma_wait3A_750, %dma_wait3A_754, %dma_wait3A_755] : memref<5x64x129xf32, #tpu.memory_space<vmem>> -> memref<1x8x128xf32, #tpu.memory_space<vmem>>
    %dma_wait3A_757 = tpu.memref_squeeze %dma_wait3A_756 : memref<1x8x128xf32, #tpu.memory_space<vmem>> -> memref<8x128xf32, #tpu.memory_space<vmem>>
    %dma_wait3A_758 = arith.constant 0 : i32
    %dma_wait3A_759 = arith.constant 0 : i32
    %dma_wait3A_760 = tpu.memref_slice %arg4[%dma_wait3A_751, %dma_wait3A_752, %dma_wait3A_753, %dma_wait3A_758, %dma_wait3A_759] : memref<50x8x32x8x128xf32, #tpu.memory_space<hbm>> -> memref<1x1x1x8x128xf32, #tpu.memory_space<hbm>>
    %dma_wait3A_761 = tpu.memref_squeeze %dma_wait3A_760 : memref<1x1x1x8x128xf32, #tpu.memory_space<hbm>> -> memref<8x128xf32, #tpu.memory_space<hbm>>
    %dma_wait3A_762 = arith.constant 0 : i32
    %dma_wait3A_763 = arith.constant 0 : i32
    %dma_wait3A_764 = tpu.memref_slice %arg4[%dma_wait3A_751, %dma_wait3A_752, %dma_wait3A_753, %dma_wait3A_762, %dma_wait3A_763] : memref<50x8x32x8x128xf32, #tpu.memory_space<hbm>> -> memref<1x1x1x8x128xf32, #tpu.memory_space<hbm>>
    %dma_wait3A_765 = tpu.memref_squeeze %dma_wait3A_764 : memref<1x1x1x8x128xf32, #tpu.memory_space<hbm>> -> memref<8x128xf32, #tpu.memory_space<hbm>>
    %dma_wait3A_766 = arith.constant 16 : i32
    %dma_wait3A_767 = arith.constant 0 : i32
    %dma_wait3A_768 = tpu.memref_slice %arg7[%dma_wait3A_750, %dma_wait3A_766, %dma_wait3A_767] : memref<5x64x129xf32, #tpu.memory_space<vmem>> -> memref<1x8x128xf32, #tpu.memory_space<vmem>>
    %dma_wait3A_769 = tpu.memref_squeeze %dma_wait3A_768 : memref<1x8x128xf32, #tpu.memory_space<vmem>> -> memref<8x128xf32, #tpu.memory_space<vmem>>
    tpu.wait_dma2 semaphore(%arg9 : memref<!tpu.dma_semaphore, #tpu.memory_space<semaphore_mem>>) src(%dma_wait3A_769 : memref<8x128xf32, #tpu.memory_space<vmem>>) dst(%dma_wait3A_765 : memref<8x128xf32, #tpu.memory_space<hbm>>)
    %dma_wait3A_770 = arith.constant 4 : i32
    %dma_wait3A_771 = arith.constant 0 : i32
    %dma_wait3A_772 = arith.constant 0 : i32
    %dma_wait3A_773 = arith.constant 0 : i32
    %dma_wait3A_774 = arith.constant 24 : i32
    %dma_wait3A_775 = arith.constant 0 : i32
    %dma_wait3A_776 = tpu.memref_slice %arg7[%dma_wait3A_770, %dma_wait3A_774, %dma_wait3A_775] : memref<5x64x129xf32, #tpu.memory_space<vmem>> -> memref<1x8x128xf32, #tpu.memory_space<vmem>>
    %dma_wait3A_777 = tpu.memref_squeeze %dma_wait3A_776 : memref<1x8x128xf32, #tpu.memory_space<vmem>> -> memref<8x128xf32, #tpu.memory_space<vmem>>
    %dma_wait3A_778 = arith.constant 0 : i32
    %dma_wait3A_779 = arith.constant 0 : i32
    %dma_wait3A_780 = tpu.memref_slice %arg4[%dma_wait3A_771, %dma_wait3A_772, %dma_wait3A_773, %dma_wait3A_778, %dma_wait3A_779] : memref<50x8x32x8x128xf32, #tpu.memory_space<hbm>> -> memref<1x1x1x8x128xf32, #tpu.memory_space<hbm>>
    %dma_wait3A_781 = tpu.memref_squeeze %dma_wait3A_780 : memref<1x1x1x8x128xf32, #tpu.memory_space<hbm>> -> memref<8x128xf32, #tpu.memory_space<hbm>>
    %dma_wait3A_782 = arith.constant 0 : i32
    %dma_wait3A_783 = arith.constant 0 : i32
    %dma_wait3A_784 = tpu.memref_slice %arg4[%dma_wait3A_771, %dma_wait3A_772, %dma_wait3A_773, %dma_wait3A_782, %dma_wait3A_783] : memref<50x8x32x8x128xf32, #tpu.memory_space<hbm>> -> memref<1x1x1x8x128xf32, #tpu.memory_space<hbm>>
    %dma_wait3A_785 = tpu.memref_squeeze %dma_wait3A_784 : memref<1x1x1x8x128xf32, #tpu.memory_space<hbm>> -> memref<8x128xf32, #tpu.memory_space<hbm>>
    %dma_wait3A_786 = arith.constant 24 : i32
    %dma_wait3A_787 = arith.constant 0 : i32
    %dma_wait3A_788 = tpu.memref_slice %arg7[%dma_wait3A_770, %dma_wait3A_786, %dma_wait3A_787] : memref<5x64x129xf32, #tpu.memory_space<vmem>> -> memref<1x8x128xf32, #tpu.memory_space<vmem>>
    %dma_wait3A_789 = tpu.memref_squeeze %dma_wait3A_788 : memref<1x8x128xf32, #tpu.memory_space<vmem>> -> memref<8x128xf32, #tpu.memory_space<vmem>>
    tpu.wait_dma2 semaphore(%arg9 : memref<!tpu.dma_semaphore, #tpu.memory_space<semaphore_mem>>) src(%dma_wait3A_789 : memref<8x128xf32, #tpu.memory_space<vmem>>) dst(%dma_wait3A_785 : memref<8x128xf32, #tpu.memory_space<hbm>>)
    %dma_wait3A_790 = arith.constant 4 : i32
    %dma_wait3A_791 = arith.constant 0 : i32
    %dma_wait3A_792 = arith.constant 0 : i32
    %dma_wait3A_793 = arith.constant 0 : i32
    %dma_wait3A_794 = arith.constant 32 : i32
    %dma_wait3A_795 = arith.constant 0 : i32
    %dma_wait3A_796 = tpu.memref_slice %arg7[%dma_wait3A_790, %dma_wait3A_794, %dma_wait3A_795] : memref<5x64x129xf32, #tpu.memory_space<vmem>> -> memref<1x8x128xf32, #tpu.memory_space<vmem>>
    %dma_wait3A_797 = tpu.memref_squeeze %dma_wait3A_796 : memref<1x8x128xf32, #tpu.memory_space<vmem>> -> memref<8x128xf32, #tpu.memory_space<vmem>>
    %dma_wait3A_798 = arith.constant 0 : i32
    %dma_wait3A_799 = arith.constant 0 : i32
    %dma_wait3A_800 = tpu.memref_slice %arg4[%dma_wait3A_791, %dma_wait3A_792, %dma_wait3A_793, %dma_wait3A_798, %dma_wait3A_799] : memref<50x8x32x8x128xf32, #tpu.memory_space<hbm>> -> memref<1x1x1x8x128xf32, #tpu.memory_space<hbm>>
    %dma_wait3A_801 = tpu.memref_squeeze %dma_wait3A_800 : memref<1x1x1x8x128xf32, #tpu.memory_space<hbm>> -> memref<8x128xf32, #tpu.memory_space<hbm>>
    %dma_wait3A_802 = arith.constant 0 : i32
    %dma_wait3A_803 = arith.constant 0 : i32
    %dma_wait3A_804 = tpu.memref_slice %arg4[%dma_wait3A_791, %dma_wait3A_792, %dma_wait3A_793, %dma_wait3A_802, %dma_wait3A_803] : memref<50x8x32x8x128xf32, #tpu.memory_space<hbm>> -> memref<1x1x1x8x128xf32, #tpu.memory_space<hbm>>
    %dma_wait3A_805 = tpu.memref_squeeze %dma_wait3A_804 : memref<1x1x1x8x128xf32, #tpu.memory_space<hbm>> -> memref<8x128xf32, #tpu.memory_space<hbm>>
    %dma_wait3A_806 = arith.constant 32 : i32
    %dma_wait3A_807 = arith.constant 0 : i32
    %dma_wait3A_808 = tpu.memref_slice %arg7[%dma_wait3A_790, %dma_wait3A_806, %dma_wait3A_807] : memref<5x64x129xf32, #tpu.memory_space<vmem>> -> memref<1x8x128xf32, #tpu.memory_space<vmem>>
    %dma_wait3A_809 = tpu.memref_squeeze %dma_wait3A_808 : memref<1x8x128xf32, #tpu.memory_space<vmem>> -> memref<8x128xf32, #tpu.memory_space<vmem>>
    tpu.wait_dma2 semaphore(%arg9 : memref<!tpu.dma_semaphore, #tpu.memory_space<semaphore_mem>>) src(%dma_wait3A_809 : memref<8x128xf32, #tpu.memory_space<vmem>>) dst(%dma_wait3A_805 : memref<8x128xf32, #tpu.memory_space<hbm>>)
    %dma_wait3A_810 = arith.constant 4 : i32
    %dma_wait3A_811 = arith.constant 0 : i32
    %dma_wait3A_812 = arith.constant 0 : i32
    %dma_wait3A_813 = arith.constant 0 : i32
    %dma_wait3A_814 = arith.constant 40 : i32
    %dma_wait3A_815 = arith.constant 0 : i32
    %dma_wait3A_816 = tpu.memref_slice %arg7[%dma_wait3A_810, %dma_wait3A_814, %dma_wait3A_815] : memref<5x64x129xf32, #tpu.memory_space<vmem>> -> memref<1x8x128xf32, #tpu.memory_space<vmem>>
    %dma_wait3A_817 = tpu.memref_squeeze %dma_wait3A_816 : memref<1x8x128xf32, #tpu.memory_space<vmem>> -> memref<8x128xf32, #tpu.memory_space<vmem>>
    %dma_wait3A_818 = arith.constant 0 : i32
    %dma_wait3A_819 = arith.constant 0 : i32
    %dma_wait3A_820 = tpu.memref_slice %arg4[%dma_wait3A_811, %dma_wait3A_812, %dma_wait3A_813, %dma_wait3A_818, %dma_wait3A_819] : memref<50x8x32x8x128xf32, #tpu.memory_space<hbm>> -> memref<1x1x1x8x128xf32, #tpu.memory_space<hbm>>
    %dma_wait3A_821 = tpu.memref_squeeze %dma_wait3A_820 : memref<1x1x1x8x128xf32, #tpu.memory_space<hbm>> -> memref<8x128xf32, #tpu.memory_space<hbm>>
    %dma_wait3A_822 = arith.constant 0 : i32
    %dma_wait3A_823 = arith.constant 0 : i32
    %dma_wait3A_824 = tpu.memref_slice %arg4[%dma_wait3A_811, %dma_wait3A_812, %dma_wait3A_813, %dma_wait3A_822, %dma_wait3A_823] : memref<50x8x32x8x128xf32, #tpu.memory_space<hbm>> -> memref<1x1x1x8x128xf32, #tpu.memory_space<hbm>>
    %dma_wait3A_825 = tpu.memref_squeeze %dma_wait3A_824 : memref<1x1x1x8x128xf32, #tpu.memory_space<hbm>> -> memref<8x128xf32, #tpu.memory_space<hbm>>
    %dma_wait3A_826 = arith.constant 40 : i32
    %dma_wait3A_827 = arith.constant 0 : i32
    %dma_wait3A_828 = tpu.memref_slice %arg7[%dma_wait3A_810, %dma_wait3A_826, %dma_wait3A_827] : memref<5x64x129xf32, #tpu.memory_space<vmem>> -> memref<1x8x128xf32, #tpu.memory_space<vmem>>
    %dma_wait3A_829 = tpu.memref_squeeze %dma_wait3A_828 : memref<1x8x128xf32, #tpu.memory_space<vmem>> -> memref<8x128xf32, #tpu.memory_space<vmem>>
    tpu.wait_dma2 semaphore(%arg9 : memref<!tpu.dma_semaphore, #tpu.memory_space<semaphore_mem>>) src(%dma_wait3A_829 : memref<8x128xf32, #tpu.memory_space<vmem>>) dst(%dma_wait3A_825 : memref<8x128xf32, #tpu.memory_space<hbm>>)
    %dma_wait3A_830 = arith.constant 4 : i32
    %dma_wait3A_831 = arith.constant 0 : i32
    %dma_wait3A_832 = arith.constant 0 : i32
    %dma_wait3A_833 = arith.constant 0 : i32
    %dma_wait3A_834 = arith.constant 48 : i32
    %dma_wait3A_835 = arith.constant 0 : i32
    %dma_wait3A_836 = tpu.memref_slice %arg7[%dma_wait3A_830, %dma_wait3A_834, %dma_wait3A_835] : memref<5x64x129xf32, #tpu.memory_space<vmem>> -> memref<1x8x128xf32, #tpu.memory_space<vmem>>
    %dma_wait3A_837 = tpu.memref_squeeze %dma_wait3A_836 : memref<1x8x128xf32, #tpu.memory_space<vmem>> -> memref<8x128xf32, #tpu.memory_space<vmem>>
    %dma_wait3A_838 = arith.constant 0 : i32
    %dma_wait3A_839 = arith.constant 0 : i32
    %dma_wait3A_840 = tpu.memref_slice %arg4[%dma_wait3A_831, %dma_wait3A_832, %dma_wait3A_833, %dma_wait3A_838, %dma_wait3A_839] : memref<50x8x32x8x128xf32, #tpu.memory_space<hbm>> -> memref<1x1x1x8x128xf32, #tpu.memory_space<hbm>>
    %dma_wait3A_841 = tpu.memref_squeeze %dma_wait3A_840 : memref<1x1x1x8x128xf32, #tpu.memory_space<hbm>> -> memref<8x128xf32, #tpu.memory_space<hbm>>
    %dma_wait3A_842 = arith.constant 0 : i32
    %dma_wait3A_843 = arith.constant 0 : i32
    %dma_wait3A_844 = tpu.memref_slice %arg4[%dma_wait3A_831, %dma_wait3A_832, %dma_wait3A_833, %dma_wait3A_842, %dma_wait3A_843] : memref<50x8x32x8x128xf32, #tpu.memory_space<hbm>> -> memref<1x1x1x8x128xf32, #tpu.memory_space<hbm>>
    %dma_wait3A_845 = tpu.memref_squeeze %dma_wait3A_844 : memref<1x1x1x8x128xf32, #tpu.memory_space<hbm>> -> memref<8x128xf32, #tpu.memory_space<hbm>>
    %dma_wait3A_846 = arith.constant 48 : i32
    %dma_wait3A_847 = arith.constant 0 : i32
    %dma_wait3A_848 = tpu.memref_slice %arg7[%dma_wait3A_830, %dma_wait3A_846, %dma_wait3A_847] : memref<5x64x129xf32, #tpu.memory_space<vmem>> -> memref<1x8x128xf32, #tpu.memory_space<vmem>>
    %dma_wait3A_849 = tpu.memref_squeeze %dma_wait3A_848 : memref<1x8x128xf32, #tpu.memory_space<vmem>> -> memref<8x128xf32, #tpu.memory_space<vmem>>
    tpu.wait_dma2 semaphore(%arg9 : memref<!tpu.dma_semaphore, #tpu.memory_space<semaphore_mem>>) src(%dma_wait3A_849 : memref<8x128xf32, #tpu.memory_space<vmem>>) dst(%dma_wait3A_845 : memref<8x128xf32, #tpu.memory_space<hbm>>)
    %dma_wait3A_850 = arith.constant 4 : i32
    %dma_wait3A_851 = arith.constant 0 : i32
    %dma_wait3A_852 = arith.constant 0 : i32
    %dma_wait3A_853 = arith.constant 0 : i32
    %dma_wait3A_854 = arith.constant 56 : i32
    %dma_wait3A_855 = arith.constant 0 : i32
    %dma_wait3A_856 = tpu.memref_slice %arg7[%dma_wait3A_850, %dma_wait3A_854, %dma_wait3A_855] : memref<5x64x129xf32, #tpu.memory_space<vmem>> -> memref<1x8x128xf32, #tpu.memory_space<vmem>>
    %dma_wait3A_857 = tpu.memref_squeeze %dma_wait3A_856 : memref<1x8x128xf32, #tpu.memory_space<vmem>> -> memref<8x128xf32, #tpu.memory_space<vmem>>
    %dma_wait3A_858 = arith.constant 0 : i32
    %dma_wait3A_859 = arith.constant 0 : i32
    %dma_wait3A_860 = tpu.memref_slice %arg4[%dma_wait3A_851, %dma_wait3A_852, %dma_wait3A_853, %dma_wait3A_858, %dma_wait3A_859] : memref<50x8x32x8x128xf32, #tpu.memory_space<hbm>> -> memref<1x1x1x8x128xf32, #tpu.memory_space<hbm>>
    %dma_wait3A_861 = tpu.memref_squeeze %dma_wait3A_860 : memref<1x1x1x8x128xf32, #tpu.memory_space<hbm>> -> memref<8x128xf32, #tpu.memory_space<hbm>>
    %dma_wait3A_862 = arith.constant 0 : i32
    %dma_wait3A_863 = arith.constant 0 : i32
    %dma_wait3A_864 = tpu.memref_slice %arg4[%dma_wait3A_851, %dma_wait3A_852, %dma_wait3A_853, %dma_wait3A_862, %dma_wait3A_863] : memref<50x8x32x8x128xf32, #tpu.memory_space<hbm>> -> memref<1x1x1x8x128xf32, #tpu.memory_space<hbm>>
    %dma_wait3A_865 = tpu.memref_squeeze %dma_wait3A_864 : memref<1x1x1x8x128xf32, #tpu.memory_space<hbm>> -> memref<8x128xf32, #tpu.memory_space<hbm>>
    %dma_wait3A_866 = arith.constant 56 : i32
    %dma_wait3A_867 = arith.constant 0 : i32
    %dma_wait3A_868 = tpu.memref_slice %arg7[%dma_wait3A_850, %dma_wait3A_866, %dma_wait3A_867] : memref<5x64x129xf32, #tpu.memory_space<vmem>> -> memref<1x8x128xf32, #tpu.memory_space<vmem>>
    %dma_wait3A_869 = tpu.memref_squeeze %dma_wait3A_868 : memref<1x8x128xf32, #tpu.memory_space<vmem>> -> memref<8x128xf32, #tpu.memory_space<vmem>>
    tpu.wait_dma2 semaphore(%arg9 : memref<!tpu.dma_semaphore, #tpu.memory_space<semaphore_mem>>) src(%dma_wait3A_869 : memref<8x128xf32, #tpu.memory_space<vmem>>) dst(%dma_wait3A_865 : memref<8x128xf32, #tpu.memory_space<hbm>>)
    return
  }
}

</mosaic_0001>

<sc_bundles>
// kernel: kernel.3.cloned.1.call-start
scs
__scs_entry_jumppad:
0x0: {  	(pc) =	sbr.rel $0x88, $3  }
0x1: {  	(tag) =	ssettag $0x0;
	lr =	simm.s32 $0x1  }
0x2: {  	[smem:$0x3F9F] =	sst lr;
	_ =	strace $0xD0000000  }
0x3: {  	_ = 	snop  }
0x4: {  	_ = 	snop  }
0x5: {  	_ = 	snop  }
0x6: {  	_ = 	snop  }
0x7: {  	_ = 	snop  }
__scs_overlays_trampoline_lowered:
0x8: {  	[smem:$0x3FAE] =	sst s0  }
0x9: {  	[smem:$0x3FAF] =	sst s1  }
0xa: {  	[smem:$0x3FB0] =	sst s2  }
0xb: {  	[smem:$0x3FB1] =	sst s3  }
0xc: {  	[smem:$0x3FB2] =	sst s4  }
0xd: {  	[smem:$0x3FB3] =	sst s5  }
0xe: {  	[smem:$0x3FB4] =	sst s6  }
0xf: {  	[smem:$0x3FB5] =	sst s7  }
0x10: {  	[smem:$0x3FB6] =	sst s8  }
0x11: {  	[smem:$0x3FB7] =	sst s9;
	s0 =	simm.s32 @!p0 $0x0  }
0x12: {  	s1 =	sld [smem:$0x3F9D];
	s0 =	simm.s32 @p0 $0x1  }
0x13: {  	[smem:$0x3FB8] =	sst s0;
	s0 =	simm.s32 @!p1 $0x0  }
0x14: {  	s2 =	sld [smem:$0x3F9C];
	s0 =	simm.s32 @p1 $0x1  }
0x15: {  	[smem:$0x3FB9] =	sst s0;
	s0 =	simm.s32 @!p2 $0x0  }
0x16: {  	s3 =	sld [smem:$0x3FDB];
	s0 =	simm.s32 @p2 $0x1  }
0x17: {  	s4 =	simm.s32 $0x1BF5;
	[smem:$0x3FBB] =	sst s0  }
0x18: {  	s0 =	sld [smem:$0x3F9E];
	_ =	swait.ge [sflag:s4], $0x0  }
0x19: {  	s7 =	sld [smem:$0x3F9F]  }
0x1a: {  	s8 =	sadd.s32 $0xFFFFE003, lr  }
0x1b: {  	s9 =	sadd.s32 $0xFFFFFEF7, lr;
	s5 =	simm.s32 $0xFFFFFFFF;
	p2 =	slt.u32 s8, $0xFFFFF086  }
0x1c: {  	p1 =	slt.u32 s9, $0xF7A;
	s5 =	simm.s32 @!p2 $0x0  }
0x1d: {  	s5 =	simm.s32 @p1 $0x1;
	p0 =	seq.s32 s7, s2  }
0x1e: {  	s7 =	smul.u32 @!p0 $0xF7A, s2;
	p2 =	seq.s32 @!p0 s5, $0x0  }
0x1f: {  	s9 =	smul.u32 $0xF7A, s1;
	s8 =	simm.s32 @!p0 $0x1BF5;
	p2 =	por !p2, p0  }
0x20: {  	[sflag:s8] =	ssyncset.s32 @!p0 $0xFFFFF086;
	s6 =	sadd.s32 @!p0 s3, s7;
	s7 =	simm.s32 @!p0 $0x108  }
0x21: {  	s3 =	sadd.s32 s3, s9;
	s6 =	sadd.s32 @!p0 $0x88, s6;
	s7 =	simm.s32 @p2 $0x1082  }
0x22: {  	[simem:s7], [sflag:s8] =	dma.local @!p0 [hbm:s6], $0xF7A  }
0x23: {  	s9 =	sor.u32 $0xD0000000, s2;
	s6 =	simm.s32 $0x108;
	_ =	swait.ge @!p0 [sflag:s8], $0x0  }
0x24: {  	s3 =	sadd.s32 $0x88, s3;
	s6 =	simm.s32 @!p1 $0x1082;
	[sflag:s4] =	ssyncset.s32 $0xFFFFF086  }
0x25: {  	[simem:s6], [sflag:s4] =	dma.local [hbm:s3], $0xF7A  }
0x26: {  	[smem:$0x3F9F] =	sst s1;
	(tag) =	ssettag s2;
	_ =	strace s9  }
0x27: {  	s1 =	sld [smem:$0x3FAF]  }
0x28: {  	s2 =	sld [smem:$0x3FB0]  }
0x29: {  	s4 =	sld [smem:$0x3FB2]  }
0x2a: {  	p0 =	seq.s32 s5, $0x0;
	s5 =	sld [smem:$0x3FB3]  }
0x2b: {  	s6 =	sld [smem:$0x3FB4]  }
0x2c: {  	s7 =	sld [smem:$0x3FB5]  }
0x2d: {  	s3 =	simm.s32 $0x108;
	s8 =	sld [smem:$0x3FB6]  }
0x2e: {  	s3 =	simm.s32 @!p0 $0x1082;
	s9 =	sld [smem:$0x3FB7]  }
0x2f: {  	lr =	sadd.s32 s0, s3;
	s0 =	sld [smem:$0x3FAE]  }
0x30: {  	s3 =	sld [smem:$0x3FB1]  }
0x31: {  	[smem:$0x3FBA] =	sst s10  }
0x32: {  	s10 =	sld [smem:$0x3FB8];
	_ =	sdelay $0x3  }
0x33: {  	p0 =	seq.s32 s10, $0x1;
	s10 =	sld [smem:$0x3FBA];
	_ =	sdelay $0x3  }
0x34: {  	[smem:$0x3FBA] =	sst s10  }
0x35: {  	s10 =	sld [smem:$0x3FB9];
	_ =	sdelay $0x3  }
0x36: {  	p1 =	seq.s32 s10, $0x1;
	s10 =	sld [smem:$0x3FBA];
	_ =	sdelay $0x3  }
0x37: {  	[smem:$0x3FBA] =	sst s10  }
0x38: {  	s10 =	sld [smem:$0x3FBB]  }
0x39: {  	_ = 	snop;
	(pc) =	sbr.ind lr, $3  }
0x3a: {  	_ = 	snop  }
0x3b: {  	_ = 	snop  }
0x3c: {  	p2 =	seq.s32 s10, $0x1;
	s10 =	sld [smem:$0x3FBA]  }
0x3d: {  	_ =	shalt  }
0x3e: {  	_ =	shalt  }
0x3f: {  	_ =	shalt  }
0x40: {  	_ =	shalt  }
0x41: {  	_ =	shalt  }
0x42: {  	_ =	shalt  }
0x43: {  	_ =	shalt  }
0x44: {  	_ =	shalt  }
0x45: {  	_ =	shalt  }
0x46: {  	_ =	shalt  }
0x47: {  	_ =	shalt  }
0x48: {  	_ =	shalt  }
0x49: {  	_ =	shalt  }
0x4a: {  	_ =	shalt  }
0x4b: {  	_ =	shalt  }
0x4c: {  	_ =	shalt  }
0x4d: {  	_ =	shalt  }
0x4e: {  	_ =	shalt  }
0x4f: {  	_ =	shalt  }
0x50: {  	_ =	shalt  }
0x51: {  	_ =	shalt  }
0x52: {  	_ =	shalt  }
0x53: {  	_ =	shalt  }
0x54: {  	_ =	shalt  }
0x55: {  	_ =	shalt  }
0x56: {  	_ =	shalt  }
0x57: {  	_ =	shalt  }
0x58: {  	_ =	shalt  }
0x59: {  	_ =	shalt  }
0x5a: {  	_ =	shalt  }
0x5b: {  	_ =	shalt  }
0x5c: {  	_ =	shalt  }
0x5d: {  	_ =	shalt  }
0x5e: {  	_ =	shalt  }
0x5f: {  	_ =	shalt  }
0x60: {  	_ =	shalt  }
0x61: {  	_ =	shalt  }
0x62: {  	_ =	shalt  }
0x63: {  	_ =	shalt  }
0x64: {  	_ =	shalt  }
0x65: {  	_ =	shalt  }
0x66: {  	_ =	shalt  }
0x67: {  	_ =	shalt  }
0x68: {  	_ =	shalt  }
0x69: {  	_ =	shalt  }
0x6a: {  	_ =	shalt  }
0x6b: {  	_ =	shalt  }
0x6c: {  	_ =	shalt  }
0x6d: {  	_ =	shalt  }
0x6e: {  	_ =	shalt  }
0x6f: {  	_ =	shalt  }
0x70: {  	_ =	shalt  }
0x71: {  	_ =	shalt  }
0x72: {  	_ =	shalt  }
0x73: {  	_ =	shalt  }
0x74: {  	_ =	shalt  }
0x75: {  	_ =	shalt  }
0x76: {  	_ =	shalt  }
0x77: {  	_ =	shalt  }
0x78: {  	_ =	shalt  }
0x79: {  	_ =	shalt  }
0x7a: {  	_ =	shalt  }
0x7b: {  	_ =	shalt  }
0x7c: {  	_ =	shalt  }
0x7d: {  	_ =	shalt  }
0x7e: {  	_ =	shalt  }
0x7f: {  	_ =	shalt  }
0x80: {  	_ =	shalt  }
0x81: {  	_ =	shalt  }
0x82: {  	_ =	shalt  }
0x83: {  	_ =	shalt  }
0x84: {  	_ =	shalt  }
0x85: {  	_ =	shalt  }
0x86: {  	_ =	shalt  }
0x87: {  	_ =	shalt  }
.Lfunc_end0:
.L_simem_size_0:
called_computation_lowered:
.L_overlay_start_0:
0x88: {  	s2 =	sld [smem:$0x3FD9]  }
0x89: {  	s3 =	sld [smem:$0x3FFE];
	_ =	sdelay $0x1  }
0x8a: {  	s1 =	srdreg.scid  }
0x8b: {  	s0 =	sand.u32 $0x1, s1  }
0x8c: {  	s17 =	sshll.u32 s0, $0xA;
	s2 =	sadd.s32 s3, s2  }
0x8d: {  	s2 =	sadd.s32 s2, s17  }
0x8e: {  	[smem:$0x3FC6] =	sst s2  }
0x8f: {  	_ = 	snop  }
0x90: {  	s2 =	sld [smem:$0x3FD0];
	(tm) =	ssettm $0x1  }
0x91: {  	s18 =	sld [smem:$0x3FFB];
	_ =	sdelay $0x3  }
0x92: {  	_ =	strace s18  }
0x93: {  	s3 =	sld [smem:$0x3FFC];
	_ =	sdelay $0x3  }
0x94: {  	_ =	strace s3  }
0x95: {  	s3 =	sld [smem:$0x3FFD];
	_ =	sdelay $0x3  }
0x96: {  	_ =	strace s3  }
0x97: {  	_ =	strace $0x8FFFFFFF  }
0x98: {  	s19 =	sld [smem:$0x3FDB];
	_ =	sdelay $0x1  }
0x99: {  	s4 =	simm.s32 $_scs_section_size  }
0x9a: {  	s5 =	simm.s32 $_size__tile_overlayer_lowered;
	s6 =	simm.s32 $_tile_overlayer_lowered  }
0x9b: {  	s22 =	simm.s32 $0x1BFF;
	s21 =	sshll.u32 s6, $0x1;
	s3 =	sadd.s32 s4, s19  }
0x9c: {  	s7 =	simm.s32 $0x0;
	s20 =	sshll.u32 s5, $0x1;
	s5 =	sadd.s32 s21, s3  }
0x9d: {  	[timem:s7], [sflag:s22] =	dma.local [hbm:s5], s20  }
0x9e: {  	_ =	swait.ge [sflag:s22], s20  }
0x9f: {  	s4 =	ssub.s32 $0x0, s20;
	[sflag:s22] =	ssyncset.done $0x0  }
0xa0: {  	[sflag:s22] =	ssyncadd.s32 s4;
	_ =	sdelay $0x1  }
0xa1: {  	s23 =	simm.s32 $0x1B8B  }
0xa2: {  	_ =	swait.ge [sflag:s23], $0x1  }
0xa3: {  	[sflag:s23] =	ssyncset.done $0x0  }
0xa4: {  	s25 =	simm.s32 $0x1B8E;
	s24 =	sld [smem:$0x3FFE];
	[sflag:s23] =	ssyncadd.s32 $0xFFFFFFFF  }
0xa5: {  	s26 =	simm.s32 $execute0_lowered;
	[smem:$0x3FD2] =	sst s25  }
0xa6: {  	s5 =	sshll.u32 s26, $0x1;
	_ =	strace $0x80000046;
	[dreg:$0x1] =	wrdreg $0xFFFFFFFF  }
0xa7: {  	s28 =	simm.s32 $_size_execute0_lowered;
	s3 =	sadd.s32 s3, s5;
	[dreg:$0x0] =	wrdreg $0x0  }
0xa8: {  	s5 =	sshll.u32 s28, $0x1;
	[dreg:$0x2] =	wrdreg s3  }
0xa9: {  	[dreg:$0x3] =	wrdreg s5  }
0xaa: {  	[dreg:$0x4] =	wrdreg $0xC0  }
0xab: {  	_ =	task [dreg:s7], $0x5FFFF  }
0xac: {  	[dreg:$0x1] =	wrdreg $0xFFFFFFFF  }
0xad: {  	[dreg:$0x0] =	wrdreg $0x60  }
0xae: {  	[dreg:$0x2] =	wrdreg s24  }
0xaf: {  	[dreg:$0x3] =	wrdreg s2  }
0xb0: {  	[dreg:$0x4] =	wrdreg $0x9  }
0xb1: {  	_ =	task.clear_ibuf [dreg:s7], $0x5FFFF;
	_ =	strace $0x90000046  }
0xb2: {  	s29 =	simm.s32 $0x9;
	_ =	strace $0x80000048  }
0xb3: {  	_ =	swait.ge [sflag:s29], $0x1  }
0xb4: {  	[sflag:s29] =	ssyncadd.s32 $0xFFFFFFFF  }
0xb5: {  	_ =	strace $0x90000048  }
0xb6: {  	_ =	sfence  }
0xb7: {  	s30 =	sld [smem:$0x0];
	_ =	sdelay $0x2  }
0xb8: {  	s31 =	sshll.u32 s1, $0xD;
	s1 =	sshrl.u32 s1, $0x2  }
0xb9: {  	s3 =	sand.u32 $0x4000, s31;
	s1 =	sadd.s32 s1, s30  }
0xba: {  	s0 =	sor.u32 s3, s0;
	s1 =	sshll.u32 s1, $0x11  }
0xbb: {  	s0 =	sor.u32 s1, s0  }
0xbc: {  	s0 =	sadd.s32 $0x8F2B, s0  }
0xbd: {  	[sflag:s0] =	ssyncadd.remote.s32 $0x1  }
0xbe: {  	_ =	sfence.sel $0xFFFF  }
0xbf: {  	[dreg:$0x0] =	wrdreg $0xFFFFFFFF;
	(pc) =	sbr.abs _section_cstart, $3  }
0xc0: {  	[dreg:$0x1] =	wrdreg $0xFFFFFFFF  }
0xc1: {  	_ =	task.clear_ibuf [dreg:s7], $0x2FFFF;
	_ =	strace $0x9FFFFFFF  }
0xc2: {  	(tm) =	ssettm $0x7FFFFFFF  }
0xc3: {  	_ =	shalt  }
tec
execute0_lowered:
.L_overlay_start_1:
0x0: {  	(tag) =	ssettag $0x1  }
0x1: {  	s0 =	rddreg [dreg:$0x0];
	s1 =	srdreg.scid  }
0x2: {  	s3 =	stileid.u32;
	s2 =	rddreg [dreg:$0x1]  }
0x3: {  	s20 =	simm.s32 $0x80;
	s30 =	simm.s32 $0x1;
	s31 =	simm.s32 $0xB900  }
0x4: {  	s29 =	simm.s32 $0xDB00;
	s21 =	simm.s32 $0xFD00;
	s23 =	simm.s32 $0x14100  }
0x5: {  	s24 =	simm.s32 $0x16278;
	s1 =	sand.u32 $0x1, s1;
	s4 =	sshll.u32 s3, $0x1  }
0x6: {  	s3 =	simm.s32 $0x0;
	s7 =	sadd.s32 $0x1000, s2;
	s8 =	sadd.s32 $0x2000, s2  }
0x7: {  	s9 =	sadd.s32 $0x3000, s2;
	s10 =	sadd.s32 $0x4000, s2;
	s11 =	sadd.s32 $0x5000, s2  }
0x8: {  	s12 =	sadd.s32 $0x6000, s2;
	s13 =	sadd.s32 $0x7000, s2;
	s5 =	sor.u32 s1, s4  }
0x9: {  	[smem:$0x7FF] =	sst s3;
	s1 =	ssub.s32 $0x2, s1;
	s4 =	smul.u32 $0x320, s5  }
0xa: {  	_ =	strace $0x80000047;
	s26 =	sshrl.u32 s1, $0x1;
	s5 =	smul.u32 $0x32, s5  }
.Ltmp0:
0xb: {  	s6 =	sadd.s32 s4, s0;
	s4 =	sadd.s32 $0x6800, s0;
	(pc) =	sbr.rel .LBB2_1-.Ltmp0, $4  }
0xc: {  	v0 =	vlaneseq.u32;
	s0 =	ssub.s32 s1, s26;
	s14 =	sor.u32 $0x1, s5;
	s15 =	sadd.s32 $0x2, s5  }
0xd: {  	v0 =	vmul.u32 $0x88, v0;
	s16 =	sadd.s32 $0x3, s5;
	s17 =	sadd.s32 $0x4, s5;
	s28 =	sadd.s32 $0x400, s6  }
0xe: {  	s26 =	simm.s32 $0x2;
	s0 =	smax.u32 s0, $0x1;
	[dreg:$0x3] =	wrdreg s28  }
0xf: {  	v1 =	vadd.s32 $0x880, v0;
	v2 =	vadd.s32 $0x1100, v0;
	v3 =	vadd.s32 $0x1980, v0;
	s6 =	simm.s32 $0x0;
	[dreg:$0x4] =	wrdreg s0;
	s0 =	simm.s32 $0x11F00  }
.LBB2_30:
0x10: {  	_ =	swait.ge [sflag:s26], $0x400  }
0x11: {  	[sflag:s26] =	ssyncset.done $0x0  }
0x12: {  	[sflag:s26] =	ssyncadd.s32 $0xFFFFFC00  }
0x13: {  	_ =	swait.ge [sflag:s26], $0x400  }
0x14: {  	[sflag:s26] =	ssyncset.done $0x0  }
0x15: {  	[sflag:s26] =	ssyncadd.s32 $0xFFFFFC00  }
0x16: {  	_ =	swait.ge [sflag:s26], $0x400  }
0x17: {  	[sflag:s26] =	ssyncset.done $0x0  }
0x18: {  	[sflag:s26] =	ssyncadd.s32 $0xFFFFFC00  }
0x19: {  	_ =	swait.ge [sflag:s26], $0x400  }
0x1a: {  	[sflag:s26] =	ssyncset.done $0x0  }
0x1b: {  	[sflag:s26] =	ssyncadd.s32 $0xFFFFFC00  }
0x1c: {  	_ =	swait.ge [sflag:s26], $0x400  }
0x1d: {  	[sflag:s26] =	ssyncset.done $0x0  }
0x1e: {  	[sflag:s26] =	ssyncadd.s32 $0xFFFFFC00  }
0x1f: {  	_ =	swait.ge [sflag:s26], $0x400  }
0x20: {  	[sflag:s26] =	ssyncset.done $0x0  }
0x21: {  	[sflag:s26] =	ssyncadd.s32 $0xFFFFFC00  }
0x22: {  	_ =	swait.ge [sflag:s26], $0x400  }
0x23: {  	[sflag:s26] =	ssyncset.done $0x0  }
0x24: {  	[sflag:s26] =	ssyncadd.s32 $0xFFFFFC00  }
0x25: {  	_ =	swait.ge [sflag:s26], $0x400  }
0x26: {  	[sflag:s26] =	ssyncset.done $0x0  }
0x27: {  	[sflag:s26] =	ssyncadd.s32 $0xFFFFFC00  }
0x28: {  	_ =	swait.ge [sflag:s26], $0x400  }
0x29: {  	[sflag:s26] =	ssyncset.done $0x0  }
0x2a: {  	[sflag:s26] =	ssyncadd.s32 $0xFFFFFC00  }
0x2b: {  	_ =	swait.ge [sflag:s26], $0x400  }
0x2c: {  	[sflag:s26] =	ssyncset.done $0x0  }
0x2d: {  	[sflag:s26] =	ssyncadd.s32 $0xFFFFFC00  }
0x2e: {  	_ =	swait.ge [sflag:s26], $0x400  }
0x2f: {  	[sflag:s26] =	ssyncset.done $0x0  }
0x30: {  	[sflag:s26] =	ssyncadd.s32 $0xFFFFFC00  }
0x31: {  	_ =	swait.ge [sflag:s26], $0x400  }
0x32: {  	[sflag:s26] =	ssyncset.done $0x0  }
0x33: {  	[sflag:s26] =	ssyncadd.s32 $0xFFFFFC00  }
0x34: {  	_ =	swait.ge [sflag:s26], $0x400  }
0x35: {  	[sflag:s26] =	ssyncset.done $0x0  }
0x36: {  	[sflag:s26] =	ssyncadd.s32 $0xFFFFFC00  }
0x37: {  	_ =	swait.ge [sflag:s26], $0x400  }
0x38: {  	[sflag:s26] =	ssyncset.done $0x0  }
0x39: {  	[sflag:s26] =	ssyncadd.s32 $0xFFFFFC00  }
0x3a: {  	_ =	swait.ge [sflag:s26], $0x400  }
0x3b: {  	[sflag:s26] =	ssyncset.done $0x0  }
0x3c: {  	[sflag:s26] =	ssyncadd.s32 $0xFFFFFC00  }
0x3d: {  	_ =	swait.ge [sflag:s26], $0x400  }
0x3e: {  	[sflag:s26] =	ssyncset.done $0x0  }
0x3f: {  	[sflag:s26] =	ssyncadd.s32 $0xFFFFFC00  }
0x40: {  	_ =	swait.ge [sflag:s26], $0x400  }
0x41: {  	[sflag:s26] =	ssyncset.done $0x0  }
0x42: {  	[sflag:s26] =	ssyncadd.s32 $0xFFFFFC00  }
0x43: {  	_ =	swait.ge [sflag:s26], $0x400  }
0x44: {  	[sflag:s26] =	ssyncset.done $0x0  }
0x45: {  	[sflag:s26] =	ssyncadd.s32 $0xFFFFFC00  }
0x46: {  	_ =	swait.ge [sflag:s26], $0x400  }
0x47: {  	[sflag:s26] =	ssyncset.done $0x0  }
0x48: {  	[sflag:s26] =	ssyncadd.s32 $0xFFFFFC00  }
0x49: {  	_ =	swait.ge [sflag:s26], $0x400  }
0x4a: {  	[sflag:s26] =	ssyncset.done $0x0  }
0x4b: {  	[sflag:s26] =	ssyncadd.s32 $0xFFFFFC00  }
0x4c: {  	_ =	swait.ge [sflag:s26], $0x400  }
0x4d: {  	[sflag:s26] =	ssyncset.done $0x0  }
0x4e: {  	[sflag:s26] =	ssyncadd.s32 $0xFFFFFC00  }
0x4f: {  	_ =	swait.ge [sflag:s26], $0x400  }
0x50: {  	[sflag:s26] =	ssyncset.done $0x0  }
0x51: {  	[sflag:s26] =	ssyncadd.s32 $0xFFFFFC00  }
0x52: {  	_ =	swait.ge [sflag:s26], $0x400  }
0x53: {  	[sflag:s26] =	ssyncset.done $0x0  }
0x54: {  	[sflag:s26] =	ssyncadd.s32 $0xFFFFFC00  }
0x55: {  	_ =	swait.ge [sflag:s26], $0x400  }
0x56: {  	[sflag:s26] =	ssyncset.done $0x0  }
0x57: {  	[sflag:s26] =	ssyncadd.s32 $0xFFFFFC00  }
0x58: {  	_ =	swait.ge [sflag:s26], $0x400  }
0x59: {  	[sflag:s26] =	ssyncset.done $0x0  }
0x5a: {  	[sflag:s26] =	ssyncadd.s32 $0xFFFFFC00  }
0x5b: {  	_ =	swait.ge [sflag:s26], $0x400  }
0x5c: {  	[sflag:s26] =	ssyncset.done $0x0  }
0x5d: {  	[sflag:s26] =	ssyncadd.s32 $0xFFFFFC00  }
0x5e: {  	_ =	swait.ge [sflag:s26], $0x400  }
0x5f: {  	[sflag:s26] =	ssyncset.done $0x0  }
0x60: {  	[sflag:s26] =	ssyncadd.s32 $0xFFFFFC00  }
0x61: {  	_ =	swait.ge [sflag:s26], $0x400  }
0x62: {  	[sflag:s26] =	ssyncset.done $0x0  }
0x63: {  	[sflag:s26] =	ssyncadd.s32 $0xFFFFFC00  }
0x64: {  	_ =	swait.ge [sflag:s26], $0x400  }
0x65: {  	[sflag:s26] =	ssyncset.done $0x0  }
0x66: {  	[sflag:s26] =	ssyncadd.s32 $0xFFFFFC00  }
0x67: {  	_ =	swait.ge [sflag:s26], $0x400  }
0x68: {  	[sflag:s26] =	ssyncset.done $0x0  }
0x69: {  	[sflag:s26] =	ssyncadd.s32 $0xFFFFFC00  }
0x6a: {  	_ =	swait.ge [sflag:s26], $0x400  }
0x6b: {  	[sflag:s26] =	ssyncset.done $0x0  }
0x6c: {  	[sflag:s26] =	ssyncadd.s32 $0xFFFFFC00  }
0x6d: {  	_ =	swait.ge [sflag:s26], $0x400  }
0x6e: {  	[sflag:s26] =	ssyncset.done $0x0  }
0x6f: {  	[sflag:s26] =	ssyncadd.s32 $0xFFFFFC00  }
0x70: {  	_ =	swait.ge [sflag:s26], $0x400  }
0x71: {  	[sflag:s26] =	ssyncset.done $0x0  }
0x72: {  	[sflag:s26] =	ssyncadd.s32 $0xFFFFFC00  }
0x73: {  	_ =	swait.ge [sflag:s26], $0x400  }
0x74: {  	[sflag:s26] =	ssyncset.done $0x0  }
0x75: {  	[sflag:s26] =	ssyncadd.s32 $0xFFFFFC00  }
0x76: {  	_ =	swait.ge [sflag:s26], $0x400  }
0x77: {  	[sflag:s26] =	ssyncset.done $0x0  }
0x78: {  	[sflag:s26] =	ssyncadd.s32 $0xFFFFFC00  }
0x79: {  	_ =	swait.ge [sflag:s26], $0x400  }
0x7a: {  	[sflag:s26] =	ssyncset.done $0x0  }
0x7b: {  	[sflag:s26] =	ssyncadd.s32 $0xFFFFFC00  }
0x7c: {  	_ =	swait.ge [sflag:s26], $0x400  }
0x7d: {  	[sflag:s26] =	ssyncset.done $0x0  }
0x7e: {  	[sflag:s26] =	ssyncadd.s32 $0xFFFFFC00  }
0x7f: {  	_ =	swait.ge [sflag:s26], $0x400  }
0x80: {  	[sflag:s26] =	ssyncset.done $0x0  }
0x81: {  	[sflag:s26] =	ssyncadd.s32 $0xFFFFFC00  }
0x82: {  	_ =	swait.ge [sflag:s26], $0x400  }
0x83: {  	[sflag:s26] =	ssyncset.done $0x0  }
0x84: {  	[sflag:s26] =	ssyncadd.s32 $0xFFFFFC00  }
0x85: {  	_ =	swait.ge [sflag:s26], $0x400  }
0x86: {  	s6 =	rddreg [dreg:$0x5]  }
0x87: {  	s1 =	rddreg [dreg:$0x4];
	s6 =	sadd.s32 $0x1, s6  }
0x88: {  	p0 =	sne.s32 s6, s1  }
.Ltmp1:
0x89: {  	_ = 	snop;
	(pc) =	sbr.rel @!p0 .LBB2_31-.Ltmp1, $3  }
0x8a: {  	_ =	sdelay $0x1  }
0x8b: {  	[sflag:s26] =	ssyncset.done $0x0  }
0x8c: {  	[sflag:s26] =	ssyncadd.s32 $0xFFFFFC00  }
.LBB2_1:
0x8d: {  	[dreg:$0x5] =	wrdreg s6  }
0x8e: {  	s1 =	rddreg [dreg:$0x3];
	s22 =	simm.s32 $0x3  }
0x8f: {  	[tilespmem:s3], [sflag:$0x3] =	stream.linear.gather [hbm4b:s1+s3], $0x1900, $0x38;
	[tilespmem:$0x16300] =	vst v63  }
0x90: {  	_ =	swait.ge [sflag:s22], $0x1900  }
0x91: {  	[sflag:s22] =	ssyncset.done $0x0  }
0x92: {  	s25 =	simm.s32 $0x1900;
	[sflag:s22] =	ssyncadd.s32 $0xFFFFE700  }
0x93: {  	[tilespmem:s25], [sflag:$0x1] =	stream.indirect.gather [hbm4b:s4+s20], $0x40, s3, s20, $0xb8;
	[tilespmem:$0x16300] =	vst v63  }
0x94: {  	s28 =	simm.s32 $0x3900  }
0x95: {  	[tilespmem:s28], [sflag:$0x1] =	stream.indirect.gather [hbm4b:s4+s20], $0x40, s20, s20, $0xb8;
	[tilespmem:$0x16300] =	vst v63  }
0x96: {  	s6 =	simm.s32 $0x100;
	s18 =	simm.s32 $0x5900  }
0x97: {  	[tilespmem:s18], [sflag:$0x1] =	stream.indirect.gather [hbm4b:s4+s20], $0x40, s6, s20, $0xb8;
	[tilespmem:$0x16300] =	vst v63  }
0x98: {  	s19 =	simm.s32 $0x180;
	s22 =	simm.s32 $0x7900  }
0x99: {  	[tilespmem:s22], [sflag:$0x1] =	stream.indirect.gather [hbm4b:s4+s20], $0x40, s19, s20, $0xb8;
	[tilespmem:$0x16300] =	vst v63  }
0x9a: {  	s1 =	simm.s32 $0x0;
	s25 =	simm.s32 $0x200;
	s28 =	simm.s32 $0x9900  }
0x9b: {  	[tilespmem:s28], [sflag:$0x1] =	stream.indirect.gather [hbm4b:s4+s20], $0x40, s25, s20, $0xb8;
	[tilespmem:$0x16300] =	vst v63  }
.LBB2_2:
0x9c: {  	_ =	swait.ge [sflag:s30], $0x2000  }
0x9d: {  	p0 =	seq.s32 s1, $0x0;
	[sflag:s30] =	ssyncset.done $0x0  }
0x9e: {  	s6 =	simm.s32 @!p0 $0x2;
	[sflag:s30] =	ssyncadd.s32 $0xFFFFE000  }
0x9f: {  	_ =	swait.ge @!p0 [sflag:s6], $0x400  }
0xa0: {  	[sflag:s6] =	ssyncset.done @!p0 $0x0  }
0xa1: {  	[sflag:s6] =	ssyncadd.s32 @!p0 $0xFFFFFC00  }
0xa2: {  	_ =	swait.ge @!p0 [sflag:s6], $0x400  }
0xa3: {  	[sflag:s6] =	ssyncset.done @!p0 $0x0  }
0xa4: {  	[sflag:s6] =	ssyncadd.s32 @!p0 $0xFFFFFC00  }
0xa5: {  	_ =	swait.ge @!p0 [sflag:s6], $0x400  }
0xa6: {  	[sflag:s6] =	ssyncset.done @!p0 $0x0  }
0xa7: {  	[sflag:s6] =	ssyncadd.s32 @!p0 $0xFFFFFC00  }
0xa8: {  	_ =	swait.ge @!p0 [sflag:s6], $0x400  }
0xa9: {  	[sflag:s6] =	ssyncset.done @!p0 $0x0  }
0xaa: {  	[sflag:s6] =	ssyncadd.s32 @!p0 $0xFFFFFC00  }
0xab: {  	_ =	swait.ge @!p0 [sflag:s6], $0x400  }
0xac: {  	[sflag:s6] =	ssyncset.done @!p0 $0x0  }
0xad: {  	[sflag:s6] =	ssyncadd.s32 @!p0 $0xFFFFFC00  }
0xae: {  	_ =	swait.ge @!p0 [sflag:s6], $0x400  }
0xaf: {  	[sflag:s6] =	ssyncset.done @!p0 $0x0  }
0xb0: {  	[sflag:s6] =	ssyncadd.s32 @!p0 $0xFFFFFC00  }
0xb1: {  	_ =	swait.ge @!p0 [sflag:s6], $0x400  }
0xb2: {  	[sflag:s6] =	ssyncset.done @!p0 $0x0  }
0xb3: {  	[sflag:s6] =	ssyncadd.s32 @!p0 $0xFFFFFC00  }
0xb4: {  	s18 =	simm.s32 $0x3;
	_ =	swait.ge @!p0 [sflag:s6], $0x400  }
0xb5: {  	s25 =	simm.s32 $0x0;
	v4 =	vmov s18;
	[sflag:s6] =	ssyncset.done @!p0 $0x0  }
0xb6: {  	s19 =	simm.s32 $0x1;
	v5 =	vand.u32 $0x7F, v4;
	v4 =	vmov s25;
	[sflag:s6] =	ssyncadd.s32 @!p0 $0xFFFFFC00;
	s6 =	simm.s32 $0x1980  }
0xb7: {  	v8 =	vadd.s32 v0, v5;
	v6 =	vand.u32 $0x7C, v4;
	v4 =	vmov s19;
	v7 =	vld [tilespmem:s6+$0x40]  }
0xb8: {  	v10 =	vadd.s32 v0, v6;
	v11 =	vand.u32 $0x7D, v4;
	v9 =	vld [tilespmem:s6+$0xFFFFFF80]  }
0xb9: {  	s22 =	simm.s32 $0x2;
	v12 =	vadd.s32 v0, v11;
	v4 =	vld [tilespmem:s6+$0xFFFFFFC0]  }
0xba: {  	v13 =	vmov s22  }
0xbb: {  	v13 =	vand.u32 $0x7E, v13  }
0xbc: {  	v15 =	vadd.s32 v0, v13;
	v14 =	vld [tilespmem:s6+$0x0];
	[tilespmem:v8+s31+$0x0] =	vst.idx.msk $0xffff, v7  }
0xbd: {  	v8 =	vadd.s32 v1, v5;
	[tilespmem:v10+s31+$0x0] =	vst.idx.msk $0xffff, v9;
	v7 =	vld [tilespmem:s6+$0x50]  }
0xbe: {  	v10 =	vadd.s32 v1, v6;
	[tilespmem:v12+s31+$0x0] =	vst.idx.msk $0xffff, v4;
	v9 =	vld [tilespmem:s6+$0xFFFFFF90]  }
0xbf: {  	v12 =	vadd.s32 v1, v11;
	v4 =	vld [tilespmem:s6+$0xFFFFFFD0];
	_ =	sdelay $0x1  }
0xc0: {  	[tilespmem:v15+s31+$0x0] =	vst.idx.msk $0xffff, v14  }
0xc1: {  	v16 =	vadd.s32 v1, v13;
	v15 =	vld [tilespmem:s6+$0x10];
	[tilespmem:v8+s31+$0x0] =	vst.idx.msk $0xffff, v7  }
0xc2: {  	s25 =	simm.s32 $0x7;
	v14 =	vadd.s32 v2, v5;
	[tilespmem:v10+s31+$0x0] =	vst.idx.msk $0xffff, v9;
	v7 =	vld [tilespmem:s6+$0x60]  }
0xc3: {  	v10 =	vadd.s32 v2, v6;
	v8 =	vmov s25;
	[tilespmem:v12+s31+$0x0] =	vst.idx.msk $0xffff, v4;
	v9 =	vld [tilespmem:s6+$0xFFFFFFA0]  }
0xc4: {  	s28 =	simm.s32 $0x1A80;
	v17 =	vadd.s32 v2, v11;
	v8 =	vand.u32 $0x7F, v8;
	v12 =	vld [tilespmem:s6+$0xFFFFFFE0]  }
0xc5: {  	s19 =	simm.s32 $0x4;
	v18 =	vld [tilespmem:s28+$0x40];
	v19 =	vadd.s32 v0, v8  }
0xc6: {  	s22 =	simm.s32 $0x5;
	v4 =	vmov s19;
	[tilespmem:v16+s31+$0x0] =	vst.idx.msk $0xffff, v15  }
0xc7: {  	v22 =	vmov s22;
	v4 =	vand.u32 $0x7C, v4;
	[tilespmem:v14+s31+$0x0] =	vst.idx.msk $0xffff, v7  }
0xc8: {  	v20 =	vld [tilespmem:s28+$0xFFFFFF80];
	s25 =	simm.s32 $0x6;
	v21 =	vadd.s32 v0, v4;
	v7 =	vand.u32 $0x7D, v22;
	[tilespmem:v10+s31+$0x0] =	vst.idx.msk $0xffff, v9  }
0xc9: {  	v14 =	vmov s25;
	v9 =	vld [tilespmem:s28+$0xFFFFFFC0];
	[tilespmem:v17+s31+$0x0] =	vst.idx.msk $0xffff, v12;
	v10 =	vadd.s32 v0, v7  }
0xca: {  	v16 =	vadd.s32 v3, v5;
	v12 =	vld [tilespmem:s6+$0x20];
	v5 =	vand.u32 $0x7E, v14;
	[tilespmem:v19+s31+$0x0] =	vst.idx.msk $0xffff, v18;
	v18 =	vadd.s32 v2, v13  }
0xcb: {  	v14 =	vld [tilespmem:s28+$0x0];
	v63 =	vadd.s32 v0, v5  }
0xcc: {  	v15 =	vld [tilespmem:s6+$0x70]  }
0xcd: {  	[tilespmem:v21+s31+$0x0] =	vst.idx.msk $0xffff, v20;
	v20 =	vadd.s32 v1, v8;
	v19 =	vld [tilespmem:s28+$0x50]  }
0xce: {  	v23 =	vadd.s32 v1, v4;
	v21 =	vld [tilespmem:s28+$0xFFFFFF90];
	[tilespmem:v10+s31+$0x0] =	vst.idx.msk $0xffff, v9  }
0xcf: {  	v25 =	vadd.s32 v3, v11;
	v24 =	vld [tilespmem:s6+$0xFFFFFFF0];
	[tilespmem:v18+s31+$0x0] =	vst.idx.msk $0xffff, v12  }
0xd0: {  	v18 =	vadd.s32 v1, v7;
	v17 =	vld [tilespmem:s28+$0xFFFFFFD0];
	[tilespmem:v63+s31+$0x0] =	vst.idx.msk $0xffff, v14  }
0xd1: {  	[tilespmem:v16+s31+$0x0] =	vst.idx.msk $0xffff, v15;
	v16 =	vadd.s32 v1, v5;
	v14 =	vld [tilespmem:s28+$0x10]  }
0xd2: {  	v15 =	vadd.s32 v3, v13;
	[tilespmem:v20+s31+$0x0] =	vst.idx.msk $0xffff, v19;
	v10 =	vld [tilespmem:s6+$0x30]  }
0xd3: {  	s18 =	simm.s32 $0x8;
	v12 =	vadd.s32 v2, v8;
	[tilespmem:v23+s31+$0x0] =	vst.idx.msk $0xffff, v21;
	v9 =	vld [tilespmem:s28+$0x60]  }
0xd4: {  	s22 =	simm.s32 $0xB;
	s19 =	simm.s32 $0xC;
	s25 =	smul.u32 $0x5, s1;
	v13 =	vadd.s32 v2, v4;
	[tilespmem:v25+s31+$0x0] =	vst.idx.msk $0xffff, v24;
	v11 =	vld [tilespmem:s28+$0xFFFFFFA0]  }
.LBB2_3:
0xd5: {  	p1 =	slt.u32 s19, $0x7C;
	v19 =	vmov s22;
	[tilespmem:v18+s31+$0x0] =	vst.idx.msk $0xffff, v17;
	v17 =	vld [tilespmem:s6+$0xFFFFFFB0];
	v18 =	vadd.s32 v3, v6;
	v6 =	vmov v4;
	s6 =	smov.u32 s28  }
0xd6: {  	v4 =	vmov s18;
	v21 =	vadd.s32 v2, v7;
	s28 =	sadd.s32 $0x100, s28;
	v19 =	vand.u32 $0x7F, v19;
	v20 =	vld [tilespmem:s6+$0xFFFFFFE0];
	[tilespmem:v16+s31+$0x0] =	vst.idx.msk $0xffff, v14  }
0xd7: {  	s22 =	sadd.s32 $0x1, s18;
	v4 =	vand.u32 $0x7C, v4;
	v14 =	vld [tilespmem:s28+$0x40];
	v16 =	vadd.s32 v0, v19;
	[tilespmem:v15+s31+$0x0] =	vst.idx.msk $0xffff, v10  }
0xd8: {  	v22 =	vmov s22;
	s22 =	sadd.s32 $0x2, s18;
	s18 =	smov.u32 s19;
	v15 =	vadd.s32 v0, v4;
	v10 =	vld [tilespmem:s28+$0xFFFFFF80];
	[tilespmem:v12+s31+$0x0] =	vst.idx.msk $0xffff, v9  }
0xd9: {  	v9 =	vand.u32 $0x7D, v22;
	v12 =	vmov s22;
	[tilespmem:v13+s31+$0x0] =	vst.idx.msk $0xffff, v11;
	v11 =	vld [tilespmem:s6+$0x70];
	v13 =	vadd.s32 v3, v8;
	v8 =	vmovc v19  }
0xda: {  	v22 =	vadd.s32 v0, v9;
	v12 =	vand.u32 $0x7E, v12;
	v19 =	vld [tilespmem:s28+$0xFFFFFFC0];
	[tilespmem:v18+s31+$0x0] =	vst.idx.msk $0xffff, v17  }
0xdb: {  	v24 =	vadd.s32 v0, v12;
	v23 =	vld [tilespmem:s28+$0x0];
	[tilespmem:v21+s31+$0x0] =	vst.idx.msk $0xffff, v20  }
0xdc: {  	v21 =	vadd.s32 v2, v5;
	[tilespmem:v16+s31+$0x0] =	vst.idx.msk $0xffff, v14;
	v20 =	vld [tilespmem:s6+$0x20]  }
0xdd: {  	[tilespmem:v15+s31+$0x0] =	vst.idx.msk $0xffff, v10;
	v10 =	vld [tilespmem:s28+$0x50];
	v15 =	vadd.s32 v1, v8  }
0xde: {  	v26 =	vadd.s32 v1, v4;
	v25 =	vld [tilespmem:s28+$0xFFFFFF90];
	[tilespmem:v13+s31+$0x0] =	vst.idx.msk $0xffff, v11  }
0xdf: {  	[tilespmem:v22+s31+$0x0] =	vst.idx.msk $0xffff, v19;
	v19 =	vld [tilespmem:s6+$0xFFFFFFF0];
	v22 =	vadd.s32 v3, v7;
	v7 =	vmov v9  }
.Ltmp2:
0xe0: {  	v17 =	vld [tilespmem:s28+$0xFFFFFFD0];
	v18 =	vadd.s32 v1, v7;
	[tilespmem:v24+s31+$0x0] =	vst.idx.msk $0xffff, v23;
	(pc) =	sbr.rel @p1 .LBB2_3-.Ltmp2, $4  }
0xe1: {  	v16 =	vadd.s32 v1, v12;
	v14 =	vld [tilespmem:s28+$0x10];
	[tilespmem:v21+s31+$0x0] =	vst.idx.msk $0xffff, v20  }
0xe2: {  	[tilespmem:v15+s31+$0x0] =	vst.idx.msk $0xffff, v10;
	v10 =	vld [tilespmem:s6+$0x30];
	v15 =	vadd.s32 v3, v5;
	v5 =	vmov v12  }
0xe3: {  	v12 =	vadd.s32 v2, v8;
	[tilespmem:v26+s31+$0x0] =	vst.idx.msk $0xffff, v25;
	v9 =	vld [tilespmem:s28+$0x60]  }
0xe4: {  	s19 =	sadd.s32 $0x4, s19;
	s22 =	sadd.s32 $0x3, s18;
	v13 =	vadd.s32 v2, v4;
	v11 =	vld [tilespmem:s28+$0xFFFFFFA0];
	[tilespmem:v22+s31+$0x0] =	vst.idx.msk $0xffff, v19  }
0xe5: {  	_ =	sdelay $0x2  }
0xe6: {  	v19 =	vmov s22  }
0xe7: {  	s19 =	sadd.s32 $0x1, s18;
	[tilespmem:v18+s31+$0x0] =	vst.idx.msk $0xffff, v17;
	v30 =	vld [tilespmem:s6+$0xFFFFFFB0];
	v6 =	vadd.s32 v3, v6;
	s6 =	sadd.s32 $0x100, s28;
	v21 =	vmov s18;
	v31 =	vand.u32 $0x7F, v19  }
0xe8: {  	s22 =	sadd.s32 $0x2, s18;
	v32 =	vmov s19;
	[tilespmem:v16+s31+$0x0] =	vst.idx.msk $0xffff, v14;
	v33 =	vld [tilespmem:s6+$0x40];
	v21 =	vand.u32 $0x7C, v21;
	v34 =	vadd.s32 v0, v31  }
0xe9: {  	v20 =	vmov s22;
	v22 =	vld [tilespmem:s6+$0xFFFFFF80];
	v19 =	vand.u32 $0x7D, v32;
	[tilespmem:v15+s31+$0x0] =	vst.idx.msk $0xffff, v10;
	v39 =	vadd.s32 v0, v21  }
0xea: {  	v35 =	vld [tilespmem:s6+$0xFFFFFFC0];
	v20 =	vand.u32 $0x7E, v20;
	v36 =	vadd.s32 v0, v19;
	[tilespmem:v12+s31+$0x0] =	vst.idx.msk $0xffff, v9  }
0xeb: {  	v37 =	vld [tilespmem:s6+$0x0];
	v38 =	vadd.s32 v0, v20;
	[tilespmem:v13+s31+$0x0] =	vst.idx.msk $0xffff, v11  }
0xec: {  	v41 =	vadd.s32 v2, v7;
	v40 =	vld [tilespmem:s28+$0xFFFFFFE0];
	[tilespmem:v6+s31+$0x0] =	vst.idx.msk $0xffff, v30  }
0xed: {  	v49 =	vadd.s32 v2, v5;
	v48 =	vld [tilespmem:s28+$0x20];
	[tilespmem:v34+s31+$0x0] =	vst.idx.msk $0xffff, v33  }
0xee: {  	v43 =	vadd.s32 v1, v31;
	[tilespmem:v39+s31+$0x0] =	vst.idx.msk $0xffff, v22;
	v14 =	vld [tilespmem:s6+$0x50]  }
0xef: {  	v47 =	vadd.s32 v1, v21;
	[tilespmem:v36+s31+$0x0] =	vst.idx.msk $0xffff, v35;
	v46 =	vld [tilespmem:s6+$0xFFFFFF90]  }
0xf0: {  	v44 =	vadd.s32 v1, v19;
	[tilespmem:v38+s31+$0x0] =	vst.idx.msk $0xffff, v37;
	v10 =	vld [tilespmem:s6+$0xFFFFFFD0]  }
0xf1: {  	v45 =	vadd.s32 v1, v20;
	[tilespmem:v41+s31+$0x0] =	vst.idx.msk $0xffff, v40;
	v9 =	vld [tilespmem:s6+$0x10]  }
0xf2: {  	v8 =	vadd.s32 v3, v8;
	v42 =	vld [tilespmem:s28+$0x70];
	[tilespmem:v49+s31+$0x0] =	vst.idx.msk $0xffff, v48  }
0xf3: {  	v5 =	vadd.s32 v3, v5;
	v13 =	vld [tilespmem:s28+$0x30];
	[tilespmem:v43+s31+$0x0] =	vst.idx.msk $0xffff, v14  }
0xf4: {  	v52 =	vadd.s32 v2, v31;
	[tilespmem:v47+s31+$0x0] =	vst.idx.msk $0xffff, v46;
	v14 =	vld [tilespmem:s6+$0x60]  }
0xf5: {  	v57 =	vadd.s32 v2, v21;
	[tilespmem:v44+s31+$0x0] =	vst.idx.msk $0xffff, v10;
	v56 =	vld [tilespmem:s6+$0xFFFFFFA0]  }
0xf6: {  	v53 =	vadd.s32 v2, v19;
	[tilespmem:v45+s31+$0x0] =	vst.idx.msk $0xffff, v9;
	v10 =	vld [tilespmem:s6+$0xFFFFFFE0]  }
0xf7: {  	v55 =	vadd.s32 v2, v20;
	[tilespmem:v8+s31+$0x0] =	vst.idx.msk $0xffff, v42;
	v54 =	vld [tilespmem:s6+$0x20]  }
0xf8: {  	v4 =	vadd.s32 v3, v4;
	v58 =	vld [tilespmem:s28+$0xFFFFFFB0];
	[tilespmem:v5+s31+$0x0] =	vst.idx.msk $0xffff, v13  }
0xf9: {  	v51 =	vadd.s32 v3, v7;
	v50 =	vld [tilespmem:s28+$0xFFFFFFF0];
	[tilespmem:v52+s31+$0x0] =	vst.idx.msk $0xffff, v14  }
0xfa: {  	v60 =	vadd.s32 v3, v31;
	[tilespmem:v57+s31+$0x0] =	vst.idx.msk $0xffff, v56;
	v59 =	vld [tilespmem:s6+$0x70]  }
0xfb: {  	v63 =	vadd.s32 v3, v21;
	[tilespmem:v53+s31+$0x0] =	vst.idx.msk $0xffff, v10;
	v5 =	vld [tilespmem:s6+$0xFFFFFFB0]  }
0xfc: {  	v61 =	vadd.s32 v3, v19;
	[tilespmem:v55+s31+$0x0] =	vst.idx.msk $0xffff, v54;
	v10 =	vld [tilespmem:s6+$0xFFFFFFF0]  }
0xfd: {  	v62 =	vadd.s32 v3, v20;
	[tilespmem:v4+s31+$0x0] =	vst.idx.msk $0xffff, v58;
	v6 =	vld [tilespmem:s6+$0x30]  }
0xfe: {  	s18 =	sadd.s32 s5, s25;
	[tilespmem:v51+s31+$0x0] =	vst.idx.msk $0xffff, v50  }
0xff: {  	s19 =	sshll.u32 s18, $0xA;
	s6 =	sshll.u32 s18, $0x7;
	[tilespmem:v60+s31+$0x0] =	vst.idx.msk $0xffff, v59  }
0x100: {  	s18 =	sand.u32 $0xFFF8000, s19;
	s6 =	sand.u32 $0xF80, s6;
	[tilespmem:v63+s31+$0x0] =	vst.idx.msk $0xffff, v5  }
0x101: {  	s6 =	sor.u32 s6, s18;
	[tilespmem:v61+s31+$0x0] =	vst.idx.msk $0xffff, v10  }
0x102: {  	s18 =	sadd.s32 s2, s6;
	[tilespmem:v62+s31+$0x0] =	vst.idx.msk $0xffff, v6  }
0x103: {  	[hbm4b:s18+s3] =	stream.linear.scatter [tilespmem:s31], [sflag:$0x2], $0x80, $0x38;
	[tilespmem:$0x16300] =	vst v63  }
0x104: {  	s28 =	simm.s32 $0xB988;
	s22 =	sadd.s32 $0x10, s18  }
0x105: {  	[hbm4b:s22+s3] =	stream.linear.scatter [tilespmem:s28], [sflag:$0x2], $0x80, $0x38;
	[tilespmem:$0x16300] =	vst v63  }
0x106: {  	s22 =	sadd.s32 $0x20, s18;
	s28 =	simm.s32 $0xBA10  }
0x107: {  	[hbm4b:s22+s3] =	stream.linear.scatter [tilespmem:s28], [sflag:$0x2], $0x80, $0x38;
	[tilespmem:$0x16300] =	vst v63  }
0x108: {  	s22 =	sadd.s32 $0x30, s18;
	s28 =	simm.s32 $0xBA98  }
0x109: {  	[hbm4b:s22+s3] =	stream.linear.scatter [tilespmem:s28], [sflag:$0x2], $0x80, $0x38;
	[tilespmem:$0x16300] =	vst v63  }
0x10a: {  	s22 =	sadd.s32 $0x40, s18;
	s28 =	simm.s32 $0xBB20  }
0x10b: {  	[hbm4b:s22+s3] =	stream.linear.scatter [tilespmem:s28], [sflag:$0x2], $0x80, $0x38;
	[tilespmem:$0x16300] =	vst v63  }
0x10c: {  	s22 =	sadd.s32 $0x50, s18;
	s28 =	simm.s32 $0xBBA8  }
0x10d: {  	[hbm4b:s22+s3] =	stream.linear.scatter [tilespmem:s28], [sflag:$0x2], $0x80, $0x38;
	[tilespmem:$0x16300] =	vst v63  }
0x10e: {  	s22 =	sadd.s32 $0x60, s18;
	s28 =	simm.s32 $0xBC30  }
0x10f: {  	[hbm4b:s22+s3] =	stream.linear.scatter [tilespmem:s28], [sflag:$0x2], $0x80, $0x38;
	[tilespmem:$0x16300] =	vst v63  }
0x110: {  	s18 =	sadd.s32 $0x70, s18;
	s22 =	simm.s32 $0xBCB8  }
0x111: {  	[hbm4b:s18+s3] =	stream.linear.scatter [tilespmem:s22], [sflag:$0x2], $0x80, $0x38;
	[tilespmem:$0x16300] =	vst v63  }
0x112: {  	s28 =	simm.s32 $0xBD40;
	s18 =	sadd.s32 s6, s7  }
0x113: {  	[hbm4b:s18+s3] =	stream.linear.scatter [tilespmem:s28], [sflag:$0x2], $0x80, $0x38;
	[tilespmem:$0x16300] =	vst v63  }
0x114: {  	s22 =	sadd.s32 $0x10, s18;
	s28 =	simm.s32 $0xBDC8  }
0x115: {  	[hbm4b:s22+s3] =	stream.linear.scatter [tilespmem:s28], [sflag:$0x2], $0x80, $0x38;
	[tilespmem:$0x16300] =	vst v63  }
0x116: {  	s22 =	sadd.s32 $0x20, s18;
	s28 =	simm.s32 $0xBE50  }
0x117: {  	[hbm4b:s22+s3] =	stream.linear.scatter [tilespmem:s28], [sflag:$0x2], $0x80, $0x38;
	[tilespmem:$0x16300] =	vst v63  }
0x118: {  	s22 =	sadd.s32 $0x30, s18;
	s28 =	simm.s32 $0xBED8  }
0x119: {  	[hbm4b:s22+s3] =	stream.linear.scatter [tilespmem:s28], [sflag:$0x2], $0x80, $0x38;
	[tilespmem:$0x16300] =	vst v63  }
0x11a: {  	s22 =	sadd.s32 $0x40, s18;
	s28 =	simm.s32 $0xBF60  }
0x11b: {  	[hbm4b:s22+s3] =	stream.linear.scatter [tilespmem:s28], [sflag:$0x2], $0x80, $0x38;
	[tilespmem:$0x16300] =	vst v63  }
0x11c: {  	s22 =	sadd.s32 $0x50, s18;
	s28 =	simm.s32 $0xBFE8  }
0x11d: {  	[hbm4b:s22+s3] =	stream.linear.scatter [tilespmem:s28], [sflag:$0x2], $0x80, $0x38;
	[tilespmem:$0x16300] =	vst v63  }
0x11e: {  	s22 =	sadd.s32 $0x60, s18;
	s28 =	simm.s32 $0xC070  }
0x11f: {  	[hbm4b:s22+s3] =	stream.linear.scatter [tilespmem:s28], [sflag:$0x2], $0x80, $0x38;
	[tilespmem:$0x16300] =	vst v63  }
0x120: {  	s18 =	sadd.s32 $0x70, s18;
	s22 =	simm.s32 $0xC0F8  }
0x121: {  	[hbm4b:s18+s3] =	stream.linear.scatter [tilespmem:s22], [sflag:$0x2], $0x80, $0x38;
	[tilespmem:$0x16300] =	vst v63  }
0x122: {  	s28 =	simm.s32 $0xC180;
	s18 =	sadd.s32 s6, s8  }
0x123: {  	[hbm4b:s18+s3] =	stream.linear.scatter [tilespmem:s28], [sflag:$0x2], $0x80, $0x38;
	[tilespmem:$0x16300] =	vst v63  }
0x124: {  	s22 =	sadd.s32 $0x10, s18;
	s28 =	simm.s32 $0xC208  }
0x125: {  	[hbm4b:s22+s3] =	stream.linear.scatter [tilespmem:s28], [sflag:$0x2], $0x80, $0x38;
	[tilespmem:$0x16300] =	vst v63  }
0x126: {  	s22 =	sadd.s32 $0x20, s18;
	s28 =	simm.s32 $0xC290  }
0x127: {  	[hbm4b:s22+s3] =	stream.linear.scatter [tilespmem:s28], [sflag:$0x2], $0x80, $0x38;
	[tilespmem:$0x16300] =	vst v63  }
0x128: {  	s22 =	sadd.s32 $0x30, s18;
	s28 =	simm.s32 $0xC318  }
0x129: {  	[hbm4b:s22+s3] =	stream.linear.scatter [tilespmem:s28], [sflag:$0x2], $0x80, $0x38;
	[tilespmem:$0x16300] =	vst v63  }
0x12a: {  	s22 =	sadd.s32 $0x40, s18;
	s28 =	simm.s32 $0xC3A0  }
0x12b: {  	[hbm4b:s22+s3] =	stream.linear.scatter [tilespmem:s28], [sflag:$0x2], $0x80, $0x38;
	[tilespmem:$0x16300] =	vst v63  }
0x12c: {  	s22 =	sadd.s32 $0x50, s18;
	s28 =	simm.s32 $0xC428  }
0x12d: {  	[hbm4b:s22+s3] =	stream.linear.scatter [tilespmem:s28], [sflag:$0x2], $0x80, $0x38;
	[tilespmem:$0x16300] =	vst v63  }
0x12e: {  	s22 =	sadd.s32 $0x60, s18;
	s28 =	simm.s32 $0xC4B0  }
0x12f: {  	[hbm4b:s22+s3] =	stream.linear.scatter [tilespmem:s28], [sflag:$0x2], $0x80, $0x38;
	[tilespmem:$0x16300] =	vst v63  }
0x130: {  	s18 =	sadd.s32 $0x70, s18;
	s22 =	simm.s32 $0xC538  }
0x131: {  	[hbm4b:s18+s3] =	stream.linear.scatter [tilespmem:s22], [sflag:$0x2], $0x80, $0x38;
	[tilespmem:$0x16300] =	vst v63  }
0x132: {  	s28 =	simm.s32 $0xC5C0;
	s18 =	sadd.s32 s6, s9  }
0x133: {  	[hbm4b:s18+s3] =	stream.linear.scatter [tilespmem:s28], [sflag:$0x2], $0x80, $0x38;
	[tilespmem:$0x16300] =	vst v63  }
0x134: {  	s22 =	sadd.s32 $0x10, s18;
	s28 =	simm.s32 $0xC648  }
0x135: {  	[hbm4b:s22+s3] =	stream.linear.scatter [tilespmem:s28], [sflag:$0x2], $0x80, $0x38;
	[tilespmem:$0x16300] =	vst v63  }
0x136: {  	s22 =	sadd.s32 $0x20, s18;
	s28 =	simm.s32 $0xC6D0  }
0x137: {  	[hbm4b:s22+s3] =	stream.linear.scatter [tilespmem:s28], [sflag:$0x2], $0x80, $0x38;
	[tilespmem:$0x16300] =	vst v63  }
0x138: {  	s22 =	sadd.s32 $0x30, s18;
	s28 =	simm.s32 $0xC758  }
0x139: {  	[hbm4b:s22+s3] =	stream.linear.scatter [tilespmem:s28], [sflag:$0x2], $0x80, $0x38;
	[tilespmem:$0x16300] =	vst v63  }
0x13a: {  	s22 =	sadd.s32 $0x40, s18;
	s28 =	simm.s32 $0xC7E0  }
0x13b: {  	[hbm4b:s22+s3] =	stream.linear.scatter [tilespmem:s28], [sflag:$0x2], $0x80, $0x38;
	[tilespmem:$0x16300] =	vst v63  }
0x13c: {  	s22 =	sadd.s32 $0x50, s18;
	s28 =	simm.s32 $0xC868  }
0x13d: {  	[hbm4b:s22+s3] =	stream.linear.scatter [tilespmem:s28], [sflag:$0x2], $0x80, $0x38;
	[tilespmem:$0x16300] =	vst v63  }
0x13e: {  	s22 =	sadd.s32 $0x60, s18;
	s28 =	simm.s32 $0xC8F0  }
0x13f: {  	[hbm4b:s22+s3] =	stream.linear.scatter [tilespmem:s28], [sflag:$0x2], $0x80, $0x38;
	[tilespmem:$0x16300] =	vst v63  }
0x140: {  	s18 =	sadd.s32 $0x70, s18;
	s22 =	simm.s32 $0xC978  }
0x141: {  	[hbm4b:s18+s3] =	stream.linear.scatter [tilespmem:s22], [sflag:$0x2], $0x80, $0x38;
	[tilespmem:$0x16300] =	vst v63  }
0x142: {  	s28 =	simm.s32 $0xCA00;
	s18 =	sadd.s32 s6, s10  }
0x143: {  	[hbm4b:s18+s3] =	stream.linear.scatter [tilespmem:s28], [sflag:$0x2], $0x80, $0x38;
	[tilespmem:$0x16300] =	vst v63  }
0x144: {  	s22 =	sadd.s32 $0x10, s18;
	s28 =	simm.s32 $0xCA88  }
0x145: {  	[hbm4b:s22+s3] =	stream.linear.scatter [tilespmem:s28], [sflag:$0x2], $0x80, $0x38;
	[tilespmem:$0x16300] =	vst v63  }
0x146: {  	s22 =	sadd.s32 $0x20, s18;
	s28 =	simm.s32 $0xCB10  }
0x147: {  	[hbm4b:s22+s3] =	stream.linear.scatter [tilespmem:s28], [sflag:$0x2], $0x80, $0x38;
	[tilespmem:$0x16300] =	vst v63  }
0x148: {  	s22 =	sadd.s32 $0x30, s18;
	s28 =	simm.s32 $0xCB98  }
0x149: {  	[hbm4b:s22+s3] =	stream.linear.scatter [tilespmem:s28], [sflag:$0x2], $0x80, $0x38;
	[tilespmem:$0x16300] =	vst v63  }
0x14a: {  	s22 =	sadd.s32 $0x40, s18;
	s28 =	simm.s32 $0xCC20  }
0x14b: {  	[hbm4b:s22+s3] =	stream.linear.scatter [tilespmem:s28], [sflag:$0x2], $0x80, $0x38;
	[tilespmem:$0x16300] =	vst v63  }
0x14c: {  	s22 =	sadd.s32 $0x50, s18;
	s28 =	simm.s32 $0xCCA8  }
0x14d: {  	[hbm4b:s22+s3] =	stream.linear.scatter [tilespmem:s28], [sflag:$0x2], $0x80, $0x38;
	[tilespmem:$0x16300] =	vst v63  }
0x14e: {  	s22 =	sadd.s32 $0x60, s18;
	s28 =	simm.s32 $0xCD30  }
0x14f: {  	[hbm4b:s22+s3] =	stream.linear.scatter [tilespmem:s28], [sflag:$0x2], $0x80, $0x38;
	[tilespmem:$0x16300] =	vst v63  }
0x150: {  	s18 =	sadd.s32 $0x70, s18;
	s22 =	simm.s32 $0xCDB8  }
0x151: {  	[hbm4b:s18+s3] =	stream.linear.scatter [tilespmem:s22], [sflag:$0x2], $0x80, $0x38;
	[tilespmem:$0x16300] =	vst v63  }
0x152: {  	s28 =	simm.s32 $0xCE40;
	s18 =	sadd.s32 s6, s11  }
0x153: {  	[hbm4b:s18+s3] =	stream.linear.scatter [tilespmem:s28], [sflag:$0x2], $0x80, $0x38;
	[tilespmem:$0x16300] =	vst v63  }
0x154: {  	s22 =	sadd.s32 $0x10, s18;
	s28 =	simm.s32 $0xCEC8  }
0x155: {  	[hbm4b:s22+s3] =	stream.linear.scatter [tilespmem:s28], [sflag:$0x2], $0x80, $0x38;
	[tilespmem:$0x16300] =	vst v63  }
0x156: {  	s22 =	sadd.s32 $0x20, s18;
	s28 =	simm.s32 $0xCF50  }
0x157: {  	[hbm4b:s22+s3] =	stream.linear.scatter [tilespmem:s28], [sflag:$0x2], $0x80, $0x38;
	[tilespmem:$0x16300] =	vst v63  }
0x158: {  	s22 =	sadd.s32 $0x30, s18;
	s28 =	simm.s32 $0xCFD8  }
0x159: {  	[hbm4b:s22+s3] =	stream.linear.scatter [tilespmem:s28], [sflag:$0x2], $0x80, $0x38;
	[tilespmem:$0x16300] =	vst v63  }
0x15a: {  	s22 =	sadd.s32 $0x40, s18;
	s28 =	simm.s32 $0xD060  }
0x15b: {  	[hbm4b:s22+s3] =	stream.linear.scatter [tilespmem:s28], [sflag:$0x2], $0x80, $0x38;
	[tilespmem:$0x16300] =	vst v63  }
0x15c: {  	s22 =	sadd.s32 $0x50, s18;
	s28 =	simm.s32 $0xD0E8  }
0x15d: {  	[hbm4b:s22+s3] =	stream.linear.scatter [tilespmem:s28], [sflag:$0x2], $0x80, $0x38;
	[tilespmem:$0x16300] =	vst v63  }
0x15e: {  	s22 =	sadd.s32 $0x60, s18;
	s28 =	simm.s32 $0xD170  }
0x15f: {  	[hbm4b:s22+s3] =	stream.linear.scatter [tilespmem:s28], [sflag:$0x2], $0x80, $0x38;
	[tilespmem:$0x16300] =	vst v63  }
0x160: {  	s18 =	sadd.s32 $0x70, s18;
	s22 =	simm.s32 $0xD1F8  }
0x161: {  	[hbm4b:s18+s3] =	stream.linear.scatter [tilespmem:s22], [sflag:$0x2], $0x80, $0x38;
	[tilespmem:$0x16300] =	vst v63  }
0x162: {  	s28 =	simm.s32 $0xD280;
	s18 =	sadd.s32 s6, s12  }
0x163: {  	[hbm4b:s18+s3] =	stream.linear.scatter [tilespmem:s28], [sflag:$0x2], $0x80, $0x38;
	[tilespmem:$0x16300] =	vst v63  }
0x164: {  	s22 =	sadd.s32 $0x10, s18;
	s28 =	simm.s32 $0xD308  }
0x165: {  	[hbm4b:s22+s3] =	stream.linear.scatter [tilespmem:s28], [sflag:$0x2], $0x80, $0x38;
	[tilespmem:$0x16300] =	vst v63  }
0x166: {  	s22 =	sadd.s32 $0x20, s18;
	s28 =	simm.s32 $0xD390  }
0x167: {  	[hbm4b:s22+s3] =	stream.linear.scatter [tilespmem:s28], [sflag:$0x2], $0x80, $0x38;
	[tilespmem:$0x16300] =	vst v63  }
0x168: {  	s22 =	sadd.s32 $0x30, s18;
	s28 =	simm.s32 $0xD418  }
0x169: {  	[hbm4b:s22+s3] =	stream.linear.scatter [tilespmem:s28], [sflag:$0x2], $0x80, $0x38;
	[tilespmem:$0x16300] =	vst v63  }
0x16a: {  	s22 =	sadd.s32 $0x40, s18;
	s28 =	simm.s32 $0xD4A0  }
0x16b: {  	[hbm4b:s22+s3] =	stream.linear.scatter [tilespmem:s28], [sflag:$0x2], $0x80, $0x38;
	[tilespmem:$0x16300] =	vst v63  }
0x16c: {  	s22 =	sadd.s32 $0x50, s18;
	s28 =	simm.s32 $0xD528  }
0x16d: {  	[hbm4b:s22+s3] =	stream.linear.scatter [tilespmem:s28], [sflag:$0x2], $0x80, $0x38;
	[tilespmem:$0x16300] =	vst v63  }
0x16e: {  	s22 =	sadd.s32 $0x60, s18;
	s28 =	simm.s32 $0xD5B0  }
0x16f: {  	[hbm4b:s22+s3] =	stream.linear.scatter [tilespmem:s28], [sflag:$0x2], $0x80, $0x38;
	[tilespmem:$0x16300] =	vst v63  }
0x170: {  	s18 =	sadd.s32 $0x70, s18;
	s28 =	simm.s32 $0xD638  }
0x171: {  	[hbm4b:s18+s3] =	stream.linear.scatter [tilespmem:s28], [sflag:$0x2], $0x80, $0x38;
	[tilespmem:$0x16300] =	vst v63  }
0x172: {  	s19 =	simm.s32 $0xD6C0;
	s6 =	sadd.s32 s6, s13  }
0x173: {  	[hbm4b:s6+s3] =	stream.linear.scatter [tilespmem:s19], [sflag:$0x2], $0x80, $0x38;
	[tilespmem:$0x16300] =	vst v63  }
0x174: {  	s22 =	sadd.s32 $0x10, s6;
	s28 =	simm.s32 $0xD748  }
0x175: {  	[hbm4b:s22+s3] =	stream.linear.scatter [tilespmem:s28], [sflag:$0x2], $0x80, $0x38;
	[tilespmem:$0x16300] =	vst v63  }
0x176: {  	s22 =	sadd.s32 $0x20, s6;
	s28 =	simm.s32 $0xD7D0  }
0x177: {  	[hbm4b:s22+s3] =	stream.linear.scatter [tilespmem:s28], [sflag:$0x2], $0x80, $0x38;
	[tilespmem:$0x16300] =	vst v63  }
0x178: {  	s22 =	sadd.s32 $0x30, s6;
	s28 =	simm.s32 $0xD858  }
0x179: {  	[hbm4b:s22+s3] =	stream.linear.scatter [tilespmem:s28], [sflag:$0x2], $0x80, $0x38;
	[tilespmem:$0x16300] =	vst v63  }
0x17a: {  	s22 =	sadd.s32 $0x40, s6;
	s28 =	simm.s32 $0xD8E0  }
0x17b: {  	[hbm4b:s22+s3] =	stream.linear.scatter [tilespmem:s28], [sflag:$0x2], $0x80, $0x38;
	[tilespmem:$0x16300] =	vst v63  }
0x17c: {  	p1 =	sne.s32 s1, $0x9;
	s22 =	sadd.s32 $0x50, s6;
	s28 =	simm.s32 $0xD968  }
0x17d: {  	[hbm4b:s22+s3] =	stream.linear.scatter [tilespmem:s28], [sflag:$0x2], $0x80, $0x38;
	[tilespmem:$0x16300] =	vst v63  }
.Ltmp3:
0x17e: {  	_ = 	snop;
	(pc) =	sbr.rel @p1 .LBB2_6-.Ltmp3, $4  }
0x17f: {  	s19 =	sadd.s32 $0x60, s6;
	s22 =	simm.s32 $0xD9F0  }
0x180: {  	[hbm4b:s19+s3] =	stream.linear.scatter [tilespmem:s22], [sflag:$0x2], $0x80, $0x38;
	[tilespmem:$0x16300] =	vst v63  }
0x181: {  	s6 =	sadd.s32 $0x70, s6;
	s28 =	simm.s32 $0xDA78  }
0x182: {  	[hbm4b:s6+s3] =	stream.linear.scatter [tilespmem:s28], [sflag:$0x2], $0x80, $0x38;
	[tilespmem:$0x16300] =	vst v63  }
.Ltmp4:
0x183: {  	(pc) =	sbr.rel .LBB2_7-.Ltmp4, $4  }
0x184: {  	_ = 	snop  }
0x185: {  	_ =	swait.ge [sflag:s30], $0x2000  }
0x186: {  	[sflag:s30] =	ssyncset.done $0x0  }
0x187: {  	[sflag:s30] =	ssyncadd.s32 $0xFFFFE000  }
.LBB2_6:
0x188: {  	s6 =	smul.u32 $0xA00, s1;
	_ =	sdelay $0x1  }
0x189: {  	s6 =	sshra.s32 s6, $0x2  }
.Ltmp5:
0x18a: {  	s18 =	simm.s32 $0x1900;
	s6 =	sadd.s32 $0x280, s6;
	(pc) =	sbr.rel @p0 .LBB2_8-.Ltmp5, $4  }
0x18b: {  	[tilespmem:s18], [sflag:$0x1] =	stream.indirect.gather [hbm4b:s4+s20], $0x40, s6, s20, $0xb8;
	[tilespmem:$0x16300] =	vst v63  }
0x18c: {  	_ =	swait.ge [sflag:s30], $0x2000  }
0x18d: {  	[sflag:s30] =	ssyncset.done $0x0  }
0x18e: {  	[sflag:s30] =	ssyncadd.s32 $0xFFFFE000  }
.LBB2_7:
0x18f: {  	_ =	swait.ge [sflag:s26], $0x400  }
0x190: {  	[sflag:s26] =	ssyncset.done $0x0  }
0x191: {  	[sflag:s26] =	ssyncadd.s32 $0xFFFFFC00  }
0x192: {  	_ =	swait.ge [sflag:s26], $0x400  }
0x193: {  	[sflag:s26] =	ssyncset.done $0x0  }
0x194: {  	[sflag:s26] =	ssyncadd.s32 $0xFFFFFC00  }
0x195: {  	_ =	swait.ge [sflag:s26], $0x400  }
0x196: {  	[sflag:s26] =	ssyncset.done $0x0  }
0x197: {  	[sflag:s26] =	ssyncadd.s32 $0xFFFFFC00  }
0x198: {  	_ =	swait.ge [sflag:s26], $0x400  }
0x199: {  	[sflag:s26] =	ssyncset.done $0x0  }
0x19a: {  	[sflag:s26] =	ssyncadd.s32 $0xFFFFFC00  }
0x19b: {  	_ =	swait.ge [sflag:s26], $0x400  }
0x19c: {  	[sflag:s26] =	ssyncset.done $0x0  }
0x19d: {  	[sflag:s26] =	ssyncadd.s32 $0xFFFFFC00  }
0x19e: {  	_ =	swait.ge [sflag:s26], $0x400  }
0x19f: {  	[sflag:s26] =	ssyncset.done $0x0  }
0x1a0: {  	[sflag:s26] =	ssyncadd.s32 $0xFFFFFC00  }
0x1a1: {  	_ =	swait.ge [sflag:s26], $0x400  }
0x1a2: {  	[sflag:s26] =	ssyncset.done $0x0  }
0x1a3: {  	[sflag:s26] =	ssyncadd.s32 $0xFFFFFC00  }
0x1a4: {  	_ =	swait.ge [sflag:s26], $0x400  }
0x1a5: {  	[sflag:s26] =	ssyncset.done $0x0  }
0x1a6: {  	[sflag:s26] =	ssyncadd.s32 $0xFFFFFC00  }
.LBB2_8:
0x1a7: {  	s6 =	simm.s32 $0x3  }
0x1a8: {  	s18 =	simm.s32 $0x0;
	v4 =	vmov s6  }
0x1a9: {  	s6 =	simm.s32 $0x39F0;
	v5 =	vand.u32 $0x7F, v4;
	v4 =	vmov s18  }
0x1aa: {  	s22 =	simm.s32 $0x1;
	v7 =	vld [tilespmem:s6+$0xFFFFFFD0];
	v8 =	vadd.s32 v0, v5;
	v6 =	vand.u32 $0x7C, v4  }
0x1ab: {  	v9 =	vld [tilespmem:s6+$0xFFFFFF10];
	v4 =	vmov s22;
	v10 =	vadd.s32 v0, v6  }
0x1ac: {  	s19 =	simm.s32 $0x2;
	v11 =	vand.u32 $0x7D, v4  }
0x1ad: {  	v13 =	vmov s19;
	v4 =	vld [tilespmem:s6+$0xFFFFFF50];
	v12 =	vadd.s32 v0, v11  }
0x1ae: {  	v13 =	vand.u32 $0x7E, v13  }
0x1af: {  	v14 =	vld [tilespmem:s6+$0xFFFFFF90];
	v15 =	vadd.s32 v0, v13;
	[tilespmem:v8+s29+$0x0] =	vst.idx.msk $0xffff, v7  }
0x1b0: {  	v8 =	vadd.s32 v1, v5;
	v7 =	vld [tilespmem:s6+$0xFFFFFFE0];
	[tilespmem:v10+s29+$0x0] =	vst.idx.msk $0xffff, v9  }
0x1b1: {  	v10 =	vadd.s32 v1, v6;
	v9 =	vld [tilespmem:s6+$0xFFFFFF20]  }
0x1b2: {  	[tilespmem:v12+s29+$0x0] =	vst.idx.msk $0xffff, v4  }
0x1b3: {  	v12 =	vadd.s32 v1, v11;
	v4 =	vld [tilespmem:s6+$0xFFFFFF60]  }
0x1b4: {  	[tilespmem:v15+s29+$0x0] =	vst.idx.msk $0xffff, v14  }
0x1b5: {  	v16 =	vadd.s32 v1, v13;
	s22 =	simm.s32 $0x7;
	v15 =	vld [tilespmem:s6+$0xFFFFFFA0];
	[tilespmem:v8+s29+$0x0] =	vst.idx.msk $0xffff, v7  }
0x1b6: {  	v14 =	vadd.s32 v2, v5;
	v8 =	vmov s22;
	v7 =	vld [tilespmem:s6+$0xFFFFFFF0];
	[tilespmem:v10+s29+$0x0] =	vst.idx.msk $0xffff, v9  }
0x1b7: {  	s28 =	simm.s32 $0x3AF0;
	v10 =	vadd.s32 v2, v6;
	v8 =	vand.u32 $0x7F, v8;
	v9 =	vld [tilespmem:s6+$0xFFFFFF30]  }
0x1b8: {  	s19 =	simm.s32 $0x4;
	v18 =	vld [tilespmem:s28+$0xFFFFFFD0];
	[tilespmem:v12+s29+$0x0] =	vst.idx.msk $0xffff, v4;
	v19 =	vadd.s32 v0, v8  }
0x1b9: {  	v17 =	vadd.s32 v2, v11;
	v4 =	vmov s19;
	s19 =	simm.s32 $0x5;
	v12 =	vld [tilespmem:s6+$0xFFFFFF70]  }
0x1ba: {  	s22 =	simm.s32 $0x6;
	[tilespmem:v16+s29+$0x0] =	vst.idx.msk $0xffff, v15;
	v4 =	vand.u32 $0x7C, v4;
	v22 =	vmov s19  }
0x1bb: {  	v20 =	vld [tilespmem:s28+$0xFFFFFF10];
	v21 =	vadd.s32 v0, v4;
	[tilespmem:v14+s29+$0x0] =	vst.idx.msk $0xffff, v7;
	v7 =	vand.u32 $0x7D, v22;
	v14 =	vmov s22  }
0x1bc: {  	v16 =	vadd.s32 v3, v5;
	[tilespmem:v10+s29+$0x0] =	vst.idx.msk $0xffff, v9;
	v9 =	vld [tilespmem:s28+$0xFFFFFF50];
	v10 =	vadd.s32 v0, v7;
	v5 =	vand.u32 $0x7E, v14  }
0x1bd: {  	v14 =	vld [tilespmem:s28+$0xFFFFFF90];
	[tilespmem:v19+s29+$0x0] =	vst.idx.msk $0xffff, v18;
	v63 =	vadd.s32 v0, v5  }
0x1be: {  	v18 =	vadd.s32 v2, v13;
	[tilespmem:v17+s29+$0x0] =	vst.idx.msk $0xffff, v12;
	v12 =	vld [tilespmem:s6+$0xFFFFFFB0]  }
0x1bf: {  	v15 =	vld [tilespmem:s6+$0x0]  }
0x1c0: {  	v19 =	vld [tilespmem:s28+$0xFFFFFFE0];
	[tilespmem:v21+s29+$0x0] =	vst.idx.msk $0xffff, v20;
	v20 =	vadd.s32 v1, v8  }
0x1c1: {  	v23 =	vadd.s32 v1, v4;
	v21 =	vld [tilespmem:s28+$0xFFFFFF20];
	[tilespmem:v10+s29+$0x0] =	vst.idx.msk $0xffff, v9  }
0x1c2: {  	v25 =	vadd.s32 v3, v11;
	v24 =	vld [tilespmem:s6+$0xFFFFFF80];
	[tilespmem:v63+s29+$0x0] =	vst.idx.msk $0xffff, v14  }
0x1c3: {  	v17 =	vld [tilespmem:s28+$0xFFFFFF60];
	[tilespmem:v18+s29+$0x0] =	vst.idx.msk $0xffff, v12;
	v18 =	vadd.s32 v1, v7  }
0x1c4: {  	[tilespmem:v16+s29+$0x0] =	vst.idx.msk $0xffff, v15;
	v16 =	vadd.s32 v1, v5;
	v14 =	vld [tilespmem:s28+$0xFFFFFFA0]  }
0x1c5: {  	v15 =	vadd.s32 v3, v13;
	[tilespmem:v20+s29+$0x0] =	vst.idx.msk $0xffff, v19;
	v11 =	vld [tilespmem:s6+$0xFFFFFFC0]  }
0x1c6: {  	v12 =	vadd.s32 v2, v8;
	[tilespmem:v23+s29+$0x0] =	vst.idx.msk $0xffff, v21;
	v9 =	vld [tilespmem:s28+$0xFFFFFFF0]  }
0x1c7: {  	s18 =	simm.s32 $0x8;
	s19 =	simm.s32 $0xC;
	s22 =	simm.s32 $0xB;
	v13 =	vadd.s32 v2, v4;
	[tilespmem:v25+s29+$0x0] =	vst.idx.msk $0xffff, v24;
	v10 =	vld [tilespmem:s28+$0xFFFFFF30]  }
.LBB2_9:
0x1c8: {  	p2 =	slt.u32 s19, $0x7C;
	v19 =	vmov s22;
	[tilespmem:v18+s29+$0x0] =	vst.idx.msk $0xffff, v17;
	v17 =	vld [tilespmem:s6+$0xFFFFFF40];
	v18 =	vadd.s32 v3, v6;
	v6 =	vmov v4;
	s6 =	smov.u32 s28  }
0x1c9: {  	v4 =	vmov s18;
	v21 =	vadd.s32 v2, v7;
	s28 =	sadd.s32 $0x100, s28;
	v19 =	vand.u32 $0x7F, v19;
	v20 =	vld [tilespmem:s6+$0xFFFFFF70];
	[tilespmem:v16+s29+$0x0] =	vst.idx.msk $0xffff, v14  }
0x1ca: {  	s22 =	sadd.s32 $0x1, s18;
	v4 =	vand.u32 $0x7C, v4;
	v14 =	vld [tilespmem:s28+$0xFFFFFFD0];
	v16 =	vadd.s32 v0, v19;
	[tilespmem:v15+s29+$0x0] =	vst.idx.msk $0xffff, v11  }
0x1cb: {  	v22 =	vmov s22;
	s22 =	sadd.s32 $0x2, s18;
	s18 =	smov.u32 s19;
	v15 =	vadd.s32 v0, v4;
	v11 =	vld [tilespmem:s28+$0xFFFFFF10];
	[tilespmem:v12+s29+$0x0] =	vst.idx.msk $0xffff, v9  }
0x1cc: {  	v9 =	vand.u32 $0x7D, v22;
	v12 =	vmov s22;
	[tilespmem:v13+s29+$0x0] =	vst.idx.msk $0xffff, v10;
	v10 =	vld [tilespmem:s6+$0x0];
	v13 =	vadd.s32 v3, v8;
	v8 =	vmovc v19  }
0x1cd: {  	v22 =	vadd.s32 v0, v9;
	v12 =	vand.u32 $0x7E, v12;
	v19 =	vld [tilespmem:s28+$0xFFFFFF50];
	[tilespmem:v18+s29+$0x0] =	vst.idx.msk $0xffff, v17  }
0x1ce: {  	v24 =	vadd.s32 v0, v12;
	v23 =	vld [tilespmem:s28+$0xFFFFFF90];
	[tilespmem:v21+s29+$0x0] =	vst.idx.msk $0xffff, v20  }
0x1cf: {  	v21 =	vadd.s32 v2, v5;
	[tilespmem:v16+s29+$0x0] =	vst.idx.msk $0xffff, v14;
	v20 =	vld [tilespmem:s6+$0xFFFFFFB0]  }
0x1d0: {  	[tilespmem:v15+s29+$0x0] =	vst.idx.msk $0xffff, v11;
	v11 =	vld [tilespmem:s28+$0xFFFFFFE0];
	v15 =	vadd.s32 v1, v8  }
0x1d1: {  	v26 =	vadd.s32 v1, v4;
	v25 =	vld [tilespmem:s28+$0xFFFFFF20];
	[tilespmem:v13+s29+$0x0] =	vst.idx.msk $0xffff, v10  }
0x1d2: {  	[tilespmem:v22+s29+$0x0] =	vst.idx.msk $0xffff, v19;
	v19 =	vld [tilespmem:s6+$0xFFFFFF80];
	v22 =	vadd.s32 v3, v7;
	v7 =	vmov v9  }
.Ltmp6:
0x1d3: {  	v17 =	vld [tilespmem:s28+$0xFFFFFF60];
	v18 =	vadd.s32 v1, v7;
	[tilespmem:v24+s29+$0x0] =	vst.idx.msk $0xffff, v23;
	(pc) =	sbr.rel @p2 .LBB2_9-.Ltmp6, $4  }
0x1d4: {  	v16 =	vadd.s32 v1, v12;
	v14 =	vld [tilespmem:s28+$0xFFFFFFA0];
	[tilespmem:v21+s29+$0x0] =	vst.idx.msk $0xffff, v20  }
0x1d5: {  	[tilespmem:v15+s29+$0x0] =	vst.idx.msk $0xffff, v11;
	v11 =	vld [tilespmem:s6+$0xFFFFFFC0];
	v15 =	vadd.s32 v3, v5;
	v5 =	vmov v12  }
0x1d6: {  	v12 =	vadd.s32 v2, v8;
	[tilespmem:v26+s29+$0x0] =	vst.idx.msk $0xffff, v25;
	v9 =	vld [tilespmem:s28+$0xFFFFFFF0]  }
0x1d7: {  	s19 =	sadd.s32 $0x4, s19;
	s22 =	sadd.s32 $0x3, s18;
	v13 =	vadd.s32 v2, v4;
	v10 =	vld [tilespmem:s28+$0xFFFFFF30];
	[tilespmem:v22+s29+$0x0] =	vst.idx.msk $0xffff, v19  }
0x1d8: {  	_ =	sdelay $0x2  }
0x1d9: {  	v19 =	vmov s22  }
0x1da: {  	s19 =	sadd.s32 $0x1, s18;
	[tilespmem:v18+s29+$0x0] =	vst.idx.msk $0xffff, v17;
	v30 =	vld [tilespmem:s6+$0xFFFFFF40];
	v6 =	vadd.s32 v3, v6;
	s6 =	sadd.s32 $0x100, s28;
	v21 =	vmov s18;
	v31 =	vand.u32 $0x7F, v19  }
0x1db: {  	s22 =	sadd.s32 $0x2, s18;
	v32 =	vmov s19;
	[tilespmem:v16+s29+$0x0] =	vst.idx.msk $0xffff, v14;
	v33 =	vld [tilespmem:s6+$0xFFFFFFD0];
	v21 =	vand.u32 $0x7C, v21;
	v34 =	vadd.s32 v0, v31  }
0x1dc: {  	v20 =	vmov s22;
	v22 =	vld [tilespmem:s6+$0xFFFFFF10];
	v19 =	vand.u32 $0x7D, v32;
	[tilespmem:v15+s29+$0x0] =	vst.idx.msk $0xffff, v11;
	v39 =	vadd.s32 v0, v21  }
0x1dd: {  	v35 =	vld [tilespmem:s6+$0xFFFFFF50];
	v20 =	vand.u32 $0x7E, v20;
	v36 =	vadd.s32 v0, v19;
	[tilespmem:v12+s29+$0x0] =	vst.idx.msk $0xffff, v9  }
0x1de: {  	v37 =	vld [tilespmem:s6+$0xFFFFFF90];
	v38 =	vadd.s32 v0, v20;
	[tilespmem:v13+s29+$0x0] =	vst.idx.msk $0xffff, v10  }
0x1df: {  	v41 =	vadd.s32 v2, v7;
	v40 =	vld [tilespmem:s28+$0xFFFFFF70];
	[tilespmem:v6+s29+$0x0] =	vst.idx.msk $0xffff, v30  }
0x1e0: {  	v49 =	vadd.s32 v2, v5;
	v48 =	vld [tilespmem:s28+$0xFFFFFFB0];
	[tilespmem:v34+s29+$0x0] =	vst.idx.msk $0xffff, v33  }
0x1e1: {  	v43 =	vadd.s32 v1, v31;
	[tilespmem:v39+s29+$0x0] =	vst.idx.msk $0xffff, v22;
	v14 =	vld [tilespmem:s6+$0xFFFFFFE0]  }
0x1e2: {  	v47 =	vadd.s32 v1, v21;
	[tilespmem:v36+s29+$0x0] =	vst.idx.msk $0xffff, v35;
	v46 =	vld [tilespmem:s6+$0xFFFFFF20]  }
0x1e3: {  	v44 =	vadd.s32 v1, v19;
	[tilespmem:v38+s29+$0x0] =	vst.idx.msk $0xffff, v37;
	v11 =	vld [tilespmem:s6+$0xFFFFFF60]  }
0x1e4: {  	v45 =	vadd.s32 v1, v20;
	[tilespmem:v41+s29+$0x0] =	vst.idx.msk $0xffff, v40;
	v9 =	vld [tilespmem:s6+$0xFFFFFFA0]  }
0x1e5: {  	v8 =	vadd.s32 v3, v8;
	v42 =	vld [tilespmem:s28+$0x0];
	[tilespmem:v49+s29+$0x0] =	vst.idx.msk $0xffff, v48  }
0x1e6: {  	v5 =	vadd.s32 v3, v5;
	v13 =	vld [tilespmem:s28+$0xFFFFFFC0];
	[tilespmem:v43+s29+$0x0] =	vst.idx.msk $0xffff, v14  }
0x1e7: {  	v52 =	vadd.s32 v2, v31;
	[tilespmem:v47+s29+$0x0] =	vst.idx.msk $0xffff, v46;
	v14 =	vld [tilespmem:s6+$0xFFFFFFF0]  }
0x1e8: {  	v57 =	vadd.s32 v2, v21;
	[tilespmem:v44+s29+$0x0] =	vst.idx.msk $0xffff, v11;
	v56 =	vld [tilespmem:s6+$0xFFFFFF30]  }
0x1e9: {  	v53 =	vadd.s32 v2, v19;
	[tilespmem:v45+s29+$0x0] =	vst.idx.msk $0xffff, v9;
	v11 =	vld [tilespmem:s6+$0xFFFFFF70]  }
0x1ea: {  	v55 =	vadd.s32 v2, v20;
	[tilespmem:v8+s29+$0x0] =	vst.idx.msk $0xffff, v42;
	v54 =	vld [tilespmem:s6+$0xFFFFFFB0]  }
0x1eb: {  	v4 =	vadd.s32 v3, v4;
	v58 =	vld [tilespmem:s28+$0xFFFFFF40];
	[tilespmem:v5+s29+$0x0] =	vst.idx.msk $0xffff, v13  }
0x1ec: {  	v51 =	vadd.s32 v3, v7;
	v50 =	vld [tilespmem:s28+$0xFFFFFF80];
	[tilespmem:v52+s29+$0x0] =	vst.idx.msk $0xffff, v14  }
0x1ed: {  	v60 =	vadd.s32 v3, v31;
	[tilespmem:v57+s29+$0x0] =	vst.idx.msk $0xffff, v56;
	v59 =	vld [tilespmem:s6+$0x0]  }
0x1ee: {  	v63 =	vadd.s32 v3, v21;
	[tilespmem:v53+s29+$0x0] =	vst.idx.msk $0xffff, v11;
	v5 =	vld [tilespmem:s6+$0xFFFFFF40]  }
0x1ef: {  	v61 =	vadd.s32 v3, v19;
	[tilespmem:v55+s29+$0x0] =	vst.idx.msk $0xffff, v54;
	v11 =	vld [tilespmem:s6+$0xFFFFFF80]  }
0x1f0: {  	v62 =	vadd.s32 v3, v20;
	[tilespmem:v4+s29+$0x0] =	vst.idx.msk $0xffff, v58;
	v6 =	vld [tilespmem:s6+$0xFFFFFFC0]  }
0x1f1: {  	s18 =	sadd.s32 s25, s14;
	[tilespmem:v51+s29+$0x0] =	vst.idx.msk $0xffff, v50  }
0x1f2: {  	s19 =	sshll.u32 s18, $0xA;
	s6 =	sshll.u32 s18, $0x7;
	[tilespmem:v60+s29+$0x0] =	vst.idx.msk $0xffff, v59  }
0x1f3: {  	s18 =	sand.u32 $0xFFF8000, s19;
	s6 =	sand.u32 $0xF80, s6;
	[tilespmem:v63+s29+$0x0] =	vst.idx.msk $0xffff, v5  }
0x1f4: {  	s6 =	sor.u32 s6, s18;
	[tilespmem:v61+s29+$0x0] =	vst.idx.msk $0xffff, v11  }
0x1f5: {  	s18 =	sadd.s32 s2, s6;
	[tilespmem:v62+s29+$0x0] =	vst.idx.msk $0xffff, v6  }
0x1f6: {  	[hbm4b:s18+s3] =	stream.linear.scatter [tilespmem:s29], [sflag:$0x2], $0x80, $0x38;
	[tilespmem:$0x16300] =	vst v63  }
0x1f7: {  	s28 =	simm.s32 $0xDB88;
	s22 =	sadd.s32 $0x10, s18  }
0x1f8: {  	[hbm4b:s22+s3] =	stream.linear.scatter [tilespmem:s28], [sflag:$0x2], $0x80, $0x38;
	[tilespmem:$0x16300] =	vst v63  }
0x1f9: {  	s22 =	sadd.s32 $0x20, s18;
	s28 =	simm.s32 $0xDC10  }
0x1fa: {  	[hbm4b:s22+s3] =	stream.linear.scatter [tilespmem:s28], [sflag:$0x2], $0x80, $0x38;
	[tilespmem:$0x16300] =	vst v63  }
0x1fb: {  	s22 =	sadd.s32 $0x30, s18;
	s28 =	simm.s32 $0xDC98  }
0x1fc: {  	[hbm4b:s22+s3] =	stream.linear.scatter [tilespmem:s28], [sflag:$0x2], $0x80, $0x38;
	[tilespmem:$0x16300] =	vst v63  }
0x1fd: {  	s22 =	sadd.s32 $0x40, s18;
	s28 =	simm.s32 $0xDD20  }
0x1fe: {  	[hbm4b:s22+s3] =	stream.linear.scatter [tilespmem:s28], [sflag:$0x2], $0x80, $0x38;
	[tilespmem:$0x16300] =	vst v63  }
0x1ff: {  	s22 =	sadd.s32 $0x50, s18;
	s28 =	simm.s32 $0xDDA8  }
0x200: {  	[hbm4b:s22+s3] =	stream.linear.scatter [tilespmem:s28], [sflag:$0x2], $0x80, $0x38;
	[tilespmem:$0x16300] =	vst v63  }
0x201: {  	s22 =	sadd.s32 $0x60, s18;
	s28 =	simm.s32 $0xDE30  }
0x202: {  	[hbm4b:s22+s3] =	stream.linear.scatter [tilespmem:s28], [sflag:$0x2], $0x80, $0x38;
	[tilespmem:$0x16300] =	vst v63  }
0x203: {  	s18 =	sadd.s32 $0x70, s18;
	s22 =	simm.s32 $0xDEB8  }
0x204: {  	[hbm4b:s18+s3] =	stream.linear.scatter [tilespmem:s22], [sflag:$0x2], $0x80, $0x38;
	[tilespmem:$0x16300] =	vst v63  }
0x205: {  	s28 =	simm.s32 $0xDF40;
	s18 =	sadd.s32 s6, s7  }
0x206: {  	[hbm4b:s18+s3] =	stream.linear.scatter [tilespmem:s28], [sflag:$0x2], $0x80, $0x38;
	[tilespmem:$0x16300] =	vst v63  }
0x207: {  	s22 =	sadd.s32 $0x10, s18;
	s28 =	simm.s32 $0xDFC8  }
0x208: {  	[hbm4b:s22+s3] =	stream.linear.scatter [tilespmem:s28], [sflag:$0x2], $0x80, $0x38;
	[tilespmem:$0x16300] =	vst v63  }
0x209: {  	s22 =	sadd.s32 $0x20, s18;
	s28 =	simm.s32 $0xE050  }
0x20a: {  	[hbm4b:s22+s3] =	stream.linear.scatter [tilespmem:s28], [sflag:$0x2], $0x80, $0x38;
	[tilespmem:$0x16300] =	vst v63  }
0x20b: {  	s22 =	sadd.s32 $0x30, s18;
	s28 =	simm.s32 $0xE0D8  }
0x20c: {  	[hbm4b:s22+s3] =	stream.linear.scatter [tilespmem:s28], [sflag:$0x2], $0x80, $0x38;
	[tilespmem:$0x16300] =	vst v63  }
0x20d: {  	s22 =	sadd.s32 $0x40, s18;
	s28 =	simm.s32 $0xE160  }
0x20e: {  	[hbm4b:s22+s3] =	stream.linear.scatter [tilespmem:s28], [sflag:$0x2], $0x80, $0x38;
	[tilespmem:$0x16300] =	vst v63  }
0x20f: {  	s22 =	sadd.s32 $0x50, s18;
	s28 =	simm.s32 $0xE1E8  }
0x210: {  	[hbm4b:s22+s3] =	stream.linear.scatter [tilespmem:s28], [sflag:$0x2], $0x80, $0x38;
	[tilespmem:$0x16300] =	vst v63  }
0x211: {  	s22 =	sadd.s32 $0x60, s18;
	s28 =	simm.s32 $0xE270  }
0x212: {  	[hbm4b:s22+s3] =	stream.linear.scatter [tilespmem:s28], [sflag:$0x2], $0x80, $0x38;
	[tilespmem:$0x16300] =	vst v63  }
0x213: {  	s18 =	sadd.s32 $0x70, s18;
	s22 =	simm.s32 $0xE2F8  }
0x214: {  	[hbm4b:s18+s3] =	stream.linear.scatter [tilespmem:s22], [sflag:$0x2], $0x80, $0x38;
	[tilespmem:$0x16300] =	vst v63  }
0x215: {  	s28 =	simm.s32 $0xE380;
	s18 =	sadd.s32 s6, s8  }
0x216: {  	[hbm4b:s18+s3] =	stream.linear.scatter [tilespmem:s28], [sflag:$0x2], $0x80, $0x38;
	[tilespmem:$0x16300] =	vst v63  }
0x217: {  	s22 =	sadd.s32 $0x10, s18;
	s28 =	simm.s32 $0xE408  }
0x218: {  	[hbm4b:s22+s3] =	stream.linear.scatter [tilespmem:s28], [sflag:$0x2], $0x80, $0x38;
	[tilespmem:$0x16300] =	vst v63  }
0x219: {  	s22 =	sadd.s32 $0x20, s18;
	s28 =	simm.s32 $0xE490  }
0x21a: {  	[hbm4b:s22+s3] =	stream.linear.scatter [tilespmem:s28], [sflag:$0x2], $0x80, $0x38;
	[tilespmem:$0x16300] =	vst v63  }
0x21b: {  	s22 =	sadd.s32 $0x30, s18;
	s28 =	simm.s32 $0xE518  }
0x21c: {  	[hbm4b:s22+s3] =	stream.linear.scatter [tilespmem:s28], [sflag:$0x2], $0x80, $0x38;
	[tilespmem:$0x16300] =	vst v63  }
0x21d: {  	s22 =	sadd.s32 $0x40, s18;
	s28 =	simm.s32 $0xE5A0  }
0x21e: {  	[hbm4b:s22+s3] =	stream.linear.scatter [tilespmem:s28], [sflag:$0x2], $0x80, $0x38;
	[tilespmem:$0x16300] =	vst v63  }
0x21f: {  	s22 =	sadd.s32 $0x50, s18;
	s28 =	simm.s32 $0xE628  }
0x220: {  	[hbm4b:s22+s3] =	stream.linear.scatter [tilespmem:s28], [sflag:$0x2], $0x80, $0x38;
	[tilespmem:$0x16300] =	vst v63  }
0x221: {  	s22 =	sadd.s32 $0x60, s18;
	s28 =	simm.s32 $0xE6B0  }
0x222: {  	[hbm4b:s22+s3] =	stream.linear.scatter [tilespmem:s28], [sflag:$0x2], $0x80, $0x38;
	[tilespmem:$0x16300] =	vst v63  }
0x223: {  	s18 =	sadd.s32 $0x70, s18;
	s22 =	simm.s32 $0xE738  }
0x224: {  	[hbm4b:s18+s3] =	stream.linear.scatter [tilespmem:s22], [sflag:$0x2], $0x80, $0x38;
	[tilespmem:$0x16300] =	vst v63  }
0x225: {  	s28 =	simm.s32 $0xE7C0;
	s18 =	sadd.s32 s6, s9  }
0x226: {  	[hbm4b:s18+s3] =	stream.linear.scatter [tilespmem:s28], [sflag:$0x2], $0x80, $0x38;
	[tilespmem:$0x16300] =	vst v63  }
0x227: {  	s22 =	sadd.s32 $0x10, s18;
	s28 =	simm.s32 $0xE848  }
0x228: {  	[hbm4b:s22+s3] =	stream.linear.scatter [tilespmem:s28], [sflag:$0x2], $0x80, $0x38;
	[tilespmem:$0x16300] =	vst v63  }
0x229: {  	s22 =	sadd.s32 $0x20, s18;
	s28 =	simm.s32 $0xE8D0  }
0x22a: {  	[hbm4b:s22+s3] =	stream.linear.scatter [tilespmem:s28], [sflag:$0x2], $0x80, $0x38;
	[tilespmem:$0x16300] =	vst v63  }
0x22b: {  	s22 =	sadd.s32 $0x30, s18;
	s28 =	simm.s32 $0xE958  }
0x22c: {  	[hbm4b:s22+s3] =	stream.linear.scatter [tilespmem:s28], [sflag:$0x2], $0x80, $0x38;
	[tilespmem:$0x16300] =	vst v63  }
0x22d: {  	s22 =	sadd.s32 $0x40, s18;
	s28 =	simm.s32 $0xE9E0  }
0x22e: {  	[hbm4b:s22+s3] =	stream.linear.scatter [tilespmem:s28], [sflag:$0x2], $0x80, $0x38;
	[tilespmem:$0x16300] =	vst v63  }
0x22f: {  	s22 =	sadd.s32 $0x50, s18;
	s28 =	simm.s32 $0xEA68  }
0x230: {  	[hbm4b:s22+s3] =	stream.linear.scatter [tilespmem:s28], [sflag:$0x2], $0x80, $0x38;
	[tilespmem:$0x16300] =	vst v63  }
0x231: {  	s22 =	sadd.s32 $0x60, s18;
	s28 =	simm.s32 $0xEAF0  }
0x232: {  	[hbm4b:s22+s3] =	stream.linear.scatter [tilespmem:s28], [sflag:$0x2], $0x80, $0x38;
	[tilespmem:$0x16300] =	vst v63  }
0x233: {  	s18 =	sadd.s32 $0x70, s18;
	s22 =	simm.s32 $0xEB78  }
0x234: {  	[hbm4b:s18+s3] =	stream.linear.scatter [tilespmem:s22], [sflag:$0x2], $0x80, $0x38;
	[tilespmem:$0x16300] =	vst v63  }
0x235: {  	s28 =	simm.s32 $0xEC00;
	s18 =	sadd.s32 s6, s10  }
0x236: {  	[hbm4b:s18+s3] =	stream.linear.scatter [tilespmem:s28], [sflag:$0x2], $0x80, $0x38;
	[tilespmem:$0x16300] =	vst v63  }
0x237: {  	s22 =	sadd.s32 $0x10, s18;
	s28 =	simm.s32 $0xEC88  }
0x238: {  	[hbm4b:s22+s3] =	stream.linear.scatter [tilespmem:s28], [sflag:$0x2], $0x80, $0x38;
	[tilespmem:$0x16300] =	vst v63  }
0x239: {  	s22 =	sadd.s32 $0x20, s18;
	s28 =	simm.s32 $0xED10  }
0x23a: {  	[hbm4b:s22+s3] =	stream.linear.scatter [tilespmem:s28], [sflag:$0x2], $0x80, $0x38;
	[tilespmem:$0x16300] =	vst v63  }
0x23b: {  	s22 =	sadd.s32 $0x30, s18;
	s28 =	simm.s32 $0xED98  }
0x23c: {  	[hbm4b:s22+s3] =	stream.linear.scatter [tilespmem:s28], [sflag:$0x2], $0x80, $0x38;
	[tilespmem:$0x16300] =	vst v63  }
0x23d: {  	s22 =	sadd.s32 $0x40, s18;
	s28 =	simm.s32 $0xEE20  }
0x23e: {  	[hbm4b:s22+s3] =	stream.linear.scatter [tilespmem:s28], [sflag:$0x2], $0x80, $0x38;
	[tilespmem:$0x16300] =	vst v63  }
0x23f: {  	s22 =	sadd.s32 $0x50, s18;
	s28 =	simm.s32 $0xEEA8  }
0x240: {  	[hbm4b:s22+s3] =	stream.linear.scatter [tilespmem:s28], [sflag:$0x2], $0x80, $0x38;
	[tilespmem:$0x16300] =	vst v63  }
0x241: {  	s22 =	sadd.s32 $0x60, s18;
	s28 =	simm.s32 $0xEF30  }
0x242: {  	[hbm4b:s22+s3] =	stream.linear.scatter [tilespmem:s28], [sflag:$0x2], $0x80, $0x38;
	[tilespmem:$0x16300] =	vst v63  }
0x243: {  	s18 =	sadd.s32 $0x70, s18;
	s22 =	simm.s32 $0xEFB8  }
0x244: {  	[hbm4b:s18+s3] =	stream.linear.scatter [tilespmem:s22], [sflag:$0x2], $0x80, $0x38;
	[tilespmem:$0x16300] =	vst v63  }
0x245: {  	s28 =	simm.s32 $0xF040;
	s18 =	sadd.s32 s6, s11  }
0x246: {  	[hbm4b:s18+s3] =	stream.linear.scatter [tilespmem:s28], [sflag:$0x2], $0x80, $0x38;
	[tilespmem:$0x16300] =	vst v63  }
0x247: {  	s22 =	sadd.s32 $0x10, s18;
	s28 =	simm.s32 $0xF0C8  }
0x248: {  	[hbm4b:s22+s3] =	stream.linear.scatter [tilespmem:s28], [sflag:$0x2], $0x80, $0x38;
	[tilespmem:$0x16300] =	vst v63  }
0x249: {  	s22 =	sadd.s32 $0x20, s18;
	s28 =	simm.s32 $0xF150  }
0x24a: {  	[hbm4b:s22+s3] =	stream.linear.scatter [tilespmem:s28], [sflag:$0x2], $0x80, $0x38;
	[tilespmem:$0x16300] =	vst v63  }
0x24b: {  	s22 =	sadd.s32 $0x30, s18;
	s28 =	simm.s32 $0xF1D8  }
0x24c: {  	[hbm4b:s22+s3] =	stream.linear.scatter [tilespmem:s28], [sflag:$0x2], $0x80, $0x38;
	[tilespmem:$0x16300] =	vst v63  }
0x24d: {  	s22 =	sadd.s32 $0x40, s18;
	s28 =	simm.s32 $0xF260  }
0x24e: {  	[hbm4b:s22+s3] =	stream.linear.scatter [tilespmem:s28], [sflag:$0x2], $0x80, $0x38;
	[tilespmem:$0x16300] =	vst v63  }
0x24f: {  	s22 =	sadd.s32 $0x50, s18;
	s28 =	simm.s32 $0xF2E8  }
0x250: {  	[hbm4b:s22+s3] =	stream.linear.scatter [tilespmem:s28], [sflag:$0x2], $0x80, $0x38;
	[tilespmem:$0x16300] =	vst v63  }
0x251: {  	s22 =	sadd.s32 $0x60, s18;
	s28 =	simm.s32 $0xF370  }
0x252: {  	[hbm4b:s22+s3] =	stream.linear.scatter [tilespmem:s28], [sflag:$0x2], $0x80, $0x38;
	[tilespmem:$0x16300] =	vst v63  }
0x253: {  	s18 =	sadd.s32 $0x70, s18;
	s22 =	simm.s32 $0xF3F8  }
0x254: {  	[hbm4b:s18+s3] =	stream.linear.scatter [tilespmem:s22], [sflag:$0x2], $0x80, $0x38;
	[tilespmem:$0x16300] =	vst v63  }
0x255: {  	s28 =	simm.s32 $0xF480;
	s18 =	sadd.s32 s6, s12  }
0x256: {  	[hbm4b:s18+s3] =	stream.linear.scatter [tilespmem:s28], [sflag:$0x2], $0x80, $0x38;
	[tilespmem:$0x16300] =	vst v63  }
0x257: {  	s22 =	sadd.s32 $0x10, s18;
	s28 =	simm.s32 $0xF508  }
0x258: {  	[hbm4b:s22+s3] =	stream.linear.scatter [tilespmem:s28], [sflag:$0x2], $0x80, $0x38;
	[tilespmem:$0x16300] =	vst v63  }
0x259: {  	s22 =	sadd.s32 $0x20, s18;
	s28 =	simm.s32 $0xF590  }
0x25a: {  	[hbm4b:s22+s3] =	stream.linear.scatter [tilespmem:s28], [sflag:$0x2], $0x80, $0x38;
	[tilespmem:$0x16300] =	vst v63  }
0x25b: {  	s22 =	sadd.s32 $0x30, s18;
	s28 =	simm.s32 $0xF618  }
0x25c: {  	[hbm4b:s22+s3] =	stream.linear.scatter [tilespmem:s28], [sflag:$0x2], $0x80, $0x38;
	[tilespmem:$0x16300] =	vst v63  }
0x25d: {  	s22 =	sadd.s32 $0x40, s18;
	s28 =	simm.s32 $0xF6A0  }
0x25e: {  	[hbm4b:s22+s3] =	stream.linear.scatter [tilespmem:s28], [sflag:$0x2], $0x80, $0x38;
	[tilespmem:$0x16300] =	vst v63  }
0x25f: {  	s22 =	sadd.s32 $0x50, s18;
	s28 =	simm.s32 $0xF728  }
0x260: {  	[hbm4b:s22+s3] =	stream.linear.scatter [tilespmem:s28], [sflag:$0x2], $0x80, $0x38;
	[tilespmem:$0x16300] =	vst v63  }
0x261: {  	s22 =	sadd.s32 $0x60, s18;
	s28 =	simm.s32 $0xF7B0  }
0x262: {  	[hbm4b:s22+s3] =	stream.linear.scatter [tilespmem:s28], [sflag:$0x2], $0x80, $0x38;
	[tilespmem:$0x16300] =	vst v63  }
0x263: {  	s18 =	sadd.s32 $0x70, s18;
	s28 =	simm.s32 $0xF838  }
0x264: {  	[hbm4b:s18+s3] =	stream.linear.scatter [tilespmem:s28], [sflag:$0x2], $0x80, $0x38;
	[tilespmem:$0x16300] =	vst v63  }
0x265: {  	s19 =	simm.s32 $0xF8C0;
	s6 =	sadd.s32 s6, s13  }
0x266: {  	[hbm4b:s6+s3] =	stream.linear.scatter [tilespmem:s19], [sflag:$0x2], $0x80, $0x38;
	[tilespmem:$0x16300] =	vst v63  }
0x267: {  	s22 =	sadd.s32 $0x10, s6;
	s28 =	simm.s32 $0xF948  }
0x268: {  	[hbm4b:s22+s3] =	stream.linear.scatter [tilespmem:s28], [sflag:$0x2], $0x80, $0x38;
	[tilespmem:$0x16300] =	vst v63  }
0x269: {  	s22 =	sadd.s32 $0x20, s6;
	s28 =	simm.s32 $0xF9D0  }
0x26a: {  	[hbm4b:s22+s3] =	stream.linear.scatter [tilespmem:s28], [sflag:$0x2], $0x80, $0x38;
	[tilespmem:$0x16300] =	vst v63  }
0x26b: {  	s22 =	sadd.s32 $0x30, s6;
	s28 =	simm.s32 $0xFA58  }
0x26c: {  	[hbm4b:s22+s3] =	stream.linear.scatter [tilespmem:s28], [sflag:$0x2], $0x80, $0x38;
	[tilespmem:$0x16300] =	vst v63  }
0x26d: {  	s22 =	sadd.s32 $0x40, s6;
	s28 =	simm.s32 $0xFAE0  }
0x26e: {  	[hbm4b:s22+s3] =	stream.linear.scatter [tilespmem:s28], [sflag:$0x2], $0x80, $0x38;
	[tilespmem:$0x16300] =	vst v63  }
0x26f: {  	s22 =	sadd.s32 $0x50, s6;
	s28 =	simm.s32 $0xFB68  }
0x270: {  	[hbm4b:s22+s3] =	stream.linear.scatter [tilespmem:s28], [sflag:$0x2], $0x80, $0x38;
	[tilespmem:$0x16300] =	vst v63  }
.Ltmp7:
0x271: {  	_ = 	snop;
	(pc) =	sbr.rel @p1 .LBB2_12-.Ltmp7, $4  }
0x272: {  	s19 =	sadd.s32 $0x60, s6;
	s22 =	simm.s32 $0xFBF0  }
0x273: {  	[hbm4b:s19+s3] =	stream.linear.scatter [tilespmem:s22], [sflag:$0x2], $0x80, $0x38;
	[tilespmem:$0x16300] =	vst v63  }
0x274: {  	s6 =	sadd.s32 $0x70, s6;
	s28 =	simm.s32 $0xFC78  }
0x275: {  	[hbm4b:s6+s3] =	stream.linear.scatter [tilespmem:s28], [sflag:$0x2], $0x80, $0x38;
	[tilespmem:$0x16300] =	vst v63  }
.Ltmp8:
0x276: {  	(pc) =	sbr.rel .LBB2_13-.Ltmp8, $4  }
0x277: {  	_ = 	snop  }
0x278: {  	_ =	swait.ge [sflag:s30], $0x2000  }
0x279: {  	[sflag:s30] =	ssyncset.done $0x0  }
0x27a: {  	[sflag:s30] =	ssyncadd.s32 $0xFFFFE000  }
.LBB2_12:
0x27b: {  	s6 =	smul.u32 $0xA00, s1;
	_ =	sdelay $0x1  }
0x27c: {  	s6 =	sshra.s32 s6, $0x2  }
.Ltmp9:
0x27d: {  	s18 =	simm.s32 $0x3900;
	s6 =	sadd.s32 $0x300, s6;
	(pc) =	sbr.rel @p0 .LBB2_14-.Ltmp9, $4  }
0x27e: {  	[tilespmem:s18], [sflag:$0x1] =	stream.indirect.gather [hbm4b:s4+s20], $0x40, s6, s20, $0xb8;
	[tilespmem:$0x16300] =	vst v63  }
0x27f: {  	_ =	swait.ge [sflag:s30], $0x2000  }
0x280: {  	[sflag:s30] =	ssyncset.done $0x0  }
0x281: {  	[sflag:s30] =	ssyncadd.s32 $0xFFFFE000  }
.LBB2_13:
0x282: {  	_ =	swait.ge [sflag:s26], $0x400  }
0x283: {  	[sflag:s26] =	ssyncset.done $0x0  }
0x284: {  	[sflag:s26] =	ssyncadd.s32 $0xFFFFFC00  }
0x285: {  	_ =	swait.ge [sflag:s26], $0x400  }
0x286: {  	[sflag:s26] =	ssyncset.done $0x0  }
0x287: {  	[sflag:s26] =	ssyncadd.s32 $0xFFFFFC00  }
0x288: {  	_ =	swait.ge [sflag:s26], $0x400  }
0x289: {  	[sflag:s26] =	ssyncset.done $0x0  }
0x28a: {  	[sflag:s26] =	ssyncadd.s32 $0xFFFFFC00  }
0x28b: {  	_ =	swait.ge [sflag:s26], $0x400  }
0x28c: {  	[sflag:s26] =	ssyncset.done $0x0  }
0x28d: {  	[sflag:s26] =	ssyncadd.s32 $0xFFFFFC00  }
0x28e: {  	_ =	swait.ge [sflag:s26], $0x400  }
0x28f: {  	[sflag:s26] =	ssyncset.done $0x0  }
0x290: {  	[sflag:s26] =	ssyncadd.s32 $0xFFFFFC00  }
0x291: {  	_ =	swait.ge [sflag:s26], $0x400  }
0x292: {  	[sflag:s26] =	ssyncset.done $0x0  }
0x293: {  	[sflag:s26] =	ssyncadd.s32 $0xFFFFFC00  }
0x294: {  	_ =	swait.ge [sflag:s26], $0x400  }
0x295: {  	[sflag:s26] =	ssyncset.done $0x0  }
0x296: {  	[sflag:s26] =	ssyncadd.s32 $0xFFFFFC00  }
0x297: {  	_ =	swait.ge [sflag:s26], $0x400  }
0x298: {  	[sflag:s26] =	ssyncset.done $0x0  }
0x299: {  	[sflag:s26] =	ssyncadd.s32 $0xFFFFFC00  }
.LBB2_14:
0x29a: {  	s6 =	simm.s32 $0x3  }
0x29b: {  	s18 =	simm.s32 $0x0;
	v4 =	vmov s6  }
0x29c: {  	s6 =	simm.s32 $0x59F0;
	v5 =	vand.u32 $0x7F, v4;
	v4 =	vmov s18  }
0x29d: {  	s22 =	simm.s32 $0x1;
	v7 =	vld [tilespmem:s6+$0xFFFFFFD0];
	v8 =	vadd.s32 v0, v5;
	v6 =	vand.u32 $0x7C, v4  }
0x29e: {  	v9 =	vld [tilespmem:s6+$0xFFFFFF10];
	v4 =	vmov s22;
	v10 =	vadd.s32 v0, v6  }
0x29f: {  	s19 =	simm.s32 $0x2;
	v11 =	vand.u32 $0x7D, v4  }
0x2a0: {  	v13 =	vmov s19;
	v4 =	vld [tilespmem:s6+$0xFFFFFF50];
	v12 =	vadd.s32 v0, v11  }
0x2a1: {  	v13 =	vand.u32 $0x7E, v13  }
0x2a2: {  	v14 =	vld [tilespmem:s6+$0xFFFFFF90];
	v15 =	vadd.s32 v0, v13;
	[tilespmem:v8+s21+$0x0] =	vst.idx.msk $0xffff, v7  }
0x2a3: {  	v8 =	vadd.s32 v1, v5;
	v7 =	vld [tilespmem:s6+$0xFFFFFFE0];
	[tilespmem:v10+s21+$0x0] =	vst.idx.msk $0xffff, v9  }
0x2a4: {  	v10 =	vadd.s32 v1, v6;
	v9 =	vld [tilespmem:s6+$0xFFFFFF20]  }
0x2a5: {  	[tilespmem:v12+s21+$0x0] =	vst.idx.msk $0xffff, v4  }
0x2a6: {  	v12 =	vadd.s32 v1, v11;
	v4 =	vld [tilespmem:s6+$0xFFFFFF60]  }
0x2a7: {  	[tilespmem:v15+s21+$0x0] =	vst.idx.msk $0xffff, v14  }
0x2a8: {  	v16 =	vadd.s32 v1, v13;
	s22 =	simm.s32 $0x7;
	v15 =	vld [tilespmem:s6+$0xFFFFFFA0];
	[tilespmem:v8+s21+$0x0] =	vst.idx.msk $0xffff, v7  }
0x2a9: {  	v14 =	vadd.s32 v2, v5;
	v8 =	vmov s22;
	v7 =	vld [tilespmem:s6+$0xFFFFFFF0];
	[tilespmem:v10+s21+$0x0] =	vst.idx.msk $0xffff, v9  }
0x2aa: {  	s28 =	simm.s32 $0x5AF0;
	v10 =	vadd.s32 v2, v6;
	v8 =	vand.u32 $0x7F, v8;
	v9 =	vld [tilespmem:s6+$0xFFFFFF30]  }
0x2ab: {  	s19 =	simm.s32 $0x4;
	v18 =	vld [tilespmem:s28+$0xFFFFFFD0];
	[tilespmem:v12+s21+$0x0] =	vst.idx.msk $0xffff, v4;
	v19 =	vadd.s32 v0, v8  }
0x2ac: {  	v17 =	vadd.s32 v2, v11;
	v4 =	vmov s19;
	s19 =	simm.s32 $0x5;
	v12 =	vld [tilespmem:s6+$0xFFFFFF70]  }
0x2ad: {  	s22 =	simm.s32 $0x6;
	[tilespmem:v16+s21+$0x0] =	vst.idx.msk $0xffff, v15;
	v4 =	vand.u32 $0x7C, v4;
	v22 =	vmov s19  }
0x2ae: {  	v20 =	vld [tilespmem:s28+$0xFFFFFF10];
	v21 =	vadd.s32 v0, v4;
	[tilespmem:v14+s21+$0x0] =	vst.idx.msk $0xffff, v7;
	v7 =	vand.u32 $0x7D, v22;
	v14 =	vmov s22  }
0x2af: {  	v16 =	vadd.s32 v3, v5;
	[tilespmem:v10+s21+$0x0] =	vst.idx.msk $0xffff, v9;
	v9 =	vld [tilespmem:s28+$0xFFFFFF50];
	v10 =	vadd.s32 v0, v7;
	v5 =	vand.u32 $0x7E, v14  }
0x2b0: {  	v14 =	vld [tilespmem:s28+$0xFFFFFF90];
	[tilespmem:v19+s21+$0x0] =	vst.idx.msk $0xffff, v18;
	v63 =	vadd.s32 v0, v5  }
0x2b1: {  	v18 =	vadd.s32 v2, v13;
	[tilespmem:v17+s21+$0x0] =	vst.idx.msk $0xffff, v12;
	v12 =	vld [tilespmem:s6+$0xFFFFFFB0]  }
0x2b2: {  	v15 =	vld [tilespmem:s6+$0x0]  }
0x2b3: {  	v19 =	vld [tilespmem:s28+$0xFFFFFFE0];
	[tilespmem:v21+s21+$0x0] =	vst.idx.msk $0xffff, v20;
	v20 =	vadd.s32 v1, v8  }
0x2b4: {  	v23 =	vadd.s32 v1, v4;
	v21 =	vld [tilespmem:s28+$0xFFFFFF20];
	[tilespmem:v10+s21+$0x0] =	vst.idx.msk $0xffff, v9  }
0x2b5: {  	v25 =	vadd.s32 v3, v11;
	v24 =	vld [tilespmem:s6+$0xFFFFFF80];
	[tilespmem:v63+s21+$0x0] =	vst.idx.msk $0xffff, v14  }
0x2b6: {  	v17 =	vld [tilespmem:s28+$0xFFFFFF60];
	[tilespmem:v18+s21+$0x0] =	vst.idx.msk $0xffff, v12;
	v18 =	vadd.s32 v1, v7  }
0x2b7: {  	[tilespmem:v16+s21+$0x0] =	vst.idx.msk $0xffff, v15;
	v16 =	vadd.s32 v1, v5;
	v14 =	vld [tilespmem:s28+$0xFFFFFFA0]  }
0x2b8: {  	v15 =	vadd.s32 v3, v13;
	[tilespmem:v20+s21+$0x0] =	vst.idx.msk $0xffff, v19;
	v11 =	vld [tilespmem:s6+$0xFFFFFFC0]  }
0x2b9: {  	v12 =	vadd.s32 v2, v8;
	[tilespmem:v23+s21+$0x0] =	vst.idx.msk $0xffff, v21;
	v9 =	vld [tilespmem:s28+$0xFFFFFFF0]  }
0x2ba: {  	s18 =	simm.s32 $0x8;
	s19 =	simm.s32 $0xC;
	s22 =	simm.s32 $0xB;
	v13 =	vadd.s32 v2, v4;
	[tilespmem:v25+s21+$0x0] =	vst.idx.msk $0xffff, v24;
	v10 =	vld [tilespmem:s28+$0xFFFFFF30]  }
.LBB2_15:
0x2bb: {  	p2 =	slt.u32 s19, $0x7C;
	v19 =	vmov s22;
	[tilespmem:v18+s21+$0x0] =	vst.idx.msk $0xffff, v17;
	v17 =	vld [tilespmem:s6+$0xFFFFFF40];
	v18 =	vadd.s32 v3, v6;
	v6 =	vmov v4;
	s6 =	smov.u32 s28  }
0x2bc: {  	v4 =	vmov s18;
	v21 =	vadd.s32 v2, v7;
	s28 =	sadd.s32 $0x100, s28;
	v19 =	vand.u32 $0x7F, v19;
	v20 =	vld [tilespmem:s6+$0xFFFFFF70];
	[tilespmem:v16+s21+$0x0] =	vst.idx.msk $0xffff, v14  }
0x2bd: {  	s22 =	sadd.s32 $0x1, s18;
	v4 =	vand.u32 $0x7C, v4;
	v14 =	vld [tilespmem:s28+$0xFFFFFFD0];
	v16 =	vadd.s32 v0, v19;
	[tilespmem:v15+s21+$0x0] =	vst.idx.msk $0xffff, v11  }
0x2be: {  	v22 =	vmov s22;
	s22 =	sadd.s32 $0x2, s18;
	s18 =	smov.u32 s19;
	v15 =	vadd.s32 v0, v4;
	v11 =	vld [tilespmem:s28+$0xFFFFFF10];
	[tilespmem:v12+s21+$0x0] =	vst.idx.msk $0xffff, v9  }
0x2bf: {  	v9 =	vand.u32 $0x7D, v22;
	v12 =	vmov s22;
	[tilespmem:v13+s21+$0x0] =	vst.idx.msk $0xffff, v10;
	v10 =	vld [tilespmem:s6+$0x0];
	v13 =	vadd.s32 v3, v8;
	v8 =	vmovc v19  }
0x2c0: {  	v22 =	vadd.s32 v0, v9;
	v12 =	vand.u32 $0x7E, v12;
	v19 =	vld [tilespmem:s28+$0xFFFFFF50];
	[tilespmem:v18+s21+$0x0] =	vst.idx.msk $0xffff, v17  }
0x2c1: {  	v24 =	vadd.s32 v0, v12;
	v23 =	vld [tilespmem:s28+$0xFFFFFF90];
	[tilespmem:v21+s21+$0x0] =	vst.idx.msk $0xffff, v20  }
0x2c2: {  	v21 =	vadd.s32 v2, v5;
	[tilespmem:v16+s21+$0x0] =	vst.idx.msk $0xffff, v14;
	v20 =	vld [tilespmem:s6+$0xFFFFFFB0]  }
0x2c3: {  	[tilespmem:v15+s21+$0x0] =	vst.idx.msk $0xffff, v11;
	v11 =	vld [tilespmem:s28+$0xFFFFFFE0];
	v15 =	vadd.s32 v1, v8  }
0x2c4: {  	v26 =	vadd.s32 v1, v4;
	v25 =	vld [tilespmem:s28+$0xFFFFFF20];
	[tilespmem:v13+s21+$0x0] =	vst.idx.msk $0xffff, v10  }
0x2c5: {  	[tilespmem:v22+s21+$0x0] =	vst.idx.msk $0xffff, v19;
	v19 =	vld [tilespmem:s6+$0xFFFFFF80];
	v22 =	vadd.s32 v3, v7;
	v7 =	vmov v9  }
.Ltmp10:
0x2c6: {  	v17 =	vld [tilespmem:s28+$0xFFFFFF60];
	v18 =	vadd.s32 v1, v7;
	[tilespmem:v24+s21+$0x0] =	vst.idx.msk $0xffff, v23;
	(pc) =	sbr.rel @p2 .LBB2_15-.Ltmp10, $4  }
0x2c7: {  	v16 =	vadd.s32 v1, v12;
	v14 =	vld [tilespmem:s28+$0xFFFFFFA0];
	[tilespmem:v21+s21+$0x0] =	vst.idx.msk $0xffff, v20  }
0x2c8: {  	[tilespmem:v15+s21+$0x0] =	vst.idx.msk $0xffff, v11;
	v11 =	vld [tilespmem:s6+$0xFFFFFFC0];
	v15 =	vadd.s32 v3, v5;
	v5 =	vmov v12  }
0x2c9: {  	v12 =	vadd.s32 v2, v8;
	[tilespmem:v26+s21+$0x0] =	vst.idx.msk $0xffff, v25;
	v9 =	vld [tilespmem:s28+$0xFFFFFFF0]  }
0x2ca: {  	s19 =	sadd.s32 $0x4, s19;
	s22 =	sadd.s32 $0x3, s18;
	v13 =	vadd.s32 v2, v4;
	v10 =	vld [tilespmem:s28+$0xFFFFFF30];
	[tilespmem:v22+s21+$0x0] =	vst.idx.msk $0xffff, v19  }
0x2cb: {  	_ =	sdelay $0x2  }
0x2cc: {  	v19 =	vmov s22  }
0x2cd: {  	s19 =	sadd.s32 $0x1, s18;
	[tilespmem:v18+s21+$0x0] =	vst.idx.msk $0xffff, v17;
	v30 =	vld [tilespmem:s6+$0xFFFFFF40];
	v6 =	vadd.s32 v3, v6;
	s6 =	sadd.s32 $0x100, s28;
	v21 =	vmov s18;
	v31 =	vand.u32 $0x7F, v19  }
0x2ce: {  	s22 =	sadd.s32 $0x2, s18;
	v32 =	vmov s19;
	[tilespmem:v16+s21+$0x0] =	vst.idx.msk $0xffff, v14;
	v33 =	vld [tilespmem:s6+$0xFFFFFFD0];
	v21 =	vand.u32 $0x7C, v21;
	v34 =	vadd.s32 v0, v31  }
0x2cf: {  	v20 =	vmov s22;
	v22 =	vld [tilespmem:s6+$0xFFFFFF10];
	v19 =	vand.u32 $0x7D, v32;
	[tilespmem:v15+s21+$0x0] =	vst.idx.msk $0xffff, v11;
	v39 =	vadd.s32 v0, v21  }
0x2d0: {  	v35 =	vld [tilespmem:s6+$0xFFFFFF50];
	v20 =	vand.u32 $0x7E, v20;
	v36 =	vadd.s32 v0, v19;
	[tilespmem:v12+s21+$0x0] =	vst.idx.msk $0xffff, v9  }
0x2d1: {  	v37 =	vld [tilespmem:s6+$0xFFFFFF90];
	v38 =	vadd.s32 v0, v20;
	[tilespmem:v13+s21+$0x0] =	vst.idx.msk $0xffff, v10  }
0x2d2: {  	v41 =	vadd.s32 v2, v7;
	v40 =	vld [tilespmem:s28+$0xFFFFFF70];
	[tilespmem:v6+s21+$0x0] =	vst.idx.msk $0xffff, v30  }
0x2d3: {  	v49 =	vadd.s32 v2, v5;
	v48 =	vld [tilespmem:s28+$0xFFFFFFB0];
	[tilespmem:v34+s21+$0x0] =	vst.idx.msk $0xffff, v33  }
0x2d4: {  	v43 =	vadd.s32 v1, v31;
	[tilespmem:v39+s21+$0x0] =	vst.idx.msk $0xffff, v22;
	v14 =	vld [tilespmem:s6+$0xFFFFFFE0]  }
0x2d5: {  	v47 =	vadd.s32 v1, v21;
	[tilespmem:v36+s21+$0x0] =	vst.idx.msk $0xffff, v35;
	v46 =	vld [tilespmem:s6+$0xFFFFFF20]  }
0x2d6: {  	v44 =	vadd.s32 v1, v19;
	[tilespmem:v38+s21+$0x0] =	vst.idx.msk $0xffff, v37;
	v11 =	vld [tilespmem:s6+$0xFFFFFF60]  }
0x2d7: {  	v45 =	vadd.s32 v1, v20;
	[tilespmem:v41+s21+$0x0] =	vst.idx.msk $0xffff, v40;
	v9 =	vld [tilespmem:s6+$0xFFFFFFA0]  }
0x2d8: {  	v8 =	vadd.s32 v3, v8;
	v42 =	vld [tilespmem:s28+$0x0];
	[tilespmem:v49+s21+$0x0] =	vst.idx.msk $0xffff, v48  }
0x2d9: {  	v5 =	vadd.s32 v3, v5;
	v13 =	vld [tilespmem:s28+$0xFFFFFFC0];
	[tilespmem:v43+s21+$0x0] =	vst.idx.msk $0xffff, v14  }
0x2da: {  	v52 =	vadd.s32 v2, v31;
	[tilespmem:v47+s21+$0x0] =	vst.idx.msk $0xffff, v46;
	v14 =	vld [tilespmem:s6+$0xFFFFFFF0]  }
0x2db: {  	v57 =	vadd.s32 v2, v21;
	[tilespmem:v44+s21+$0x0] =	vst.idx.msk $0xffff, v11;
	v56 =	vld [tilespmem:s6+$0xFFFFFF30]  }
0x2dc: {  	v53 =	vadd.s32 v2, v19;
	[tilespmem:v45+s21+$0x0] =	vst.idx.msk $0xffff, v9;
	v11 =	vld [tilespmem:s6+$0xFFFFFF70]  }
0x2dd: {  	v55 =	vadd.s32 v2, v20;
	[tilespmem:v8+s21+$0x0] =	vst.idx.msk $0xffff, v42;
	v54 =	vld [tilespmem:s6+$0xFFFFFFB0]  }
0x2de: {  	v4 =	vadd.s32 v3, v4;
	v58 =	vld [tilespmem:s28+$0xFFFFFF40];
	[tilespmem:v5+s21+$0x0] =	vst.idx.msk $0xffff, v13  }
0x2df: {  	v51 =	vadd.s32 v3, v7;
	v50 =	vld [tilespmem:s28+$0xFFFFFF80];
	[tilespmem:v52+s21+$0x0] =	vst.idx.msk $0xffff, v14  }
0x2e0: {  	v60 =	vadd.s32 v3, v31;
	[tilespmem:v57+s21+$0x0] =	vst.idx.msk $0xffff, v56;
	v59 =	vld [tilespmem:s6+$0x0]  }
0x2e1: {  	v63 =	vadd.s32 v3, v21;
	[tilespmem:v53+s21+$0x0] =	vst.idx.msk $0xffff, v11;
	v5 =	vld [tilespmem:s6+$0xFFFFFF40]  }
0x2e2: {  	v61 =	vadd.s32 v3, v19;
	[tilespmem:v55+s21+$0x0] =	vst.idx.msk $0xffff, v54;
	v11 =	vld [tilespmem:s6+$0xFFFFFF80]  }
0x2e3: {  	v62 =	vadd.s32 v3, v20;
	[tilespmem:v4+s21+$0x0] =	vst.idx.msk $0xffff, v58;
	v6 =	vld [tilespmem:s6+$0xFFFFFFC0]  }
0x2e4: {  	s18 =	sadd.s32 s25, s15;
	[tilespmem:v51+s21+$0x0] =	vst.idx.msk $0xffff, v50  }
0x2e5: {  	s19 =	sshll.u32 s18, $0xA;
	s6 =	sshll.u32 s18, $0x7;
	[tilespmem:v60+s21+$0x0] =	vst.idx.msk $0xffff, v59  }
0x2e6: {  	s18 =	sand.u32 $0xFFF8000, s19;
	s6 =	sand.u32 $0xF80, s6;
	[tilespmem:v63+s21+$0x0] =	vst.idx.msk $0xffff, v5  }
0x2e7: {  	s6 =	sor.u32 s6, s18;
	[tilespmem:v61+s21+$0x0] =	vst.idx.msk $0xffff, v11  }
0x2e8: {  	s18 =	sadd.s32 s2, s6;
	[tilespmem:v62+s21+$0x0] =	vst.idx.msk $0xffff, v6  }
0x2e9: {  	[hbm4b:s18+s3] =	stream.linear.scatter [tilespmem:s21], [sflag:$0x2], $0x80, $0x38;
	[tilespmem:$0x16300] =	vst v63  }
0x2ea: {  	s28 =	simm.s32 $0xFD88;
	s22 =	sadd.s32 $0x10, s18  }
0x2eb: {  	[hbm4b:s22+s3] =	stream.linear.scatter [tilespmem:s28], [sflag:$0x2], $0x80, $0x38;
	[tilespmem:$0x16300] =	vst v63  }
0x2ec: {  	s22 =	sadd.s32 $0x20, s18;
	s28 =	simm.s32 $0xFE10  }
0x2ed: {  	[hbm4b:s22+s3] =	stream.linear.scatter [tilespmem:s28], [sflag:$0x2], $0x80, $0x38;
	[tilespmem:$0x16300] =	vst v63  }
0x2ee: {  	s22 =	sadd.s32 $0x30, s18;
	s28 =	simm.s32 $0xFE98  }
0x2ef: {  	[hbm4b:s22+s3] =	stream.linear.scatter [tilespmem:s28], [sflag:$0x2], $0x80, $0x38;
	[tilespmem:$0x16300] =	vst v63  }
0x2f0: {  	s22 =	sadd.s32 $0x40, s18;
	s28 =	simm.s32 $0xFF20  }
0x2f1: {  	[hbm4b:s22+s3] =	stream.linear.scatter [tilespmem:s28], [sflag:$0x2], $0x80, $0x38;
	[tilespmem:$0x16300] =	vst v63  }
0x2f2: {  	s22 =	sadd.s32 $0x50, s18;
	s28 =	simm.s32 $0xFFA8  }
0x2f3: {  	[hbm4b:s22+s3] =	stream.linear.scatter [tilespmem:s28], [sflag:$0x2], $0x80, $0x38;
	[tilespmem:$0x16300] =	vst v63  }
0x2f4: {  	s22 =	sadd.s32 $0x60, s18;
	s28 =	simm.s32 $0x10030  }
0x2f5: {  	[hbm4b:s22+s3] =	stream.linear.scatter [tilespmem:s28], [sflag:$0x2], $0x80, $0x38;
	[tilespmem:$0x16300] =	vst v63  }
0x2f6: {  	s18 =	sadd.s32 $0x70, s18;
	s22 =	simm.s32 $0x100B8  }
0x2f7: {  	[hbm4b:s18+s3] =	stream.linear.scatter [tilespmem:s22], [sflag:$0x2], $0x80, $0x38;
	[tilespmem:$0x16300] =	vst v63  }
0x2f8: {  	s28 =	simm.s32 $0x10140;
	s18 =	sadd.s32 s6, s7  }
0x2f9: {  	[hbm4b:s18+s3] =	stream.linear.scatter [tilespmem:s28], [sflag:$0x2], $0x80, $0x38;
	[tilespmem:$0x16300] =	vst v63  }
0x2fa: {  	s22 =	sadd.s32 $0x10, s18;
	s28 =	simm.s32 $0x101C8  }
0x2fb: {  	[hbm4b:s22+s3] =	stream.linear.scatter [tilespmem:s28], [sflag:$0x2], $0x80, $0x38;
	[tilespmem:$0x16300] =	vst v63  }
0x2fc: {  	s22 =	sadd.s32 $0x20, s18;
	s28 =	simm.s32 $0x10250  }
0x2fd: {  	[hbm4b:s22+s3] =	stream.linear.scatter [tilespmem:s28], [sflag:$0x2], $0x80, $0x38;
	[tilespmem:$0x16300] =	vst v63  }
0x2fe: {  	s22 =	sadd.s32 $0x30, s18;
	s28 =	simm.s32 $0x102D8  }
0x2ff: {  	[hbm4b:s22+s3] =	stream.linear.scatter [tilespmem:s28], [sflag:$0x2], $0x80, $0x38;
	[tilespmem:$0x16300] =	vst v63  }
0x300: {  	s22 =	sadd.s32 $0x40, s18;
	s28 =	simm.s32 $0x10360  }
0x301: {  	[hbm4b:s22+s3] =	stream.linear.scatter [tilespmem:s28], [sflag:$0x2], $0x80, $0x38;
	[tilespmem:$0x16300] =	vst v63  }
0x302: {  	s22 =	sadd.s32 $0x50, s18;
	s28 =	simm.s32 $0x103E8  }
0x303: {  	[hbm4b:s22+s3] =	stream.linear.scatter [tilespmem:s28], [sflag:$0x2], $0x80, $0x38;
	[tilespmem:$0x16300] =	vst v63  }
0x304: {  	s22 =	sadd.s32 $0x60, s18;
	s28 =	simm.s32 $0x10470  }
0x305: {  	[hbm4b:s22+s3] =	stream.linear.scatter [tilespmem:s28], [sflag:$0x2], $0x80, $0x38;
	[tilespmem:$0x16300] =	vst v63  }
0x306: {  	s18 =	sadd.s32 $0x70, s18;
	s22 =	simm.s32 $0x104F8  }
0x307: {  	[hbm4b:s18+s3] =	stream.linear.scatter [tilespmem:s22], [sflag:$0x2], $0x80, $0x38;
	[tilespmem:$0x16300] =	vst v63  }
0x308: {  	s28 =	simm.s32 $0x10580;
	s18 =	sadd.s32 s6, s8  }
0x309: {  	[hbm4b:s18+s3] =	stream.linear.scatter [tilespmem:s28], [sflag:$0x2], $0x80, $0x38;
	[tilespmem:$0x16300] =	vst v63  }
0x30a: {  	s22 =	sadd.s32 $0x10, s18;
	s28 =	simm.s32 $0x10608  }
0x30b: {  	[hbm4b:s22+s3] =	stream.linear.scatter [tilespmem:s28], [sflag:$0x2], $0x80, $0x38;
	[tilespmem:$0x16300] =	vst v63  }
0x30c: {  	s22 =	sadd.s32 $0x20, s18;
	s28 =	simm.s32 $0x10690  }
0x30d: {  	[hbm4b:s22+s3] =	stream.linear.scatter [tilespmem:s28], [sflag:$0x2], $0x80, $0x38;
	[tilespmem:$0x16300] =	vst v63  }
0x30e: {  	s22 =	sadd.s32 $0x30, s18;
	s28 =	simm.s32 $0x10718  }
0x30f: {  	[hbm4b:s22+s3] =	stream.linear.scatter [tilespmem:s28], [sflag:$0x2], $0x80, $0x38;
	[tilespmem:$0x16300] =	vst v63  }
0x310: {  	s22 =	sadd.s32 $0x40, s18;
	s28 =	simm.s32 $0x107A0  }
0x311: {  	[hbm4b:s22+s3] =	stream.linear.scatter [tilespmem:s28], [sflag:$0x2], $0x80, $0x38;
	[tilespmem:$0x16300] =	vst v63  }
0x312: {  	s22 =	sadd.s32 $0x50, s18;
	s28 =	simm.s32 $0x10828  }
0x313: {  	[hbm4b:s22+s3] =	stream.linear.scatter [tilespmem:s28], [sflag:$0x2], $0x80, $0x38;
	[tilespmem:$0x16300] =	vst v63  }
0x314: {  	s22 =	sadd.s32 $0x60, s18;
	s28 =	simm.s32 $0x108B0  }
0x315: {  	[hbm4b:s22+s3] =	stream.linear.scatter [tilespmem:s28], [sflag:$0x2], $0x80, $0x38;
	[tilespmem:$0x16300] =	vst v63  }
0x316: {  	s18 =	sadd.s32 $0x70, s18;
	s22 =	simm.s32 $0x10938  }
0x317: {  	[hbm4b:s18+s3] =	stream.linear.scatter [tilespmem:s22], [sflag:$0x2], $0x80, $0x38;
	[tilespmem:$0x16300] =	vst v63  }
0x318: {  	s28 =	simm.s32 $0x109C0;
	s18 =	sadd.s32 s6, s9  }
0x319: {  	[hbm4b:s18+s3] =	stream.linear.scatter [tilespmem:s28], [sflag:$0x2], $0x80, $0x38;
	[tilespmem:$0x16300] =	vst v63  }
0x31a: {  	s22 =	sadd.s32 $0x10, s18;
	s28 =	simm.s32 $0x10A48  }
0x31b: {  	[hbm4b:s22+s3] =	stream.linear.scatter [tilespmem:s28], [sflag:$0x2], $0x80, $0x38;
	[tilespmem:$0x16300] =	vst v63  }
0x31c: {  	s22 =	sadd.s32 $0x20, s18;
	s28 =	simm.s32 $0x10AD0  }
0x31d: {  	[hbm4b:s22+s3] =	stream.linear.scatter [tilespmem:s28], [sflag:$0x2], $0x80, $0x38;
	[tilespmem:$0x16300] =	vst v63  }
0x31e: {  	s22 =	sadd.s32 $0x30, s18;
	s28 =	simm.s32 $0x10B58  }
0x31f: {  	[hbm4b:s22+s3] =	stream.linear.scatter [tilespmem:s28], [sflag:$0x2], $0x80, $0x38;
	[tilespmem:$0x16300] =	vst v63  }
0x320: {  	s22 =	sadd.s32 $0x40, s18;
	s28 =	simm.s32 $0x10BE0  }
0x321: {  	[hbm4b:s22+s3] =	stream.linear.scatter [tilespmem:s28], [sflag:$0x2], $0x80, $0x38;
	[tilespmem:$0x16300] =	vst v63  }
0x322: {  	s22 =	sadd.s32 $0x50, s18;
	s28 =	simm.s32 $0x10C68  }
0x323: {  	[hbm4b:s22+s3] =	stream.linear.scatter [tilespmem:s28], [sflag:$0x2], $0x80, $0x38;
	[tilespmem:$0x16300] =	vst v63  }
0x324: {  	s22 =	sadd.s32 $0x60, s18;
	s28 =	simm.s32 $0x10CF0  }
0x325: {  	[hbm4b:s22+s3] =	stream.linear.scatter [tilespmem:s28], [sflag:$0x2], $0x80, $0x38;
	[tilespmem:$0x16300] =	vst v63  }
0x326: {  	s18 =	sadd.s32 $0x70, s18;
	s22 =	simm.s32 $0x10D78  }
0x327: {  	[hbm4b:s18+s3] =	stream.linear.scatter [tilespmem:s22], [sflag:$0x2], $0x80, $0x38;
	[tilespmem:$0x16300] =	vst v63  }
0x328: {  	s28 =	simm.s32 $0x10E00;
	s18 =	sadd.s32 s6, s10  }
0x329: {  	[hbm4b:s18+s3] =	stream.linear.scatter [tilespmem:s28], [sflag:$0x2], $0x80, $0x38;
	[tilespmem:$0x16300] =	vst v63  }
0x32a: {  	s22 =	sadd.s32 $0x10, s18;
	s28 =	simm.s32 $0x10E88  }
0x32b: {  	[hbm4b:s22+s3] =	stream.linear.scatter [tilespmem:s28], [sflag:$0x2], $0x80, $0x38;
	[tilespmem:$0x16300] =	vst v63  }
0x32c: {  	s22 =	sadd.s32 $0x20, s18;
	s28 =	simm.s32 $0x10F10  }
0x32d: {  	[hbm4b:s22+s3] =	stream.linear.scatter [tilespmem:s28], [sflag:$0x2], $0x80, $0x38;
	[tilespmem:$0x16300] =	vst v63  }
0x32e: {  	s22 =	sadd.s32 $0x30, s18;
	s28 =	simm.s32 $0x10F98  }
0x32f: {  	[hbm4b:s22+s3] =	stream.linear.scatter [tilespmem:s28], [sflag:$0x2], $0x80, $0x38;
	[tilespmem:$0x16300] =	vst v63  }
0x330: {  	s22 =	sadd.s32 $0x40, s18;
	s28 =	simm.s32 $0x11020  }
0x331: {  	[hbm4b:s22+s3] =	stream.linear.scatter [tilespmem:s28], [sflag:$0x2], $0x80, $0x38;
	[tilespmem:$0x16300] =	vst v63  }
0x332: {  	s22 =	sadd.s32 $0x50, s18;
	s28 =	simm.s32 $0x110A8  }
0x333: {  	[hbm4b:s22+s3] =	stream.linear.scatter [tilespmem:s28], [sflag:$0x2], $0x80, $0x38;
	[tilespmem:$0x16300] =	vst v63  }
0x334: {  	s22 =	sadd.s32 $0x60, s18;
	s28 =	simm.s32 $0x11130  }
0x335: {  	[hbm4b:s22+s3] =	stream.linear.scatter [tilespmem:s28], [sflag:$0x2], $0x80, $0x38;
	[tilespmem:$0x16300] =	vst v63  }
0x336: {  	s18 =	sadd.s32 $0x70, s18;
	s22 =	simm.s32 $0x111B8  }
0x337: {  	[hbm4b:s18+s3] =	stream.linear.scatter [tilespmem:s22], [sflag:$0x2], $0x80, $0x38;
	[tilespmem:$0x16300] =	vst v63  }
0x338: {  	s28 =	simm.s32 $0x11240;
	s18 =	sadd.s32 s6, s11  }
0x339: {  	[hbm4b:s18+s3] =	stream.linear.scatter [tilespmem:s28], [sflag:$0x2], $0x80, $0x38;
	[tilespmem:$0x16300] =	vst v63  }
0x33a: {  	s22 =	sadd.s32 $0x10, s18;
	s28 =	simm.s32 $0x112C8  }
0x33b: {  	[hbm4b:s22+s3] =	stream.linear.scatter [tilespmem:s28], [sflag:$0x2], $0x80, $0x38;
	[tilespmem:$0x16300] =	vst v63  }
0x33c: {  	s22 =	sadd.s32 $0x20, s18;
	s28 =	simm.s32 $0x11350  }
0x33d: {  	[hbm4b:s22+s3] =	stream.linear.scatter [tilespmem:s28], [sflag:$0x2], $0x80, $0x38;
	[tilespmem:$0x16300] =	vst v63  }
0x33e: {  	s22 =	sadd.s32 $0x30, s18;
	s28 =	simm.s32 $0x113D8  }
0x33f: {  	[hbm4b:s22+s3] =	stream.linear.scatter [tilespmem:s28], [sflag:$0x2], $0x80, $0x38;
	[tilespmem:$0x16300] =	vst v63  }
0x340: {  	s22 =	sadd.s32 $0x40, s18;
	s28 =	simm.s32 $0x11460  }
0x341: {  	[hbm4b:s22+s3] =	stream.linear.scatter [tilespmem:s28], [sflag:$0x2], $0x80, $0x38;
	[tilespmem:$0x16300] =	vst v63  }
0x342: {  	s22 =	sadd.s32 $0x50, s18;
	s28 =	simm.s32 $0x114E8  }
0x343: {  	[hbm4b:s22+s3] =	stream.linear.scatter [tilespmem:s28], [sflag:$0x2], $0x80, $0x38;
	[tilespmem:$0x16300] =	vst v63  }
0x344: {  	s22 =	sadd.s32 $0x60, s18;
	s28 =	simm.s32 $0x11570  }
0x345: {  	[hbm4b:s22+s3] =	stream.linear.scatter [tilespmem:s28], [sflag:$0x2], $0x80, $0x38;
	[tilespmem:$0x16300] =	vst v63  }
0x346: {  	s18 =	sadd.s32 $0x70, s18;
	s22 =	simm.s32 $0x115F8  }
0x347: {  	[hbm4b:s18+s3] =	stream.linear.scatter [tilespmem:s22], [sflag:$0x2], $0x80, $0x38;
	[tilespmem:$0x16300] =	vst v63  }
0x348: {  	s28 =	simm.s32 $0x11680;
	s18 =	sadd.s32 s6, s12  }
0x349: {  	[hbm4b:s18+s3] =	stream.linear.scatter [tilespmem:s28], [sflag:$0x2], $0x80, $0x38;
	[tilespmem:$0x16300] =	vst v63  }
0x34a: {  	s22 =	sadd.s32 $0x10, s18;
	s28 =	simm.s32 $0x11708  }
0x34b: {  	[hbm4b:s22+s3] =	stream.linear.scatter [tilespmem:s28], [sflag:$0x2], $0x80, $0x38;
	[tilespmem:$0x16300] =	vst v63  }
0x34c: {  	s22 =	sadd.s32 $0x20, s18;
	s28 =	simm.s32 $0x11790  }
0x34d: {  	[hbm4b:s22+s3] =	stream.linear.scatter [tilespmem:s28], [sflag:$0x2], $0x80, $0x38;
	[tilespmem:$0x16300] =	vst v63  }
0x34e: {  	s22 =	sadd.s32 $0x30, s18;
	s28 =	simm.s32 $0x11818  }
0x34f: {  	[hbm4b:s22+s3] =	stream.linear.scatter [tilespmem:s28], [sflag:$0x2], $0x80, $0x38;
	[tilespmem:$0x16300] =	vst v63  }
0x350: {  	s22 =	sadd.s32 $0x40, s18;
	s28 =	simm.s32 $0x118A0  }
0x351: {  	[hbm4b:s22+s3] =	stream.linear.scatter [tilespmem:s28], [sflag:$0x2], $0x80, $0x38;
	[tilespmem:$0x16300] =	vst v63  }
0x352: {  	s22 =	sadd.s32 $0x50, s18;
	s28 =	simm.s32 $0x11928  }
0x353: {  	[hbm4b:s22+s3] =	stream.linear.scatter [tilespmem:s28], [sflag:$0x2], $0x80, $0x38;
	[tilespmem:$0x16300] =	vst v63  }
0x354: {  	s22 =	sadd.s32 $0x60, s18;
	s28 =	simm.s32 $0x119B0  }
0x355: {  	[hbm4b:s22+s3] =	stream.linear.scatter [tilespmem:s28], [sflag:$0x2], $0x80, $0x38;
	[tilespmem:$0x16300] =	vst v63  }
0x356: {  	s18 =	sadd.s32 $0x70, s18;
	s28 =	simm.s32 $0x11A38  }
0x357: {  	[hbm4b:s18+s3] =	stream.linear.scatter [tilespmem:s28], [sflag:$0x2], $0x80, $0x38;
	[tilespmem:$0x16300] =	vst v63  }
0x358: {  	s19 =	simm.s32 $0x11AC0;
	s6 =	sadd.s32 s6, s13  }
0x359: {  	[hbm4b:s6+s3] =	stream.linear.scatter [tilespmem:s19], [sflag:$0x2], $0x80, $0x38;
	[tilespmem:$0x16300] =	vst v63  }
0x35a: {  	s22 =	sadd.s32 $0x10, s6;
	s28 =	simm.s32 $0x11B48  }
0x35b: {  	[hbm4b:s22+s3] =	stream.linear.scatter [tilespmem:s28], [sflag:$0x2], $0x80, $0x38;
	[tilespmem:$0x16300] =	vst v63  }
0x35c: {  	s22 =	sadd.s32 $0x20, s6;
	s28 =	simm.s32 $0x11BD0  }
0x35d: {  	[hbm4b:s22+s3] =	stream.linear.scatter [tilespmem:s28], [sflag:$0x2], $0x80, $0x38;
	[tilespmem:$0x16300] =	vst v63  }
0x35e: {  	s22 =	sadd.s32 $0x30, s6;
	s28 =	simm.s32 $0x11C58  }
0x35f: {  	[hbm4b:s22+s3] =	stream.linear.scatter [tilespmem:s28], [sflag:$0x2], $0x80, $0x38;
	[tilespmem:$0x16300] =	vst v63  }
0x360: {  	s22 =	sadd.s32 $0x40, s6;
	s28 =	simm.s32 $0x11CE0  }
0x361: {  	[hbm4b:s22+s3] =	stream.linear.scatter [tilespmem:s28], [sflag:$0x2], $0x80, $0x38;
	[tilespmem:$0x16300] =	vst v63  }
0x362: {  	s22 =	sadd.s32 $0x50, s6;
	s28 =	simm.s32 $0x11D68  }
0x363: {  	[hbm4b:s22+s3] =	stream.linear.scatter [tilespmem:s28], [sflag:$0x2], $0x80, $0x38;
	[tilespmem:$0x16300] =	vst v63  }
.Ltmp11:
0x364: {  	_ = 	snop;
	(pc) =	sbr.rel @p1 .LBB2_18-.Ltmp11, $4  }
0x365: {  	s19 =	sadd.s32 $0x60, s6;
	s22 =	simm.s32 $0x11DF0  }
0x366: {  	[hbm4b:s19+s3] =	stream.linear.scatter [tilespmem:s22], [sflag:$0x2], $0x80, $0x38;
	[tilespmem:$0x16300] =	vst v63  }
0x367: {  	s6 =	sadd.s32 $0x70, s6;
	s28 =	simm.s32 $0x11E78  }
0x368: {  	[hbm4b:s6+s3] =	stream.linear.scatter [tilespmem:s28], [sflag:$0x2], $0x80, $0x38;
	[tilespmem:$0x16300] =	vst v63  }
.Ltmp12:
0x369: {  	(pc) =	sbr.rel .LBB2_19-.Ltmp12, $4  }
0x36a: {  	_ = 	snop  }
0x36b: {  	_ =	swait.ge [sflag:s30], $0x2000  }
0x36c: {  	[sflag:s30] =	ssyncset.done $0x0  }
0x36d: {  	[sflag:s30] =	ssyncadd.s32 $0xFFFFE000  }
.LBB2_18:
0x36e: {  	s6 =	smul.u32 $0xA00, s1;
	_ =	sdelay $0x1  }
0x36f: {  	s6 =	sshra.s32 s6, $0x2  }
.Ltmp13:
0x370: {  	s18 =	simm.s32 $0x5900;
	s6 =	sadd.s32 $0x380, s6;
	(pc) =	sbr.rel @p0 .LBB2_20-.Ltmp13, $4  }
0x371: {  	[tilespmem:s18], [sflag:$0x1] =	stream.indirect.gather [hbm4b:s4+s20], $0x40, s6, s20, $0xb8;
	[tilespmem:$0x16300] =	vst v63  }
0x372: {  	_ =	swait.ge [sflag:s30], $0x2000  }
0x373: {  	[sflag:s30] =	ssyncset.done $0x0  }
0x374: {  	[sflag:s30] =	ssyncadd.s32 $0xFFFFE000  }
.LBB2_19:
0x375: {  	_ =	swait.ge [sflag:s26], $0x400  }
0x376: {  	[sflag:s26] =	ssyncset.done $0x0  }
0x377: {  	[sflag:s26] =	ssyncadd.s32 $0xFFFFFC00  }
0x378: {  	_ =	swait.ge [sflag:s26], $0x400  }
0x379: {  	[sflag:s26] =	ssyncset.done $0x0  }
0x37a: {  	[sflag:s26] =	ssyncadd.s32 $0xFFFFFC00  }
0x37b: {  	_ =	swait.ge [sflag:s26], $0x400  }
0x37c: {  	[sflag:s26] =	ssyncset.done $0x0  }
0x37d: {  	[sflag:s26] =	ssyncadd.s32 $0xFFFFFC00  }
0x37e: {  	_ =	swait.ge [sflag:s26], $0x400  }
0x37f: {  	[sflag:s26] =	ssyncset.done $0x0  }
0x380: {  	[sflag:s26] =	ssyncadd.s32 $0xFFFFFC00  }
0x381: {  	_ =	swait.ge [sflag:s26], $0x400  }
0x382: {  	[sflag:s26] =	ssyncset.done $0x0  }
0x383: {  	[sflag:s26] =	ssyncadd.s32 $0xFFFFFC00  }
0x384: {  	_ =	swait.ge [sflag:s26], $0x400  }
0x385: {  	[sflag:s26] =	ssyncset.done $0x0  }
0x386: {  	[sflag:s26] =	ssyncadd.s32 $0xFFFFFC00  }
0x387: {  	_ =	swait.ge [sflag:s26], $0x400  }
0x388: {  	[sflag:s26] =	ssyncset.done $0x0  }
0x389: {  	[sflag:s26] =	ssyncadd.s32 $0xFFFFFC00  }
0x38a: {  	_ =	swait.ge [sflag:s26], $0x400  }
0x38b: {  	[sflag:s26] =	ssyncset.done $0x0  }
0x38c: {  	[sflag:s26] =	ssyncadd.s32 $0xFFFFFC00  }
.LBB2_20:
0x38d: {  	s6 =	simm.s32 $0x3  }
0x38e: {  	s18 =	simm.s32 $0x0;
	v4 =	vmov s6  }
0x38f: {  	s6 =	simm.s32 $0x79F0;
	v5 =	vand.u32 $0x7F, v4;
	v4 =	vmov s18  }
0x390: {  	s22 =	simm.s32 $0x1;
	v7 =	vld [tilespmem:s6+$0xFFFFFFD0];
	v8 =	vadd.s32 v0, v5;
	v6 =	vand.u32 $0x7C, v4  }
0x391: {  	v9 =	vld [tilespmem:s6+$0xFFFFFF10];
	v4 =	vmov s22;
	v10 =	vadd.s32 v0, v6  }
0x392: {  	s19 =	simm.s32 $0x2;
	v11 =	vand.u32 $0x7D, v4  }
0x393: {  	v13 =	vmov s19;
	v4 =	vld [tilespmem:s6+$0xFFFFFF50];
	v12 =	vadd.s32 v0, v11  }
0x394: {  	v13 =	vand.u32 $0x7E, v13  }
0x395: {  	v14 =	vld [tilespmem:s6+$0xFFFFFF90];
	v15 =	vadd.s32 v0, v13;
	[tilespmem:v8+s0+$0x0] =	vst.idx.msk $0xffff, v7  }
0x396: {  	v8 =	vadd.s32 v1, v5;
	v7 =	vld [tilespmem:s6+$0xFFFFFFE0];
	[tilespmem:v10+s0+$0x0] =	vst.idx.msk $0xffff, v9  }
0x397: {  	v10 =	vadd.s32 v1, v6;
	v9 =	vld [tilespmem:s6+$0xFFFFFF20]  }
0x398: {  	[tilespmem:v12+s0+$0x0] =	vst.idx.msk $0xffff, v4  }
0x399: {  	v12 =	vadd.s32 v1, v11;
	v4 =	vld [tilespmem:s6+$0xFFFFFF60]  }
0x39a: {  	[tilespmem:v15+s0+$0x0] =	vst.idx.msk $0xffff, v14  }
0x39b: {  	v16 =	vadd.s32 v1, v13;
	s22 =	simm.s32 $0x7;
	v15 =	vld [tilespmem:s6+$0xFFFFFFA0];
	[tilespmem:v8+s0+$0x0] =	vst.idx.msk $0xffff, v7  }
0x39c: {  	v14 =	vadd.s32 v2, v5;
	v8 =	vmov s22;
	v7 =	vld [tilespmem:s6+$0xFFFFFFF0];
	[tilespmem:v10+s0+$0x0] =	vst.idx.msk $0xffff, v9  }
0x39d: {  	s28 =	simm.s32 $0x7AF0;
	v10 =	vadd.s32 v2, v6;
	v8 =	vand.u32 $0x7F, v8;
	v9 =	vld [tilespmem:s6+$0xFFFFFF30]  }
0x39e: {  	s19 =	simm.s32 $0x4;
	v18 =	vld [tilespmem:s28+$0xFFFFFFD0];
	[tilespmem:v12+s0+$0x0] =	vst.idx.msk $0xffff, v4;
	v19 =	vadd.s32 v0, v8  }
0x39f: {  	v17 =	vadd.s32 v2, v11;
	v4 =	vmov s19;
	s19 =	simm.s32 $0x5;
	v12 =	vld [tilespmem:s6+$0xFFFFFF70]  }
0x3a0: {  	s22 =	simm.s32 $0x6;
	[tilespmem:v16+s0+$0x0] =	vst.idx.msk $0xffff, v15;
	v4 =	vand.u32 $0x7C, v4;
	v22 =	vmov s19  }
0x3a1: {  	v20 =	vld [tilespmem:s28+$0xFFFFFF10];
	v21 =	vadd.s32 v0, v4;
	[tilespmem:v14+s0+$0x0] =	vst.idx.msk $0xffff, v7;
	v7 =	vand.u32 $0x7D, v22;
	v14 =	vmov s22  }
0x3a2: {  	v16 =	vadd.s32 v3, v5;
	[tilespmem:v10+s0+$0x0] =	vst.idx.msk $0xffff, v9;
	v9 =	vld [tilespmem:s28+$0xFFFFFF50];
	v10 =	vadd.s32 v0, v7;
	v5 =	vand.u32 $0x7E, v14  }
0x3a3: {  	v14 =	vld [tilespmem:s28+$0xFFFFFF90];
	[tilespmem:v19+s0+$0x0] =	vst.idx.msk $0xffff, v18;
	v63 =	vadd.s32 v0, v5  }
0x3a4: {  	v18 =	vadd.s32 v2, v13;
	[tilespmem:v17+s0+$0x0] =	vst.idx.msk $0xffff, v12;
	v12 =	vld [tilespmem:s6+$0xFFFFFFB0]  }
0x3a5: {  	v15 =	vld [tilespmem:s6+$0x0]  }
0x3a6: {  	v19 =	vld [tilespmem:s28+$0xFFFFFFE0];
	[tilespmem:v21+s0+$0x0] =	vst.idx.msk $0xffff, v20;
	v20 =	vadd.s32 v1, v8  }
0x3a7: {  	v23 =	vadd.s32 v1, v4;
	v21 =	vld [tilespmem:s28+$0xFFFFFF20];
	[tilespmem:v10+s0+$0x0] =	vst.idx.msk $0xffff, v9  }
0x3a8: {  	v25 =	vadd.s32 v3, v11;
	v24 =	vld [tilespmem:s6+$0xFFFFFF80];
	[tilespmem:v63+s0+$0x0] =	vst.idx.msk $0xffff, v14  }
0x3a9: {  	v17 =	vld [tilespmem:s28+$0xFFFFFF60];
	[tilespmem:v18+s0+$0x0] =	vst.idx.msk $0xffff, v12;
	v18 =	vadd.s32 v1, v7  }
0x3aa: {  	[tilespmem:v16+s0+$0x0] =	vst.idx.msk $0xffff, v15;
	v16 =	vadd.s32 v1, v5;
	v14 =	vld [tilespmem:s28+$0xFFFFFFA0]  }
0x3ab: {  	v15 =	vadd.s32 v3, v13;
	[tilespmem:v20+s0+$0x0] =	vst.idx.msk $0xffff, v19;
	v11 =	vld [tilespmem:s6+$0xFFFFFFC0]  }
0x3ac: {  	v12 =	vadd.s32 v2, v8;
	[tilespmem:v23+s0+$0x0] =	vst.idx.msk $0xffff, v21;
	v9 =	vld [tilespmem:s28+$0xFFFFFFF0]  }
0x3ad: {  	s18 =	simm.s32 $0x8;
	s19 =	simm.s32 $0xC;
	s22 =	simm.s32 $0xB;
	v13 =	vadd.s32 v2, v4;
	[tilespmem:v25+s0+$0x0] =	vst.idx.msk $0xffff, v24;
	v10 =	vld [tilespmem:s28+$0xFFFFFF30]  }
.LBB2_21:
0x3ae: {  	p2 =	slt.u32 s19, $0x7C;
	v19 =	vmov s22;
	[tilespmem:v18+s0+$0x0] =	vst.idx.msk $0xffff, v17;
	v17 =	vld [tilespmem:s6+$0xFFFFFF40];
	v18 =	vadd.s32 v3, v6;
	v6 =	vmov v4;
	s6 =	smov.u32 s28  }
0x3af: {  	v4 =	vmov s18;
	v21 =	vadd.s32 v2, v7;
	s28 =	sadd.s32 $0x100, s28;
	v19 =	vand.u32 $0x7F, v19;
	v20 =	vld [tilespmem:s6+$0xFFFFFF70];
	[tilespmem:v16+s0+$0x0] =	vst.idx.msk $0xffff, v14  }
0x3b0: {  	s22 =	sadd.s32 $0x1, s18;
	v4 =	vand.u32 $0x7C, v4;
	v14 =	vld [tilespmem:s28+$0xFFFFFFD0];
	v16 =	vadd.s32 v0, v19;
	[tilespmem:v15+s0+$0x0] =	vst.idx.msk $0xffff, v11  }
0x3b1: {  	v22 =	vmov s22;
	s22 =	sadd.s32 $0x2, s18;
	s18 =	smov.u32 s19;
	v15 =	vadd.s32 v0, v4;
	v11 =	vld [tilespmem:s28+$0xFFFFFF10];
	[tilespmem:v12+s0+$0x0] =	vst.idx.msk $0xffff, v9  }
0x3b2: {  	v9 =	vand.u32 $0x7D, v22;
	v12 =	vmov s22;
	[tilespmem:v13+s0+$0x0] =	vst.idx.msk $0xffff, v10;
	v10 =	vld [tilespmem:s6+$0x0];
	v13 =	vadd.s32 v3, v8;
	v8 =	vmovc v19  }
0x3b3: {  	v22 =	vadd.s32 v0, v9;
	v12 =	vand.u32 $0x7E, v12;
	v19 =	vld [tilespmem:s28+$0xFFFFFF50];
	[tilespmem:v18+s0+$0x0] =	vst.idx.msk $0xffff, v17  }
0x3b4: {  	v24 =	vadd.s32 v0, v12;
	v23 =	vld [tilespmem:s28+$0xFFFFFF90];
	[tilespmem:v21+s0+$0x0] =	vst.idx.msk $0xffff, v20  }
0x3b5: {  	v21 =	vadd.s32 v2, v5;
	[tilespmem:v16+s0+$0x0] =	vst.idx.msk $0xffff, v14;
	v20 =	vld [tilespmem:s6+$0xFFFFFFB0]  }
0x3b6: {  	[tilespmem:v15+s0+$0x0] =	vst.idx.msk $0xffff, v11;
	v11 =	vld [tilespmem:s28+$0xFFFFFFE0];
	v15 =	vadd.s32 v1, v8  }
0x3b7: {  	v26 =	vadd.s32 v1, v4;
	v25 =	vld [tilespmem:s28+$0xFFFFFF20];
	[tilespmem:v13+s0+$0x0] =	vst.idx.msk $0xffff, v10  }
0x3b8: {  	[tilespmem:v22+s0+$0x0] =	vst.idx.msk $0xffff, v19;
	v19 =	vld [tilespmem:s6+$0xFFFFFF80];
	v22 =	vadd.s32 v3, v7;
	v7 =	vmov v9  }
.Ltmp14:
0x3b9: {  	v17 =	vld [tilespmem:s28+$0xFFFFFF60];
	v18 =	vadd.s32 v1, v7;
	[tilespmem:v24+s0+$0x0] =	vst.idx.msk $0xffff, v23;
	(pc) =	sbr.rel @p2 .LBB2_21-.Ltmp14, $4  }
0x3ba: {  	v16 =	vadd.s32 v1, v12;
	v14 =	vld [tilespmem:s28+$0xFFFFFFA0];
	[tilespmem:v21+s0+$0x0] =	vst.idx.msk $0xffff, v20  }
0x3bb: {  	[tilespmem:v15+s0+$0x0] =	vst.idx.msk $0xffff, v11;
	v11 =	vld [tilespmem:s6+$0xFFFFFFC0];
	v15 =	vadd.s32 v3, v5;
	v5 =	vmov v12  }
0x3bc: {  	v12 =	vadd.s32 v2, v8;
	[tilespmem:v26+s0+$0x0] =	vst.idx.msk $0xffff, v25;
	v9 =	vld [tilespmem:s28+$0xFFFFFFF0]  }
0x3bd: {  	s19 =	sadd.s32 $0x4, s19;
	s22 =	sadd.s32 $0x3, s18;
	v13 =	vadd.s32 v2, v4;
	v10 =	vld [tilespmem:s28+$0xFFFFFF30];
	[tilespmem:v22+s0+$0x0] =	vst.idx.msk $0xffff, v19  }
0x3be: {  	_ =	sdelay $0x2  }
0x3bf: {  	v19 =	vmov s22  }
0x3c0: {  	s19 =	sadd.s32 $0x1, s18;
	[tilespmem:v18+s0+$0x0] =	vst.idx.msk $0xffff, v17;
	v30 =	vld [tilespmem:s6+$0xFFFFFF40];
	v6 =	vadd.s32 v3, v6;
	s6 =	sadd.s32 $0x100, s28;
	v21 =	vmov s18;
	v31 =	vand.u32 $0x7F, v19  }
0x3c1: {  	s22 =	sadd.s32 $0x2, s18;
	v32 =	vmov s19;
	[tilespmem:v16+s0+$0x0] =	vst.idx.msk $0xffff, v14;
	v33 =	vld [tilespmem:s6+$0xFFFFFFD0];
	v21 =	vand.u32 $0x7C, v21;
	v34 =	vadd.s32 v0, v31  }
0x3c2: {  	v20 =	vmov s22;
	v22 =	vld [tilespmem:s6+$0xFFFFFF10];
	v19 =	vand.u32 $0x7D, v32;
	[tilespmem:v15+s0+$0x0] =	vst.idx.msk $0xffff, v11;
	v39 =	vadd.s32 v0, v21  }
0x3c3: {  	v35 =	vld [tilespmem:s6+$0xFFFFFF50];
	v20 =	vand.u32 $0x7E, v20;
	v36 =	vadd.s32 v0, v19;
	[tilespmem:v12+s0+$0x0] =	vst.idx.msk $0xffff, v9  }
0x3c4: {  	v37 =	vld [tilespmem:s6+$0xFFFFFF90];
	v38 =	vadd.s32 v0, v20;
	[tilespmem:v13+s0+$0x0] =	vst.idx.msk $0xffff, v10  }
0x3c5: {  	v41 =	vadd.s32 v2, v7;
	v40 =	vld [tilespmem:s28+$0xFFFFFF70];
	[tilespmem:v6+s0+$0x0] =	vst.idx.msk $0xffff, v30  }
0x3c6: {  	v49 =	vadd.s32 v2, v5;
	v48 =	vld [tilespmem:s28+$0xFFFFFFB0];
	[tilespmem:v34+s0+$0x0] =	vst.idx.msk $0xffff, v33  }
0x3c7: {  	v43 =	vadd.s32 v1, v31;
	[tilespmem:v39+s0+$0x0] =	vst.idx.msk $0xffff, v22;
	v14 =	vld [tilespmem:s6+$0xFFFFFFE0]  }
0x3c8: {  	v47 =	vadd.s32 v1, v21;
	[tilespmem:v36+s0+$0x0] =	vst.idx.msk $0xffff, v35;
	v46 =	vld [tilespmem:s6+$0xFFFFFF20]  }
0x3c9: {  	v44 =	vadd.s32 v1, v19;
	[tilespmem:v38+s0+$0x0] =	vst.idx.msk $0xffff, v37;
	v11 =	vld [tilespmem:s6+$0xFFFFFF60]  }
0x3ca: {  	v45 =	vadd.s32 v1, v20;
	[tilespmem:v41+s0+$0x0] =	vst.idx.msk $0xffff, v40;
	v9 =	vld [tilespmem:s6+$0xFFFFFFA0]  }
0x3cb: {  	v8 =	vadd.s32 v3, v8;
	v42 =	vld [tilespmem:s28+$0x0];
	[tilespmem:v49+s0+$0x0] =	vst.idx.msk $0xffff, v48  }
0x3cc: {  	v5 =	vadd.s32 v3, v5;
	v13 =	vld [tilespmem:s28+$0xFFFFFFC0];
	[tilespmem:v43+s0+$0x0] =	vst.idx.msk $0xffff, v14  }
0x3cd: {  	v52 =	vadd.s32 v2, v31;
	[tilespmem:v47+s0+$0x0] =	vst.idx.msk $0xffff, v46;
	v14 =	vld [tilespmem:s6+$0xFFFFFFF0]  }
0x3ce: {  	v57 =	vadd.s32 v2, v21;
	[tilespmem:v44+s0+$0x0] =	vst.idx.msk $0xffff, v11;
	v56 =	vld [tilespmem:s6+$0xFFFFFF30]  }
0x3cf: {  	v53 =	vadd.s32 v2, v19;
	[tilespmem:v45+s0+$0x0] =	vst.idx.msk $0xffff, v9;
	v11 =	vld [tilespmem:s6+$0xFFFFFF70]  }
0x3d0: {  	v55 =	vadd.s32 v2, v20;
	[tilespmem:v8+s0+$0x0] =	vst.idx.msk $0xffff, v42;
	v54 =	vld [tilespmem:s6+$0xFFFFFFB0]  }
0x3d1: {  	v4 =	vadd.s32 v3, v4;
	v58 =	vld [tilespmem:s28+$0xFFFFFF40];
	[tilespmem:v5+s0+$0x0] =	vst.idx.msk $0xffff, v13  }
0x3d2: {  	v51 =	vadd.s32 v3, v7;
	v50 =	vld [tilespmem:s28+$0xFFFFFF80];
	[tilespmem:v52+s0+$0x0] =	vst.idx.msk $0xffff, v14  }
0x3d3: {  	v60 =	vadd.s32 v3, v31;
	[tilespmem:v57+s0+$0x0] =	vst.idx.msk $0xffff, v56;
	v59 =	vld [tilespmem:s6+$0x0]  }
0x3d4: {  	v63 =	vadd.s32 v3, v21;
	[tilespmem:v53+s0+$0x0] =	vst.idx.msk $0xffff, v11;
	v5 =	vld [tilespmem:s6+$0xFFFFFF40]  }
0x3d5: {  	v61 =	vadd.s32 v3, v19;
	[tilespmem:v55+s0+$0x0] =	vst.idx.msk $0xffff, v54;
	v11 =	vld [tilespmem:s6+$0xFFFFFF80]  }
0x3d6: {  	v62 =	vadd.s32 v3, v20;
	[tilespmem:v4+s0+$0x0] =	vst.idx.msk $0xffff, v58;
	v6 =	vld [tilespmem:s6+$0xFFFFFFC0]  }
0x3d7: {  	s18 =	sadd.s32 s25, s16;
	[tilespmem:v51+s0+$0x0] =	vst.idx.msk $0xffff, v50  }
0x3d8: {  	s19 =	sshll.u32 s18, $0xA;
	s6 =	sshll.u32 s18, $0x7;
	[tilespmem:v60+s0+$0x0] =	vst.idx.msk $0xffff, v59  }
0x3d9: {  	s18 =	sand.u32 $0xFFF8000, s19;
	s6 =	sand.u32 $0xF80, s6;
	[tilespmem:v63+s0+$0x0] =	vst.idx.msk $0xffff, v5  }
0x3da: {  	s6 =	sor.u32 s6, s18;
	[tilespmem:v61+s0+$0x0] =	vst.idx.msk $0xffff, v11  }
0x3db: {  	s18 =	sadd.s32 s2, s6;
	[tilespmem:v62+s0+$0x0] =	vst.idx.msk $0xffff, v6  }
0x3dc: {  	[hbm4b:s18+s3] =	stream.linear.scatter [tilespmem:s0], [sflag:$0x2], $0x80, $0x38;
	[tilespmem:$0x16300] =	vst v63  }
0x3dd: {  	s28 =	simm.s32 $0x11F88;
	s22 =	sadd.s32 $0x10, s18  }
0x3de: {  	[hbm4b:s22+s3] =	stream.linear.scatter [tilespmem:s28], [sflag:$0x2], $0x80, $0x38;
	[tilespmem:$0x16300] =	vst v63  }
0x3df: {  	s22 =	sadd.s32 $0x20, s18;
	s28 =	simm.s32 $0x12010  }
0x3e0: {  	[hbm4b:s22+s3] =	stream.linear.scatter [tilespmem:s28], [sflag:$0x2], $0x80, $0x38;
	[tilespmem:$0x16300] =	vst v63  }
0x3e1: {  	s22 =	sadd.s32 $0x30, s18;
	s28 =	simm.s32 $0x12098  }
0x3e2: {  	[hbm4b:s22+s3] =	stream.linear.scatter [tilespmem:s28], [sflag:$0x2], $0x80, $0x38;
	[tilespmem:$0x16300] =	vst v63  }
0x3e3: {  	s22 =	sadd.s32 $0x40, s18;
	s28 =	simm.s32 $0x12120  }
0x3e4: {  	[hbm4b:s22+s3] =	stream.linear.scatter [tilespmem:s28], [sflag:$0x2], $0x80, $0x38;
	[tilespmem:$0x16300] =	vst v63  }
0x3e5: {  	s22 =	sadd.s32 $0x50, s18;
	s28 =	simm.s32 $0x121A8  }
0x3e6: {  	[hbm4b:s22+s3] =	stream.linear.scatter [tilespmem:s28], [sflag:$0x2], $0x80, $0x38;
	[tilespmem:$0x16300] =	vst v63  }
0x3e7: {  	s22 =	sadd.s32 $0x60, s18;
	s28 =	simm.s32 $0x12230  }
0x3e8: {  	[hbm4b:s22+s3] =	stream.linear.scatter [tilespmem:s28], [sflag:$0x2], $0x80, $0x38;
	[tilespmem:$0x16300] =	vst v63  }
0x3e9: {  	s18 =	sadd.s32 $0x70, s18;
	s22 =	simm.s32 $0x122B8  }
0x3ea: {  	[hbm4b:s18+s3] =	stream.linear.scatter [tilespmem:s22], [sflag:$0x2], $0x80, $0x38;
	[tilespmem:$0x16300] =	vst v63  }
0x3eb: {  	s28 =	simm.s32 $0x12340;
	s18 =	sadd.s32 s6, s7  }
0x3ec: {  	[hbm4b:s18+s3] =	stream.linear.scatter [tilespmem:s28], [sflag:$0x2], $0x80, $0x38;
	[tilespmem:$0x16300] =	vst v63  }
0x3ed: {  	s22 =	sadd.s32 $0x10, s18;
	s28 =	simm.s32 $0x123C8  }
0x3ee: {  	[hbm4b:s22+s3] =	stream.linear.scatter [tilespmem:s28], [sflag:$0x2], $0x80, $0x38;
	[tilespmem:$0x16300] =	vst v63  }
0x3ef: {  	s22 =	sadd.s32 $0x20, s18;
	s28 =	simm.s32 $0x12450  }
0x3f0: {  	[hbm4b:s22+s3] =	stream.linear.scatter [tilespmem:s28], [sflag:$0x2], $0x80, $0x38;
	[tilespmem:$0x16300] =	vst v63  }
0x3f1: {  	s22 =	sadd.s32 $0x30, s18;
	s28 =	simm.s32 $0x124D8  }
0x3f2: {  	[hbm4b:s22+s3] =	stream.linear.scatter [tilespmem:s28], [sflag:$0x2], $0x80, $0x38;
	[tilespmem:$0x16300] =	vst v63  }
0x3f3: {  	s22 =	sadd.s32 $0x40, s18;
	s28 =	simm.s32 $0x12560  }
0x3f4: {  	[hbm4b:s22+s3] =	stream.linear.scatter [tilespmem:s28], [sflag:$0x2], $0x80, $0x38;
	[tilespmem:$0x16300] =	vst v63  }
0x3f5: {  	s22 =	sadd.s32 $0x50, s18;
	s28 =	simm.s32 $0x125E8  }
0x3f6: {  	[hbm4b:s22+s3] =	stream.linear.scatter [tilespmem:s28], [sflag:$0x2], $0x80, $0x38;
	[tilespmem:$0x16300] =	vst v63  }
0x3f7: {  	s22 =	sadd.s32 $0x60, s18;
	s28 =	simm.s32 $0x12670  }
0x3f8: {  	[hbm4b:s22+s3] =	stream.linear.scatter [tilespmem:s28], [sflag:$0x2], $0x80, $0x38;
	[tilespmem:$0x16300] =	vst v63  }
0x3f9: {  	s18 =	sadd.s32 $0x70, s18;
	s22 =	simm.s32 $0x126F8  }
0x3fa: {  	[hbm4b:s18+s3] =	stream.linear.scatter [tilespmem:s22], [sflag:$0x2], $0x80, $0x38;
	[tilespmem:$0x16300] =	vst v63  }
0x3fb: {  	s28 =	simm.s32 $0x12780;
	s18 =	sadd.s32 s6, s8  }
0x3fc: {  	[hbm4b:s18+s3] =	stream.linear.scatter [tilespmem:s28], [sflag:$0x2], $0x80, $0x38;
	[tilespmem:$0x16300] =	vst v63  }
0x3fd: {  	s22 =	sadd.s32 $0x10, s18;
	s28 =	simm.s32 $0x12808  }
0x3fe: {  	[hbm4b:s22+s3] =	stream.linear.scatter [tilespmem:s28], [sflag:$0x2], $0x80, $0x38;
	[tilespmem:$0x16300] =	vst v63  }
0x3ff: {  	s22 =	sadd.s32 $0x20, s18;
	s28 =	simm.s32 $0x12890  }
0x400: {  	[hbm4b:s22+s3] =	stream.linear.scatter [tilespmem:s28], [sflag:$0x2], $0x80, $0x38;
	[tilespmem:$0x16300] =	vst v63  }
0x401: {  	s22 =	sadd.s32 $0x30, s18;
	s28 =	simm.s32 $0x12918  }
0x402: {  	[hbm4b:s22+s3] =	stream.linear.scatter [tilespmem:s28], [sflag:$0x2], $0x80, $0x38;
	[tilespmem:$0x16300] =	vst v63  }
0x403: {  	s22 =	sadd.s32 $0x40, s18;
	s28 =	simm.s32 $0x129A0  }
0x404: {  	[hbm4b:s22+s3] =	stream.linear.scatter [tilespmem:s28], [sflag:$0x2], $0x80, $0x38;
	[tilespmem:$0x16300] =	vst v63  }
0x405: {  	s22 =	sadd.s32 $0x50, s18;
	s28 =	simm.s32 $0x12A28  }
0x406: {  	[hbm4b:s22+s3] =	stream.linear.scatter [tilespmem:s28], [sflag:$0x2], $0x80, $0x38;
	[tilespmem:$0x16300] =	vst v63  }
0x407: {  	s22 =	sadd.s32 $0x60, s18;
	s28 =	simm.s32 $0x12AB0  }
0x408: {  	[hbm4b:s22+s3] =	stream.linear.scatter [tilespmem:s28], [sflag:$0x2], $0x80, $0x38;
	[tilespmem:$0x16300] =	vst v63  }
0x409: {  	s18 =	sadd.s32 $0x70, s18;
	s22 =	simm.s32 $0x12B38  }
0x40a: {  	[hbm4b:s18+s3] =	stream.linear.scatter [tilespmem:s22], [sflag:$0x2], $0x80, $0x38;
	[tilespmem:$0x16300] =	vst v63  }
0x40b: {  	s28 =	simm.s32 $0x12BC0;
	s18 =	sadd.s32 s6, s9  }
0x40c: {  	[hbm4b:s18+s3] =	stream.linear.scatter [tilespmem:s28], [sflag:$0x2], $0x80, $0x38;
	[tilespmem:$0x16300] =	vst v63  }
0x40d: {  	s22 =	sadd.s32 $0x10, s18;
	s28 =	simm.s32 $0x12C48  }
0x40e: {  	[hbm4b:s22+s3] =	stream.linear.scatter [tilespmem:s28], [sflag:$0x2], $0x80, $0x38;
	[tilespmem:$0x16300] =	vst v63  }
0x40f: {  	s22 =	sadd.s32 $0x20, s18;
	s28 =	simm.s32 $0x12CD0  }
0x410: {  	[hbm4b:s22+s3] =	stream.linear.scatter [tilespmem:s28], [sflag:$0x2], $0x80, $0x38;
	[tilespmem:$0x16300] =	vst v63  }
0x411: {  	s22 =	sadd.s32 $0x30, s18;
	s28 =	simm.s32 $0x12D58  }
0x412: {  	[hbm4b:s22+s3] =	stream.linear.scatter [tilespmem:s28], [sflag:$0x2], $0x80, $0x38;
	[tilespmem:$0x16300] =	vst v63  }
0x413: {  	s22 =	sadd.s32 $0x40, s18;
	s28 =	simm.s32 $0x12DE0  }
0x414: {  	[hbm4b:s22+s3] =	stream.linear.scatter [tilespmem:s28], [sflag:$0x2], $0x80, $0x38;
	[tilespmem:$0x16300] =	vst v63  }
0x415: {  	s22 =	sadd.s32 $0x50, s18;
	s28 =	simm.s32 $0x12E68  }
0x416: {  	[hbm4b:s22+s3] =	stream.linear.scatter [tilespmem:s28], [sflag:$0x2], $0x80, $0x38;
	[tilespmem:$0x16300] =	vst v63  }
0x417: {  	s22 =	sadd.s32 $0x60, s18;
	s28 =	simm.s32 $0x12EF0  }
0x418: {  	[hbm4b:s22+s3] =	stream.linear.scatter [tilespmem:s28], [sflag:$0x2], $0x80, $0x38;
	[tilespmem:$0x16300] =	vst v63  }
0x419: {  	s18 =	sadd.s32 $0x70, s18;
	s22 =	simm.s32 $0x12F78  }
0x41a: {  	[hbm4b:s18+s3] =	stream.linear.scatter [tilespmem:s22], [sflag:$0x2], $0x80, $0x38;
	[tilespmem:$0x16300] =	vst v63  }
0x41b: {  	s28 =	simm.s32 $0x13000;
	s18 =	sadd.s32 s6, s10  }
0x41c: {  	[hbm4b:s18+s3] =	stream.linear.scatter [tilespmem:s28], [sflag:$0x2], $0x80, $0x38;
	[tilespmem:$0x16300] =	vst v63  }
0x41d: {  	s22 =	sadd.s32 $0x10, s18;
	s28 =	simm.s32 $0x13088  }
0x41e: {  	[hbm4b:s22+s3] =	stream.linear.scatter [tilespmem:s28], [sflag:$0x2], $0x80, $0x38;
	[tilespmem:$0x16300] =	vst v63  }
0x41f: {  	s22 =	sadd.s32 $0x20, s18;
	s28 =	simm.s32 $0x13110  }
0x420: {  	[hbm4b:s22+s3] =	stream.linear.scatter [tilespmem:s28], [sflag:$0x2], $0x80, $0x38;
	[tilespmem:$0x16300] =	vst v63  }
0x421: {  	s22 =	sadd.s32 $0x30, s18;
	s28 =	simm.s32 $0x13198  }
0x422: {  	[hbm4b:s22+s3] =	stream.linear.scatter [tilespmem:s28], [sflag:$0x2], $0x80, $0x38;
	[tilespmem:$0x16300] =	vst v63  }
0x423: {  	s22 =	sadd.s32 $0x40, s18;
	s28 =	simm.s32 $0x13220  }
0x424: {  	[hbm4b:s22+s3] =	stream.linear.scatter [tilespmem:s28], [sflag:$0x2], $0x80, $0x38;
	[tilespmem:$0x16300] =	vst v63  }
0x425: {  	s22 =	sadd.s32 $0x50, s18;
	s28 =	simm.s32 $0x132A8  }
0x426: {  	[hbm4b:s22+s3] =	stream.linear.scatter [tilespmem:s28], [sflag:$0x2], $0x80, $0x38;
	[tilespmem:$0x16300] =	vst v63  }
0x427: {  	s22 =	sadd.s32 $0x60, s18;
	s28 =	simm.s32 $0x13330  }
0x428: {  	[hbm4b:s22+s3] =	stream.linear.scatter [tilespmem:s28], [sflag:$0x2], $0x80, $0x38;
	[tilespmem:$0x16300] =	vst v63  }
0x429: {  	s18 =	sadd.s32 $0x70, s18;
	s22 =	simm.s32 $0x133B8  }
0x42a: {  	[hbm4b:s18+s3] =	stream.linear.scatter [tilespmem:s22], [sflag:$0x2], $0x80, $0x38;
	[tilespmem:$0x16300] =	vst v63  }
0x42b: {  	s28 =	simm.s32 $0x13440;
	s18 =	sadd.s32 s6, s11  }
0x42c: {  	[hbm4b:s18+s3] =	stream.linear.scatter [tilespmem:s28], [sflag:$0x2], $0x80, $0x38;
	[tilespmem:$0x16300] =	vst v63  }
0x42d: {  	s22 =	sadd.s32 $0x10, s18;
	s28 =	simm.s32 $0x134C8  }
0x42e: {  	[hbm4b:s22+s3] =	stream.linear.scatter [tilespmem:s28], [sflag:$0x2], $0x80, $0x38;
	[tilespmem:$0x16300] =	vst v63  }
0x42f: {  	s22 =	sadd.s32 $0x20, s18;
	s28 =	simm.s32 $0x13550  }
0x430: {  	[hbm4b:s22+s3] =	stream.linear.scatter [tilespmem:s28], [sflag:$0x2], $0x80, $0x38;
	[tilespmem:$0x16300] =	vst v63  }
0x431: {  	s22 =	sadd.s32 $0x30, s18;
	s28 =	simm.s32 $0x135D8  }
0x432: {  	[hbm4b:s22+s3] =	stream.linear.scatter [tilespmem:s28], [sflag:$0x2], $0x80, $0x38;
	[tilespmem:$0x16300] =	vst v63  }
0x433: {  	s22 =	sadd.s32 $0x40, s18;
	s28 =	simm.s32 $0x13660  }
0x434: {  	[hbm4b:s22+s3] =	stream.linear.scatter [tilespmem:s28], [sflag:$0x2], $0x80, $0x38;
	[tilespmem:$0x16300] =	vst v63  }
0x435: {  	s22 =	sadd.s32 $0x50, s18;
	s28 =	simm.s32 $0x136E8  }
0x436: {  	[hbm4b:s22+s3] =	stream.linear.scatter [tilespmem:s28], [sflag:$0x2], $0x80, $0x38;
	[tilespmem:$0x16300] =	vst v63  }
0x437: {  	s22 =	sadd.s32 $0x60, s18;
	s28 =	simm.s32 $0x13770  }
0x438: {  	[hbm4b:s22+s3] =	stream.linear.scatter [tilespmem:s28], [sflag:$0x2], $0x80, $0x38;
	[tilespmem:$0x16300] =	vst v63  }
0x439: {  	s18 =	sadd.s32 $0x70, s18;
	s22 =	simm.s32 $0x137F8  }
0x43a: {  	[hbm4b:s18+s3] =	stream.linear.scatter [tilespmem:s22], [sflag:$0x2], $0x80, $0x38;
	[tilespmem:$0x16300] =	vst v63  }
0x43b: {  	s28 =	simm.s32 $0x13880;
	s18 =	sadd.s32 s6, s12  }
0x43c: {  	[hbm4b:s18+s3] =	stream.linear.scatter [tilespmem:s28], [sflag:$0x2], $0x80, $0x38;
	[tilespmem:$0x16300] =	vst v63  }
0x43d: {  	s22 =	sadd.s32 $0x10, s18;
	s28 =	simm.s32 $0x13908  }
0x43e: {  	[hbm4b:s22+s3] =	stream.linear.scatter [tilespmem:s28], [sflag:$0x2], $0x80, $0x38;
	[tilespmem:$0x16300] =	vst v63  }
0x43f: {  	s22 =	sadd.s32 $0x20, s18;
	s28 =	simm.s32 $0x13990  }
0x440: {  	[hbm4b:s22+s3] =	stream.linear.scatter [tilespmem:s28], [sflag:$0x2], $0x80, $0x38;
	[tilespmem:$0x16300] =	vst v63  }
0x441: {  	s22 =	sadd.s32 $0x30, s18;
	s28 =	simm.s32 $0x13A18  }
0x442: {  	[hbm4b:s22+s3] =	stream.linear.scatter [tilespmem:s28], [sflag:$0x2], $0x80, $0x38;
	[tilespmem:$0x16300] =	vst v63  }
0x443: {  	s22 =	sadd.s32 $0x40, s18;
	s28 =	simm.s32 $0x13AA0  }
0x444: {  	[hbm4b:s22+s3] =	stream.linear.scatter [tilespmem:s28], [sflag:$0x2], $0x80, $0x38;
	[tilespmem:$0x16300] =	vst v63  }
0x445: {  	s22 =	sadd.s32 $0x50, s18;
	s28 =	simm.s32 $0x13B28  }
0x446: {  	[hbm4b:s22+s3] =	stream.linear.scatter [tilespmem:s28], [sflag:$0x2], $0x80, $0x38;
	[tilespmem:$0x16300] =	vst v63  }
0x447: {  	s22 =	sadd.s32 $0x60, s18;
	s28 =	simm.s32 $0x13BB0  }
0x448: {  	[hbm4b:s22+s3] =	stream.linear.scatter [tilespmem:s28], [sflag:$0x2], $0x80, $0x38;
	[tilespmem:$0x16300] =	vst v63  }
0x449: {  	s18 =	sadd.s32 $0x70, s18;
	s28 =	simm.s32 $0x13C38  }
0x44a: {  	[hbm4b:s18+s3] =	stream.linear.scatter [tilespmem:s28], [sflag:$0x2], $0x80, $0x38;
	[tilespmem:$0x16300] =	vst v63  }
0x44b: {  	s19 =	simm.s32 $0x13CC0;
	s6 =	sadd.s32 s6, s13  }
0x44c: {  	[hbm4b:s6+s3] =	stream.linear.scatter [tilespmem:s19], [sflag:$0x2], $0x80, $0x38;
	[tilespmem:$0x16300] =	vst v63  }
0x44d: {  	s22 =	sadd.s32 $0x10, s6;
	s28 =	simm.s32 $0x13D48  }
0x44e: {  	[hbm4b:s22+s3] =	stream.linear.scatter [tilespmem:s28], [sflag:$0x2], $0x80, $0x38;
	[tilespmem:$0x16300] =	vst v63  }
0x44f: {  	s22 =	sadd.s32 $0x20, s6;
	s28 =	simm.s32 $0x13DD0  }
0x450: {  	[hbm4b:s22+s3] =	stream.linear.scatter [tilespmem:s28], [sflag:$0x2], $0x80, $0x38;
	[tilespmem:$0x16300] =	vst v63  }
0x451: {  	s22 =	sadd.s32 $0x30, s6;
	s28 =	simm.s32 $0x13E58  }
0x452: {  	[hbm4b:s22+s3] =	stream.linear.scatter [tilespmem:s28], [sflag:$0x2], $0x80, $0x38;
	[tilespmem:$0x16300] =	vst v63  }
0x453: {  	s22 =	sadd.s32 $0x40, s6;
	s28 =	simm.s32 $0x13EE0  }
0x454: {  	[hbm4b:s22+s3] =	stream.linear.scatter [tilespmem:s28], [sflag:$0x2], $0x80, $0x38;
	[tilespmem:$0x16300] =	vst v63  }
0x455: {  	s22 =	sadd.s32 $0x50, s6;
	s28 =	simm.s32 $0x13F68  }
0x456: {  	[hbm4b:s22+s3] =	stream.linear.scatter [tilespmem:s28], [sflag:$0x2], $0x80, $0x38;
	[tilespmem:$0x16300] =	vst v63  }
.Ltmp15:
0x457: {  	_ = 	snop;
	(pc) =	sbr.rel @p1 .LBB2_24-.Ltmp15, $4  }
0x458: {  	s19 =	sadd.s32 $0x60, s6;
	s22 =	simm.s32 $0x13FF0  }
0x459: {  	[hbm4b:s19+s3] =	stream.linear.scatter [tilespmem:s22], [sflag:$0x2], $0x80, $0x38;
	[tilespmem:$0x16300] =	vst v63  }
0x45a: {  	s6 =	sadd.s32 $0x70, s6;
	s28 =	simm.s32 $0x14078  }
0x45b: {  	[hbm4b:s6+s3] =	stream.linear.scatter [tilespmem:s28], [sflag:$0x2], $0x80, $0x38;
	[tilespmem:$0x16300] =	vst v63  }
.Ltmp16:
0x45c: {  	(pc) =	sbr.rel .LBB2_25-.Ltmp16, $4  }
0x45d: {  	_ = 	snop  }
0x45e: {  	_ =	swait.ge [sflag:s30], $0x2000  }
0x45f: {  	[sflag:s30] =	ssyncset.done $0x0  }
0x460: {  	[sflag:s30] =	ssyncadd.s32 $0xFFFFE000  }
.LBB2_24:
0x461: {  	s6 =	smul.u32 $0xA00, s1;
	_ =	sdelay $0x1  }
0x462: {  	s6 =	sshra.s32 s6, $0x2  }
.Ltmp17:
0x463: {  	s18 =	simm.s32 $0x7900;
	s6 =	sadd.s32 $0x400, s6;
	(pc) =	sbr.rel @p0 .LBB2_26-.Ltmp17, $4  }
0x464: {  	[tilespmem:s18], [sflag:$0x1] =	stream.indirect.gather [hbm4b:s4+s20], $0x40, s6, s20, $0xb8;
	[tilespmem:$0x16300] =	vst v63  }
0x465: {  	_ =	swait.ge [sflag:s30], $0x2000  }
0x466: {  	[sflag:s30] =	ssyncset.done $0x0  }
0x467: {  	[sflag:s30] =	ssyncadd.s32 $0xFFFFE000  }
.LBB2_25:
0x468: {  	_ =	swait.ge [sflag:s26], $0x400  }
0x469: {  	[sflag:s26] =	ssyncset.done $0x0  }
0x46a: {  	[sflag:s26] =	ssyncadd.s32 $0xFFFFFC00  }
0x46b: {  	_ =	swait.ge [sflag:s26], $0x400  }
0x46c: {  	[sflag:s26] =	ssyncset.done $0x0  }
0x46d: {  	[sflag:s26] =	ssyncadd.s32 $0xFFFFFC00  }
0x46e: {  	_ =	swait.ge [sflag:s26], $0x400  }
0x46f: {  	[sflag:s26] =	ssyncset.done $0x0  }
0x470: {  	[sflag:s26] =	ssyncadd.s32 $0xFFFFFC00  }
0x471: {  	_ =	swait.ge [sflag:s26], $0x400  }
0x472: {  	[sflag:s26] =	ssyncset.done $0x0  }
0x473: {  	[sflag:s26] =	ssyncadd.s32 $0xFFFFFC00  }
0x474: {  	_ =	swait.ge [sflag:s26], $0x400  }
0x475: {  	[sflag:s26] =	ssyncset.done $0x0  }
0x476: {  	[sflag:s26] =	ssyncadd.s32 $0xFFFFFC00  }
0x477: {  	_ =	swait.ge [sflag:s26], $0x400  }
0x478: {  	[sflag:s26] =	ssyncset.done $0x0  }
0x479: {  	[sflag:s26] =	ssyncadd.s32 $0xFFFFFC00  }
0x47a: {  	_ =	swait.ge [sflag:s26], $0x400  }
0x47b: {  	[sflag:s26] =	ssyncset.done $0x0  }
0x47c: {  	[sflag:s26] =	ssyncadd.s32 $0xFFFFFC00  }
0x47d: {  	_ =	swait.ge [sflag:s26], $0x400  }
0x47e: {  	[sflag:s26] =	ssyncset.done $0x0  }
0x47f: {  	[sflag:s26] =	ssyncadd.s32 $0xFFFFFC00  }
.LBB2_26:
0x480: {  	s6 =	simm.s32 $0x3  }
0x481: {  	s18 =	simm.s32 $0x0;
	v4 =	vmov s6  }
0x482: {  	s6 =	simm.s32 $0x99F0;
	v5 =	vand.u32 $0x7F, v4;
	v4 =	vmov s18  }
0x483: {  	s22 =	simm.s32 $0x1;
	v7 =	vld [tilespmem:s6+$0xFFFFFFD0];
	v8 =	vadd.s32 v0, v5;
	v6 =	vand.u32 $0x7C, v4  }
0x484: {  	v9 =	vld [tilespmem:s6+$0xFFFFFF10];
	v4 =	vmov s22;
	v10 =	vadd.s32 v0, v6  }
0x485: {  	s19 =	simm.s32 $0x2;
	v11 =	vand.u32 $0x7D, v4  }
0x486: {  	v13 =	vmov s19;
	v4 =	vld [tilespmem:s6+$0xFFFFFF50];
	v12 =	vadd.s32 v0, v11  }
0x487: {  	v13 =	vand.u32 $0x7E, v13  }
0x488: {  	v14 =	vld [tilespmem:s6+$0xFFFFFF90];
	v15 =	vadd.s32 v0, v13;
	[tilespmem:v8+s23+$0x0] =	vst.idx.msk $0xffff, v7  }
0x489: {  	v8 =	vadd.s32 v1, v5;
	v7 =	vld [tilespmem:s6+$0xFFFFFFE0];
	[tilespmem:v10+s23+$0x0] =	vst.idx.msk $0xffff, v9  }
0x48a: {  	v10 =	vadd.s32 v1, v6;
	v9 =	vld [tilespmem:s6+$0xFFFFFF20]  }
0x48b: {  	[tilespmem:v12+s23+$0x0] =	vst.idx.msk $0xffff, v4  }
0x48c: {  	v12 =	vadd.s32 v1, v11;
	v4 =	vld [tilespmem:s6+$0xFFFFFF60]  }
0x48d: {  	[tilespmem:v15+s23+$0x0] =	vst.idx.msk $0xffff, v14  }
0x48e: {  	v16 =	vadd.s32 v1, v13;
	s22 =	simm.s32 $0x7;
	v15 =	vld [tilespmem:s6+$0xFFFFFFA0];
	[tilespmem:v8+s23+$0x0] =	vst.idx.msk $0xffff, v7  }
0x48f: {  	v14 =	vadd.s32 v2, v5;
	v8 =	vmov s22;
	v7 =	vld [tilespmem:s6+$0xFFFFFFF0];
	[tilespmem:v10+s23+$0x0] =	vst.idx.msk $0xffff, v9  }
0x490: {  	s28 =	simm.s32 $0x9AF0;
	v10 =	vadd.s32 v2, v6;
	v8 =	vand.u32 $0x7F, v8;
	v9 =	vld [tilespmem:s6+$0xFFFFFF30]  }
0x491: {  	s19 =	simm.s32 $0x4;
	v18 =	vld [tilespmem:s28+$0xFFFFFFD0];
	[tilespmem:v12+s23+$0x0] =	vst.idx.msk $0xffff, v4;
	v19 =	vadd.s32 v0, v8  }
0x492: {  	v17 =	vadd.s32 v2, v11;
	v4 =	vmov s19;
	s19 =	simm.s32 $0x5;
	v12 =	vld [tilespmem:s6+$0xFFFFFF70]  }
0x493: {  	s22 =	simm.s32 $0x6;
	[tilespmem:v16+s23+$0x0] =	vst.idx.msk $0xffff, v15;
	v4 =	vand.u32 $0x7C, v4;
	v22 =	vmov s19  }
0x494: {  	v20 =	vld [tilespmem:s28+$0xFFFFFF10];
	v21 =	vadd.s32 v0, v4;
	[tilespmem:v14+s23+$0x0] =	vst.idx.msk $0xffff, v7;
	v7 =	vand.u32 $0x7D, v22;
	v14 =	vmov s22  }
0x495: {  	v16 =	vadd.s32 v3, v5;
	[tilespmem:v10+s23+$0x0] =	vst.idx.msk $0xffff, v9;
	v9 =	vld [tilespmem:s28+$0xFFFFFF50];
	v10 =	vadd.s32 v0, v7;
	v5 =	vand.u32 $0x7E, v14  }
0x496: {  	v14 =	vld [tilespmem:s28+$0xFFFFFF90];
	[tilespmem:v19+s23+$0x0] =	vst.idx.msk $0xffff, v18;
	v63 =	vadd.s32 v0, v5  }
0x497: {  	v18 =	vadd.s32 v2, v13;
	[tilespmem:v17+s23+$0x0] =	vst.idx.msk $0xffff, v12;
	v12 =	vld [tilespmem:s6+$0xFFFFFFB0]  }
0x498: {  	v15 =	vld [tilespmem:s6+$0x0]  }
0x499: {  	v19 =	vld [tilespmem:s28+$0xFFFFFFE0];
	[tilespmem:v21+s23+$0x0] =	vst.idx.msk $0xffff, v20;
	v20 =	vadd.s32 v1, v8  }
0x49a: {  	v23 =	vadd.s32 v1, v4;
	v21 =	vld [tilespmem:s28+$0xFFFFFF20];
	[tilespmem:v10+s23+$0x0] =	vst.idx.msk $0xffff, v9  }
0x49b: {  	v25 =	vadd.s32 v3, v11;
	v24 =	vld [tilespmem:s6+$0xFFFFFF80];
	[tilespmem:v63+s23+$0x0] =	vst.idx.msk $0xffff, v14  }
0x49c: {  	v17 =	vld [tilespmem:s28+$0xFFFFFF60];
	[tilespmem:v18+s23+$0x0] =	vst.idx.msk $0xffff, v12;
	v18 =	vadd.s32 v1, v7  }
0x49d: {  	[tilespmem:v16+s23+$0x0] =	vst.idx.msk $0xffff, v15;
	v16 =	vadd.s32 v1, v5;
	v14 =	vld [tilespmem:s28+$0xFFFFFFA0]  }
0x49e: {  	v15 =	vadd.s32 v3, v13;
	[tilespmem:v20+s23+$0x0] =	vst.idx.msk $0xffff, v19;
	v11 =	vld [tilespmem:s6+$0xFFFFFFC0]  }
0x49f: {  	v12 =	vadd.s32 v2, v8;
	[tilespmem:v23+s23+$0x0] =	vst.idx.msk $0xffff, v21;
	v9 =	vld [tilespmem:s28+$0xFFFFFFF0]  }
0x4a0: {  	s18 =	simm.s32 $0x8;
	s19 =	simm.s32 $0xC;
	s22 =	simm.s32 $0xB;
	v13 =	vadd.s32 v2, v4;
	[tilespmem:v25+s23+$0x0] =	vst.idx.msk $0xffff, v24;
	v10 =	vld [tilespmem:s28+$0xFFFFFF30]  }
.LBB2_27:
0x4a1: {  	p0 =	slt.u32 s19, $0x7C;
	v19 =	vmov s22;
	[tilespmem:v18+s23+$0x0] =	vst.idx.msk $0xffff, v17;
	v17 =	vld [tilespmem:s6+$0xFFFFFF40];
	v18 =	vadd.s32 v3, v6;
	v6 =	vmov v4;
	s6 =	smov.u32 s28  }
0x4a2: {  	v4 =	vmov s18;
	v21 =	vadd.s32 v2, v7;
	s28 =	sadd.s32 $0x100, s28;
	v19 =	vand.u32 $0x7F, v19;
	v20 =	vld [tilespmem:s6+$0xFFFFFF70];
	[tilespmem:v16+s23+$0x0] =	vst.idx.msk $0xffff, v14  }
0x4a3: {  	s22 =	sadd.s32 $0x1, s18;
	v4 =	vand.u32 $0x7C, v4;
	v14 =	vld [tilespmem:s28+$0xFFFFFFD0];
	v16 =	vadd.s32 v0, v19;
	[tilespmem:v15+s23+$0x0] =	vst.idx.msk $0xffff, v11  }
0x4a4: {  	v22 =	vmov s22;
	s22 =	sadd.s32 $0x2, s18;
	s18 =	smov.u32 s19;
	v15 =	vadd.s32 v0, v4;
	v11 =	vld [tilespmem:s28+$0xFFFFFF10];
	[tilespmem:v12+s23+$0x0] =	vst.idx.msk $0xffff, v9  }
0x4a5: {  	v9 =	vand.u32 $0x7D, v22;
	v12 =	vmov s22;
	[tilespmem:v13+s23+$0x0] =	vst.idx.msk $0xffff, v10;
	v10 =	vld [tilespmem:s6+$0x0];
	v13 =	vadd.s32 v3, v8;
	v8 =	vmovc v19  }
0x4a6: {  	v22 =	vadd.s32 v0, v9;
	v12 =	vand.u32 $0x7E, v12;
	v19 =	vld [tilespmem:s28+$0xFFFFFF50];
	[tilespmem:v18+s23+$0x0] =	vst.idx.msk $0xffff, v17  }
0x4a7: {  	v24 =	vadd.s32 v0, v12;
	v23 =	vld [tilespmem:s28+$0xFFFFFF90];
	[tilespmem:v21+s23+$0x0] =	vst.idx.msk $0xffff, v20  }
0x4a8: {  	v21 =	vadd.s32 v2, v5;
	[tilespmem:v16+s23+$0x0] =	vst.idx.msk $0xffff, v14;
	v20 =	vld [tilespmem:s6+$0xFFFFFFB0]  }
0x4a9: {  	[tilespmem:v15+s23+$0x0] =	vst.idx.msk $0xffff, v11;
	v11 =	vld [tilespmem:s28+$0xFFFFFFE0];
	v15 =	vadd.s32 v1, v8  }
0x4aa: {  	v26 =	vadd.s32 v1, v4;
	v25 =	vld [tilespmem:s28+$0xFFFFFF20];
	[tilespmem:v13+s23+$0x0] =	vst.idx.msk $0xffff, v10  }
0x4ab: {  	[tilespmem:v22+s23+$0x0] =	vst.idx.msk $0xffff, v19;
	v19 =	vld [tilespmem:s6+$0xFFFFFF80];
	v22 =	vadd.s32 v3, v7;
	v7 =	vmov v9  }
.Ltmp18:
0x4ac: {  	v17 =	vld [tilespmem:s28+$0xFFFFFF60];
	v18 =	vadd.s32 v1, v7;
	[tilespmem:v24+s23+$0x0] =	vst.idx.msk $0xffff, v23;
	(pc) =	sbr.rel @p0 .LBB2_27-.Ltmp18, $4  }
0x4ad: {  	v16 =	vadd.s32 v1, v12;
	v14 =	vld [tilespmem:s28+$0xFFFFFFA0];
	[tilespmem:v21+s23+$0x0] =	vst.idx.msk $0xffff, v20  }
0x4ae: {  	[tilespmem:v15+s23+$0x0] =	vst.idx.msk $0xffff, v11;
	v11 =	vld [tilespmem:s6+$0xFFFFFFC0];
	v15 =	vadd.s32 v3, v5;
	v5 =	vmov v12  }
0x4af: {  	v12 =	vadd.s32 v2, v8;
	[tilespmem:v26+s23+$0x0] =	vst.idx.msk $0xffff, v25;
	v9 =	vld [tilespmem:s28+$0xFFFFFFF0]  }
0x4b0: {  	s19 =	sadd.s32 $0x4, s19;
	s22 =	sadd.s32 $0x3, s18;
	v13 =	vadd.s32 v2, v4;
	v10 =	vld [tilespmem:s28+$0xFFFFFF30];
	[tilespmem:v22+s23+$0x0] =	vst.idx.msk $0xffff, v19  }
0x4b1: {  	_ =	sdelay $0x2  }
0x4b2: {  	v19 =	vmov s22  }
0x4b3: {  	s19 =	sadd.s32 $0x1, s18;
	[tilespmem:v18+s23+$0x0] =	vst.idx.msk $0xffff, v17;
	v30 =	vld [tilespmem:s6+$0xFFFFFF40];
	v6 =	vadd.s32 v3, v6;
	s6 =	sadd.s32 $0x100, s28;
	v21 =	vmov s18;
	v31 =	vand.u32 $0x7F, v19  }
0x4b4: {  	s22 =	sadd.s32 $0x2, s18;
	v32 =	vmov s19;
	[tilespmem:v16+s23+$0x0] =	vst.idx.msk $0xffff, v14;
	v33 =	vld [tilespmem:s6+$0xFFFFFFD0];
	v21 =	vand.u32 $0x7C, v21;
	v34 =	vadd.s32 v0, v31  }
0x4b5: {  	v20 =	vmov s22;
	v22 =	vld [tilespmem:s6+$0xFFFFFF10];
	v19 =	vand.u32 $0x7D, v32;
	[tilespmem:v15+s23+$0x0] =	vst.idx.msk $0xffff, v11;
	v39 =	vadd.s32 v0, v21  }
0x4b6: {  	v35 =	vld [tilespmem:s6+$0xFFFFFF50];
	v20 =	vand.u32 $0x7E, v20;
	v36 =	vadd.s32 v0, v19;
	[tilespmem:v12+s23+$0x0] =	vst.idx.msk $0xffff, v9  }
0x4b7: {  	v37 =	vld [tilespmem:s6+$0xFFFFFF90];
	v38 =	vadd.s32 v0, v20;
	[tilespmem:v13+s23+$0x0] =	vst.idx.msk $0xffff, v10  }
0x4b8: {  	v41 =	vadd.s32 v2, v7;
	v40 =	vld [tilespmem:s28+$0xFFFFFF70];
	[tilespmem:v6+s23+$0x0] =	vst.idx.msk $0xffff, v30  }
0x4b9: {  	v49 =	vadd.s32 v2, v5;
	v48 =	vld [tilespmem:s28+$0xFFFFFFB0];
	[tilespmem:v34+s23+$0x0] =	vst.idx.msk $0xffff, v33  }
0x4ba: {  	v43 =	vadd.s32 v1, v31;
	[tilespmem:v39+s23+$0x0] =	vst.idx.msk $0xffff, v22;
	v14 =	vld [tilespmem:s6+$0xFFFFFFE0]  }
0x4bb: {  	v47 =	vadd.s32 v1, v21;
	[tilespmem:v36+s23+$0x0] =	vst.idx.msk $0xffff, v35;
	v46 =	vld [tilespmem:s6+$0xFFFFFF20]  }
0x4bc: {  	v44 =	vadd.s32 v1, v19;
	[tilespmem:v38+s23+$0x0] =	vst.idx.msk $0xffff, v37;
	v11 =	vld [tilespmem:s6+$0xFFFFFF60]  }
0x4bd: {  	v45 =	vadd.s32 v1, v20;
	[tilespmem:v41+s23+$0x0] =	vst.idx.msk $0xffff, v40;
	v9 =	vld [tilespmem:s6+$0xFFFFFFA0]  }
0x4be: {  	v8 =	vadd.s32 v3, v8;
	v42 =	vld [tilespmem:s28+$0x0];
	[tilespmem:v49+s23+$0x0] =	vst.idx.msk $0xffff, v48  }
0x4bf: {  	v5 =	vadd.s32 v3, v5;
	v13 =	vld [tilespmem:s28+$0xFFFFFFC0];
	[tilespmem:v43+s23+$0x0] =	vst.idx.msk $0xffff, v14  }
0x4c0: {  	v52 =	vadd.s32 v2, v31;
	[tilespmem:v47+s23+$0x0] =	vst.idx.msk $0xffff, v46;
	v14 =	vld [tilespmem:s6+$0xFFFFFFF0]  }
0x4c1: {  	v57 =	vadd.s32 v2, v21;
	[tilespmem:v44+s23+$0x0] =	vst.idx.msk $0xffff, v11;
	v56 =	vld [tilespmem:s6+$0xFFFFFF30]  }
0x4c2: {  	v53 =	vadd.s32 v2, v19;
	[tilespmem:v45+s23+$0x0] =	vst.idx.msk $0xffff, v9;
	v11 =	vld [tilespmem:s6+$0xFFFFFF70]  }
0x4c3: {  	v55 =	vadd.s32 v2, v20;
	[tilespmem:v8+s23+$0x0] =	vst.idx.msk $0xffff, v42;
	v54 =	vld [tilespmem:s6+$0xFFFFFFB0]  }
0x4c4: {  	v4 =	vadd.s32 v3, v4;
	v58 =	vld [tilespmem:s28+$0xFFFFFF40];
	[tilespmem:v5+s23+$0x0] =	vst.idx.msk $0xffff, v13  }
0x4c5: {  	v51 =	vadd.s32 v3, v7;
	v50 =	vld [tilespmem:s28+$0xFFFFFF80];
	[tilespmem:v52+s23+$0x0] =	vst.idx.msk $0xffff, v14  }
0x4c6: {  	v60 =	vadd.s32 v3, v31;
	[tilespmem:v57+s23+$0x0] =	vst.idx.msk $0xffff, v56;
	v59 =	vld [tilespmem:s6+$0x0]  }
0x4c7: {  	v63 =	vadd.s32 v3, v21;
	[tilespmem:v53+s23+$0x0] =	vst.idx.msk $0xffff, v11;
	v5 =	vld [tilespmem:s6+$0xFFFFFF40]  }
0x4c8: {  	v61 =	vadd.s32 v3, v19;
	[tilespmem:v55+s23+$0x0] =	vst.idx.msk $0xffff, v54;
	v11 =	vld [tilespmem:s6+$0xFFFFFF80]  }
0x4c9: {  	v62 =	vadd.s32 v3, v20;
	[tilespmem:v4+s23+$0x0] =	vst.idx.msk $0xffff, v58;
	v6 =	vld [tilespmem:s6+$0xFFFFFFC0]  }
0x4ca: {  	s19 =	sadd.s32 s25, s17;
	[tilespmem:v51+s23+$0x0] =	vst.idx.msk $0xffff, v50  }
0x4cb: {  	s22 =	sshll.u32 s19, $0xA;
	s6 =	sshll.u32 s19, $0x7;
	[tilespmem:v60+s23+$0x0] =	vst.idx.msk $0xffff, v59  }
0x4cc: {  	s18 =	sand.u32 $0xFFF8000, s22;
	s6 =	sand.u32 $0xF80, s6;
	[tilespmem:v63+s23+$0x0] =	vst.idx.msk $0xffff, v5  }
0x4cd: {  	s6 =	sor.u32 s6, s18;
	[tilespmem:v61+s23+$0x0] =	vst.idx.msk $0xffff, v11  }
0x4ce: {  	s18 =	sadd.s32 s2, s6;
	[tilespmem:v62+s23+$0x0] =	vst.idx.msk $0xffff, v6  }
0x4cf: {  	[hbm4b:s18+s3] =	stream.linear.scatter [tilespmem:s23], [sflag:$0x2], $0x80, $0x38;
	[tilespmem:$0x16300] =	vst v63  }
0x4d0: {  	s28 =	simm.s32 $0x14188;
	s25 =	sadd.s32 $0x10, s18  }
0x4d1: {  	[hbm4b:s25+s3] =	stream.linear.scatter [tilespmem:s28], [sflag:$0x2], $0x80, $0x38;
	[tilespmem:$0x16300] =	vst v63  }
0x4d2: {  	s25 =	sadd.s32 $0x20, s18;
	s28 =	simm.s32 $0x14210  }
0x4d3: {  	[hbm4b:s25+s3] =	stream.linear.scatter [tilespmem:s28], [sflag:$0x2], $0x80, $0x38;
	[tilespmem:$0x16300] =	vst v63  }
0x4d4: {  	s25 =	sadd.s32 $0x30, s18;
	s28 =	simm.s32 $0x14298  }
0x4d5: {  	[hbm4b:s25+s3] =	stream.linear.scatter [tilespmem:s28], [sflag:$0x2], $0x80, $0x38;
	[tilespmem:$0x16300] =	vst v63  }
0x4d6: {  	s25 =	sadd.s32 $0x40, s18;
	s28 =	simm.s32 $0x14320  }
0x4d7: {  	[hbm4b:s25+s3] =	stream.linear.scatter [tilespmem:s28], [sflag:$0x2], $0x80, $0x38;
	[tilespmem:$0x16300] =	vst v63  }
0x4d8: {  	s25 =	sadd.s32 $0x50, s18;
	s28 =	simm.s32 $0x143A8  }
0x4d9: {  	[hbm4b:s25+s3] =	stream.linear.scatter [tilespmem:s28], [sflag:$0x2], $0x80, $0x38;
	[tilespmem:$0x16300] =	vst v63  }
0x4da: {  	s22 =	sadd.s32 $0x60, s18;
	s25 =	simm.s32 $0x14430  }
0x4db: {  	[hbm4b:s22+s3] =	stream.linear.scatter [tilespmem:s25], [sflag:$0x2], $0x80, $0x38;
	[tilespmem:$0x16300] =	vst v63  }
0x4dc: {  	s18 =	sadd.s32 $0x70, s18;
	s28 =	simm.s32 $0x144B8  }
0x4dd: {  	[hbm4b:s18+s3] =	stream.linear.scatter [tilespmem:s28], [sflag:$0x2], $0x80, $0x38;
	[tilespmem:$0x16300] =	vst v63  }
0x4de: {  	s22 =	simm.s32 $0x14540;
	s18 =	sadd.s32 s6, s7  }
0x4df: {  	[hbm4b:s18+s3] =	stream.linear.scatter [tilespmem:s22], [sflag:$0x2], $0x80, $0x38;
	[tilespmem:$0x16300] =	vst v63  }
0x4e0: {  	s28 =	simm.s32 $0x145C8;
	s25 =	sadd.s32 $0x10, s18  }
0x4e1: {  	[hbm4b:s25+s3] =	stream.linear.scatter [tilespmem:s28], [sflag:$0x2], $0x80, $0x38;
	[tilespmem:$0x16300] =	vst v63  }
0x4e2: {  	s25 =	sadd.s32 $0x20, s18;
	s28 =	simm.s32 $0x14650  }
0x4e3: {  	[hbm4b:s25+s3] =	stream.linear.scatter [tilespmem:s28], [sflag:$0x2], $0x80, $0x38;
	[tilespmem:$0x16300] =	vst v63  }
0x4e4: {  	s25 =	sadd.s32 $0x30, s18;
	s28 =	simm.s32 $0x146D8  }
0x4e5: {  	[hbm4b:s25+s3] =	stream.linear.scatter [tilespmem:s28], [sflag:$0x2], $0x80, $0x38;
	[tilespmem:$0x16300] =	vst v63  }
0x4e6: {  	s25 =	sadd.s32 $0x40, s18;
	s28 =	simm.s32 $0x14760  }
0x4e7: {  	[hbm4b:s25+s3] =	stream.linear.scatter [tilespmem:s28], [sflag:$0x2], $0x80, $0x38;
	[tilespmem:$0x16300] =	vst v63  }
0x4e8: {  	s25 =	sadd.s32 $0x50, s18;
	s28 =	simm.s32 $0x147E8  }
0x4e9: {  	[hbm4b:s25+s3] =	stream.linear.scatter [tilespmem:s28], [sflag:$0x2], $0x80, $0x38;
	[tilespmem:$0x16300] =	vst v63  }
0x4ea: {  	s22 =	sadd.s32 $0x60, s18;
	s25 =	simm.s32 $0x14870  }
0x4eb: {  	[hbm4b:s22+s3] =	stream.linear.scatter [tilespmem:s25], [sflag:$0x2], $0x80, $0x38;
	[tilespmem:$0x16300] =	vst v63  }
0x4ec: {  	s18 =	sadd.s32 $0x70, s18;
	s28 =	simm.s32 $0x148F8  }
0x4ed: {  	[hbm4b:s18+s3] =	stream.linear.scatter [tilespmem:s28], [sflag:$0x2], $0x80, $0x38;
	[tilespmem:$0x16300] =	vst v63  }
0x4ee: {  	s22 =	simm.s32 $0x14980;
	s18 =	sadd.s32 s6, s8  }
0x4ef: {  	[hbm4b:s18+s3] =	stream.linear.scatter [tilespmem:s22], [sflag:$0x2], $0x80, $0x38;
	[tilespmem:$0x16300] =	vst v63  }
0x4f0: {  	s28 =	simm.s32 $0x14A08;
	s25 =	sadd.s32 $0x10, s18  }
0x4f1: {  	[hbm4b:s25+s3] =	stream.linear.scatter [tilespmem:s28], [sflag:$0x2], $0x80, $0x38;
	[tilespmem:$0x16300] =	vst v63  }
0x4f2: {  	s25 =	sadd.s32 $0x20, s18;
	s28 =	simm.s32 $0x14A90  }
0x4f3: {  	[hbm4b:s25+s3] =	stream.linear.scatter [tilespmem:s28], [sflag:$0x2], $0x80, $0x38;
	[tilespmem:$0x16300] =	vst v63  }
0x4f4: {  	s25 =	sadd.s32 $0x30, s18;
	s28 =	simm.s32 $0x14B18  }
0x4f5: {  	[hbm4b:s25+s3] =	stream.linear.scatter [tilespmem:s28], [sflag:$0x2], $0x80, $0x38;
	[tilespmem:$0x16300] =	vst v63  }
0x4f6: {  	s25 =	sadd.s32 $0x40, s18;
	s28 =	simm.s32 $0x14BA0  }
0x4f7: {  	[hbm4b:s25+s3] =	stream.linear.scatter [tilespmem:s28], [sflag:$0x2], $0x80, $0x38;
	[tilespmem:$0x16300] =	vst v63  }
0x4f8: {  	s25 =	sadd.s32 $0x50, s18;
	s28 =	simm.s32 $0x14C28  }
0x4f9: {  	[hbm4b:s25+s3] =	stream.linear.scatter [tilespmem:s28], [sflag:$0x2], $0x80, $0x38;
	[tilespmem:$0x16300] =	vst v63  }
0x4fa: {  	s22 =	sadd.s32 $0x60, s18;
	s25 =	simm.s32 $0x14CB0  }
0x4fb: {  	[hbm4b:s22+s3] =	stream.linear.scatter [tilespmem:s25], [sflag:$0x2], $0x80, $0x38;
	[tilespmem:$0x16300] =	vst v63  }
0x4fc: {  	s18 =	sadd.s32 $0x70, s18;
	s28 =	simm.s32 $0x14D38  }
0x4fd: {  	[hbm4b:s18+s3] =	stream.linear.scatter [tilespmem:s28], [sflag:$0x2], $0x80, $0x38;
	[tilespmem:$0x16300] =	vst v63  }
0x4fe: {  	s22 =	simm.s32 $0x14DC0;
	s18 =	sadd.s32 s6, s9  }
0x4ff: {  	[hbm4b:s18+s3] =	stream.linear.scatter [tilespmem:s22], [sflag:$0x2], $0x80, $0x38;
	[tilespmem:$0x16300] =	vst v63  }
0x500: {  	s28 =	simm.s32 $0x14E48;
	s25 =	sadd.s32 $0x10, s18  }
0x501: {  	[hbm4b:s25+s3] =	stream.linear.scatter [tilespmem:s28], [sflag:$0x2], $0x80, $0x38;
	[tilespmem:$0x16300] =	vst v63  }
0x502: {  	s25 =	sadd.s32 $0x20, s18;
	s28 =	simm.s32 $0x14ED0  }
0x503: {  	[hbm4b:s25+s3] =	stream.linear.scatter [tilespmem:s28], [sflag:$0x2], $0x80, $0x38;
	[tilespmem:$0x16300] =	vst v63  }
0x504: {  	s25 =	sadd.s32 $0x30, s18;
	s28 =	simm.s32 $0x14F58  }
0x505: {  	[hbm4b:s25+s3] =	stream.linear.scatter [tilespmem:s28], [sflag:$0x2], $0x80, $0x38;
	[tilespmem:$0x16300] =	vst v63  }
0x506: {  	s25 =	sadd.s32 $0x40, s18;
	s28 =	simm.s32 $0x14FE0  }
0x507: {  	[hbm4b:s25+s3] =	stream.linear.scatter [tilespmem:s28], [sflag:$0x2], $0x80, $0x38;
	[tilespmem:$0x16300] =	vst v63  }
0x508: {  	s25 =	sadd.s32 $0x50, s18;
	s28 =	simm.s32 $0x15068  }
0x509: {  	[hbm4b:s25+s3] =	stream.linear.scatter [tilespmem:s28], [sflag:$0x2], $0x80, $0x38;
	[tilespmem:$0x16300] =	vst v63  }
0x50a: {  	s22 =	sadd.s32 $0x60, s18;
	s25 =	simm.s32 $0x150F0  }
0x50b: {  	[hbm4b:s22+s3] =	stream.linear.scatter [tilespmem:s25], [sflag:$0x2], $0x80, $0x38;
	[tilespmem:$0x16300] =	vst v63  }
0x50c: {  	s18 =	sadd.s32 $0x70, s18;
	s28 =	simm.s32 $0x15178  }
0x50d: {  	[hbm4b:s18+s3] =	stream.linear.scatter [tilespmem:s28], [sflag:$0x2], $0x80, $0x38;
	[tilespmem:$0x16300] =	vst v63  }
0x50e: {  	s22 =	simm.s32 $0x15200;
	s18 =	sadd.s32 s6, s10  }
0x50f: {  	[hbm4b:s18+s3] =	stream.linear.scatter [tilespmem:s22], [sflag:$0x2], $0x80, $0x38;
	[tilespmem:$0x16300] =	vst v63  }
0x510: {  	s28 =	simm.s32 $0x15288;
	s25 =	sadd.s32 $0x10, s18  }
0x511: {  	[hbm4b:s25+s3] =	stream.linear.scatter [tilespmem:s28], [sflag:$0x2], $0x80, $0x38;
	[tilespmem:$0x16300] =	vst v63  }
0x512: {  	s25 =	sadd.s32 $0x20, s18;
	s28 =	simm.s32 $0x15310  }
0x513: {  	[hbm4b:s25+s3] =	stream.linear.scatter [tilespmem:s28], [sflag:$0x2], $0x80, $0x38;
	[tilespmem:$0x16300] =	vst v63  }
0x514: {  	s25 =	sadd.s32 $0x30, s18;
	s28 =	simm.s32 $0x15398  }
0x515: {  	[hbm4b:s25+s3] =	stream.linear.scatter [tilespmem:s28], [sflag:$0x2], $0x80, $0x38;
	[tilespmem:$0x16300] =	vst v63  }
0x516: {  	s25 =	sadd.s32 $0x40, s18;
	s28 =	simm.s32 $0x15420  }
0x517: {  	[hbm4b:s25+s3] =	stream.linear.scatter [tilespmem:s28], [sflag:$0x2], $0x80, $0x38;
	[tilespmem:$0x16300] =	vst v63  }
0x518: {  	s25 =	sadd.s32 $0x50, s18;
	s28 =	simm.s32 $0x154A8  }
0x519: {  	[hbm4b:s25+s3] =	stream.linear.scatter [tilespmem:s28], [sflag:$0x2], $0x80, $0x38;
	[tilespmem:$0x16300] =	vst v63  }
0x51a: {  	s22 =	sadd.s32 $0x60, s18;
	s25 =	simm.s32 $0x15530  }
0x51b: {  	[hbm4b:s22+s3] =	stream.linear.scatter [tilespmem:s25], [sflag:$0x2], $0x80, $0x38;
	[tilespmem:$0x16300] =	vst v63  }
0x51c: {  	s18 =	sadd.s32 $0x70, s18;
	s28 =	simm.s32 $0x155B8  }
0x51d: {  	[hbm4b:s18+s3] =	stream.linear.scatter [tilespmem:s28], [sflag:$0x2], $0x80, $0x38;
	[tilespmem:$0x16300] =	vst v63  }
0x51e: {  	s22 =	simm.s32 $0x15640;
	s18 =	sadd.s32 s6, s11  }
0x51f: {  	[hbm4b:s18+s3] =	stream.linear.scatter [tilespmem:s22], [sflag:$0x2], $0x80, $0x38;
	[tilespmem:$0x16300] =	vst v63  }
0x520: {  	s28 =	simm.s32 $0x156C8;
	s25 =	sadd.s32 $0x10, s18  }
0x521: {  	[hbm4b:s25+s3] =	stream.linear.scatter [tilespmem:s28], [sflag:$0x2], $0x80, $0x38;
	[tilespmem:$0x16300] =	vst v63  }
0x522: {  	s25 =	sadd.s32 $0x20, s18;
	s28 =	simm.s32 $0x15750  }
0x523: {  	[hbm4b:s25+s3] =	stream.linear.scatter [tilespmem:s28], [sflag:$0x2], $0x80, $0x38;
	[tilespmem:$0x16300] =	vst v63  }
0x524: {  	s25 =	sadd.s32 $0x30, s18;
	s28 =	simm.s32 $0x157D8  }
0x525: {  	[hbm4b:s25+s3] =	stream.linear.scatter [tilespmem:s28], [sflag:$0x2], $0x80, $0x38;
	[tilespmem:$0x16300] =	vst v63  }
0x526: {  	s25 =	sadd.s32 $0x40, s18;
	s28 =	simm.s32 $0x15860  }
0x527: {  	[hbm4b:s25+s3] =	stream.linear.scatter [tilespmem:s28], [sflag:$0x2], $0x80, $0x38;
	[tilespmem:$0x16300] =	vst v63  }
0x528: {  	s25 =	sadd.s32 $0x50, s18;
	s28 =	simm.s32 $0x158E8  }
0x529: {  	[hbm4b:s25+s3] =	stream.linear.scatter [tilespmem:s28], [sflag:$0x2], $0x80, $0x38;
	[tilespmem:$0x16300] =	vst v63  }
0x52a: {  	s22 =	sadd.s32 $0x60, s18;
	s25 =	simm.s32 $0x15970  }
0x52b: {  	[hbm4b:s22+s3] =	stream.linear.scatter [tilespmem:s25], [sflag:$0x2], $0x80, $0x38;
	[tilespmem:$0x16300] =	vst v63  }
0x52c: {  	s18 =	sadd.s32 $0x70, s18;
	s28 =	simm.s32 $0x159F8  }
0x52d: {  	[hbm4b:s18+s3] =	stream.linear.scatter [tilespmem:s28], [sflag:$0x2], $0x80, $0x38;
	[tilespmem:$0x16300] =	vst v63  }
0x52e: {  	s22 =	simm.s32 $0x15A80;
	s18 =	sadd.s32 s6, s12  }
0x52f: {  	[hbm4b:s18+s3] =	stream.linear.scatter [tilespmem:s22], [sflag:$0x2], $0x80, $0x38;
	[tilespmem:$0x16300] =	vst v63  }
0x530: {  	s28 =	simm.s32 $0x15B08;
	s25 =	sadd.s32 $0x10, s18  }
0x531: {  	[hbm4b:s25+s3] =	stream.linear.scatter [tilespmem:s28], [sflag:$0x2], $0x80, $0x38;
	[tilespmem:$0x16300] =	vst v63  }
0x532: {  	s25 =	sadd.s32 $0x20, s18;
	s28 =	simm.s32 $0x15B90  }
0x533: {  	[hbm4b:s25+s3] =	stream.linear.scatter [tilespmem:s28], [sflag:$0x2], $0x80, $0x38;
	[tilespmem:$0x16300] =	vst v63  }
0x534: {  	s25 =	sadd.s32 $0x30, s18;
	s28 =	simm.s32 $0x15C18  }
0x535: {  	[hbm4b:s25+s3] =	stream.linear.scatter [tilespmem:s28], [sflag:$0x2], $0x80, $0x38;
	[tilespmem:$0x16300] =	vst v63  }
0x536: {  	s25 =	sadd.s32 $0x40, s18;
	s28 =	simm.s32 $0x15CA0  }
0x537: {  	[hbm4b:s25+s3] =	stream.linear.scatter [tilespmem:s28], [sflag:$0x2], $0x80, $0x38;
	[tilespmem:$0x16300] =	vst v63  }
0x538: {  	s25 =	sadd.s32 $0x50, s18;
	s28 =	simm.s32 $0x15D28  }
0x539: {  	[hbm4b:s25+s3] =	stream.linear.scatter [tilespmem:s28], [sflag:$0x2], $0x80, $0x38;
	[tilespmem:$0x16300] =	vst v63  }
0x53a: {  	s25 =	sadd.s32 $0x60, s18;
	s28 =	simm.s32 $0x15DB0  }
0x53b: {  	[hbm4b:s25+s3] =	stream.linear.scatter [tilespmem:s28], [sflag:$0x2], $0x80, $0x38;
	[tilespmem:$0x16300] =	vst v63  }
0x53c: {  	s18 =	sadd.s32 $0x70, s18;
	s25 =	simm.s32 $0x15E38  }
0x53d: {  	[hbm4b:s18+s3] =	stream.linear.scatter [tilespmem:s25], [sflag:$0x2], $0x80, $0x38;
	[tilespmem:$0x16300] =	vst v63  }
0x53e: {  	s6 =	sadd.s32 s6, s13;
	s28 =	simm.s32 $0x15EC0  }
0x53f: {  	[hbm4b:s6+s3] =	stream.linear.scatter [tilespmem:s28], [sflag:$0x2], $0x80, $0x38;
	[tilespmem:$0x16300] =	vst v63  }
0x540: {  	s19 =	sadd.s32 $0x10, s6;
	s22 =	simm.s32 $0x15F48  }
0x541: {  	[hbm4b:s19+s3] =	stream.linear.scatter [tilespmem:s22], [sflag:$0x2], $0x80, $0x38;
	[tilespmem:$0x16300] =	vst v63  }
0x542: {  	s25 =	sadd.s32 $0x20, s6;
	s28 =	simm.s32 $0x15FD0  }
0x543: {  	[hbm4b:s25+s3] =	stream.linear.scatter [tilespmem:s28], [sflag:$0x2], $0x80, $0x38;
	[tilespmem:$0x16300] =	vst v63  }
0x544: {  	s19 =	sadd.s32 $0x30, s6;
	s22 =	simm.s32 $0x16058  }
0x545: {  	[hbm4b:s19+s3] =	stream.linear.scatter [tilespmem:s22], [sflag:$0x2], $0x80, $0x38;
	[tilespmem:$0x16300] =	vst v63  }
0x546: {  	s25 =	sadd.s32 $0x40, s6;
	s28 =	simm.s32 $0x160E0  }
0x547: {  	[hbm4b:s25+s3] =	stream.linear.scatter [tilespmem:s28], [sflag:$0x2], $0x80, $0x38;
	[tilespmem:$0x16300] =	vst v63  }
0x548: {  	p0 =	seq.s32 s1, $0x9;
	s19 =	sadd.s32 $0x50, s6;
	s22 =	simm.s32 $0x16168  }
0x549: {  	[hbm4b:s19+s3] =	stream.linear.scatter [tilespmem:s22], [sflag:$0x2], $0x80, $0x38;
	[tilespmem:$0x16300] =	vst v63  }
.Ltmp19:
0x54a: {  	_ = 	snop;
	(pc) =	sbr.rel @p0 .LBB2_30-.Ltmp19, $4  }
0x54b: {  	s25 =	sadd.s32 $0x60, s6;
	s28 =	simm.s32 $0x161F0  }
0x54c: {  	[hbm4b:s25+s3] =	stream.linear.scatter [tilespmem:s28], [sflag:$0x2], $0x80, $0x38;
	[tilespmem:$0x16300] =	vst v63  }
0x54d: {  	s6 =	sadd.s32 $0x70, s6  }
0x54e: {  	[hbm4b:s6+s3] =	stream.linear.scatter [tilespmem:s24], [sflag:$0x2], $0x80, $0x38;
	[tilespmem:$0x16300] =	vst v63  }
0x54f: {  	s6 =	smul.u32 $0xA00, s1  }
.Ltmp20:
0x550: {  	_ = 	snop;
	(pc) =	sbr.rel .LBB2_2-.Ltmp20, $4  }
0x551: {  	_ = 	snop  }
0x552: {  	s6 =	sshra.s32 s6, $0x2  }
0x553: {  	s18 =	simm.s32 $0x9900;
	s1 =	sadd.s32 $0x1, s1;
	s6 =	sadd.s32 $0x480, s6  }
0x554: {  	[tilespmem:s18], [sflag:$0x1] =	stream.indirect.gather [hbm4b:s4+s20], $0x40, s6, s20, $0xb8;
	[tilespmem:$0x16300] =	vst v63  }
.LBB2_31:
0x555: {  	_ =	sfence.sel $0x180000  }
0x556: {  	[bflag:$0x0] =	sbarrier.arrive $0xFFFF  }
0x557: {  	_ =	strace $0x90000047  }
0x558: {  	s0 =	stileid.u32;
	[bflag:$0x2] =	sbarrier.arrive $0xFFFF  }
0x559: {  	p0 =	sne.s32 s0, $0x0;
	s0 =	rddreg [dreg:$0x2]  }
0x55a: {  	s0 =	sadd.s32 @!p0 $0x100000, s0  }
0x55b: {  	[sflag:s0] =	ssyncadd.tile.s32 @!p0 $0x1;
	_ =	shalt  }
.Lfunc_end2:
_tile_overlayer_lowered:
.L_overlay_start_2:
0x55c: {  	(tag) =	ssettag $0x2  }
0x55d: {  	s0 =	rddreg [dreg:$0x0];
	s2 =	stileid.u32  }
0x55e: {  	s1 =	rddreg [dreg:$0x1];
	p0 =	sne.s32 s2, $0x0  }
0x55f: {  	s3 =	rddreg [dreg:$0x2];
	[bflag:$0x3] =	sbarrier.arrive $0xFFFF;
	s2 =	simm.s32 @!p0 $0x1C03  }
0x560: {  	[timem:s3], [sflag:s2] =	dma.local @!p0 [hbm:s0], s1  }
0x561: {  	s0 =	simm.s32 @!p0 $0x3  }
0x562: {  	_ =	swait.ge @!p0 [sflag:s0], s1  }
0x563: {  	s1 =	ssub.s32 @!p0 $0x0, s1;
	[sflag:s0] =	ssyncset.done @!p0 $0x0  }
0x564: {  	[sflag:s0] =	ssyncadd.s32 @!p0 s1  }
0x565: {  	[bflag:$0x3] =	sbarrier.arrive $0xFFFF  }
0x566: {  	_ =	shalt  }

</sc_bundles>
